<compile_context>
chip_gen: v7x
topology: tpu7x:2x2x1
jax: 0.10.2.dev20260603
libtpu: 0.0.44.dev20260713+nightly
codegen_flags: <defaults>
</compile_context>

<pallas_src>
import functools

import jax
import jax.numpy as jnp
from jax import lax
from jax.experimental import pallas as pl
from jax.experimental.pallas import tpu as pltpu
from jax.experimental.pallas import tpu_sc as plsc

N = 10000
DF = 128
NCLS = 40
E = 320000

NC = 2
NS = 16
NW = NC * NS
K = 128
SUB = 80
HC = SUB // 2
EC = E // K
TAIL = EC - (NW - 1) * SUB
NP = 10240
RPT = NP // NS

_mesh = functools.partial(
    plsc.VectorSubcoreMesh,
    core_axis_name="c",
    subcore_axis_name="s",
    num_cores=NC,
    num_subcores=NS,
)



def _deg_body(ei_hbm, zeros_hbm, out_hbm, dst_v, ones_v, sem_a, sem_b, acc_sp):
    c = lax.axis_index("c")
    s = lax.axis_index("s")
    w = c * NS + s
    last = w == NW - 1

    @pl.when(jnp.logical_not(last))
    def _():
        pltpu.sync_copy(ei_hbm.at[1, pl.ds(w * SUB, HC)], dst_v)

    @pl.when(last)
    def _():
        pltpu.sync_copy(ei_hbm.at[1, pl.ds(EC - TAIL, TAIL)],
                        dst_v.at[pl.ds(0, TAIL)])

    ones16 = jnp.ones((16,), jnp.float32)
    for i in range(K // 16):
        ones_v[pl.ds(i * 16, 16)] = ones16
    pltpu.sync_copy(zeros_hbm.at[pl.ds(s * RPT, RPT)], acc_sp.at[pl.ds(s * RPT, RPT)])
    plsc.subcore_barrier()

    def scat_start(j, sem):
        pltpu.async_copy(ones_v, acc_sp.at[dst_v.at[j]], sem, add=True)

    def scat_wait(sem):
        pltpu.make_async_copy(ones_v, acc_sp.at[dst_v.at[0]], sem).wait()

    DEEP = 6

    def run(nch):
        for j in range(DEEP):
            scat_start(j, sem_a)

        def body(t, carry):
            scat_wait(sem_a)
            scat_start(t, sem_a)
            return carry

        lax.fori_loop(DEEP, nch, body, 0)
        for _ in range(DEEP):
            scat_wait(sem_a)

    @pl.when(jnp.logical_not(last))
    def _():
        run(HC)
        pltpu.sync_copy(ei_hbm.at[1, pl.ds(w * SUB + HC, HC)], dst_v)
        run(HC)

    @pl.when(last)
    def _():
        run(TAIL)
    plsc.subcore_barrier()
    pltpu.sync_copy(acc_sp.at[pl.ds(s * RPT, RPT)], out_hbm.at[c, pl.ds(s * RPT, RPT)])


def _edge_pass_body(table_hbm, ei_hbm, out_hbm,
                    src_v, dst_v, rows0, rows1, sem_a, sem_b, acc_sp):
    c = lax.axis_index("c")
    s = lax.axis_index("s")
    w = c * NS + s
    last = w == NW - 1

    @pl.when(jnp.logical_not(last))
    def _():
        pltpu.sync_copy(ei_hbm.at[0, pl.ds(w * SUB, HC)], src_v)
        pltpu.sync_copy(ei_hbm.at[1, pl.ds(w * SUB, HC)], dst_v)

    @pl.when(last)
    def _():
        pltpu.sync_copy(ei_hbm.at[0, pl.ds(EC - TAIL, TAIL)],
                        src_v.at[pl.ds(0, TAIL)])
        pltpu.sync_copy(ei_hbm.at[1, pl.ds(EC - TAIL, TAIL)],
                        dst_v.at[pl.ds(0, TAIL)])

    z16 = jnp.zeros((16,), jnp.float32)

    def zrow(r, carry):
        for i in range(DF // 16):
            rows1[r, pl.ds(i * 16, 16)] = z16
        return carry

    lax.fori_loop(0, K, zrow, 0)
    for kk in range(RPT // K):
        pltpu.sync_copy(rows1, acc_sp.at[pl.ds(s * RPT + kk * K, K)])
    plsc.subcore_barrier()

    def gath(j, buf):
        pltpu.sync_copy(table_hbm.at[src_v.at[j]], buf)

    def scat_start(j, buf, sem):
        pltpu.async_copy(buf, acc_sp.at[dst_v.at[j]], sem, add=True)

    def scat_wait(buf, sem):
        pltpu.make_async_copy(buf, acc_sp.at[dst_v.at[0]], sem).wait()

    def body(t, carry):
        j = 2 * t
        scat_wait(rows0, sem_a)
        gath(j, rows0)
        scat_start(j, rows0, sem_a)
        scat_wait(rows1, sem_b)
        gath(j + 1, rows1)
        scat_start(j + 1, rows1, sem_b)
        return carry

    def run(nch):
        gath(0, rows0)
        scat_start(0, rows0, sem_a)
        gath(1, rows1)
        scat_start(1, rows1, sem_b)
        lax.fori_loop(1, nch // 2, body, 0)
        scat_wait(rows0, sem_a)
        scat_wait(rows1, sem_b)

    @pl.when(jnp.logical_not(last))
    def _():
        run(HC)
        pltpu.sync_copy(ei_hbm.at[0, pl.ds(w * SUB + HC, HC)], src_v)
        pltpu.sync_copy(ei_hbm.at[1, pl.ds(w * SUB + HC, HC)], dst_v)
        run(HC)

    @pl.when(last)
    def _():
        run(TAIL)
    plsc.subcore_barrier()
    pltpu.sync_copy(acc_sp.at[pl.ds(s * RPT, RPT)],
                    out_hbm.at[c, pl.ds(s * RPT, RPT)])


_deg_kernel = pl.kernel(
    _deg_body,
    out_type=jax.ShapeDtypeStruct((NC, NP), jnp.float32),
    mesh=_mesh(),
    name="deg_pass",
    scratch_types=[
        pltpu.VMEM((HC, K), jnp.int32),
        pltpu.VMEM((K,), jnp.float32),
        pltpu.SemaphoreType.DMA,
        pltpu.SemaphoreType.DMA,
        pltpu.VMEM_SHARED((NP,), jnp.float32),
    ],
)

_edge_kernel = pl.kernel(
    _edge_pass_body,
    out_type=jax.ShapeDtypeStruct((NC, NP, DF), jnp.float32),
    name="edge_pass",
    mesh=_mesh(),
    scratch_types=[
        pltpu.VMEM((HC, K), jnp.int32),
        pltpu.VMEM((HC, K), jnp.int32),
        pltpu.VMEM((K, DF), jnp.float32),
        pltpu.VMEM((K, DF), jnp.float32),
        pltpu.SemaphoreType.DMA,
        pltpu.SemaphoreType.DMA,
        pltpu.VMEM_SHARED((NP, DF), jnp.float32),
    ],
)



_R = 2000


def _tca_body(x_ref, wpre_ref, bpre_ref, w1_ref, g1_ref):
    h0 = jnp.dot(x_ref[...], wpre_ref[...], preferred_element_type=jnp.float32)
    h0 = h0 + bpre_ref[...]
    g1_ref[...] = jnp.dot(h0, w1_ref[...], preferred_element_type=jnp.float32)


_R2 = NP // 5


def _tcb_body(g1_ref, degp_ref, g1p_ref, dinv_ref):
    deg = degp_ref[0] + degp_ref[1] + 1.0
    dinv = jnp.reshape(lax.rsqrt(deg), (_R2, 1))
    g1p_ref[...] = g1_ref[...] * dinv
    dinv_ref[...] = dinv


def _tc2_body(acc_ref, g1p_ref, dinv_ref, b1_ref, w2_ref, g2p_ref):
    dinv = dinv_ref[...]
    agg = dinv * (acc_ref[0] + acc_ref[1] + g1p_ref[...]) + b1_ref[...]
    h1 = jnp.maximum(agg, 0.0)
    g2p_ref[...] = jnp.dot(h1, w2_ref[...], preferred_element_type=jnp.float32) * dinv


def _tc3_body(acc_ref, g2p_ref, dinv_ref, b2_ref, wcls_ref, bcls_ref, out_ref):
    dinv = dinv_ref[...]
    h2 = dinv * (acc_ref[0] + acc_ref[1] + g2p_ref[...]) + b2_ref[...]
    nrm = jnp.sqrt(jnp.sum(h2 * h2, axis=-1, keepdims=True))
    h = h2 / jnp.maximum(nrm, 1e-12)
    logits = jnp.dot(h, wcls_ref[...], preferred_element_type=jnp.float32)
    logits = logits + bcls_ref[...]
    m = jnp.max(logits, axis=-1, keepdims=True)
    lse = m + jnp.log(jnp.sum(jnp.exp(logits - m), axis=-1, keepdims=True))
    out_ref[...] = logits - lse


def _row_spec(shape):
    if len(shape) == 2:
        return pl.BlockSpec((_R, shape[1]), lambda i: (i, 0))
    return pl.BlockSpec((shape[0], _R, shape[2]), lambda i: (0, i, 0))


def _full_spec(shape):
    nd = len(shape)
    return pl.BlockSpec(shape, lambda i: (0,) * nd)


def _tca(x, wpre, bpre, w1):
    return pl.pallas_call(
        _tca_body,
        grid=(N // _R,),
        in_specs=[
            _row_spec((N, DF)),
            _full_spec((DF, DF)),
            _full_spec((1, DF)),
            _full_spec((DF, DF)),
        ],
        out_specs=_row_spec((N, DF)),
        out_shape=jax.ShapeDtypeStruct((N, DF), jnp.float32),
    )(x, wpre, bpre, w1)


def _tcb(g1, degp):
    return pl.pallas_call(
        _tcb_body,
        grid=(NP // _R2,),
        in_specs=[
            pl.BlockSpec((_R2, DF), lambda i: (i, 0)),
            pl.BlockSpec((2, _R2), lambda i: (0, i)),
        ],
        out_specs=[
            pl.BlockSpec((_R2, DF), lambda i: (i, 0)),
            pl.BlockSpec((_R2, 1), lambda i: (i, 0)),
        ],
        out_shape=[
            jax.ShapeDtypeStruct((NP, DF), jnp.float32),
            jax.ShapeDtypeStruct((NP, 1), jnp.float32),
        ],
    )(g1, degp)


def _tc2(acc, g1p, dinv, b1, w2):
    return pl.pallas_call(
        _tc2_body,
        grid=(N // _R,),
        in_specs=[
            _row_spec((2, NP, DF)),
            _row_spec((N, DF)),
            _row_spec((N, 1)),
            _full_spec((1, DF)),
            _full_spec((DF, DF)),
        ],
        out_specs=_row_spec((N, DF)),
        out_shape=jax.ShapeDtypeStruct((N, DF), jnp.float32),
    )(acc, g1p, dinv, b1, w2)


def _tc3(acc, g2p, dinv, b2, wcls, bcls):
    return pl.pallas_call(
        _tc3_body,
        grid=(N // _R,),
        in_specs=[
            _row_spec((2, NP, DF)),
            _row_spec((N, DF)),
            _row_spec((N, 1)),
            _full_spec((1, DF)),
            _full_spec((DF, NCLS)),
            _full_spec((1, NCLS)),
        ],
        out_specs=pl.BlockSpec((_R, NCLS), lambda i: (i, 0)),
        out_shape=jax.ShapeDtypeStruct((N, NCLS), jnp.float32),
    )(acc, g2p, dinv, b2, wcls, bcls)



def kernel(x, edge_index, W_pre, b_pre, W1, b1, W2, b2, W_cls, b_cls):
    ei3 = edge_index.reshape(2, EC, K)
    zflat = jnp.zeros((NP,), jnp.float32)

    degp = _deg_kernel(ei3, zflat)

    g1 = _tca(x, W_pre, b_pre.reshape(1, DF), W1)
    g1p, dinv = _tcb(g1, degp)

    acc1 = _edge_kernel(g1p, ei3)
    g2p = _tc2(acc1, g1p, dinv, b1.reshape(1, DF), W2)

    acc2 = _edge_kernel(g2p, ei3)
    return _tc3(acc2, g2p, dinv, b2.reshape(1, DF),
                W_cls, b_cls.reshape(1, NCLS))

# --- scband reference (transcript-rebuilt; emitter-appended) ---
"""Pipeline reference for scband-gcn-79517024518367 (READ-ONLY COPY).

The authoritative reference and input builder live on the scoring server;
editing this copy changes nothing except your own understanding.
"""

import jax, jax.numpy as jnp
import numpy as np

N = 10000
E = 320000
D_IN = 128
D_FEAT = 128
D_HID = 128
D_OUT = 128
N_CLASS = 40


def setup_inputs(seed: int = 0) -> dict:
    key = jax.random.key(seed)
    ks = jax.random.split(key, 12)
    x = jax.random.normal(ks[0], (N, D_IN), dtype=jnp.float32)
    edge_index = jax.random.randint(ks[1], (2, E), 0, N, dtype=jnp.int32)
    s_pre = 1.0 / np.sqrt(D_IN)
    s1 = 1.0 / np.sqrt(D_FEAT)
    s2 = 1.0 / np.sqrt(D_HID)
    s3 = 1.0 / np.sqrt(D_OUT)
    W_pre = jax.random.uniform(ks[2], (D_IN, D_FEAT), jnp.float32, -s_pre, s_pre)
    b_pre = jax.random.uniform(ks[3], (D_FEAT,), jnp.float32, -s_pre, s_pre)
    W1 = jax.random.uniform(ks[4], (D_FEAT, D_HID), jnp.float32, -s1, s1)
    b1 = jnp.zeros((D_HID,), jnp.float32)
    W2 = jax.random.uniform(ks[5], (D_HID, D_OUT), jnp.float32, -s2, s2)
    b2 = jnp.zeros((D_OUT,), jnp.float32)
    W_cls = jax.random.uniform(ks[6], (D_OUT, N_CLASS), jnp.float32, -s3, s3)
    b_cls = jax.random.uniform(ks[7], (N_CLASS,), jnp.float32, -s3, s3)
    return {"x": x, "edge_index": edge_index, "W_pre": W_pre, "b_pre": b_pre,
            "W1": W1, "b1": b1, "W2": W2, "b2": b2, "W_cls": W_cls, "b_cls": b_cls}


def reference(x, edge_index, W_pre, b_pre, W1, b1, W2, b2, W_cls, b_cls):
    src = edge_index[0]
    dst = edge_index[1]
    loop = jnp.arange(N, dtype=src.dtype)
    src_a = jnp.concatenate([src, loop])
    dst_a = jnp.concatenate([dst, loop])
    deg = jnp.zeros((N,), jnp.float32).at[dst_a].add(1.0)
    dinv = jnp.where(deg > 0, jax.lax.rsqrt(deg), 0.0)
    norm = dinv[src_a] * dinv[dst_a]

    def conv(h, W, b):
        h = h @ W
        msg = jnp.take(h, src_a, axis=0) * norm[:, None]
        agg = jnp.zeros((N, h.shape[1]), h.dtype).at[dst_a].add(msg)
        return agg + b

    # feature_pre linear
    h = x @ W_pre + b_pre
    # conv_first + relu (dropout is no-op in eval)
    h = jax.nn.relu(conv(h, W1, b1))
    # layer_num=2 -> no hidden convs; conv_out
    h = conv(h, W2, b2)
    # F.normalize(p=2, dim=-1)
    h = h / jnp.maximum(jnp.linalg.norm(h, axis=-1, keepdims=True), 1e-12)
    logits = h @ W_cls + b_cls
    return jax.nn.log_softmax(logits, axis=-1)

if __name__ == "__main__":
    import jax
    _d = setup_inputs()
    print(jax.jit(kernel)(*tuple(_d.values())))

</pallas_src>

<mosaic_0001>
#map = affine_map<(d0, d1) -> (0, 0, 0)>
#map1 = affine_map<(d0, d1) -> (0)>
#map2 = affine_map<(d0, d1) -> (0, 0)>
module attributes {stable_mosaic.version = 14 : i64} {
  func.func @deg_pass(%arg0: i32, %arg1: i32, %arg2: memref<2x2500x128xi32, #tpu.memory_space<hbm>>, %arg3: memref<10240xf32, #tpu.memory_space<hbm>>, %arg4: memref<2x10240xf32, #tpu.memory_space<hbm>>, %arg5: memref<40x128xi32, #tpu.memory_space<vmem>>, %arg6: memref<128xf32, #tpu.memory_space<vmem>>, %arg7: memref<!tpu.dma_semaphore, #tpu.memory_space<semaphore_mem>>, %arg8: memref<!tpu.dma_semaphore, #tpu.memory_space<semaphore_mem>>, %arg9: memref<10240xf32, #tpu.memory_space<vmem_shared>>) attributes {dimension_semantics = [#tpu.dimension_semantics<core_parallel>, #tpu.dimension_semantics<subcore_parallel>], iteration_bounds = array<i64: 2, 16>, scalar_prefetch = 0 : i64, scratch_operands = 5 : i64, tpu.core_type = #tpu.core_type<sc_vector_subcore>, window_params = [{transform_indices = #map}, {transform_indices = #map1}, {transform_indices = #map2}]} {
    %mul3A = arith.constant 16 : i32
    %mul3A_0 = arith.muli %arg0, %mul3A : i32
    %add3A = arith.addi %mul3A_0, %arg1 : i32
    %eq3A = arith.constant 31 : i32
    %eq3A_1 = arith.cmpi eq, %add3A, %eq3A : i32
    %not3A = arith.constant true
    %not3A_2 = arith.xori %eq3A_1, %not3A : i1
    %convert_element_type3A = arith.extui %not3A_2 : i1 to i32
    %cond3A = arith.constant 0 : i32
    %cond3A_3 = arith.cmpi ne, %convert_element_type3A, %cond3A : i32
    scf.if %cond3A_3 {
      %mul3A_56 = arith.constant 80 : i32
      %mul3A_57 = arith.muli %add3A, %mul3A_56 : i32
      %run_scoped3A = arith.constant 1 : i32
      "tpu.region"() ({
        %run_scoped3A_58 = tpu.sem_alloc : memref<!tpu.dma_semaphore, #tpu.memory_space<semaphore_mem>>
        %dma_start3A = arith.constant 0 : i32
        %dma_start3A_59 = tpu.memref_slice %arg2[%run_scoped3A, %mul3A_57, %dma_start3A] : memref<2x2500x128xi32, #tpu.memory_space<hbm>> -> memref<1x40x128xi32, #tpu.memory_space<hbm>>
        %dma_start3A_60 = tpu.memref_squeeze %dma_start3A_59 : memref<1x40x128xi32, #tpu.memory_space<hbm>> -> memref<40x128xi32, #tpu.memory_space<hbm>>
        %dma_start3A_61 = arith.constant 0 : i32
        %dma_start3A_62 = tpu.memref_slice %arg2[%run_scoped3A, %mul3A_57, %dma_start3A_61] : memref<2x2500x128xi32, #tpu.memory_space<hbm>> -> memref<1x40x128xi32, #tpu.memory_space<hbm>>
        %dma_start3A_63 = tpu.memref_squeeze %dma_start3A_62 : memref<1x40x128xi32, #tpu.memory_space<hbm>> -> memref<40x128xi32, #tpu.memory_space<hbm>>
        tpu.enqueue_dma source(%dma_start3A_63 : memref<40x128xi32, #tpu.memory_space<hbm>>) target(%arg5 : memref<40x128xi32, #tpu.memory_space<vmem>>) target_semaphore(%run_scoped3A_58 : memref<!tpu.dma_semaphore, #tpu.memory_space<semaphore_mem>>)
        %dma_wait3A = arith.constant 0 : i32
        %dma_wait3A_64 = tpu.memref_slice %arg2[%run_scoped3A, %mul3A_57, %dma_wait3A] : memref<2x2500x128xi32, #tpu.memory_space<hbm>> -> memref<1x40x128xi32, #tpu.memory_space<hbm>>
        %dma_wait3A_65 = tpu.memref_squeeze %dma_wait3A_64 : memref<1x40x128xi32, #tpu.memory_space<hbm>> -> memref<40x128xi32, #tpu.memory_space<hbm>>
        %dma_wait3A_66 = arith.constant 0 : i32
        %dma_wait3A_67 = tpu.memref_slice %arg2[%run_scoped3A, %mul3A_57, %dma_wait3A_66] : memref<2x2500x128xi32, #tpu.memory_space<hbm>> -> memref<1x40x128xi32, #tpu.memory_space<hbm>>
        %dma_wait3A_68 = tpu.memref_squeeze %dma_wait3A_67 : memref<1x40x128xi32, #tpu.memory_space<hbm>> -> memref<40x128xi32, #tpu.memory_space<hbm>>
        tpu.wait_dma2 semaphore(%run_scoped3A_58 : memref<!tpu.dma_semaphore, #tpu.memory_space<semaphore_mem>>) src(%dma_wait3A_68 : memref<40x128xi32, #tpu.memory_space<hbm>>) dst(%arg5 : memref<40x128xi32, #tpu.memory_space<vmem>>)
        tpu.yield
      }) : () -> ()
    } else {
    }
    %convert_element_type3A_4 = arith.extui %eq3A_1 : i1 to i32
    %cond3A_5 = arith.constant 0 : i32
    %cond3A_6 = arith.cmpi ne, %convert_element_type3A_4, %cond3A_5 : i32
    scf.if %cond3A_6 {
      %run_scoped3A = arith.constant 1 : i32
      "tpu.region"() ({
        %run_scoped3A_56 = tpu.sem_alloc : memref<!tpu.dma_semaphore, #tpu.memory_space<semaphore_mem>>
        %dma_start3A = arith.constant 0 : i32
        %dma_start3A_57 = arith.constant 0 : i32
        %dma_start3A_58 = tpu.memref_slice %arg5[%dma_start3A, %dma_start3A_57] : memref<40x128xi32, #tpu.memory_space<vmem>> -> memref<20x128xi32, #tpu.memory_space<vmem>>
        %dma_start3A_59 = arith.constant 2480 : i32
        %dma_start3A_60 = arith.constant 0 : i32
        %dma_start3A_61 = tpu.memref_slice %arg2[%run_scoped3A, %dma_start3A_59, %dma_start3A_60] : memref<2x2500x128xi32, #tpu.memory_space<hbm>> -> memref<1x20x128xi32, #tpu.memory_space<hbm>>
        %dma_start3A_62 = tpu.memref_squeeze %dma_start3A_61 : memref<1x20x128xi32, #tpu.memory_space<hbm>> -> memref<20x128xi32, #tpu.memory_space<hbm>>
        %dma_start3A_63 = arith.constant 0 : i32
        %dma_start3A_64 = arith.constant 0 : i32
        %dma_start3A_65 = tpu.memref_slice %arg5[%dma_start3A_63, %dma_start3A_64] : memref<40x128xi32, #tpu.memory_space<vmem>> -> memref<20x128xi32, #tpu.memory_space<vmem>>
        %dma_start3A_66 = arith.constant 2480 : i32
        %dma_start3A_67 = arith.constant 0 : i32
        %dma_start3A_68 = tpu.memref_slice %arg2[%run_scoped3A, %dma_start3A_66, %dma_start3A_67] : memref<2x2500x128xi32, #tpu.memory_space<hbm>> -> memref<1x20x128xi32, #tpu.memory_space<hbm>>
        %dma_start3A_69 = tpu.memref_squeeze %dma_start3A_68 : memref<1x20x128xi32, #tpu.memory_space<hbm>> -> memref<20x128xi32, #tpu.memory_space<hbm>>
        tpu.enqueue_dma source(%dma_start3A_69 : memref<20x128xi32, #tpu.memory_space<hbm>>) target(%dma_start3A_65 : memref<20x128xi32, #tpu.memory_space<vmem>>) target_semaphore(%run_scoped3A_56 : memref<!tpu.dma_semaphore, #tpu.memory_space<semaphore_mem>>)
        %dma_wait3A = arith.constant 0 : i32
        %dma_wait3A_70 = arith.constant 0 : i32
        %dma_wait3A_71 = tpu.memref_slice %arg5[%dma_wait3A, %dma_wait3A_70] : memref<40x128xi32, #tpu.memory_space<vmem>> -> memref<20x128xi32, #tpu.memory_space<vmem>>
        %dma_wait3A_72 = arith.constant 2480 : i32
        %dma_wait3A_73 = arith.constant 0 : i32
        %dma_wait3A_74 = tpu.memref_slice %arg2[%run_scoped3A, %dma_wait3A_72, %dma_wait3A_73] : memref<2x2500x128xi32, #tpu.memory_space<hbm>> -> memref<1x20x128xi32, #tpu.memory_space<hbm>>
        %dma_wait3A_75 = tpu.memref_squeeze %dma_wait3A_74 : memref<1x20x128xi32, #tpu.memory_space<hbm>> -> memref<20x128xi32, #tpu.memory_space<hbm>>
        %dma_wait3A_76 = arith.constant 0 : i32
        %dma_wait3A_77 = arith.constant 0 : i32
        %dma_wait3A_78 = tpu.memref_slice %arg5[%dma_wait3A_76, %dma_wait3A_77] : memref<40x128xi32, #tpu.memory_space<vmem>> -> memref<20x128xi32, #tpu.memory_space<vmem>>
        %dma_wait3A_79 = arith.constant 2480 : i32
        %dma_wait3A_80 = arith.constant 0 : i32
        %dma_wait3A_81 = tpu.memref_slice %arg2[%run_scoped3A, %dma_wait3A_79, %dma_wait3A_80] : memref<2x2500x128xi32, #tpu.memory_space<hbm>> -> memref<1x20x128xi32, #tpu.memory_space<hbm>>
        %dma_wait3A_82 = tpu.memref_squeeze %dma_wait3A_81 : memref<1x20x128xi32, #tpu.memory_space<hbm>> -> memref<20x128xi32, #tpu.memory_space<hbm>>
        tpu.wait_dma2 semaphore(%run_scoped3A_56 : memref<!tpu.dma_semaphore, #tpu.memory_space<semaphore_mem>>) src(%dma_wait3A_82 : memref<20x128xi32, #tpu.memory_space<hbm>>) dst(%dma_wait3A_78 : memref<20x128xi32, #tpu.memory_space<vmem>>)
        tpu.yield
      }) : () -> ()
    } else {
    }
    %broadcast_in_dim3A = arith.constant 1.000000e+00 : f32
    %broadcast_in_dim3A_7 = vector.broadcast %broadcast_in_dim3A : f32 to vector<16xf32>
    %swap3A = arith.constant 0 : index
    %swap3A_8 = tpu.vector_load %arg6[%swap3A] {strides = array<i32>} : memref<128xf32, #tpu.memory_space<vmem>>, vector<16xf32>,
    %swap3A_9 = vector.shape_cast %swap3A_8 : vector<16xf32> to vector<16xf32>
    %swap3A_10 = vector.shape_cast %broadcast_in_dim3A_7 : vector<16xf32> to vector<16xf32>
    tpu.vector_store %arg6[%swap3A], %swap3A_10 {strides = array<i32>} : memref<128xf32, #tpu.memory_space<vmem>>, vector<16xf32>,
    %swap3A_11 = arith.constant 16 : index
    %swap3A_12 = tpu.vector_load %arg6[%swap3A_11] {strides = array<i32>} : memref<128xf32, #tpu.memory_space<vmem>>, vector<16xf32>,
    %swap3A_13 = vector.shape_cast %swap3A_12 : vector<16xf32> to vector<16xf32>
    %swap3A_14 = vector.shape_cast %broadcast_in_dim3A_7 : vector<16xf32> to vector<16xf32>
    tpu.vector_store %arg6[%swap3A_11], %swap3A_14 {strides = array<i32>} : memref<128xf32, #tpu.memory_space<vmem>>, vector<16xf32>,
    %swap3A_15 = arith.constant 32 : index
    %swap3A_16 = tpu.vector_load %arg6[%swap3A_15] {strides = array<i32>} : memref<128xf32, #tpu.memory_space<vmem>>, vector<16xf32>,
    %swap3A_17 = vector.shape_cast %swap3A_16 : vector<16xf32> to vector<16xf32>
    %swap3A_18 = vector.shape_cast %broadcast_in_dim3A_7 : vector<16xf32> to vector<16xf32>
    tpu.vector_store %arg6[%swap3A_15], %swap3A_18 {strides = array<i32>} : memref<128xf32, #tpu.memory_space<vmem>>, vector<16xf32>,
    %swap3A_19 = arith.constant 48 : index
    %swap3A_20 = tpu.vector_load %arg6[%swap3A_19] {strides = array<i32>} : memref<128xf32, #tpu.memory_space<vmem>>, vector<16xf32>,
    %swap3A_21 = vector.shape_cast %swap3A_20 : vector<16xf32> to vector<16xf32>
    %swap3A_22 = vector.shape_cast %broadcast_in_dim3A_7 : vector<16xf32> to vector<16xf32>
    tpu.vector_store %arg6[%swap3A_19], %swap3A_22 {strides = array<i32>} : memref<128xf32, #tpu.memory_space<vmem>>, vector<16xf32>,
    %swap3A_23 = arith.constant 64 : index
    %swap3A_24 = tpu.vector_load %arg6[%swap3A_23] {strides = array<i32>} : memref<128xf32, #tpu.memory_space<vmem>>, vector<16xf32>,
    %swap3A_25 = vector.shape_cast %swap3A_24 : vector<16xf32> to vector<16xf32>
    %swap3A_26 = vector.shape_cast %broadcast_in_dim3A_7 : vector<16xf32> to vector<16xf32>
    tpu.vector_store %arg6[%swap3A_23], %swap3A_26 {strides = array<i32>} : memref<128xf32, #tpu.memory_space<vmem>>, vector<16xf32>,
    %swap3A_27 = arith.constant 80 : index
    %swap3A_28 = tpu.vector_load %arg6[%swap3A_27] {strides = array<i32>} : memref<128xf32, #tpu.memory_space<vmem>>, vector<16xf32>,
    %swap3A_29 = vector.shape_cast %swap3A_28 : vector<16xf32> to vector<16xf32>
    %swap3A_30 = vector.shape_cast %broadcast_in_dim3A_7 : vector<16xf32> to vector<16xf32>
    tpu.vector_store %arg6[%swap3A_27], %swap3A_30 {strides = array<i32>} : memref<128xf32, #tpu.memory_space<vmem>>, vector<16xf32>,
    %swap3A_31 = arith.constant 96 : index
    %swap3A_32 = tpu.vector_load %arg6[%swap3A_31] {strides = array<i32>} : memref<128xf32, #tpu.memory_space<vmem>>, vector<16xf32>,
    %swap3A_33 = vector.shape_cast %swap3A_32 : vector<16xf32> to vector<16xf32>
    %swap3A_34 = vector.shape_cast %broadcast_in_dim3A_7 : vector<16xf32> to vector<16xf32>
    tpu.vector_store %arg6[%swap3A_31], %swap3A_34 {strides = array<i32>} : memref<128xf32, #tpu.memory_space<vmem>>, vector<16xf32>,
    %swap3A_35 = arith.constant 112 : index
    %swap3A_36 = tpu.vector_load %arg6[%swap3A_35] {strides = array<i32>} : memref<128xf32, #tpu.memory_space<vmem>>, vector<16xf32>,
    %swap3A_37 = vector.shape_cast %swap3A_36 : vector<16xf32> to vector<16xf32>
    %swap3A_38 = vector.shape_cast %broadcast_in_dim3A_7 : vector<16xf32> to vector<16xf32>
    tpu.vector_store %arg6[%swap3A_35], %swap3A_38 {strides = array<i32>} : memref<128xf32, #tpu.memory_space<vmem>>, vector<16xf32>,
    %mul3A_39 = arith.constant 640 : i32
    %mul3A_40 = arith.muli %arg1, %mul3A_39 : i32
    %mul3A_41 = arith.constant 640 : i32
    %mul3A_42 = arith.muli %arg1, %mul3A_41 : i32
    "tpu.region"() ({
      %run_scoped3A = tpu.sem_alloc : memref<!tpu.dma_semaphore, #tpu.memory_space<semaphore_mem>>
      %dma_start3A = tpu.memref_slice %arg9[%mul3A_42] : memref<10240xf32, #tpu.memory_space<vmem_shared>> -> memref<640xf32, #tpu.memory_space<vmem_shared>>
      %dma_start3A_56 = tpu.memref_slice %arg3[%mul3A_40] : memref<10240xf32, #tpu.memory_space<hbm>> -> memref<640xf32, #tpu.memory_space<hbm>>
      tpu.enqueue_dma source(%dma_start3A_56 : memref<640xf32, #tpu.memory_space<hbm>>) target(%dma_start3A : memref<640xf32, #tpu.memory_space<vmem_shared>>) target_semaphore(%run_scoped3A : memref<!tpu.dma_semaphore, #tpu.memory_space<semaphore_mem>>)
      %dma_wait3A = tpu.memref_slice %arg9[%mul3A_42] : memref<10240xf32, #tpu.memory_space<vmem_shared>> -> memref<640xf32, #tpu.memory_space<vmem_shared>>
      %dma_wait3A_57 = tpu.memref_slice %arg3[%mul3A_40] : memref<10240xf32, #tpu.memory_space<hbm>> -> memref<640xf32, #tpu.memory_space<hbm>>
      tpu.wait_dma2 semaphore(%run_scoped3A : memref<!tpu.dma_semaphore, #tpu.memory_space<semaphore_mem>>) src(%dma_wait3A_57 : memref<640xf32, #tpu.memory_space<hbm>>) dst(%dma_wait3A : memref<640xf32, #tpu.memory_space<vmem_shared>>)
      tpu.yield
    }) : () -> ()
    %barrier3A = arith.constant 0 : index
    tpu.barrier barrier_id(%barrier3A)
    %not3A_43 = arith.constant true
    %not3A_44 = arith.xori %eq3A_1, %not3A_43 : i1
    %convert_element_type3A_45 = arith.extui %not3A_44 : i1 to i32
    %cond3A_46 = arith.constant 0 : i32
    %cond3A_47 = arith.cmpi ne, %convert_element_type3A_45, %cond3A_46 : i32
    scf.if %cond3A_47 {
      %dma_start3A = arith.constant 0 : i32
      %dma_start3A_56 = arith.constant 0 : i32
      %dma_start3A_57 = tpu.memref_slice %arg5[%dma_start3A, %dma_start3A_56] : memref<40x128xi32, #tpu.memory_space<vmem>> -> memref<1x128xi32, #tpu.memory_space<vmem>>
      %dma_start3A_58 = tpu.memref_squeeze %dma_start3A_57 : memref<1x128xi32, #tpu.memory_space<vmem>> -> memref<128xi32, #tpu.memory_space<vmem>>
      %dma_start3A_59 = arith.constant 0 : i32
      %dma_start3A_60 = tpu.memref_slice %arg9[%dma_start3A_59] : memref<10240xf32, #tpu.memory_space<vmem_shared>> -> memref<10240xf32, #tpu.memory_space<vmem_shared>>
      tpu.enqueue_indirect_dma source(%arg6 : memref<128xf32, #tpu.memory_space<vmem>>) target(%dma_start3A_60 : memref<10240xf32, #tpu.memory_space<vmem_shared>>) offsets(%dma_start3A_58 : memref<128xi32, #tpu.memory_space<vmem>>) semaphore(%arg7 : memref<!tpu.dma_semaphore, #tpu.memory_space<semaphore_mem>>) {add = true}
      %dma_start3A_61 = arith.constant 1 : i32
      %dma_start3A_62 = arith.constant 0 : i32
      %dma_start3A_63 = tpu.memref_slice %arg5[%dma_start3A_61, %dma_start3A_62] : memref<40x128xi32, #tpu.memory_space<vmem>> -> memref<1x128xi32, #tpu.memory_space<vmem>>
      %dma_start3A_64 = tpu.memref_squeeze %dma_start3A_63 : memref<1x128xi32, #tpu.memory_space<vmem>> -> memref<128xi32, #tpu.memory_space<vmem>>
      %dma_start3A_65 = arith.constant 0 : i32
      %dma_start3A_66 = tpu.memref_slice %arg9[%dma_start3A_65] : memref<10240xf32, #tpu.memory_space<vmem_shared>> -> memref<10240xf32, #tpu.memory_space<vmem_shared>>
      tpu.enqueue_indirect_dma source(%arg6 : memref<128xf32, #tpu.memory_space<vmem>>) target(%dma_start3A_66 : memref<10240xf32, #tpu.memory_space<vmem_shared>>) offsets(%dma_start3A_64 : memref<128xi32, #tpu.memory_space<vmem>>) semaphore(%arg7 : memref<!tpu.dma_semaphore, #tpu.memory_space<semaphore_mem>>) {add = true}
      %dma_start3A_67 = arith.constant 2 : i32
      %dma_start3A_68 = arith.constant 0 : i32
      %dma_start3A_69 = tpu.memref_slice %arg5[%dma_start3A_67, %dma_start3A_68] : memref<40x128xi32, #tpu.memory_space<vmem>> -> memref<1x128xi32, #tpu.memory_space<vmem>>
      %dma_start3A_70 = tpu.memref_squeeze %dma_start3A_69 : memref<1x128xi32, #tpu.memory_space<vmem>> -> memref<128xi32, #tpu.memory_space<vmem>>
      %dma_start3A_71 = arith.constant 0 : i32
      %dma_start3A_72 = tpu.memref_slice %arg9[%dma_start3A_71] : memref<10240xf32, #tpu.memory_space<vmem_shared>> -> memref<10240xf32, #tpu.memory_space<vmem_shared>>
      tpu.enqueue_indirect_dma source(%arg6 : memref<128xf32, #tpu.memory_space<vmem>>) target(%dma_start3A_72 : memref<10240xf32, #tpu.memory_space<vmem_shared>>) offsets(%dma_start3A_70 : memref<128xi32, #tpu.memory_space<vmem>>) semaphore(%arg7 : memref<!tpu.dma_semaphore, #tpu.memory_space<semaphore_mem>>) {add = true}
      %dma_start3A_73 = arith.constant 3 : i32
      %dma_start3A_74 = arith.constant 0 : i32
      %dma_start3A_75 = tpu.memref_slice %arg5[%dma_start3A_73, %dma_start3A_74] : memref<40x128xi32, #tpu.memory_space<vmem>> -> memref<1x128xi32, #tpu.memory_space<vmem>>
      %dma_start3A_76 = tpu.memref_squeeze %dma_start3A_75 : memref<1x128xi32, #tpu.memory_space<vmem>> -> memref<128xi32, #tpu.memory_space<vmem>>
      %dma_start3A_77 = arith.constant 0 : i32
      %dma_start3A_78 = tpu.memref_slice %arg9[%dma_start3A_77] : memref<10240xf32, #tpu.memory_space<vmem_shared>> -> memref<10240xf32, #tpu.memory_space<vmem_shared>>
      tpu.enqueue_indirect_dma source(%arg6 : memref<128xf32, #tpu.memory_space<vmem>>) target(%dma_start3A_78 : memref<10240xf32, #tpu.memory_space<vmem_shared>>) offsets(%dma_start3A_76 : memref<128xi32, #tpu.memory_space<vmem>>) semaphore(%arg7 : memref<!tpu.dma_semaphore, #tpu.memory_space<semaphore_mem>>) {add = true}
      %dma_start3A_79 = arith.constant 4 : i32
      %dma_start3A_80 = arith.constant 0 : i32
      %dma_start3A_81 = tpu.memref_slice %arg5[%dma_start3A_79, %dma_start3A_80] : memref<40x128xi32, #tpu.memory_space<vmem>> -> memref<1x128xi32, #tpu.memory_space<vmem>>
      %dma_start3A_82 = tpu.memref_squeeze %dma_start3A_81 : memref<1x128xi32, #tpu.memory_space<vmem>> -> memref<128xi32, #tpu.memory_space<vmem>>
      %dma_start3A_83 = arith.constant 0 : i32
      %dma_start3A_84 = tpu.memref_slice %arg9[%dma_start3A_83] : memref<10240xf32, #tpu.memory_space<vmem_shared>> -> memref<10240xf32, #tpu.memory_space<vmem_shared>>
      tpu.enqueue_indirect_dma source(%arg6 : memref<128xf32, #tpu.memory_space<vmem>>) target(%dma_start3A_84 : memref<10240xf32, #tpu.memory_space<vmem_shared>>) offsets(%dma_start3A_82 : memref<128xi32, #tpu.memory_space<vmem>>) semaphore(%arg7 : memref<!tpu.dma_semaphore, #tpu.memory_space<semaphore_mem>>) {add = true}
      %dma_start3A_85 = arith.constant 5 : i32
      %dma_start3A_86 = arith.constant 0 : i32
      %dma_start3A_87 = tpu.memref_slice %arg5[%dma_start3A_85, %dma_start3A_86] : memref<40x128xi32, #tpu.memory_space<vmem>> -> memref<1x128xi32, #tpu.memory_space<vmem>>
      %dma_start3A_88 = tpu.memref_squeeze %dma_start3A_87 : memref<1x128xi32, #tpu.memory_space<vmem>> -> memref<128xi32, #tpu.memory_space<vmem>>
      %dma_start3A_89 = arith.constant 0 : i32
      %dma_start3A_90 = tpu.memref_slice %arg9[%dma_start3A_89] : memref<10240xf32, #tpu.memory_space<vmem_shared>> -> memref<10240xf32, #tpu.memory_space<vmem_shared>>
      tpu.enqueue_indirect_dma source(%arg6 : memref<128xf32, #tpu.memory_space<vmem>>) target(%dma_start3A_90 : memref<10240xf32, #tpu.memory_space<vmem_shared>>) offsets(%dma_start3A_88 : memref<128xi32, #tpu.memory_space<vmem>>) semaphore(%arg7 : memref<!tpu.dma_semaphore, #tpu.memory_space<semaphore_mem>>) {add = true}
      %scan3A = arith.constant 0 : i32
      %scan3A_91 = arith.constant 6 : i32
      %scan3A_92 = arith.constant 34 : i32
      %scan3A_93 = arith.addi %scan3A_91, %scan3A_92 : i32
      %scan3A_94 = arith.constant 1 : i32
      scf.for %scan3A_213 = %scan3A_91 to %scan3A_93 step %scan3A_94  : i32 {
        %dma_wait3A_214 = arith.constant 0 : i32
        %dma_wait3A_215 = arith.constant 0 : i32
        %dma_wait3A_216 = tpu.memref_slice %arg5[%dma_wait3A_214, %dma_wait3A_215] : memref<40x128xi32, #tpu.memory_space<vmem>> -> memref<1x128xi32, #tpu.memory_space<vmem>>
        %dma_wait3A_217 = tpu.memref_squeeze %dma_wait3A_216 : memref<1x128xi32, #tpu.memory_space<vmem>> -> memref<128xi32, #tpu.memory_space<vmem>>
        %dma_wait3A_218 = arith.constant 0 : i32
        %dma_wait3A_219 = tpu.memref_slice %arg9[%dma_wait3A_218] : memref<10240xf32, #tpu.memory_space<vmem_shared>> -> memref<10240xf32, #tpu.memory_space<vmem_shared>>
        tpu.wait_indirect_dma semaphore(%arg7 : memref<!tpu.dma_semaphore, #tpu.memory_space<semaphore_mem>>) src(%arg6 : memref<128xf32, #tpu.memory_space<vmem>>) dst(%dma_wait3A_219 : memref<10240xf32, #tpu.memory_space<vmem_shared>>)
        %dma_start3A_220 = arith.constant 0 : i32
        %dma_start3A_221 = tpu.memref_slice %arg5[%scan3A_213, %dma_start3A_220] : memref<40x128xi32, #tpu.memory_space<vmem>> -> memref<1x128xi32, #tpu.memory_space<vmem>>
        %dma_start3A_222 = tpu.memref_squeeze %dma_start3A_221 : memref<1x128xi32, #tpu.memory_space<vmem>> -> memref<128xi32, #tpu.memory_space<vmem>>
        %dma_start3A_223 = arith.constant 0 : i32
        %dma_start3A_224 = tpu.memref_slice %arg9[%dma_start3A_223] : memref<10240xf32, #tpu.memory_space<vmem_shared>> -> memref<10240xf32, #tpu.memory_space<vmem_shared>>
        tpu.enqueue_indirect_dma source(%arg6 : memref<128xf32, #tpu.memory_space<vmem>>) target(%dma_start3A_224 : memref<10240xf32, #tpu.memory_space<vmem_shared>>) offsets(%dma_start3A_222 : memref<128xi32, #tpu.memory_space<vmem>>) semaphore(%arg7 : memref<!tpu.dma_semaphore, #tpu.memory_space<semaphore_mem>>) {add = true}
      }
      %scan3A_95 = arith.constant 34 : i32
      %dma_wait3A = arith.constant 0 : i32
      %dma_wait3A_96 = arith.constant 0 : i32
      %dma_wait3A_97 = tpu.memref_slice %arg5[%dma_wait3A, %dma_wait3A_96] : memref<40x128xi32, #tpu.memory_space<vmem>> -> memref<1x128xi32, #tpu.memory_space<vmem>>
      %dma_wait3A_98 = tpu.memref_squeeze %dma_wait3A_97 : memref<1x128xi32, #tpu.memory_space<vmem>> -> memref<128xi32, #tpu.memory_space<vmem>>
      %dma_wait3A_99 = arith.constant 0 : i32
      %dma_wait3A_100 = tpu.memref_slice %arg9[%dma_wait3A_99] : memref<10240xf32, #tpu.memory_space<vmem_shared>> -> memref<10240xf32, #tpu.memory_space<vmem_shared>>
      tpu.wait_indirect_dma semaphore(%arg7 : memref<!tpu.dma_semaphore, #tpu.memory_space<semaphore_mem>>) src(%arg6 : memref<128xf32, #tpu.memory_space<vmem>>) dst(%dma_wait3A_100 : memref<10240xf32, #tpu.memory_space<vmem_shared>>)
      %dma_wait3A_101 = arith.constant 0 : i32
      %dma_wait3A_102 = arith.constant 0 : i32
      %dma_wait3A_103 = tpu.memref_slice %arg5[%dma_wait3A_101, %dma_wait3A_102] : memref<40x128xi32, #tpu.memory_space<vmem>> -> memref<1x128xi32, #tpu.memory_space<vmem>>
      %dma_wait3A_104 = tpu.memref_squeeze %dma_wait3A_103 : memref<1x128xi32, #tpu.memory_space<vmem>> -> memref<128xi32, #tpu.memory_space<vmem>>
      %dma_wait3A_105 = arith.constant 0 : i32
      %dma_wait3A_106 = tpu.memref_slice %arg9[%dma_wait3A_105] : memref<10240xf32, #tpu.memory_space<vmem_shared>> -> memref<10240xf32, #tpu.memory_space<vmem_shared>>
      tpu.wait_indirect_dma semaphore(%arg7 : memref<!tpu.dma_semaphore, #tpu.memory_space<semaphore_mem>>) src(%arg6 : memref<128xf32, #tpu.memory_space<vmem>>) dst(%dma_wait3A_106 : memref<10240xf32, #tpu.memory_space<vmem_shared>>)
      %dma_wait3A_107 = arith.constant 0 : i32
      %dma_wait3A_108 = arith.constant 0 : i32
      %dma_wait3A_109 = tpu.memref_slice %arg5[%dma_wait3A_107, %dma_wait3A_108] : memref<40x128xi32, #tpu.memory_space<vmem>> -> memref<1x128xi32, #tpu.memory_space<vmem>>
      %dma_wait3A_110 = tpu.memref_squeeze %dma_wait3A_109 : memref<1x128xi32, #tpu.memory_space<vmem>> -> memref<128xi32, #tpu.memory_space<vmem>>
      %dma_wait3A_111 = arith.constant 0 : i32
      %dma_wait3A_112 = tpu.memref_slice %arg9[%dma_wait3A_111] : memref<10240xf32, #tpu.memory_space<vmem_shared>> -> memref<10240xf32, #tpu.memory_space<vmem_shared>>
      tpu.wait_indirect_dma semaphore(%arg7 : memref<!tpu.dma_semaphore, #tpu.memory_space<semaphore_mem>>) src(%arg6 : memref<128xf32, #tpu.memory_space<vmem>>) dst(%dma_wait3A_112 : memref<10240xf32, #tpu.memory_space<vmem_shared>>)
      %dma_wait3A_113 = arith.constant 0 : i32
      %dma_wait3A_114 = arith.constant 0 : i32
      %dma_wait3A_115 = tpu.memref_slice %arg5[%dma_wait3A_113, %dma_wait3A_114] : memref<40x128xi32, #tpu.memory_space<vmem>> -> memref<1x128xi32, #tpu.memory_space<vmem>>
      %dma_wait3A_116 = tpu.memref_squeeze %dma_wait3A_115 : memref<1x128xi32, #tpu.memory_space<vmem>> -> memref<128xi32, #tpu.memory_space<vmem>>
      %dma_wait3A_117 = arith.constant 0 : i32
      %dma_wait3A_118 = tpu.memref_slice %arg9[%dma_wait3A_117] : memref<10240xf32, #tpu.memory_space<vmem_shared>> -> memref<10240xf32, #tpu.memory_space<vmem_shared>>
      tpu.wait_indirect_dma semaphore(%arg7 : memref<!tpu.dma_semaphore, #tpu.memory_space<semaphore_mem>>) src(%arg6 : memref<128xf32, #tpu.memory_space<vmem>>) dst(%dma_wait3A_118 : memref<10240xf32, #tpu.memory_space<vmem_shared>>)
      %dma_wait3A_119 = arith.constant 0 : i32
      %dma_wait3A_120 = arith.constant 0 : i32
      %dma_wait3A_121 = tpu.memref_slice %arg5[%dma_wait3A_119, %dma_wait3A_120] : memref<40x128xi32, #tpu.memory_space<vmem>> -> memref<1x128xi32, #tpu.memory_space<vmem>>
      %dma_wait3A_122 = tpu.memref_squeeze %dma_wait3A_121 : memref<1x128xi32, #tpu.memory_space<vmem>> -> memref<128xi32, #tpu.memory_space<vmem>>
      %dma_wait3A_123 = arith.constant 0 : i32
      %dma_wait3A_124 = tpu.memref_slice %arg9[%dma_wait3A_123] : memref<10240xf32, #tpu.memory_space<vmem_shared>> -> memref<10240xf32, #tpu.memory_space<vmem_shared>>
      tpu.wait_indirect_dma semaphore(%arg7 : memref<!tpu.dma_semaphore, #tpu.memory_space<semaphore_mem>>) src(%arg6 : memref<128xf32, #tpu.memory_space<vmem>>) dst(%dma_wait3A_124 : memref<10240xf32, #tpu.memory_space<vmem_shared>>)
      %dma_wait3A_125 = arith.constant 0 : i32
      %dma_wait3A_126 = arith.constant 0 : i32
      %dma_wait3A_127 = tpu.memref_slice %arg5[%dma_wait3A_125, %dma_wait3A_126] : memref<40x128xi32, #tpu.memory_space<vmem>> -> memref<1x128xi32, #tpu.memory_space<vmem>>
      %dma_wait3A_128 = tpu.memref_squeeze %dma_wait3A_127 : memref<1x128xi32, #tpu.memory_space<vmem>> -> memref<128xi32, #tpu.memory_space<vmem>>
      %dma_wait3A_129 = arith.constant 0 : i32
      %dma_wait3A_130 = tpu.memref_slice %arg9[%dma_wait3A_129] : memref<10240xf32, #tpu.memory_space<vmem_shared>> -> memref<10240xf32, #tpu.memory_space<vmem_shared>>
      tpu.wait_indirect_dma semaphore(%arg7 : memref<!tpu.dma_semaphore, #tpu.memory_space<semaphore_mem>>) src(%arg6 : memref<128xf32, #tpu.memory_space<vmem>>) dst(%dma_wait3A_130 : memref<10240xf32, #tpu.memory_space<vmem_shared>>)
      %mul3A_131 = arith.constant 80 : i32
      %mul3A_132 = arith.muli %add3A, %mul3A_131 : i32
      %add3A_133 = arith.constant 40 : i32
      %add3A_134 = arith.addi %mul3A_132, %add3A_133 : i32
      %run_scoped3A = arith.constant 1 : i32
      "tpu.region"() ({
        %run_scoped3A_213 = tpu.sem_alloc : memref<!tpu.dma_semaphore, #tpu.memory_space<semaphore_mem>>
        %dma_start3A_214 = arith.constant 0 : i32
        %dma_start3A_215 = tpu.memref_slice %arg2[%run_scoped3A, %add3A_134, %dma_start3A_214] : memref<2x2500x128xi32, #tpu.memory_space<hbm>> -> memref<1x40x128xi32, #tpu.memory_space<hbm>>
        %dma_start3A_216 = tpu.memref_squeeze %dma_start3A_215 : memref<1x40x128xi32, #tpu.memory_space<hbm>> -> memref<40x128xi32, #tpu.memory_space<hbm>>
        %dma_start3A_217 = arith.constant 0 : i32
        %dma_start3A_218 = tpu.memref_slice %arg2[%run_scoped3A, %add3A_134, %dma_start3A_217] : memref<2x2500x128xi32, #tpu.memory_space<hbm>> -> memref<1x40x128xi32, #tpu.memory_space<hbm>>
        %dma_start3A_219 = tpu.memref_squeeze %dma_start3A_218 : memref<1x40x128xi32, #tpu.memory_space<hbm>> -> memref<40x128xi32, #tpu.memory_space<hbm>>
        tpu.enqueue_dma source(%dma_start3A_219 : memref<40x128xi32, #tpu.memory_space<hbm>>) target(%arg5 : memref<40x128xi32, #tpu.memory_space<vmem>>) target_semaphore(%run_scoped3A_213 : memref<!tpu.dma_semaphore, #tpu.memory_space<semaphore_mem>>)
        %dma_wait3A_220 = arith.constant 0 : i32
        %dma_wait3A_221 = tpu.memref_slice %arg2[%run_scoped3A, %add3A_134, %dma_wait3A_220] : memref<2x2500x128xi32, #tpu.memory_space<hbm>> -> memref<1x40x128xi32, #tpu.memory_space<hbm>>
        %dma_wait3A_222 = tpu.memref_squeeze %dma_wait3A_221 : memref<1x40x128xi32, #tpu.memory_space<hbm>> -> memref<40x128xi32, #tpu.memory_space<hbm>>
        %dma_wait3A_223 = arith.constant 0 : i32
        %dma_wait3A_224 = tpu.memref_slice %arg2[%run_scoped3A, %add3A_134, %dma_wait3A_223] : memref<2x2500x128xi32, #tpu.memory_space<hbm>> -> memref<1x40x128xi32, #tpu.memory_space<hbm>>
        %dma_wait3A_225 = tpu.memref_squeeze %dma_wait3A_224 : memref<1x40x128xi32, #tpu.memory_space<hbm>> -> memref<40x128xi32, #tpu.memory_space<hbm>>
        tpu.wait_dma2 semaphore(%run_scoped3A_213 : memref<!tpu.dma_semaphore, #tpu.memory_space<semaphore_mem>>) src(%dma_wait3A_225 : memref<40x128xi32, #tpu.memory_space<hbm>>) dst(%arg5 : memref<40x128xi32, #tpu.memory_space<vmem>>)
        tpu.yield
      }) : () -> ()
      %dma_start3A_135 = arith.constant 0 : i32
      %dma_start3A_136 = arith.constant 0 : i32
      %dma_start3A_137 = tpu.memref_slice %arg5[%dma_start3A_135, %dma_start3A_136] : memref<40x128xi32, #tpu.memory_space<vmem>> -> memref<1x128xi32, #tpu.memory_space<vmem>>
      %dma_start3A_138 = tpu.memref_squeeze %dma_start3A_137 : memref<1x128xi32, #tpu.memory_space<vmem>> -> memref<128xi32, #tpu.memory_space<vmem>>
      %dma_start3A_139 = arith.constant 0 : i32
      %dma_start3A_140 = tpu.memref_slice %arg9[%dma_start3A_139] : memref<10240xf32, #tpu.memory_space<vmem_shared>> -> memref<10240xf32, #tpu.memory_space<vmem_shared>>
      tpu.enqueue_indirect_dma source(%arg6 : memref<128xf32, #tpu.memory_space<vmem>>) target(%dma_start3A_140 : memref<10240xf32, #tpu.memory_space<vmem_shared>>) offsets(%dma_start3A_138 : memref<128xi32, #tpu.memory_space<vmem>>) semaphore(%arg7 : memref<!tpu.dma_semaphore, #tpu.memory_space<semaphore_mem>>) {add = true}
      %dma_start3A_141 = arith.constant 1 : i32
      %dma_start3A_142 = arith.constant 0 : i32
      %dma_start3A_143 = tpu.memref_slice %arg5[%dma_start3A_141, %dma_start3A_142] : memref<40x128xi32, #tpu.memory_space<vmem>> -> memref<1x128xi32, #tpu.memory_space<vmem>>
      %dma_start3A_144 = tpu.memref_squeeze %dma_start3A_143 : memref<1x128xi32, #tpu.memory_space<vmem>> -> memref<128xi32, #tpu.memory_space<vmem>>
      %dma_start3A_145 = arith.constant 0 : i32
      %dma_start3A_146 = tpu.memref_slice %arg9[%dma_start3A_145] : memref<10240xf32, #tpu.memory_space<vmem_shared>> -> memref<10240xf32, #tpu.memory_space<vmem_shared>>
      tpu.enqueue_indirect_dma source(%arg6 : memref<128xf32, #tpu.memory_space<vmem>>) target(%dma_start3A_146 : memref<10240xf32, #tpu.memory_space<vmem_shared>>) offsets(%dma_start3A_144 : memref<128xi32, #tpu.memory_space<vmem>>) semaphore(%arg7 : memref<!tpu.dma_semaphore, #tpu.memory_space<semaphore_mem>>) {add = true}
      %dma_start3A_147 = arith.constant 2 : i32
      %dma_start3A_148 = arith.constant 0 : i32
      %dma_start3A_149 = tpu.memref_slice %arg5[%dma_start3A_147, %dma_start3A_148] : memref<40x128xi32, #tpu.memory_space<vmem>> -> memref<1x128xi32, #tpu.memory_space<vmem>>
      %dma_start3A_150 = tpu.memref_squeeze %dma_start3A_149 : memref<1x128xi32, #tpu.memory_space<vmem>> -> memref<128xi32, #tpu.memory_space<vmem>>
      %dma_start3A_151 = arith.constant 0 : i32
      %dma_start3A_152 = tpu.memref_slice %arg9[%dma_start3A_151] : memref<10240xf32, #tpu.memory_space<vmem_shared>> -> memref<10240xf32, #tpu.memory_space<vmem_shared>>
      tpu.enqueue_indirect_dma source(%arg6 : memref<128xf32, #tpu.memory_space<vmem>>) target(%dma_start3A_152 : memref<10240xf32, #tpu.memory_space<vmem_shared>>) offsets(%dma_start3A_150 : memref<128xi32, #tpu.memory_space<vmem>>) semaphore(%arg7 : memref<!tpu.dma_semaphore, #tpu.memory_space<semaphore_mem>>) {add = true}
      %dma_start3A_153 = arith.constant 3 : i32
      %dma_start3A_154 = arith.constant 0 : i32
      %dma_start3A_155 = tpu.memref_slice %arg5[%dma_start3A_153, %dma_start3A_154] : memref<40x128xi32, #tpu.memory_space<vmem>> -> memref<1x128xi32, #tpu.memory_space<vmem>>
      %dma_start3A_156 = tpu.memref_squeeze %dma_start3A_155 : memref<1x128xi32, #tpu.memory_space<vmem>> -> memref<128xi32, #tpu.memory_space<vmem>>
      %dma_start3A_157 = arith.constant 0 : i32
      %dma_start3A_158 = tpu.memref_slice %arg9[%dma_start3A_157] : memref<10240xf32, #tpu.memory_space<vmem_shared>> -> memref<10240xf32, #tpu.memory_space<vmem_shared>>
      tpu.enqueue_indirect_dma source(%arg6 : memref<128xf32, #tpu.memory_space<vmem>>) target(%dma_start3A_158 : memref<10240xf32, #tpu.memory_space<vmem_shared>>) offsets(%dma_start3A_156 : memref<128xi32, #tpu.memory_space<vmem>>) semaphore(%arg7 : memref<!tpu.dma_semaphore, #tpu.memory_space<semaphore_mem>>) {add = true}
      %dma_start3A_159 = arith.constant 4 : i32
      %dma_start3A_160 = arith.constant 0 : i32
      %dma_start3A_161 = tpu.memref_slice %arg5[%dma_start3A_159, %dma_start3A_160] : memref<40x128xi32, #tpu.memory_space<vmem>> -> memref<1x128xi32, #tpu.memory_space<vmem>>
      %dma_start3A_162 = tpu.memref_squeeze %dma_start3A_161 : memref<1x128xi32, #tpu.memory_space<vmem>> -> memref<128xi32, #tpu.memory_space<vmem>>
      %dma_start3A_163 = arith.constant 0 : i32
      %dma_start3A_164 = tpu.memref_slice %arg9[%dma_start3A_163] : memref<10240xf32, #tpu.memory_space<vmem_shared>> -> memref<10240xf32, #tpu.memory_space<vmem_shared>>
      tpu.enqueue_indirect_dma source(%arg6 : memref<128xf32, #tpu.memory_space<vmem>>) target(%dma_start3A_164 : memref<10240xf32, #tpu.memory_space<vmem_shared>>) offsets(%dma_start3A_162 : memref<128xi32, #tpu.memory_space<vmem>>) semaphore(%arg7 : memref<!tpu.dma_semaphore, #tpu.memory_space<semaphore_mem>>) {add = true}
      %dma_start3A_165 = arith.constant 5 : i32
      %dma_start3A_166 = arith.constant 0 : i32
      %dma_start3A_167 = tpu.memref_slice %arg5[%dma_start3A_165, %dma_start3A_166] : memref<40x128xi32, #tpu.memory_space<vmem>> -> memref<1x128xi32, #tpu.memory_space<vmem>>
      %dma_start3A_168 = tpu.memref_squeeze %dma_start3A_167 : memref<1x128xi32, #tpu.memory_space<vmem>> -> memref<128xi32, #tpu.memory_space<vmem>>
      %dma_start3A_169 = arith.constant 0 : i32
      %dma_start3A_170 = tpu.memref_slice %arg9[%dma_start3A_169] : memref<10240xf32, #tpu.memory_space<vmem_shared>> -> memref<10240xf32, #tpu.memory_space<vmem_shared>>
      tpu.enqueue_indirect_dma source(%arg6 : memref<128xf32, #tpu.memory_space<vmem>>) target(%dma_start3A_170 : memref<10240xf32, #tpu.memory_space<vmem_shared>>) offsets(%dma_start3A_168 : memref<128xi32, #tpu.memory_space<vmem>>) semaphore(%arg7 : memref<!tpu.dma_semaphore, #tpu.memory_space<semaphore_mem>>) {add = true}
      %scan3A_171 = arith.constant 0 : i32
      %scan3A_172 = arith.constant 6 : i32
      %scan3A_173 = arith.constant 34 : i32
      %scan3A_174 = arith.addi %scan3A_172, %scan3A_173 : i32
      %scan3A_175 = arith.constant 1 : i32
      scf.for %scan3A_213 = %scan3A_172 to %scan3A_174 step %scan3A_175  : i32 {
        %dma_wait3A_214 = arith.constant 0 : i32
        %dma_wait3A_215 = arith.constant 0 : i32
        %dma_wait3A_216 = tpu.memref_slice %arg5[%dma_wait3A_214, %dma_wait3A_215] : memref<40x128xi32, #tpu.memory_space<vmem>> -> memref<1x128xi32, #tpu.memory_space<vmem>>
        %dma_wait3A_217 = tpu.memref_squeeze %dma_wait3A_216 : memref<1x128xi32, #tpu.memory_space<vmem>> -> memref<128xi32, #tpu.memory_space<vmem>>
        %dma_wait3A_218 = arith.constant 0 : i32
        %dma_wait3A_219 = tpu.memref_slice %arg9[%dma_wait3A_218] : memref<10240xf32, #tpu.memory_space<vmem_shared>> -> memref<10240xf32, #tpu.memory_space<vmem_shared>>
        tpu.wait_indirect_dma semaphore(%arg7 : memref<!tpu.dma_semaphore, #tpu.memory_space<semaphore_mem>>) src(%arg6 : memref<128xf32, #tpu.memory_space<vmem>>) dst(%dma_wait3A_219 : memref<10240xf32, #tpu.memory_space<vmem_shared>>)
        %dma_start3A_220 = arith.constant 0 : i32
        %dma_start3A_221 = tpu.memref_slice %arg5[%scan3A_213, %dma_start3A_220] : memref<40x128xi32, #tpu.memory_space<vmem>> -> memref<1x128xi32, #tpu.memory_space<vmem>>
        %dma_start3A_222 = tpu.memref_squeeze %dma_start3A_221 : memref<1x128xi32, #tpu.memory_space<vmem>> -> memref<128xi32, #tpu.memory_space<vmem>>
        %dma_start3A_223 = arith.constant 0 : i32
        %dma_start3A_224 = tpu.memref_slice %arg9[%dma_start3A_223] : memref<10240xf32, #tpu.memory_space<vmem_shared>> -> memref<10240xf32, #tpu.memory_space<vmem_shared>>
        tpu.enqueue_indirect_dma source(%arg6 : memref<128xf32, #tpu.memory_space<vmem>>) target(%dma_start3A_224 : memref<10240xf32, #tpu.memory_space<vmem_shared>>) offsets(%dma_start3A_222 : memref<128xi32, #tpu.memory_space<vmem>>) semaphore(%arg7 : memref<!tpu.dma_semaphore, #tpu.memory_space<semaphore_mem>>) {add = true}
      }
      %scan3A_176 = arith.constant 34 : i32
      %dma_wait3A_177 = arith.constant 0 : i32
      %dma_wait3A_178 = arith.constant 0 : i32
      %dma_wait3A_179 = tpu.memref_slice %arg5[%dma_wait3A_177, %dma_wait3A_178] : memref<40x128xi32, #tpu.memory_space<vmem>> -> memref<1x128xi32, #tpu.memory_space<vmem>>
      %dma_wait3A_180 = tpu.memref_squeeze %dma_wait3A_179 : memref<1x128xi32, #tpu.memory_space<vmem>> -> memref<128xi32, #tpu.memory_space<vmem>>
      %dma_wait3A_181 = arith.constant 0 : i32
      %dma_wait3A_182 = tpu.memref_slice %arg9[%dma_wait3A_181] : memref<10240xf32, #tpu.memory_space<vmem_shared>> -> memref<10240xf32, #tpu.memory_space<vmem_shared>>
      tpu.wait_indirect_dma semaphore(%arg7 : memref<!tpu.dma_semaphore, #tpu.memory_space<semaphore_mem>>) src(%arg6 : memref<128xf32, #tpu.memory_space<vmem>>) dst(%dma_wait3A_182 : memref<10240xf32, #tpu.memory_space<vmem_shared>>)
      %dma_wait3A_183 = arith.constant 0 : i32
      %dma_wait3A_184 = arith.constant 0 : i32
      %dma_wait3A_185 = tpu.memref_slice %arg5[%dma_wait3A_183, %dma_wait3A_184] : memref<40x128xi32, #tpu.memory_space<vmem>> -> memref<1x128xi32, #tpu.memory_space<vmem>>
      %dma_wait3A_186 = tpu.memref_squeeze %dma_wait3A_185 : memref<1x128xi32, #tpu.memory_space<vmem>> -> memref<128xi32, #tpu.memory_space<vmem>>
      %dma_wait3A_187 = arith.constant 0 : i32
      %dma_wait3A_188 = tpu.memref_slice %arg9[%dma_wait3A_187] : memref<10240xf32, #tpu.memory_space<vmem_shared>> -> memref<10240xf32, #tpu.memory_space<vmem_shared>>
      tpu.wait_indirect_dma semaphore(%arg7 : memref<!tpu.dma_semaphore, #tpu.memory_space<semaphore_mem>>) src(%arg6 : memref<128xf32, #tpu.memory_space<vmem>>) dst(%dma_wait3A_188 : memref<10240xf32, #tpu.memory_space<vmem_shared>>)
      %dma_wait3A_189 = arith.constant 0 : i32
      %dma_wait3A_190 = arith.constant 0 : i32
      %dma_wait3A_191 = tpu.memref_slice %arg5[%dma_wait3A_189, %dma_wait3A_190] : memref<40x128xi32, #tpu.memory_space<vmem>> -> memref<1x128xi32, #tpu.memory_space<vmem>>
      %dma_wait3A_192 = tpu.memref_squeeze %dma_wait3A_191 : memref<1x128xi32, #tpu.memory_space<vmem>> -> memref<128xi32, #tpu.memory_space<vmem>>
      %dma_wait3A_193 = arith.constant 0 : i32
      %dma_wait3A_194 = tpu.memref_slice %arg9[%dma_wait3A_193] : memref<10240xf32, #tpu.memory_space<vmem_shared>> -> memref<10240xf32, #tpu.memory_space<vmem_shared>>
      tpu.wait_indirect_dma semaphore(%arg7 : memref<!tpu.dma_semaphore, #tpu.memory_space<semaphore_mem>>) src(%arg6 : memref<128xf32, #tpu.memory_space<vmem>>) dst(%dma_wait3A_194 : memref<10240xf32, #tpu.memory_space<vmem_shared>>)
      %dma_wait3A_195 = arith.constant 0 : i32
      %dma_wait3A_196 = arith.constant 0 : i32
      %dma_wait3A_197 = tpu.memref_slice %arg5[%dma_wait3A_195, %dma_wait3A_196] : memref<40x128xi32, #tpu.memory_space<vmem>> -> memref<1x128xi32, #tpu.memory_space<vmem>>
      %dma_wait3A_198 = tpu.memref_squeeze %dma_wait3A_197 : memref<1x128xi32, #tpu.memory_space<vmem>> -> memref<128xi32, #tpu.memory_space<vmem>>
      %dma_wait3A_199 = arith.constant 0 : i32
      %dma_wait3A_200 = tpu.memref_slice %arg9[%dma_wait3A_199] : memref<10240xf32, #tpu.memory_space<vmem_shared>> -> memref<10240xf32, #tpu.memory_space<vmem_shared>>
      tpu.wait_indirect_dma semaphore(%arg7 : memref<!tpu.dma_semaphore, #tpu.memory_space<semaphore_mem>>) src(%arg6 : memref<128xf32, #tpu.memory_space<vmem>>) dst(%dma_wait3A_200 : memref<10240xf32, #tpu.memory_space<vmem_shared>>)
      %dma_wait3A_201 = arith.constant 0 : i32
      %dma_wait3A_202 = arith.constant 0 : i32
      %dma_wait3A_203 = tpu.memref_slice %arg5[%dma_wait3A_201, %dma_wait3A_202] : memref<40x128xi32, #tpu.memory_space<vmem>> -> memref<1x128xi32, #tpu.memory_space<vmem>>
      %dma_wait3A_204 = tpu.memref_squeeze %dma_wait3A_203 : memref<1x128xi32, #tpu.memory_space<vmem>> -> memref<128xi32, #tpu.memory_space<vmem>>
      %dma_wait3A_205 = arith.constant 0 : i32
      %dma_wait3A_206 = tpu.memref_slice %arg9[%dma_wait3A_205] : memref<10240xf32, #tpu.memory_space<vmem_shared>> -> memref<10240xf32, #tpu.memory_space<vmem_shared>>
      tpu.wait_indirect_dma semaphore(%arg7 : memref<!tpu.dma_semaphore, #tpu.memory_space<semaphore_mem>>) src(%arg6 : memref<128xf32, #tpu.memory_space<vmem>>) dst(%dma_wait3A_206 : memref<10240xf32, #tpu.memory_space<vmem_shared>>)
      %dma_wait3A_207 = arith.constant 0 : i32
      %dma_wait3A_208 = arith.constant 0 : i32
      %dma_wait3A_209 = tpu.memref_slice %arg5[%dma_wait3A_207, %dma_wait3A_208] : memref<40x128xi32, #tpu.memory_space<vmem>> -> memref<1x128xi32, #tpu.memory_space<vmem>>
      %dma_wait3A_210 = tpu.memref_squeeze %dma_wait3A_209 : memref<1x128xi32, #tpu.memory_space<vmem>> -> memref<128xi32, #tpu.memory_space<vmem>>
      %dma_wait3A_211 = arith.constant 0 : i32
      %dma_wait3A_212 = tpu.memref_slice %arg9[%dma_wait3A_211] : memref<10240xf32, #tpu.memory_space<vmem_shared>> -> memref<10240xf32, #tpu.memory_space<vmem_shared>>
      tpu.wait_indirect_dma semaphore(%arg7 : memref<!tpu.dma_semaphore, #tpu.memory_space<semaphore_mem>>) src(%arg6 : memref<128xf32, #tpu.memory_space<vmem>>) dst(%dma_wait3A_212 : memref<10240xf32, #tpu.memory_space<vmem_shared>>)
    } else {
    }
    %convert_element_type3A_48 = arith.extui %eq3A_1 : i1 to i32
    %cond3A_49 = arith.constant 0 : i32
    %cond3A_50 = arith.cmpi ne, %convert_element_type3A_48, %cond3A_49 : i32
    scf.if %cond3A_50 {
      %dma_start3A = arith.constant 0 : i32
      %dma_start3A_56 = arith.constant 0 : i32
      %dma_start3A_57 = tpu.memref_slice %arg5[%dma_start3A, %dma_start3A_56] : memref<40x128xi32, #tpu.memory_space<vmem>> -> memref<1x128xi32, #tpu.memory_space<vmem>>
      %dma_start3A_58 = tpu.memref_squeeze %dma_start3A_57 : memref<1x128xi32, #tpu.memory_space<vmem>> -> memref<128xi32, #tpu.memory_space<vmem>>
      %dma_start3A_59 = arith.constant 0 : i32
      %dma_start3A_60 = tpu.memref_slice %arg9[%dma_start3A_59] : memref<10240xf32, #tpu.memory_space<vmem_shared>> -> memref<10240xf32, #tpu.memory_space<vmem_shared>>
      tpu.enqueue_indirect_dma source(%arg6 : memref<128xf32, #tpu.memory_space<vmem>>) target(%dma_start3A_60 : memref<10240xf32, #tpu.memory_space<vmem_shared>>) offsets(%dma_start3A_58 : memref<128xi32, #tpu.memory_space<vmem>>) semaphore(%arg7 : memref<!tpu.dma_semaphore, #tpu.memory_space<semaphore_mem>>) {add = true}
      %dma_start3A_61 = arith.constant 1 : i32
      %dma_start3A_62 = arith.constant 0 : i32
      %dma_start3A_63 = tpu.memref_slice %arg5[%dma_start3A_61, %dma_start3A_62] : memref<40x128xi32, #tpu.memory_space<vmem>> -> memref<1x128xi32, #tpu.memory_space<vmem>>
      %dma_start3A_64 = tpu.memref_squeeze %dma_start3A_63 : memref<1x128xi32, #tpu.memory_space<vmem>> -> memref<128xi32, #tpu.memory_space<vmem>>
      %dma_start3A_65 = arith.constant 0 : i32
      %dma_start3A_66 = tpu.memref_slice %arg9[%dma_start3A_65] : memref<10240xf32, #tpu.memory_space<vmem_shared>> -> memref<10240xf32, #tpu.memory_space<vmem_shared>>
      tpu.enqueue_indirect_dma source(%arg6 : memref<128xf32, #tpu.memory_space<vmem>>) target(%dma_start3A_66 : memref<10240xf32, #tpu.memory_space<vmem_shared>>) offsets(%dma_start3A_64 : memref<128xi32, #tpu.memory_space<vmem>>) semaphore(%arg7 : memref<!tpu.dma_semaphore, #tpu.memory_space<semaphore_mem>>) {add = true}
      %dma_start3A_67 = arith.constant 2 : i32
      %dma_start3A_68 = arith.constant 0 : i32
      %dma_start3A_69 = tpu.memref_slice %arg5[%dma_start3A_67, %dma_start3A_68] : memref<40x128xi32, #tpu.memory_space<vmem>> -> memref<1x128xi32, #tpu.memory_space<vmem>>
      %dma_start3A_70 = tpu.memref_squeeze %dma_start3A_69 : memref<1x128xi32, #tpu.memory_space<vmem>> -> memref<128xi32, #tpu.memory_space<vmem>>
      %dma_start3A_71 = arith.constant 0 : i32
      %dma_start3A_72 = tpu.memref_slice %arg9[%dma_start3A_71] : memref<10240xf32, #tpu.memory_space<vmem_shared>> -> memref<10240xf32, #tpu.memory_space<vmem_shared>>
      tpu.enqueue_indirect_dma source(%arg6 : memref<128xf32, #tpu.memory_space<vmem>>) target(%dma_start3A_72 : memref<10240xf32, #tpu.memory_space<vmem_shared>>) offsets(%dma_start3A_70 : memref<128xi32, #tpu.memory_space<vmem>>) semaphore(%arg7 : memref<!tpu.dma_semaphore, #tpu.memory_space<semaphore_mem>>) {add = true}
      %dma_start3A_73 = arith.constant 3 : i32
      %dma_start3A_74 = arith.constant 0 : i32
      %dma_start3A_75 = tpu.memref_slice %arg5[%dma_start3A_73, %dma_start3A_74] : memref<40x128xi32, #tpu.memory_space<vmem>> -> memref<1x128xi32, #tpu.memory_space<vmem>>
      %dma_start3A_76 = tpu.memref_squeeze %dma_start3A_75 : memref<1x128xi32, #tpu.memory_space<vmem>> -> memref<128xi32, #tpu.memory_space<vmem>>
      %dma_start3A_77 = arith.constant 0 : i32
      %dma_start3A_78 = tpu.memref_slice %arg9[%dma_start3A_77] : memref<10240xf32, #tpu.memory_space<vmem_shared>> -> memref<10240xf32, #tpu.memory_space<vmem_shared>>
      tpu.enqueue_indirect_dma source(%arg6 : memref<128xf32, #tpu.memory_space<vmem>>) target(%dma_start3A_78 : memref<10240xf32, #tpu.memory_space<vmem_shared>>) offsets(%dma_start3A_76 : memref<128xi32, #tpu.memory_space<vmem>>) semaphore(%arg7 : memref<!tpu.dma_semaphore, #tpu.memory_space<semaphore_mem>>) {add = true}
      %dma_start3A_79 = arith.constant 4 : i32
      %dma_start3A_80 = arith.constant 0 : i32
      %dma_start3A_81 = tpu.memref_slice %arg5[%dma_start3A_79, %dma_start3A_80] : memref<40x128xi32, #tpu.memory_space<vmem>> -> memref<1x128xi32, #tpu.memory_space<vmem>>
      %dma_start3A_82 = tpu.memref_squeeze %dma_start3A_81 : memref<1x128xi32, #tpu.memory_space<vmem>> -> memref<128xi32, #tpu.memory_space<vmem>>
      %dma_start3A_83 = arith.constant 0 : i32
      %dma_start3A_84 = tpu.memref_slice %arg9[%dma_start3A_83] : memref<10240xf32, #tpu.memory_space<vmem_shared>> -> memref<10240xf32, #tpu.memory_space<vmem_shared>>
      tpu.enqueue_indirect_dma source(%arg6 : memref<128xf32, #tpu.memory_space<vmem>>) target(%dma_start3A_84 : memref<10240xf32, #tpu.memory_space<vmem_shared>>) offsets(%dma_start3A_82 : memref<128xi32, #tpu.memory_space<vmem>>) semaphore(%arg7 : memref<!tpu.dma_semaphore, #tpu.memory_space<semaphore_mem>>) {add = true}
      %dma_start3A_85 = arith.constant 5 : i32
      %dma_start3A_86 = arith.constant 0 : i32
      %dma_start3A_87 = tpu.memref_slice %arg5[%dma_start3A_85, %dma_start3A_86] : memref<40x128xi32, #tpu.memory_space<vmem>> -> memref<1x128xi32, #tpu.memory_space<vmem>>
      %dma_start3A_88 = tpu.memref_squeeze %dma_start3A_87 : memref<1x128xi32, #tpu.memory_space<vmem>> -> memref<128xi32, #tpu.memory_space<vmem>>
      %dma_start3A_89 = arith.constant 0 : i32
      %dma_start3A_90 = tpu.memref_slice %arg9[%dma_start3A_89] : memref<10240xf32, #tpu.memory_space<vmem_shared>> -> memref<10240xf32, #tpu.memory_space<vmem_shared>>
      tpu.enqueue_indirect_dma source(%arg6 : memref<128xf32, #tpu.memory_space<vmem>>) target(%dma_start3A_90 : memref<10240xf32, #tpu.memory_space<vmem_shared>>) offsets(%dma_start3A_88 : memref<128xi32, #tpu.memory_space<vmem>>) semaphore(%arg7 : memref<!tpu.dma_semaphore, #tpu.memory_space<semaphore_mem>>) {add = true}
      %scan3A = arith.constant 0 : i32
      %scan3A_91 = arith.constant 6 : i32
      %scan3A_92 = arith.constant 14 : i32
      %scan3A_93 = arith.addi %scan3A_91, %scan3A_92 : i32
      %scan3A_94 = arith.constant 1 : i32
      scf.for %scan3A_131 = %scan3A_91 to %scan3A_93 step %scan3A_94  : i32 {
        %dma_wait3A_132 = arith.constant 0 : i32
        %dma_wait3A_133 = arith.constant 0 : i32
        %dma_wait3A_134 = tpu.memref_slice %arg5[%dma_wait3A_132, %dma_wait3A_133] : memref<40x128xi32, #tpu.memory_space<vmem>> -> memref<1x128xi32, #tpu.memory_space<vmem>>
        %dma_wait3A_135 = tpu.memref_squeeze %dma_wait3A_134 : memref<1x128xi32, #tpu.memory_space<vmem>> -> memref<128xi32, #tpu.memory_space<vmem>>
        %dma_wait3A_136 = arith.constant 0 : i32
        %dma_wait3A_137 = tpu.memref_slice %arg9[%dma_wait3A_136] : memref<10240xf32, #tpu.memory_space<vmem_shared>> -> memref<10240xf32, #tpu.memory_space<vmem_shared>>
        tpu.wait_indirect_dma semaphore(%arg7 : memref<!tpu.dma_semaphore, #tpu.memory_space<semaphore_mem>>) src(%arg6 : memref<128xf32, #tpu.memory_space<vmem>>) dst(%dma_wait3A_137 : memref<10240xf32, #tpu.memory_space<vmem_shared>>)
        %dma_start3A_138 = arith.constant 0 : i32
        %dma_start3A_139 = tpu.memref_slice %arg5[%scan3A_131, %dma_start3A_138] : memref<40x128xi32, #tpu.memory_space<vmem>> -> memref<1x128xi32, #tpu.memory_space<vmem>>
        %dma_start3A_140 = tpu.memref_squeeze %dma_start3A_139 : memref<1x128xi32, #tpu.memory_space<vmem>> -> memref<128xi32, #tpu.memory_space<vmem>>
        %dma_start3A_141 = arith.constant 0 : i32
        %dma_start3A_142 = tpu.memref_slice %arg9[%dma_start3A_141] : memref<10240xf32, #tpu.memory_space<vmem_shared>> -> memref<10240xf32, #tpu.memory_space<vmem_shared>>
        tpu.enqueue_indirect_dma source(%arg6 : memref<128xf32, #tpu.memory_space<vmem>>) target(%dma_start3A_142 : memref<10240xf32, #tpu.memory_space<vmem_shared>>) offsets(%dma_start3A_140 : memref<128xi32, #tpu.memory_space<vmem>>) semaphore(%arg7 : memref<!tpu.dma_semaphore, #tpu.memory_space<semaphore_mem>>) {add = true}
      }
      %scan3A_95 = arith.constant 14 : i32
      %dma_wait3A = arith.constant 0 : i32
      %dma_wait3A_96 = arith.constant 0 : i32
      %dma_wait3A_97 = tpu.memref_slice %arg5[%dma_wait3A, %dma_wait3A_96] : memref<40x128xi32, #tpu.memory_space<vmem>> -> memref<1x128xi32, #tpu.memory_space<vmem>>
      %dma_wait3A_98 = tpu.memref_squeeze %dma_wait3A_97 : memref<1x128xi32, #tpu.memory_space<vmem>> -> memref<128xi32, #tpu.memory_space<vmem>>
      %dma_wait3A_99 = arith.constant 0 : i32
      %dma_wait3A_100 = tpu.memref_slice %arg9[%dma_wait3A_99] : memref<10240xf32, #tpu.memory_space<vmem_shared>> -> memref<10240xf32, #tpu.memory_space<vmem_shared>>
      tpu.wait_indirect_dma semaphore(%arg7 : memref<!tpu.dma_semaphore, #tpu.memory_space<semaphore_mem>>) src(%arg6 : memref<128xf32, #tpu.memory_space<vmem>>) dst(%dma_wait3A_100 : memref<10240xf32, #tpu.memory_space<vmem_shared>>)
      %dma_wait3A_101 = arith.constant 0 : i32
      %dma_wait3A_102 = arith.constant 0 : i32
      %dma_wait3A_103 = tpu.memref_slice %arg5[%dma_wait3A_101, %dma_wait3A_102] : memref<40x128xi32, #tpu.memory_space<vmem>> -> memref<1x128xi32, #tpu.memory_space<vmem>>
      %dma_wait3A_104 = tpu.memref_squeeze %dma_wait3A_103 : memref<1x128xi32, #tpu.memory_space<vmem>> -> memref<128xi32, #tpu.memory_space<vmem>>
      %dma_wait3A_105 = arith.constant 0 : i32
      %dma_wait3A_106 = tpu.memref_slice %arg9[%dma_wait3A_105] : memref<10240xf32, #tpu.memory_space<vmem_shared>> -> memref<10240xf32, #tpu.memory_space<vmem_shared>>
      tpu.wait_indirect_dma semaphore(%arg7 : memref<!tpu.dma_semaphore, #tpu.memory_space<semaphore_mem>>) src(%arg6 : memref<128xf32, #tpu.memory_space<vmem>>) dst(%dma_wait3A_106 : memref<10240xf32, #tpu.memory_space<vmem_shared>>)
      %dma_wait3A_107 = arith.constant 0 : i32
      %dma_wait3A_108 = arith.constant 0 : i32
      %dma_wait3A_109 = tpu.memref_slice %arg5[%dma_wait3A_107, %dma_wait3A_108] : memref<40x128xi32, #tpu.memory_space<vmem>> -> memref<1x128xi32, #tpu.memory_space<vmem>>
      %dma_wait3A_110 = tpu.memref_squeeze %dma_wait3A_109 : memref<1x128xi32, #tpu.memory_space<vmem>> -> memref<128xi32, #tpu.memory_space<vmem>>
      %dma_wait3A_111 = arith.constant 0 : i32
      %dma_wait3A_112 = tpu.memref_slice %arg9[%dma_wait3A_111] : memref<10240xf32, #tpu.memory_space<vmem_shared>> -> memref<10240xf32, #tpu.memory_space<vmem_shared>>
      tpu.wait_indirect_dma semaphore(%arg7 : memref<!tpu.dma_semaphore, #tpu.memory_space<semaphore_mem>>) src(%arg6 : memref<128xf32, #tpu.memory_space<vmem>>) dst(%dma_wait3A_112 : memref<10240xf32, #tpu.memory_space<vmem_shared>>)
      %dma_wait3A_113 = arith.constant 0 : i32
      %dma_wait3A_114 = arith.constant 0 : i32
      %dma_wait3A_115 = tpu.memref_slice %arg5[%dma_wait3A_113, %dma_wait3A_114] : memref<40x128xi32, #tpu.memory_space<vmem>> -> memref<1x128xi32, #tpu.memory_space<vmem>>
      %dma_wait3A_116 = tpu.memref_squeeze %dma_wait3A_115 : memref<1x128xi32, #tpu.memory_space<vmem>> -> memref<128xi32, #tpu.memory_space<vmem>>
      %dma_wait3A_117 = arith.constant 0 : i32
      %dma_wait3A_118 = tpu.memref_slice %arg9[%dma_wait3A_117] : memref<10240xf32, #tpu.memory_space<vmem_shared>> -> memref<10240xf32, #tpu.memory_space<vmem_shared>>
      tpu.wait_indirect_dma semaphore(%arg7 : memref<!tpu.dma_semaphore, #tpu.memory_space<semaphore_mem>>) src(%arg6 : memref<128xf32, #tpu.memory_space<vmem>>) dst(%dma_wait3A_118 : memref<10240xf32, #tpu.memory_space<vmem_shared>>)
      %dma_wait3A_119 = arith.constant 0 : i32
      %dma_wait3A_120 = arith.constant 0 : i32
      %dma_wait3A_121 = tpu.memref_slice %arg5[%dma_wait3A_119, %dma_wait3A_120] : memref<40x128xi32, #tpu.memory_space<vmem>> -> memref<1x128xi32, #tpu.memory_space<vmem>>
      %dma_wait3A_122 = tpu.memref_squeeze %dma_wait3A_121 : memref<1x128xi32, #tpu.memory_space<vmem>> -> memref<128xi32, #tpu.memory_space<vmem>>
      %dma_wait3A_123 = arith.constant 0 : i32
      %dma_wait3A_124 = tpu.memref_slice %arg9[%dma_wait3A_123] : memref<10240xf32, #tpu.memory_space<vmem_shared>> -> memref<10240xf32, #tpu.memory_space<vmem_shared>>
      tpu.wait_indirect_dma semaphore(%arg7 : memref<!tpu.dma_semaphore, #tpu.memory_space<semaphore_mem>>) src(%arg6 : memref<128xf32, #tpu.memory_space<vmem>>) dst(%dma_wait3A_124 : memref<10240xf32, #tpu.memory_space<vmem_shared>>)
      %dma_wait3A_125 = arith.constant 0 : i32
      %dma_wait3A_126 = arith.constant 0 : i32
      %dma_wait3A_127 = tpu.memref_slice %arg5[%dma_wait3A_125, %dma_wait3A_126] : memref<40x128xi32, #tpu.memory_space<vmem>> -> memref<1x128xi32, #tpu.memory_space<vmem>>
      %dma_wait3A_128 = tpu.memref_squeeze %dma_wait3A_127 : memref<1x128xi32, #tpu.memory_space<vmem>> -> memref<128xi32, #tpu.memory_space<vmem>>
      %dma_wait3A_129 = arith.constant 0 : i32
      %dma_wait3A_130 = tpu.memref_slice %arg9[%dma_wait3A_129] : memref<10240xf32, #tpu.memory_space<vmem_shared>> -> memref<10240xf32, #tpu.memory_space<vmem_shared>>
      tpu.wait_indirect_dma semaphore(%arg7 : memref<!tpu.dma_semaphore, #tpu.memory_space<semaphore_mem>>) src(%arg6 : memref<128xf32, #tpu.memory_space<vmem>>) dst(%dma_wait3A_130 : memref<10240xf32, #tpu.memory_space<vmem_shared>>)
    } else {
    }
    %barrier3A_51 = arith.constant 0 : index
    tpu.barrier barrier_id(%barrier3A_51)
    %mul3A_52 = arith.constant 640 : i32
    %mul3A_53 = arith.muli %arg1, %mul3A_52 : i32
    %mul3A_54 = arith.constant 640 : i32
    %mul3A_55 = arith.muli %arg1, %mul3A_54 : i32
    "tpu.region"() ({
      %run_scoped3A = tpu.sem_alloc : memref<!tpu.dma_semaphore, #tpu.memory_space<semaphore_mem>>
      %dma_start3A = tpu.memref_slice %arg4[%arg0, %mul3A_55] : memref<2x10240xf32, #tpu.memory_space<hbm>> -> memref<1x640xf32, #tpu.memory_space<hbm>>
      %dma_start3A_56 = tpu.memref_squeeze %dma_start3A : memref<1x640xf32, #tpu.memory_space<hbm>> -> memref<640xf32, #tpu.memory_space<hbm>>
      %dma_start3A_57 = tpu.memref_slice %arg9[%mul3A_53] : memref<10240xf32, #tpu.memory_space<vmem_shared>> -> memref<640xf32, #tpu.memory_space<vmem_shared>>
      tpu.enqueue_dma source(%dma_start3A_57 : memref<640xf32, #tpu.memory_space<vmem_shared>>) target(%dma_start3A_56 : memref<640xf32, #tpu.memory_space<hbm>>) target_semaphore(%run_scoped3A : memref<!tpu.dma_semaphore, #tpu.memory_space<semaphore_mem>>)
      %dma_wait3A = tpu.memref_slice %arg4[%arg0, %mul3A_55] : memref<2x10240xf32, #tpu.memory_space<hbm>> -> memref<1x640xf32, #tpu.memory_space<hbm>>
      %dma_wait3A_58 = tpu.memref_squeeze %dma_wait3A : memref<1x640xf32, #tpu.memory_space<hbm>> -> memref<640xf32, #tpu.memory_space<hbm>>
      %dma_wait3A_59 = tpu.memref_slice %arg9[%mul3A_53] : memref<10240xf32, #tpu.memory_space<vmem_shared>> -> memref<640xf32, #tpu.memory_space<vmem_shared>>
      tpu.wait_dma2 semaphore(%run_scoped3A : memref<!tpu.dma_semaphore, #tpu.memory_space<semaphore_mem>>) src(%dma_wait3A_59 : memref<640xf32, #tpu.memory_space<vmem_shared>>) dst(%dma_wait3A_58 : memref<640xf32, #tpu.memory_space<hbm>>)
      tpu.yield
    }) : () -> ()
    return
  }
}

#map = affine_map<(d0, d1) -> (0, 0)>
#map1 = affine_map<(d0, d1) -> (0, 0, 0)>
module attributes {stable_mosaic.version = 14 : i64} {
  func.func @edge_pass(%arg0: i32, %arg1: i32, %arg2: memref<10240x128xf32, #tpu.memory_space<hbm>>, %arg3: memref<2x2500x128xi32, #tpu.memory_space<hbm>>, %arg4: memref<2x10240x128xf32, #tpu.memory_space<hbm>>, %arg5: memref<40x128xi32, #tpu.memory_space<vmem>>, %arg6: memref<40x128xi32, #tpu.memory_space<vmem>>, %arg7: memref<128x128xf32, #tpu.memory_space<vmem>>, %arg8: memref<128x128xf32, #tpu.memory_space<vmem>>, %arg9: memref<!tpu.dma_semaphore, #tpu.memory_space<semaphore_mem>>, %arg10: memref<!tpu.dma_semaphore, #tpu.memory_space<semaphore_mem>>, %arg11: memref<10240x128xf32, #tpu.memory_space<vmem_shared>>) attributes {dimension_semantics = [#tpu.dimension_semantics<core_parallel>, #tpu.dimension_semantics<subcore_parallel>], iteration_bounds = array<i64: 2, 16>, scalar_prefetch = 0 : i64, scratch_operands = 7 : i64, tpu.core_type = #tpu.core_type<sc_vector_subcore>, window_params = [{transform_indices = #map}, {transform_indices = #map1}, {transform_indices = #map1}]} {
    %mul3A = arith.constant 16 : i32
    %mul3A_0 = arith.muli %arg0, %mul3A : i32
    %add3A = arith.addi %mul3A_0, %arg1 : i32
    %eq3A = arith.constant 31 : i32
    %eq3A_1 = arith.cmpi eq, %add3A, %eq3A : i32
    %not3A = arith.constant true
    %not3A_2 = arith.xori %eq3A_1, %not3A : i1
    %convert_element_type3A = arith.extui %not3A_2 : i1 to i32
    %cond3A = arith.constant 0 : i32
    %cond3A_3 = arith.cmpi ne, %convert_element_type3A, %cond3A : i32
    scf.if %cond3A_3 {
      %mul3A_46 = arith.constant 80 : i32
      %mul3A_47 = arith.muli %add3A, %mul3A_46 : i32
      %run_scoped3A = arith.constant 0 : i32
      "tpu.region"() ({
        %run_scoped3A_51 = tpu.sem_alloc : memref<!tpu.dma_semaphore, #tpu.memory_space<semaphore_mem>>
        %dma_start3A = arith.constant 0 : i32
        %dma_start3A_52 = tpu.memref_slice %arg3[%run_scoped3A, %mul3A_47, %dma_start3A] : memref<2x2500x128xi32, #tpu.memory_space<hbm>> -> memref<1x40x128xi32, #tpu.memory_space<hbm>>
        %dma_start3A_53 = tpu.memref_squeeze %dma_start3A_52 : memref<1x40x128xi32, #tpu.memory_space<hbm>> -> memref<40x128xi32, #tpu.memory_space<hbm>>
        %dma_start3A_54 = arith.constant 0 : i32
        %dma_start3A_55 = tpu.memref_slice %arg3[%run_scoped3A, %mul3A_47, %dma_start3A_54] : memref<2x2500x128xi32, #tpu.memory_space<hbm>> -> memref<1x40x128xi32, #tpu.memory_space<hbm>>
        %dma_start3A_56 = tpu.memref_squeeze %dma_start3A_55 : memref<1x40x128xi32, #tpu.memory_space<hbm>> -> memref<40x128xi32, #tpu.memory_space<hbm>>
        tpu.enqueue_dma source(%dma_start3A_56 : memref<40x128xi32, #tpu.memory_space<hbm>>) target(%arg5 : memref<40x128xi32, #tpu.memory_space<vmem>>) target_semaphore(%run_scoped3A_51 : memref<!tpu.dma_semaphore, #tpu.memory_space<semaphore_mem>>)
        %dma_wait3A = arith.constant 0 : i32
        %dma_wait3A_57 = tpu.memref_slice %arg3[%run_scoped3A, %mul3A_47, %dma_wait3A] : memref<2x2500x128xi32, #tpu.memory_space<hbm>> -> memref<1x40x128xi32, #tpu.memory_space<hbm>>
        %dma_wait3A_58 = tpu.memref_squeeze %dma_wait3A_57 : memref<1x40x128xi32, #tpu.memory_space<hbm>> -> memref<40x128xi32, #tpu.memory_space<hbm>>
        %dma_wait3A_59 = arith.constant 0 : i32
        %dma_wait3A_60 = tpu.memref_slice %arg3[%run_scoped3A, %mul3A_47, %dma_wait3A_59] : memref<2x2500x128xi32, #tpu.memory_space<hbm>> -> memref<1x40x128xi32, #tpu.memory_space<hbm>>
        %dma_wait3A_61 = tpu.memref_squeeze %dma_wait3A_60 : memref<1x40x128xi32, #tpu.memory_space<hbm>> -> memref<40x128xi32, #tpu.memory_space<hbm>>
        tpu.wait_dma2 semaphore(%run_scoped3A_51 : memref<!tpu.dma_semaphore, #tpu.memory_space<semaphore_mem>>) src(%dma_wait3A_61 : memref<40x128xi32, #tpu.memory_space<hbm>>) dst(%arg5 : memref<40x128xi32, #tpu.memory_space<vmem>>)
        tpu.yield
      }) : () -> ()
      %mul3A_48 = arith.constant 80 : i32
      %mul3A_49 = arith.muli %add3A, %mul3A_48 : i32
      %run_scoped3A_50 = arith.constant 1 : i32
      "tpu.region"() ({
        %run_scoped3A_51 = tpu.sem_alloc : memref<!tpu.dma_semaphore, #tpu.memory_space<semaphore_mem>>
        %dma_start3A = arith.constant 0 : i32
        %dma_start3A_52 = tpu.memref_slice %arg3[%run_scoped3A_50, %mul3A_49, %dma_start3A] : memref<2x2500x128xi32, #tpu.memory_space<hbm>> -> memref<1x40x128xi32, #tpu.memory_space<hbm>>
        %dma_start3A_53 = tpu.memref_squeeze %dma_start3A_52 : memref<1x40x128xi32, #tpu.memory_space<hbm>> -> memref<40x128xi32, #tpu.memory_space<hbm>>
        %dma_start3A_54 = arith.constant 0 : i32
        %dma_start3A_55 = tpu.memref_slice %arg3[%run_scoped3A_50, %mul3A_49, %dma_start3A_54] : memref<2x2500x128xi32, #tpu.memory_space<hbm>> -> memref<1x40x128xi32, #tpu.memory_space<hbm>>
        %dma_start3A_56 = tpu.memref_squeeze %dma_start3A_55 : memref<1x40x128xi32, #tpu.memory_space<hbm>> -> memref<40x128xi32, #tpu.memory_space<hbm>>
        tpu.enqueue_dma source(%dma_start3A_56 : memref<40x128xi32, #tpu.memory_space<hbm>>) target(%arg6 : memref<40x128xi32, #tpu.memory_space<vmem>>) target_semaphore(%run_scoped3A_51 : memref<!tpu.dma_semaphore, #tpu.memory_space<semaphore_mem>>)
        %dma_wait3A = arith.constant 0 : i32
        %dma_wait3A_57 = tpu.memref_slice %arg3[%run_scoped3A_50, %mul3A_49, %dma_wait3A] : memref<2x2500x128xi32, #tpu.memory_space<hbm>> -> memref<1x40x128xi32, #tpu.memory_space<hbm>>
        %dma_wait3A_58 = tpu.memref_squeeze %dma_wait3A_57 : memref<1x40x128xi32, #tpu.memory_space<hbm>> -> memref<40x128xi32, #tpu.memory_space<hbm>>
        %dma_wait3A_59 = arith.constant 0 : i32
        %dma_wait3A_60 = tpu.memref_slice %arg3[%run_scoped3A_50, %mul3A_49, %dma_wait3A_59] : memref<2x2500x128xi32, #tpu.memory_space<hbm>> -> memref<1x40x128xi32, #tpu.memory_space<hbm>>
        %dma_wait3A_61 = tpu.memref_squeeze %dma_wait3A_60 : memref<1x40x128xi32, #tpu.memory_space<hbm>> -> memref<40x128xi32, #tpu.memory_space<hbm>>
        tpu.wait_dma2 semaphore(%run_scoped3A_51 : memref<!tpu.dma_semaphore, #tpu.memory_space<semaphore_mem>>) src(%dma_wait3A_61 : memref<40x128xi32, #tpu.memory_space<hbm>>) dst(%arg6 : memref<40x128xi32, #tpu.memory_space<vmem>>)
        tpu.yield
      }) : () -> ()
    } else {
    }
    %convert_element_type3A_4 = arith.extui %eq3A_1 : i1 to i32
    %cond3A_5 = arith.constant 0 : i32
    %cond3A_6 = arith.cmpi ne, %convert_element_type3A_4, %cond3A_5 : i32
    scf.if %cond3A_6 {
      %run_scoped3A = arith.constant 0 : i32
      "tpu.region"() ({
        %run_scoped3A_47 = tpu.sem_alloc : memref<!tpu.dma_semaphore, #tpu.memory_space<semaphore_mem>>
        %dma_start3A = arith.constant 0 : i32
        %dma_start3A_48 = arith.constant 0 : i32
        %dma_start3A_49 = tpu.memref_slice %arg5[%dma_start3A, %dma_start3A_48] : memref<40x128xi32, #tpu.memory_space<vmem>> -> memref<20x128xi32, #tpu.memory_space<vmem>>
        %dma_start3A_50 = arith.constant 2480 : i32
        %dma_start3A_51 = arith.constant 0 : i32
        %dma_start3A_52 = tpu.memref_slice %arg3[%run_scoped3A, %dma_start3A_50, %dma_start3A_51] : memref<2x2500x128xi32, #tpu.memory_space<hbm>> -> memref<1x20x128xi32, #tpu.memory_space<hbm>>
        %dma_start3A_53 = tpu.memref_squeeze %dma_start3A_52 : memref<1x20x128xi32, #tpu.memory_space<hbm>> -> memref<20x128xi32, #tpu.memory_space<hbm>>
        %dma_start3A_54 = arith.constant 0 : i32
        %dma_start3A_55 = arith.constant 0 : i32
        %dma_start3A_56 = tpu.memref_slice %arg5[%dma_start3A_54, %dma_start3A_55] : memref<40x128xi32, #tpu.memory_space<vmem>> -> memref<20x128xi32, #tpu.memory_space<vmem>>
        %dma_start3A_57 = arith.constant 2480 : i32
        %dma_start3A_58 = arith.constant 0 : i32
        %dma_start3A_59 = tpu.memref_slice %arg3[%run_scoped3A, %dma_start3A_57, %dma_start3A_58] : memref<2x2500x128xi32, #tpu.memory_space<hbm>> -> memref<1x20x128xi32, #tpu.memory_space<hbm>>
        %dma_start3A_60 = tpu.memref_squeeze %dma_start3A_59 : memref<1x20x128xi32, #tpu.memory_space<hbm>> -> memref<20x128xi32, #tpu.memory_space<hbm>>
        tpu.enqueue_dma source(%dma_start3A_60 : memref<20x128xi32, #tpu.memory_space<hbm>>) target(%dma_start3A_56 : memref<20x128xi32, #tpu.memory_space<vmem>>) target_semaphore(%run_scoped3A_47 : memref<!tpu.dma_semaphore, #tpu.memory_space<semaphore_mem>>)
        %dma_wait3A = arith.constant 0 : i32
        %dma_wait3A_61 = arith.constant 0 : i32
        %dma_wait3A_62 = tpu.memref_slice %arg5[%dma_wait3A, %dma_wait3A_61] : memref<40x128xi32, #tpu.memory_space<vmem>> -> memref<20x128xi32, #tpu.memory_space<vmem>>
        %dma_wait3A_63 = arith.constant 2480 : i32
        %dma_wait3A_64 = arith.constant 0 : i32
        %dma_wait3A_65 = tpu.memref_slice %arg3[%run_scoped3A, %dma_wait3A_63, %dma_wait3A_64] : memref<2x2500x128xi32, #tpu.memory_space<hbm>> -> memref<1x20x128xi32, #tpu.memory_space<hbm>>
        %dma_wait3A_66 = tpu.memref_squeeze %dma_wait3A_65 : memref<1x20x128xi32, #tpu.memory_space<hbm>> -> memref<20x128xi32, #tpu.memory_space<hbm>>
        %dma_wait3A_67 = arith.constant 0 : i32
        %dma_wait3A_68 = arith.constant 0 : i32
        %dma_wait3A_69 = tpu.memref_slice %arg5[%dma_wait3A_67, %dma_wait3A_68] : memref<40x128xi32, #tpu.memory_space<vmem>> -> memref<20x128xi32, #tpu.memory_space<vmem>>
        %dma_wait3A_70 = arith.constant 2480 : i32
        %dma_wait3A_71 = arith.constant 0 : i32
        %dma_wait3A_72 = tpu.memref_slice %arg3[%run_scoped3A, %dma_wait3A_70, %dma_wait3A_71] : memref<2x2500x128xi32, #tpu.memory_space<hbm>> -> memref<1x20x128xi32, #tpu.memory_space<hbm>>
        %dma_wait3A_73 = tpu.memref_squeeze %dma_wait3A_72 : memref<1x20x128xi32, #tpu.memory_space<hbm>> -> memref<20x128xi32, #tpu.memory_space<hbm>>
        tpu.wait_dma2 semaphore(%run_scoped3A_47 : memref<!tpu.dma_semaphore, #tpu.memory_space<semaphore_mem>>) src(%dma_wait3A_73 : memref<20x128xi32, #tpu.memory_space<hbm>>) dst(%dma_wait3A_69 : memref<20x128xi32, #tpu.memory_space<vmem>>)
        tpu.yield
      }) : () -> ()
      %run_scoped3A_46 = arith.constant 1 : i32
      "tpu.region"() ({
        %run_scoped3A_47 = tpu.sem_alloc : memref<!tpu.dma_semaphore, #tpu.memory_space<semaphore_mem>>
        %dma_start3A = arith.constant 0 : i32
        %dma_start3A_48 = arith.constant 0 : i32
        %dma_start3A_49 = tpu.memref_slice %arg6[%dma_start3A, %dma_start3A_48] : memref<40x128xi32, #tpu.memory_space<vmem>> -> memref<20x128xi32, #tpu.memory_space<vmem>>
        %dma_start3A_50 = arith.constant 2480 : i32
        %dma_start3A_51 = arith.constant 0 : i32
        %dma_start3A_52 = tpu.memref_slice %arg3[%run_scoped3A_46, %dma_start3A_50, %dma_start3A_51] : memref<2x2500x128xi32, #tpu.memory_space<hbm>> -> memref<1x20x128xi32, #tpu.memory_space<hbm>>
        %dma_start3A_53 = tpu.memref_squeeze %dma_start3A_52 : memref<1x20x128xi32, #tpu.memory_space<hbm>> -> memref<20x128xi32, #tpu.memory_space<hbm>>
        %dma_start3A_54 = arith.constant 0 : i32
        %dma_start3A_55 = arith.constant 0 : i32
        %dma_start3A_56 = tpu.memref_slice %arg6[%dma_start3A_54, %dma_start3A_55] : memref<40x128xi32, #tpu.memory_space<vmem>> -> memref<20x128xi32, #tpu.memory_space<vmem>>
        %dma_start3A_57 = arith.constant 2480 : i32
        %dma_start3A_58 = arith.constant 0 : i32
        %dma_start3A_59 = tpu.memref_slice %arg3[%run_scoped3A_46, %dma_start3A_57, %dma_start3A_58] : memref<2x2500x128xi32, #tpu.memory_space<hbm>> -> memref<1x20x128xi32, #tpu.memory_space<hbm>>
        %dma_start3A_60 = tpu.memref_squeeze %dma_start3A_59 : memref<1x20x128xi32, #tpu.memory_space<hbm>> -> memref<20x128xi32, #tpu.memory_space<hbm>>
        tpu.enqueue_dma source(%dma_start3A_60 : memref<20x128xi32, #tpu.memory_space<hbm>>) target(%dma_start3A_56 : memref<20x128xi32, #tpu.memory_space<vmem>>) target_semaphore(%run_scoped3A_47 : memref<!tpu.dma_semaphore, #tpu.memory_space<semaphore_mem>>)
        %dma_wait3A = arith.constant 0 : i32
        %dma_wait3A_61 = arith.constant 0 : i32
        %dma_wait3A_62 = tpu.memref_slice %arg6[%dma_wait3A, %dma_wait3A_61] : memref<40x128xi32, #tpu.memory_space<vmem>> -> memref<20x128xi32, #tpu.memory_space<vmem>>
        %dma_wait3A_63 = arith.constant 2480 : i32
        %dma_wait3A_64 = arith.constant 0 : i32
        %dma_wait3A_65 = tpu.memref_slice %arg3[%run_scoped3A_46, %dma_wait3A_63, %dma_wait3A_64] : memref<2x2500x128xi32, #tpu.memory_space<hbm>> -> memref<1x20x128xi32, #tpu.memory_space<hbm>>
        %dma_wait3A_66 = tpu.memref_squeeze %dma_wait3A_65 : memref<1x20x128xi32, #tpu.memory_space<hbm>> -> memref<20x128xi32, #tpu.memory_space<hbm>>
        %dma_wait3A_67 = arith.constant 0 : i32
        %dma_wait3A_68 = arith.constant 0 : i32
        %dma_wait3A_69 = tpu.memref_slice %arg6[%dma_wait3A_67, %dma_wait3A_68] : memref<40x128xi32, #tpu.memory_space<vmem>> -> memref<20x128xi32, #tpu.memory_space<vmem>>
        %dma_wait3A_70 = arith.constant 2480 : i32
        %dma_wait3A_71 = arith.constant 0 : i32
        %dma_wait3A_72 = tpu.memref_slice %arg3[%run_scoped3A_46, %dma_wait3A_70, %dma_wait3A_71] : memref<2x2500x128xi32, #tpu.memory_space<hbm>> -> memref<1x20x128xi32, #tpu.memory_space<hbm>>
        %dma_wait3A_73 = tpu.memref_squeeze %dma_wait3A_72 : memref<1x20x128xi32, #tpu.memory_space<hbm>> -> memref<20x128xi32, #tpu.memory_space<hbm>>
        tpu.wait_dma2 semaphore(%run_scoped3A_47 : memref<!tpu.dma_semaphore, #tpu.memory_space<semaphore_mem>>) src(%dma_wait3A_73 : memref<20x128xi32, #tpu.memory_space<hbm>>) dst(%dma_wait3A_69 : memref<20x128xi32, #tpu.memory_space<vmem>>)
        tpu.yield
      }) : () -> ()
    } else {
    }
    %broadcast_in_dim3A = arith.constant 0.000000e+00 : f32
    %broadcast_in_dim3A_7 = vector.broadcast %broadcast_in_dim3A : f32 to vector<16xf32>
    %scan3A = arith.constant 0 : i32
    %scan3A_8 = arith.constant 0 : i32
    %scan3A_9 = arith.constant 128 : i32
    %scan3A_10 = arith.addi %scan3A_8, %scan3A_9 : i32
    %scan3A_11 = arith.constant 1 : i32
    scf.for %scan3A_46 = %scan3A_8 to %scan3A_10 step %scan3A_11  : i32 {
      %swap3A = arith.index_cast %scan3A_46 : i32 to index
      %swap3A_47 = arith.constant 0 : index
      %swap3A_48 = tpu.vector_load %arg8[%swap3A, %swap3A_47] {strides = array<i32>} : memref<128x128xf32, #tpu.memory_space<vmem>>, vector<1x16xf32>,
      %swap3A_49 = vector.shape_cast %swap3A_48 : vector<1x16xf32> to vector<16xf32>
      %swap3A_50 = vector.shape_cast %broadcast_in_dim3A_7 : vector<16xf32> to vector<1x16xf32>
      tpu.vector_store %arg8[%swap3A, %swap3A_47], %swap3A_50 {strides = array<i32>} : memref<128x128xf32, #tpu.memory_space<vmem>>, vector<1x16xf32>,
      %swap3A_51 = arith.index_cast %scan3A_46 : i32 to index
      %swap3A_52 = arith.constant 16 : index
      %swap3A_53 = tpu.vector_load %arg8[%swap3A_51, %swap3A_52] {strides = array<i32>} : memref<128x128xf32, #tpu.memory_space<vmem>>, vector<1x16xf32>,
      %swap3A_54 = vector.shape_cast %swap3A_53 : vector<1x16xf32> to vector<16xf32>
      %swap3A_55 = vector.shape_cast %broadcast_in_dim3A_7 : vector<16xf32> to vector<1x16xf32>
      tpu.vector_store %arg8[%swap3A_51, %swap3A_52], %swap3A_55 {strides = array<i32>} : memref<128x128xf32, #tpu.memory_space<vmem>>, vector<1x16xf32>,
      %swap3A_56 = arith.index_cast %scan3A_46 : i32 to index
      %swap3A_57 = arith.constant 32 : index
      %swap3A_58 = tpu.vector_load %arg8[%swap3A_56, %swap3A_57] {strides = array<i32>} : memref<128x128xf32, #tpu.memory_space<vmem>>, vector<1x16xf32>,
      %swap3A_59 = vector.shape_cast %swap3A_58 : vector<1x16xf32> to vector<16xf32>
      %swap3A_60 = vector.shape_cast %broadcast_in_dim3A_7 : vector<16xf32> to vector<1x16xf32>
      tpu.vector_store %arg8[%swap3A_56, %swap3A_57], %swap3A_60 {strides = array<i32>} : memref<128x128xf32, #tpu.memory_space<vmem>>, vector<1x16xf32>,
      %swap3A_61 = arith.index_cast %scan3A_46 : i32 to index
      %swap3A_62 = arith.constant 48 : index
      %swap3A_63 = tpu.vector_load %arg8[%swap3A_61, %swap3A_62] {strides = array<i32>} : memref<128x128xf32, #tpu.memory_space<vmem>>, vector<1x16xf32>,
      %swap3A_64 = vector.shape_cast %swap3A_63 : vector<1x16xf32> to vector<16xf32>
      %swap3A_65 = vector.shape_cast %broadcast_in_dim3A_7 : vector<16xf32> to vector<1x16xf32>
      tpu.vector_store %arg8[%swap3A_61, %swap3A_62], %swap3A_65 {strides = array<i32>} : memref<128x128xf32, #tpu.memory_space<vmem>>, vector<1x16xf32>,
      %swap3A_66 = arith.index_cast %scan3A_46 : i32 to index
      %swap3A_67 = arith.constant 64 : index
      %swap3A_68 = tpu.vector_load %arg8[%swap3A_66, %swap3A_67] {strides = array<i32>} : memref<128x128xf32, #tpu.memory_space<vmem>>, vector<1x16xf32>,
      %swap3A_69 = vector.shape_cast %swap3A_68 : vector<1x16xf32> to vector<16xf32>
      %swap3A_70 = vector.shape_cast %broadcast_in_dim3A_7 : vector<16xf32> to vector<1x16xf32>
      tpu.vector_store %arg8[%swap3A_66, %swap3A_67], %swap3A_70 {strides = array<i32>} : memref<128x128xf32, #tpu.memory_space<vmem>>, vector<1x16xf32>,
      %swap3A_71 = arith.index_cast %scan3A_46 : i32 to index
      %swap3A_72 = arith.constant 80 : index
      %swap3A_73 = tpu.vector_load %arg8[%swap3A_71, %swap3A_72] {strides = array<i32>} : memref<128x128xf32, #tpu.memory_space<vmem>>, vector<1x16xf32>,
      %swap3A_74 = vector.shape_cast %swap3A_73 : vector<1x16xf32> to vector<16xf32>
      %swap3A_75 = vector.shape_cast %broadcast_in_dim3A_7 : vector<16xf32> to vector<1x16xf32>
      tpu.vector_store %arg8[%swap3A_71, %swap3A_72], %swap3A_75 {strides = array<i32>} : memref<128x128xf32, #tpu.memory_space<vmem>>, vector<1x16xf32>,
      %swap3A_76 = arith.index_cast %scan3A_46 : i32 to index
      %swap3A_77 = arith.constant 96 : index
      %swap3A_78 = tpu.vector_load %arg8[%swap3A_76, %swap3A_77] {strides = array<i32>} : memref<128x128xf32, #tpu.memory_space<vmem>>, vector<1x16xf32>,
      %swap3A_79 = vector.shape_cast %swap3A_78 : vector<1x16xf32> to vector<16xf32>
      %swap3A_80 = vector.shape_cast %broadcast_in_dim3A_7 : vector<16xf32> to vector<1x16xf32>
      tpu.vector_store %arg8[%swap3A_76, %swap3A_77], %swap3A_80 {strides = array<i32>} : memref<128x128xf32, #tpu.memory_space<vmem>>, vector<1x16xf32>,
      %swap3A_81 = arith.index_cast %scan3A_46 : i32 to index
      %swap3A_82 = arith.constant 112 : index
      %swap3A_83 = tpu.vector_load %arg8[%swap3A_81, %swap3A_82] {strides = array<i32>} : memref<128x128xf32, #tpu.memory_space<vmem>>, vector<1x16xf32>,
      %swap3A_84 = vector.shape_cast %swap3A_83 : vector<1x16xf32> to vector<16xf32>
      %swap3A_85 = vector.shape_cast %broadcast_in_dim3A_7 : vector<16xf32> to vector<1x16xf32>
      tpu.vector_store %arg8[%swap3A_81, %swap3A_82], %swap3A_85 {strides = array<i32>} : memref<128x128xf32, #tpu.memory_space<vmem>>, vector<1x16xf32>,
    }
    %scan3A_12 = arith.constant 128 : i32
    %mul3A_13 = arith.constant 640 : i32
    %mul3A_14 = arith.muli %arg1, %mul3A_13 : i32
    %add3A_15 = arith.constant 0 : i32
    %add3A_16 = arith.addi %mul3A_14, %add3A_15 : i32
    "tpu.region"() ({
      %run_scoped3A = tpu.sem_alloc : memref<!tpu.dma_semaphore, #tpu.memory_space<semaphore_mem>>
      %dma_start3A = arith.constant 0 : i32
      %dma_start3A_46 = tpu.memref_slice %arg11[%add3A_16, %dma_start3A] : memref<10240x128xf32, #tpu.memory_space<vmem_shared>> -> memref<128x128xf32, #tpu.memory_space<vmem_shared>>
      %dma_start3A_47 = arith.constant 0 : i32
      %dma_start3A_48 = tpu.memref_slice %arg11[%add3A_16, %dma_start3A_47] : memref<10240x128xf32, #tpu.memory_space<vmem_shared>> -> memref<128x128xf32, #tpu.memory_space<vmem_shared>>
      tpu.enqueue_dma source(%arg8 : memref<128x128xf32, #tpu.memory_space<vmem>>) target(%dma_start3A_48 : memref<128x128xf32, #tpu.memory_space<vmem_shared>>) target_semaphore(%run_scoped3A : memref<!tpu.dma_semaphore, #tpu.memory_space<semaphore_mem>>)
      %dma_wait3A = arith.constant 0 : i32
      %dma_wait3A_49 = tpu.memref_slice %arg11[%add3A_16, %dma_wait3A] : memref<10240x128xf32, #tpu.memory_space<vmem_shared>> -> memref<128x128xf32, #tpu.memory_space<vmem_shared>>
      %dma_wait3A_50 = arith.constant 0 : i32
      %dma_wait3A_51 = tpu.memref_slice %arg11[%add3A_16, %dma_wait3A_50] : memref<10240x128xf32, #tpu.memory_space<vmem_shared>> -> memref<128x128xf32, #tpu.memory_space<vmem_shared>>
      tpu.wait_dma2 semaphore(%run_scoped3A : memref<!tpu.dma_semaphore, #tpu.memory_space<semaphore_mem>>) src(%arg8 : memref<128x128xf32, #tpu.memory_space<vmem>>) dst(%dma_wait3A_51 : memref<128x128xf32, #tpu.memory_space<vmem_shared>>)
      tpu.yield
    }) : () -> ()
    %mul3A_17 = arith.constant 640 : i32
    %mul3A_18 = arith.muli %arg1, %mul3A_17 : i32
    %add3A_19 = arith.constant 128 : i32
    %add3A_20 = arith.addi %mul3A_18, %add3A_19 : i32
    "tpu.region"() ({
      %run_scoped3A = tpu.sem_alloc : memref<!tpu.dma_semaphore, #tpu.memory_space<semaphore_mem>>
      %dma_start3A = arith.constant 0 : i32
      %dma_start3A_46 = tpu.memref_slice %arg11[%add3A_20, %dma_start3A] : memref<10240x128xf32, #tpu.memory_space<vmem_shared>> -> memref<128x128xf32, #tpu.memory_space<vmem_shared>>
      %dma_start3A_47 = arith.constant 0 : i32
      %dma_start3A_48 = tpu.memref_slice %arg11[%add3A_20, %dma_start3A_47] : memref<10240x128xf32, #tpu.memory_space<vmem_shared>> -> memref<128x128xf32, #tpu.memory_space<vmem_shared>>
      tpu.enqueue_dma source(%arg8 : memref<128x128xf32, #tpu.memory_space<vmem>>) target(%dma_start3A_48 : memref<128x128xf32, #tpu.memory_space<vmem_shared>>) target_semaphore(%run_scoped3A : memref<!tpu.dma_semaphore, #tpu.memory_space<semaphore_mem>>)
      %dma_wait3A = arith.constant 0 : i32
      %dma_wait3A_49 = tpu.memref_slice %arg11[%add3A_20, %dma_wait3A] : memref<10240x128xf32, #tpu.memory_space<vmem_shared>> -> memref<128x128xf32, #tpu.memory_space<vmem_shared>>
      %dma_wait3A_50 = arith.constant 0 : i32
      %dma_wait3A_51 = tpu.memref_slice %arg11[%add3A_20, %dma_wait3A_50] : memref<10240x128xf32, #tpu.memory_space<vmem_shared>> -> memref<128x128xf32, #tpu.memory_space<vmem_shared>>
      tpu.wait_dma2 semaphore(%run_scoped3A : memref<!tpu.dma_semaphore, #tpu.memory_space<semaphore_mem>>) src(%arg8 : memref<128x128xf32, #tpu.memory_space<vmem>>) dst(%dma_wait3A_51 : memref<128x128xf32, #tpu.memory_space<vmem_shared>>)
      tpu.yield
    }) : () -> ()
    %mul3A_21 = arith.constant 640 : i32
    %mul3A_22 = arith.muli %arg1, %mul3A_21 : i32
    %add3A_23 = arith.constant 256 : i32
    %add3A_24 = arith.addi %mul3A_22, %add3A_23 : i32
    "tpu.region"() ({
      %run_scoped3A = tpu.sem_alloc : memref<!tpu.dma_semaphore, #tpu.memory_space<semaphore_mem>>
      %dma_start3A = arith.constant 0 : i32
      %dma_start3A_46 = tpu.memref_slice %arg11[%add3A_24, %dma_start3A] : memref<10240x128xf32, #tpu.memory_space<vmem_shared>> -> memref<128x128xf32, #tpu.memory_space<vmem_shared>>
      %dma_start3A_47 = arith.constant 0 : i32
      %dma_start3A_48 = tpu.memref_slice %arg11[%add3A_24, %dma_start3A_47] : memref<10240x128xf32, #tpu.memory_space<vmem_shared>> -> memref<128x128xf32, #tpu.memory_space<vmem_shared>>
      tpu.enqueue_dma source(%arg8 : memref<128x128xf32, #tpu.memory_space<vmem>>) target(%dma_start3A_48 : memref<128x128xf32, #tpu.memory_space<vmem_shared>>) target_semaphore(%run_scoped3A : memref<!tpu.dma_semaphore, #tpu.memory_space<semaphore_mem>>)
      %dma_wait3A = arith.constant 0 : i32
      %dma_wait3A_49 = tpu.memref_slice %arg11[%add3A_24, %dma_wait3A] : memref<10240x128xf32, #tpu.memory_space<vmem_shared>> -> memref<128x128xf32, #tpu.memory_space<vmem_shared>>
      %dma_wait3A_50 = arith.constant 0 : i32
      %dma_wait3A_51 = tpu.memref_slice %arg11[%add3A_24, %dma_wait3A_50] : memref<10240x128xf32, #tpu.memory_space<vmem_shared>> -> memref<128x128xf32, #tpu.memory_space<vmem_shared>>
      tpu.wait_dma2 semaphore(%run_scoped3A : memref<!tpu.dma_semaphore, #tpu.memory_space<semaphore_mem>>) src(%arg8 : memref<128x128xf32, #tpu.memory_space<vmem>>) dst(%dma_wait3A_51 : memref<128x128xf32, #tpu.memory_space<vmem_shared>>)
      tpu.yield
    }) : () -> ()
    %mul3A_25 = arith.constant 640 : i32
    %mul3A_26 = arith.muli %arg1, %mul3A_25 : i32
    %add3A_27 = arith.constant 384 : i32
    %add3A_28 = arith.addi %mul3A_26, %add3A_27 : i32
    "tpu.region"() ({
      %run_scoped3A = tpu.sem_alloc : memref<!tpu.dma_semaphore, #tpu.memory_space<semaphore_mem>>
      %dma_start3A = arith.constant 0 : i32
      %dma_start3A_46 = tpu.memref_slice %arg11[%add3A_28, %dma_start3A] : memref<10240x128xf32, #tpu.memory_space<vmem_shared>> -> memref<128x128xf32, #tpu.memory_space<vmem_shared>>
      %dma_start3A_47 = arith.constant 0 : i32
      %dma_start3A_48 = tpu.memref_slice %arg11[%add3A_28, %dma_start3A_47] : memref<10240x128xf32, #tpu.memory_space<vmem_shared>> -> memref<128x128xf32, #tpu.memory_space<vmem_shared>>
      tpu.enqueue_dma source(%arg8 : memref<128x128xf32, #tpu.memory_space<vmem>>) target(%dma_start3A_48 : memref<128x128xf32, #tpu.memory_space<vmem_shared>>) target_semaphore(%run_scoped3A : memref<!tpu.dma_semaphore, #tpu.memory_space<semaphore_mem>>)
      %dma_wait3A = arith.constant 0 : i32
      %dma_wait3A_49 = tpu.memref_slice %arg11[%add3A_28, %dma_wait3A] : memref<10240x128xf32, #tpu.memory_space<vmem_shared>> -> memref<128x128xf32, #tpu.memory_space<vmem_shared>>
      %dma_wait3A_50 = arith.constant 0 : i32
      %dma_wait3A_51 = tpu.memref_slice %arg11[%add3A_28, %dma_wait3A_50] : memref<10240x128xf32, #tpu.memory_space<vmem_shared>> -> memref<128x128xf32, #tpu.memory_space<vmem_shared>>
      tpu.wait_dma2 semaphore(%run_scoped3A : memref<!tpu.dma_semaphore, #tpu.memory_space<semaphore_mem>>) src(%arg8 : memref<128x128xf32, #tpu.memory_space<vmem>>) dst(%dma_wait3A_51 : memref<128x128xf32, #tpu.memory_space<vmem_shared>>)
      tpu.yield
    }) : () -> ()
    %mul3A_29 = arith.constant 640 : i32
    %mul3A_30 = arith.muli %arg1, %mul3A_29 : i32
    %add3A_31 = arith.constant 512 : i32
    %add3A_32 = arith.addi %mul3A_30, %add3A_31 : i32
    "tpu.region"() ({
      %run_scoped3A = tpu.sem_alloc : memref<!tpu.dma_semaphore, #tpu.memory_space<semaphore_mem>>
      %dma_start3A = arith.constant 0 : i32
      %dma_start3A_46 = tpu.memref_slice %arg11[%add3A_32, %dma_start3A] : memref<10240x128xf32, #tpu.memory_space<vmem_shared>> -> memref<128x128xf32, #tpu.memory_space<vmem_shared>>
      %dma_start3A_47 = arith.constant 0 : i32
      %dma_start3A_48 = tpu.memref_slice %arg11[%add3A_32, %dma_start3A_47] : memref<10240x128xf32, #tpu.memory_space<vmem_shared>> -> memref<128x128xf32, #tpu.memory_space<vmem_shared>>
      tpu.enqueue_dma source(%arg8 : memref<128x128xf32, #tpu.memory_space<vmem>>) target(%dma_start3A_48 : memref<128x128xf32, #tpu.memory_space<vmem_shared>>) target_semaphore(%run_scoped3A : memref<!tpu.dma_semaphore, #tpu.memory_space<semaphore_mem>>)
      %dma_wait3A = arith.constant 0 : i32
      %dma_wait3A_49 = tpu.memref_slice %arg11[%add3A_32, %dma_wait3A] : memref<10240x128xf32, #tpu.memory_space<vmem_shared>> -> memref<128x128xf32, #tpu.memory_space<vmem_shared>>
      %dma_wait3A_50 = arith.constant 0 : i32
      %dma_wait3A_51 = tpu.memref_slice %arg11[%add3A_32, %dma_wait3A_50] : memref<10240x128xf32, #tpu.memory_space<vmem_shared>> -> memref<128x128xf32, #tpu.memory_space<vmem_shared>>
      tpu.wait_dma2 semaphore(%run_scoped3A : memref<!tpu.dma_semaphore, #tpu.memory_space<semaphore_mem>>) src(%arg8 : memref<128x128xf32, #tpu.memory_space<vmem>>) dst(%dma_wait3A_51 : memref<128x128xf32, #tpu.memory_space<vmem_shared>>)
      tpu.yield
    }) : () -> ()
    %barrier3A = arith.constant 0 : index
    tpu.barrier barrier_id(%barrier3A)
    %not3A_33 = arith.constant true
    %not3A_34 = arith.xori %eq3A_1, %not3A_33 : i1
    %convert_element_type3A_35 = arith.extui %not3A_34 : i1 to i32
    %cond3A_36 = arith.constant 0 : i32
    %cond3A_37 = arith.cmpi ne, %convert_element_type3A_35, %cond3A_36 : i32
    scf.if %cond3A_37 {
      %run_scoped3A = arith.constant 0 : i32
      "tpu.region"() ({
        %run_scoped3A_125 = tpu.sem_alloc : memref<!tpu.dma_semaphore, #tpu.memory_space<semaphore_mem>>
        %dma_start3A_126 = arith.constant 0 : i32
        %dma_start3A_127 = tpu.memref_slice %arg5[%run_scoped3A, %dma_start3A_126] : memref<40x128xi32, #tpu.memory_space<vmem>> -> memref<1x128xi32, #tpu.memory_space<vmem>>
        %dma_start3A_128 = tpu.memref_squeeze %dma_start3A_127 : memref<1x128xi32, #tpu.memory_space<vmem>> -> memref<128xi32, #tpu.memory_space<vmem>>
        %dma_start3A_129 = arith.constant 0 : i32
        %dma_start3A_130 = arith.constant 0 : i32
        %dma_start3A_131 = tpu.memref_slice %arg2[%dma_start3A_129, %dma_start3A_130] : memref<10240x128xf32, #tpu.memory_space<hbm>> -> memref<10240x128xf32, #tpu.memory_space<hbm>>
        tpu.enqueue_indirect_dma source(%dma_start3A_131 : memref<10240x128xf32, #tpu.memory_space<hbm>>) target(%arg7 : memref<128x128xf32, #tpu.memory_space<vmem>>) offsets(%dma_start3A_128 : memref<128xi32, #tpu.memory_space<vmem>>) semaphore(%run_scoped3A_125 : memref<!tpu.dma_semaphore, #tpu.memory_space<semaphore_mem>>)
        %dma_wait3A_132 = arith.constant 0 : i32
        %dma_wait3A_133 = tpu.memref_slice %arg5[%run_scoped3A, %dma_wait3A_132] : memref<40x128xi32, #tpu.memory_space<vmem>> -> memref<1x128xi32, #tpu.memory_space<vmem>>
        %dma_wait3A_134 = tpu.memref_squeeze %dma_wait3A_133 : memref<1x128xi32, #tpu.memory_space<vmem>> -> memref<128xi32, #tpu.memory_space<vmem>>
        %dma_wait3A_135 = arith.constant 0 : i32
        %dma_wait3A_136 = arith.constant 0 : i32
        %dma_wait3A_137 = tpu.memref_slice %arg2[%dma_wait3A_135, %dma_wait3A_136] : memref<10240x128xf32, #tpu.memory_space<hbm>> -> memref<10240x128xf32, #tpu.memory_space<hbm>>
        tpu.wait_indirect_dma semaphore(%run_scoped3A_125 : memref<!tpu.dma_semaphore, #tpu.memory_space<semaphore_mem>>) src(%dma_wait3A_137 : memref<10240x128xf32, #tpu.memory_space<hbm>>) dst(%arg7 : memref<128x128xf32, #tpu.memory_space<vmem>>)
        tpu.yield
      }) : () -> ()
      %dma_start3A = arith.constant 0 : i32
      %dma_start3A_46 = arith.constant 0 : i32
      %dma_start3A_47 = tpu.memref_slice %arg6[%dma_start3A, %dma_start3A_46] : memref<40x128xi32, #tpu.memory_space<vmem>> -> memref<1x128xi32, #tpu.memory_space<vmem>>
      %dma_start3A_48 = tpu.memref_squeeze %dma_start3A_47 : memref<1x128xi32, #tpu.memory_space<vmem>> -> memref<128xi32, #tpu.memory_space<vmem>>
      %dma_start3A_49 = arith.constant 0 : i32
      %dma_start3A_50 = arith.constant 0 : i32
      %dma_start3A_51 = tpu.memref_slice %arg11[%dma_start3A_49, %dma_start3A_50] : memref<10240x128xf32, #tpu.memory_space<vmem_shared>> -> memref<10240x128xf32, #tpu.memory_space<vmem_shared>>
      tpu.enqueue_indirect_dma source(%arg7 : memref<128x128xf32, #tpu.memory_space<vmem>>) target(%dma_start3A_51 : memref<10240x128xf32, #tpu.memory_space<vmem_shared>>) offsets(%dma_start3A_48 : memref<128xi32, #tpu.memory_space<vmem>>) semaphore(%arg9 : memref<!tpu.dma_semaphore, #tpu.memory_space<semaphore_mem>>) {add = true}
      %run_scoped3A_52 = arith.constant 1 : i32
      "tpu.region"() ({
        %run_scoped3A_125 = tpu.sem_alloc : memref<!tpu.dma_semaphore, #tpu.memory_space<semaphore_mem>>
        %dma_start3A_126 = arith.constant 0 : i32
        %dma_start3A_127 = tpu.memref_slice %arg5[%run_scoped3A_52, %dma_start3A_126] : memref<40x128xi32, #tpu.memory_space<vmem>> -> memref<1x128xi32, #tpu.memory_space<vmem>>
        %dma_start3A_128 = tpu.memref_squeeze %dma_start3A_127 : memref<1x128xi32, #tpu.memory_space<vmem>> -> memref<128xi32, #tpu.memory_space<vmem>>
        %dma_start3A_129 = arith.constant 0 : i32
        %dma_start3A_130 = arith.constant 0 : i32
        %dma_start3A_131 = tpu.memref_slice %arg2[%dma_start3A_129, %dma_start3A_130] : memref<10240x128xf32, #tpu.memory_space<hbm>> -> memref<10240x128xf32, #tpu.memory_space<hbm>>
        tpu.enqueue_indirect_dma source(%dma_start3A_131 : memref<10240x128xf32, #tpu.memory_space<hbm>>) target(%arg8 : memref<128x128xf32, #tpu.memory_space<vmem>>) offsets(%dma_start3A_128 : memref<128xi32, #tpu.memory_space<vmem>>) semaphore(%run_scoped3A_125 : memref<!tpu.dma_semaphore, #tpu.memory_space<semaphore_mem>>)
        %dma_wait3A_132 = arith.constant 0 : i32
        %dma_wait3A_133 = tpu.memref_slice %arg5[%run_scoped3A_52, %dma_wait3A_132] : memref<40x128xi32, #tpu.memory_space<vmem>> -> memref<1x128xi32, #tpu.memory_space<vmem>>
        %dma_wait3A_134 = tpu.memref_squeeze %dma_wait3A_133 : memref<1x128xi32, #tpu.memory_space<vmem>> -> memref<128xi32, #tpu.memory_space<vmem>>
        %dma_wait3A_135 = arith.constant 0 : i32
        %dma_wait3A_136 = arith.constant 0 : i32
        %dma_wait3A_137 = tpu.memref_slice %arg2[%dma_wait3A_135, %dma_wait3A_136] : memref<10240x128xf32, #tpu.memory_space<hbm>> -> memref<10240x128xf32, #tpu.memory_space<hbm>>
        tpu.wait_indirect_dma semaphore(%run_scoped3A_125 : memref<!tpu.dma_semaphore, #tpu.memory_space<semaphore_mem>>) src(%dma_wait3A_137 : memref<10240x128xf32, #tpu.memory_space<hbm>>) dst(%arg8 : memref<128x128xf32, #tpu.memory_space<vmem>>)
        tpu.yield
      }) : () -> ()
      %dma_start3A_53 = arith.constant 1 : i32
      %dma_start3A_54 = arith.constant 0 : i32
      %dma_start3A_55 = tpu.memref_slice %arg6[%dma_start3A_53, %dma_start3A_54] : memref<40x128xi32, #tpu.memory_space<vmem>> -> memref<1x128xi32, #tpu.memory_space<vmem>>
      %dma_start3A_56 = tpu.memref_squeeze %dma_start3A_55 : memref<1x128xi32, #tpu.memory_space<vmem>> -> memref<128xi32, #tpu.memory_space<vmem>>
      %dma_start3A_57 = arith.constant 0 : i32
      %dma_start3A_58 = arith.constant 0 : i32
      %dma_start3A_59 = tpu.memref_slice %arg11[%dma_start3A_57, %dma_start3A_58] : memref<10240x128xf32, #tpu.memory_space<vmem_shared>> -> memref<10240x128xf32, #tpu.memory_space<vmem_shared>>
      tpu.enqueue_indirect_dma source(%arg8 : memref<128x128xf32, #tpu.memory_space<vmem>>) target(%dma_start3A_59 : memref<10240x128xf32, #tpu.memory_space<vmem_shared>>) offsets(%dma_start3A_56 : memref<128xi32, #tpu.memory_space<vmem>>) semaphore(%arg10 : memref<!tpu.dma_semaphore, #tpu.memory_space<semaphore_mem>>) {add = true}
      %scan3A_60 = arith.constant 0 : i32
      %scan3A_61 = arith.constant 1 : i32
      %scan3A_62 = arith.constant 19 : i32
      %scan3A_63 = arith.addi %scan3A_61, %scan3A_62 : i32
      %scan3A_64 = arith.constant 1 : i32
      scf.for %scan3A_125 = %scan3A_61 to %scan3A_63 step %scan3A_64  : i32 {
        %mul3A_126 = arith.constant 2 : i32
        %mul3A_127 = arith.muli %mul3A_126, %scan3A_125 : i32
        %dma_wait3A_128 = arith.constant 0 : i32
        %dma_wait3A_129 = arith.constant 0 : i32
        %dma_wait3A_130 = tpu.memref_slice %arg6[%dma_wait3A_128, %dma_wait3A_129] : memref<40x128xi32, #tpu.memory_space<vmem>> -> memref<1x128xi32, #tpu.memory_space<vmem>>
        %dma_wait3A_131 = tpu.memref_squeeze %dma_wait3A_130 : memref<1x128xi32, #tpu.memory_space<vmem>> -> memref<128xi32, #tpu.memory_space<vmem>>
        %dma_wait3A_132 = arith.constant 0 : i32
        %dma_wait3A_133 = arith.constant 0 : i32
        %dma_wait3A_134 = tpu.memref_slice %arg11[%dma_wait3A_132, %dma_wait3A_133] : memref<10240x128xf32, #tpu.memory_space<vmem_shared>> -> memref<10240x128xf32, #tpu.memory_space<vmem_shared>>
        tpu.wait_indirect_dma semaphore(%arg9 : memref<!tpu.dma_semaphore, #tpu.memory_space<semaphore_mem>>) src(%arg7 : memref<128x128xf32, #tpu.memory_space<vmem>>) dst(%dma_wait3A_134 : memref<10240x128xf32, #tpu.memory_space<vmem_shared>>)
        "tpu.region"() ({
          %run_scoped3A_158 = tpu.sem_alloc : memref<!tpu.dma_semaphore, #tpu.memory_space<semaphore_mem>>
          %dma_start3A_159 = arith.constant 0 : i32
          %dma_start3A_160 = tpu.memref_slice %arg5[%mul3A_127, %dma_start3A_159] : memref<40x128xi32, #tpu.memory_space<vmem>> -> memref<1x128xi32, #tpu.memory_space<vmem>>
          %dma_start3A_161 = tpu.memref_squeeze %dma_start3A_160 : memref<1x128xi32, #tpu.memory_space<vmem>> -> memref<128xi32, #tpu.memory_space<vmem>>
          %dma_start3A_162 = arith.constant 0 : i32
          %dma_start3A_163 = arith.constant 0 : i32
          %dma_start3A_164 = tpu.memref_slice %arg2[%dma_start3A_162, %dma_start3A_163] : memref<10240x128xf32, #tpu.memory_space<hbm>> -> memref<10240x128xf32, #tpu.memory_space<hbm>>
          tpu.enqueue_indirect_dma source(%dma_start3A_164 : memref<10240x128xf32, #tpu.memory_space<hbm>>) target(%arg7 : memref<128x128xf32, #tpu.memory_space<vmem>>) offsets(%dma_start3A_161 : memref<128xi32, #tpu.memory_space<vmem>>) semaphore(%run_scoped3A_158 : memref<!tpu.dma_semaphore, #tpu.memory_space<semaphore_mem>>)
          %dma_wait3A_165 = arith.constant 0 : i32
          %dma_wait3A_166 = tpu.memref_slice %arg5[%mul3A_127, %dma_wait3A_165] : memref<40x128xi32, #tpu.memory_space<vmem>> -> memref<1x128xi32, #tpu.memory_space<vmem>>
          %dma_wait3A_167 = tpu.memref_squeeze %dma_wait3A_166 : memref<1x128xi32, #tpu.memory_space<vmem>> -> memref<128xi32, #tpu.memory_space<vmem>>
          %dma_wait3A_168 = arith.constant 0 : i32
          %dma_wait3A_169 = arith.constant 0 : i32
          %dma_wait3A_170 = tpu.memref_slice %arg2[%dma_wait3A_168, %dma_wait3A_169] : memref<10240x128xf32, #tpu.memory_space<hbm>> -> memref<10240x128xf32, #tpu.memory_space<hbm>>
          tpu.wait_indirect_dma semaphore(%run_scoped3A_158 : memref<!tpu.dma_semaphore, #tpu.memory_space<semaphore_mem>>) src(%dma_wait3A_170 : memref<10240x128xf32, #tpu.memory_space<hbm>>) dst(%arg7 : memref<128x128xf32, #tpu.memory_space<vmem>>)
          tpu.yield
        }) : () -> ()
        %dma_start3A_135 = arith.constant 0 : i32
        %dma_start3A_136 = tpu.memref_slice %arg6[%mul3A_127, %dma_start3A_135] : memref<40x128xi32, #tpu.memory_space<vmem>> -> memref<1x128xi32, #tpu.memory_space<vmem>>
        %dma_start3A_137 = tpu.memref_squeeze %dma_start3A_136 : memref<1x128xi32, #tpu.memory_space<vmem>> -> memref<128xi32, #tpu.memory_space<vmem>>
        %dma_start3A_138 = arith.constant 0 : i32
        %dma_start3A_139 = arith.constant 0 : i32
        %dma_start3A_140 = tpu.memref_slice %arg11[%dma_start3A_138, %dma_start3A_139] : memref<10240x128xf32, #tpu.memory_space<vmem_shared>> -> memref<10240x128xf32, #tpu.memory_space<vmem_shared>>
        tpu.enqueue_indirect_dma source(%arg7 : memref<128x128xf32, #tpu.memory_space<vmem>>) target(%dma_start3A_140 : memref<10240x128xf32, #tpu.memory_space<vmem_shared>>) offsets(%dma_start3A_137 : memref<128xi32, #tpu.memory_space<vmem>>) semaphore(%arg9 : memref<!tpu.dma_semaphore, #tpu.memory_space<semaphore_mem>>) {add = true}
        %dma_wait3A_141 = arith.constant 0 : i32
        %dma_wait3A_142 = arith.constant 0 : i32
        %dma_wait3A_143 = tpu.memref_slice %arg6[%dma_wait3A_141, %dma_wait3A_142] : memref<40x128xi32, #tpu.memory_space<vmem>> -> memref<1x128xi32, #tpu.memory_space<vmem>>
        %dma_wait3A_144 = tpu.memref_squeeze %dma_wait3A_143 : memref<1x128xi32, #tpu.memory_space<vmem>> -> memref<128xi32, #tpu.memory_space<vmem>>
        %dma_wait3A_145 = arith.constant 0 : i32
        %dma_wait3A_146 = arith.constant 0 : i32
        %dma_wait3A_147 = tpu.memref_slice %arg11[%dma_wait3A_145, %dma_wait3A_146] : memref<10240x128xf32, #tpu.memory_space<vmem_shared>> -> memref<10240x128xf32, #tpu.memory_space<vmem_shared>>
        tpu.wait_indirect_dma semaphore(%arg10 : memref<!tpu.dma_semaphore, #tpu.memory_space<semaphore_mem>>) src(%arg8 : memref<128x128xf32, #tpu.memory_space<vmem>>) dst(%dma_wait3A_147 : memref<10240x128xf32, #tpu.memory_space<vmem_shared>>)
        %add3A_148 = arith.constant 1 : i32
        %add3A_149 = arith.addi %mul3A_127, %add3A_148 : i32
        "tpu.region"() ({
          %run_scoped3A_158 = tpu.sem_alloc : memref<!tpu.dma_semaphore, #tpu.memory_space<semaphore_mem>>
          %dma_start3A_159 = arith.constant 0 : i32
          %dma_start3A_160 = tpu.memref_slice %arg5[%add3A_149, %dma_start3A_159] : memref<40x128xi32, #tpu.memory_space<vmem>> -> memref<1x128xi32, #tpu.memory_space<vmem>>
          %dma_start3A_161 = tpu.memref_squeeze %dma_start3A_160 : memref<1x128xi32, #tpu.memory_space<vmem>> -> memref<128xi32, #tpu.memory_space<vmem>>
          %dma_start3A_162 = arith.constant 0 : i32
          %dma_start3A_163 = arith.constant 0 : i32
          %dma_start3A_164 = tpu.memref_slice %arg2[%dma_start3A_162, %dma_start3A_163] : memref<10240x128xf32, #tpu.memory_space<hbm>> -> memref<10240x128xf32, #tpu.memory_space<hbm>>
          tpu.enqueue_indirect_dma source(%dma_start3A_164 : memref<10240x128xf32, #tpu.memory_space<hbm>>) target(%arg8 : memref<128x128xf32, #tpu.memory_space<vmem>>) offsets(%dma_start3A_161 : memref<128xi32, #tpu.memory_space<vmem>>) semaphore(%run_scoped3A_158 : memref<!tpu.dma_semaphore, #tpu.memory_space<semaphore_mem>>)
          %dma_wait3A_165 = arith.constant 0 : i32
          %dma_wait3A_166 = tpu.memref_slice %arg5[%add3A_149, %dma_wait3A_165] : memref<40x128xi32, #tpu.memory_space<vmem>> -> memref<1x128xi32, #tpu.memory_space<vmem>>
          %dma_wait3A_167 = tpu.memref_squeeze %dma_wait3A_166 : memref<1x128xi32, #tpu.memory_space<vmem>> -> memref<128xi32, #tpu.memory_space<vmem>>
          %dma_wait3A_168 = arith.constant 0 : i32
          %dma_wait3A_169 = arith.constant 0 : i32
          %dma_wait3A_170 = tpu.memref_slice %arg2[%dma_wait3A_168, %dma_wait3A_169] : memref<10240x128xf32, #tpu.memory_space<hbm>> -> memref<10240x128xf32, #tpu.memory_space<hbm>>
          tpu.wait_indirect_dma semaphore(%run_scoped3A_158 : memref<!tpu.dma_semaphore, #tpu.memory_space<semaphore_mem>>) src(%dma_wait3A_170 : memref<10240x128xf32, #tpu.memory_space<hbm>>) dst(%arg8 : memref<128x128xf32, #tpu.memory_space<vmem>>)
          tpu.yield
        }) : () -> ()
        %add3A_150 = arith.constant 1 : i32
        %add3A_151 = arith.addi %mul3A_127, %add3A_150 : i32
        %dma_start3A_152 = arith.constant 0 : i32
        %dma_start3A_153 = tpu.memref_slice %arg6[%add3A_151, %dma_start3A_152] : memref<40x128xi32, #tpu.memory_space<vmem>> -> memref<1x128xi32, #tpu.memory_space<vmem>>
        %dma_start3A_154 = tpu.memref_squeeze %dma_start3A_153 : memref<1x128xi32, #tpu.memory_space<vmem>> -> memref<128xi32, #tpu.memory_space<vmem>>
        %dma_start3A_155 = arith.constant 0 : i32
        %dma_start3A_156 = arith.constant 0 : i32
        %dma_start3A_157 = tpu.memref_slice %arg11[%dma_start3A_155, %dma_start3A_156] : memref<10240x128xf32, #tpu.memory_space<vmem_shared>> -> memref<10240x128xf32, #tpu.memory_space<vmem_shared>>
        tpu.enqueue_indirect_dma source(%arg8 : memref<128x128xf32, #tpu.memory_space<vmem>>) target(%dma_start3A_157 : memref<10240x128xf32, #tpu.memory_space<vmem_shared>>) offsets(%dma_start3A_154 : memref<128xi32, #tpu.memory_space<vmem>>) semaphore(%arg10 : memref<!tpu.dma_semaphore, #tpu.memory_space<semaphore_mem>>) {add = true}
      }
      %scan3A_65 = arith.constant 19 : i32
      %dma_wait3A = arith.constant 0 : i32
      %dma_wait3A_66 = arith.constant 0 : i32
      %dma_wait3A_67 = tpu.memref_slice %arg6[%dma_wait3A, %dma_wait3A_66] : memref<40x128xi32, #tpu.memory_space<vmem>> -> memref<1x128xi32, #tpu.memory_space<vmem>>
      %dma_wait3A_68 = tpu.memref_squeeze %dma_wait3A_67 : memref<1x128xi32, #tpu.memory_space<vmem>> -> memref<128xi32, #tpu.memory_space<vmem>>
      %dma_wait3A_69 = arith.constant 0 : i32
      %dma_wait3A_70 = arith.constant 0 : i32
      %dma_wait3A_71 = tpu.memref_slice %arg11[%dma_wait3A_69, %dma_wait3A_70] : memref<10240x128xf32, #tpu.memory_space<vmem_shared>> -> memref<10240x128xf32, #tpu.memory_space<vmem_shared>>
      tpu.wait_indirect_dma semaphore(%arg9 : memref<!tpu.dma_semaphore, #tpu.memory_space<semaphore_mem>>) src(%arg7 : memref<128x128xf32, #tpu.memory_space<vmem>>) dst(%dma_wait3A_71 : memref<10240x128xf32, #tpu.memory_space<vmem_shared>>)
      %dma_wait3A_72 = arith.constant 0 : i32
      %dma_wait3A_73 = arith.constant 0 : i32
      %dma_wait3A_74 = tpu.memref_slice %arg6[%dma_wait3A_72, %dma_wait3A_73] : memref<40x128xi32, #tpu.memory_space<vmem>> -> memref<1x128xi32, #tpu.memory_space<vmem>>
      %dma_wait3A_75 = tpu.memref_squeeze %dma_wait3A_74 : memref<1x128xi32, #tpu.memory_space<vmem>> -> memref<128xi32, #tpu.memory_space<vmem>>
      %dma_wait3A_76 = arith.constant 0 : i32
      %dma_wait3A_77 = arith.constant 0 : i32
      %dma_wait3A_78 = tpu.memref_slice %arg11[%dma_wait3A_76, %dma_wait3A_77] : memref<10240x128xf32, #tpu.memory_space<vmem_shared>> -> memref<10240x128xf32, #tpu.memory_space<vmem_shared>>
      tpu.wait_indirect_dma semaphore(%arg10 : memref<!tpu.dma_semaphore, #tpu.memory_space<semaphore_mem>>) src(%arg8 : memref<128x128xf32, #tpu.memory_space<vmem>>) dst(%dma_wait3A_78 : memref<10240x128xf32, #tpu.memory_space<vmem_shared>>)
      %mul3A_79 = arith.constant 80 : i32
      %mul3A_80 = arith.muli %add3A, %mul3A_79 : i32
      %add3A_81 = arith.constant 40 : i32
      %add3A_82 = arith.addi %mul3A_80, %add3A_81 : i32
      %run_scoped3A_83 = arith.constant 0 : i32
      "tpu.region"() ({
        %run_scoped3A_125 = tpu.sem_alloc : memref<!tpu.dma_semaphore, #tpu.memory_space<semaphore_mem>>
        %dma_start3A_126 = arith.constant 0 : i32
        %dma_start3A_127 = tpu.memref_slice %arg3[%run_scoped3A_83, %add3A_82, %dma_start3A_126] : memref<2x2500x128xi32, #tpu.memory_space<hbm>> -> memref<1x40x128xi32, #tpu.memory_space<hbm>>
        %dma_start3A_128 = tpu.memref_squeeze %dma_start3A_127 : memref<1x40x128xi32, #tpu.memory_space<hbm>> -> memref<40x128xi32, #tpu.memory_space<hbm>>
        %dma_start3A_129 = arith.constant 0 : i32
        %dma_start3A_130 = tpu.memref_slice %arg3[%run_scoped3A_83, %add3A_82, %dma_start3A_129] : memref<2x2500x128xi32, #tpu.memory_space<hbm>> -> memref<1x40x128xi32, #tpu.memory_space<hbm>>
        %dma_start3A_131 = tpu.memref_squeeze %dma_start3A_130 : memref<1x40x128xi32, #tpu.memory_space<hbm>> -> memref<40x128xi32, #tpu.memory_space<hbm>>
        tpu.enqueue_dma source(%dma_start3A_131 : memref<40x128xi32, #tpu.memory_space<hbm>>) target(%arg5 : memref<40x128xi32, #tpu.memory_space<vmem>>) target_semaphore(%run_scoped3A_125 : memref<!tpu.dma_semaphore, #tpu.memory_space<semaphore_mem>>)
        %dma_wait3A_132 = arith.constant 0 : i32
        %dma_wait3A_133 = tpu.memref_slice %arg3[%run_scoped3A_83, %add3A_82, %dma_wait3A_132] : memref<2x2500x128xi32, #tpu.memory_space<hbm>> -> memref<1x40x128xi32, #tpu.memory_space<hbm>>
        %dma_wait3A_134 = tpu.memref_squeeze %dma_wait3A_133 : memref<1x40x128xi32, #tpu.memory_space<hbm>> -> memref<40x128xi32, #tpu.memory_space<hbm>>
        %dma_wait3A_135 = arith.constant 0 : i32
        %dma_wait3A_136 = tpu.memref_slice %arg3[%run_scoped3A_83, %add3A_82, %dma_wait3A_135] : memref<2x2500x128xi32, #tpu.memory_space<hbm>> -> memref<1x40x128xi32, #tpu.memory_space<hbm>>
        %dma_wait3A_137 = tpu.memref_squeeze %dma_wait3A_136 : memref<1x40x128xi32, #tpu.memory_space<hbm>> -> memref<40x128xi32, #tpu.memory_space<hbm>>
        tpu.wait_dma2 semaphore(%run_scoped3A_125 : memref<!tpu.dma_semaphore, #tpu.memory_space<semaphore_mem>>) src(%dma_wait3A_137 : memref<40x128xi32, #tpu.memory_space<hbm>>) dst(%arg5 : memref<40x128xi32, #tpu.memory_space<vmem>>)
        tpu.yield
      }) : () -> ()
      %mul3A_84 = arith.constant 80 : i32
      %mul3A_85 = arith.muli %add3A, %mul3A_84 : i32
      %add3A_86 = arith.constant 40 : i32
      %add3A_87 = arith.addi %mul3A_85, %add3A_86 : i32
      %run_scoped3A_88 = arith.constant 1 : i32
      "tpu.region"() ({
        %run_scoped3A_125 = tpu.sem_alloc : memref<!tpu.dma_semaphore, #tpu.memory_space<semaphore_mem>>
        %dma_start3A_126 = arith.constant 0 : i32
        %dma_start3A_127 = tpu.memref_slice %arg3[%run_scoped3A_88, %add3A_87, %dma_start3A_126] : memref<2x2500x128xi32, #tpu.memory_space<hbm>> -> memref<1x40x128xi32, #tpu.memory_space<hbm>>
        %dma_start3A_128 = tpu.memref_squeeze %dma_start3A_127 : memref<1x40x128xi32, #tpu.memory_space<hbm>> -> memref<40x128xi32, #tpu.memory_space<hbm>>
        %dma_start3A_129 = arith.constant 0 : i32
        %dma_start3A_130 = tpu.memref_slice %arg3[%run_scoped3A_88, %add3A_87, %dma_start3A_129] : memref<2x2500x128xi32, #tpu.memory_space<hbm>> -> memref<1x40x128xi32, #tpu.memory_space<hbm>>
        %dma_start3A_131 = tpu.memref_squeeze %dma_start3A_130 : memref<1x40x128xi32, #tpu.memory_space<hbm>> -> memref<40x128xi32, #tpu.memory_space<hbm>>
        tpu.enqueue_dma source(%dma_start3A_131 : memref<40x128xi32, #tpu.memory_space<hbm>>) target(%arg6 : memref<40x128xi32, #tpu.memory_space<vmem>>) target_semaphore(%run_scoped3A_125 : memref<!tpu.dma_semaphore, #tpu.memory_space<semaphore_mem>>)
        %dma_wait3A_132 = arith.constant 0 : i32
        %dma_wait3A_133 = tpu.memref_slice %arg3[%run_scoped3A_88, %add3A_87, %dma_wait3A_132] : memref<2x2500x128xi32, #tpu.memory_space<hbm>> -> memref<1x40x128xi32, #tpu.memory_space<hbm>>
        %dma_wait3A_134 = tpu.memref_squeeze %dma_wait3A_133 : memref<1x40x128xi32, #tpu.memory_space<hbm>> -> memref<40x128xi32, #tpu.memory_space<hbm>>
        %dma_wait3A_135 = arith.constant 0 : i32
        %dma_wait3A_136 = tpu.memref_slice %arg3[%run_scoped3A_88, %add3A_87, %dma_wait3A_135] : memref<2x2500x128xi32, #tpu.memory_space<hbm>> -> memref<1x40x128xi32, #tpu.memory_space<hbm>>
        %dma_wait3A_137 = tpu.memref_squeeze %dma_wait3A_136 : memref<1x40x128xi32, #tpu.memory_space<hbm>> -> memref<40x128xi32, #tpu.memory_space<hbm>>
        tpu.wait_dma2 semaphore(%run_scoped3A_125 : memref<!tpu.dma_semaphore, #tpu.memory_space<semaphore_mem>>) src(%dma_wait3A_137 : memref<40x128xi32, #tpu.memory_space<hbm>>) dst(%arg6 : memref<40x128xi32, #tpu.memory_space<vmem>>)
        tpu.yield
      }) : () -> ()
      %run_scoped3A_89 = arith.constant 0 : i32
      "tpu.region"() ({
        %run_scoped3A_125 = tpu.sem_alloc : memref<!tpu.dma_semaphore, #tpu.memory_space<semaphore_mem>>
        %dma_start3A_126 = arith.constant 0 : i32
        %dma_start3A_127 = tpu.memref_slice %arg5[%run_scoped3A_89, %dma_start3A_126] : memref<40x128xi32, #tpu.memory_space<vmem>> -> memref<1x128xi32, #tpu.memory_space<vmem>>
        %dma_start3A_128 = tpu.memref_squeeze %dma_start3A_127 : memref<1x128xi32, #tpu.memory_space<vmem>> -> memref<128xi32, #tpu.memory_space<vmem>>
        %dma_start3A_129 = arith.constant 0 : i32
        %dma_start3A_130 = arith.constant 0 : i32
        %dma_start3A_131 = tpu.memref_slice %arg2[%dma_start3A_129, %dma_start3A_130] : memref<10240x128xf32, #tpu.memory_space<hbm>> -> memref<10240x128xf32, #tpu.memory_space<hbm>>
        tpu.enqueue_indirect_dma source(%dma_start3A_131 : memref<10240x128xf32, #tpu.memory_space<hbm>>) target(%arg7 : memref<128x128xf32, #tpu.memory_space<vmem>>) offsets(%dma_start3A_128 : memref<128xi32, #tpu.memory_space<vmem>>) semaphore(%run_scoped3A_125 : memref<!tpu.dma_semaphore, #tpu.memory_space<semaphore_mem>>)
        %dma_wait3A_132 = arith.constant 0 : i32
        %dma_wait3A_133 = tpu.memref_slice %arg5[%run_scoped3A_89, %dma_wait3A_132] : memref<40x128xi32, #tpu.memory_space<vmem>> -> memref<1x128xi32, #tpu.memory_space<vmem>>
        %dma_wait3A_134 = tpu.memref_squeeze %dma_wait3A_133 : memref<1x128xi32, #tpu.memory_space<vmem>> -> memref<128xi32, #tpu.memory_space<vmem>>
        %dma_wait3A_135 = arith.constant 0 : i32
        %dma_wait3A_136 = arith.constant 0 : i32
        %dma_wait3A_137 = tpu.memref_slice %arg2[%dma_wait3A_135, %dma_wait3A_136] : memref<10240x128xf32, #tpu.memory_space<hbm>> -> memref<10240x128xf32, #tpu.memory_space<hbm>>
        tpu.wait_indirect_dma semaphore(%run_scoped3A_125 : memref<!tpu.dma_semaphore, #tpu.memory_space<semaphore_mem>>) src(%dma_wait3A_137 : memref<10240x128xf32, #tpu.memory_space<hbm>>) dst(%arg7 : memref<128x128xf32, #tpu.memory_space<vmem>>)
        tpu.yield
      }) : () -> ()
      %dma_start3A_90 = arith.constant 0 : i32
      %dma_start3A_91 = arith.constant 0 : i32
      %dma_start3A_92 = tpu.memref_slice %arg6[%dma_start3A_90, %dma_start3A_91] : memref<40x128xi32, #tpu.memory_space<vmem>> -> memref<1x128xi32, #tpu.memory_space<vmem>>
      %dma_start3A_93 = tpu.memref_squeeze %dma_start3A_92 : memref<1x128xi32, #tpu.memory_space<vmem>> -> memref<128xi32, #tpu.memory_space<vmem>>
      %dma_start3A_94 = arith.constant 0 : i32
      %dma_start3A_95 = arith.constant 0 : i32
      %dma_start3A_96 = tpu.memref_slice %arg11[%dma_start3A_94, %dma_start3A_95] : memref<10240x128xf32, #tpu.memory_space<vmem_shared>> -> memref<10240x128xf32, #tpu.memory_space<vmem_shared>>
      tpu.enqueue_indirect_dma source(%arg7 : memref<128x128xf32, #tpu.memory_space<vmem>>) target(%dma_start3A_96 : memref<10240x128xf32, #tpu.memory_space<vmem_shared>>) offsets(%dma_start3A_93 : memref<128xi32, #tpu.memory_space<vmem>>) semaphore(%arg9 : memref<!tpu.dma_semaphore, #tpu.memory_space<semaphore_mem>>) {add = true}
      %run_scoped3A_97 = arith.constant 1 : i32
      "tpu.region"() ({
        %run_scoped3A_125 = tpu.sem_alloc : memref<!tpu.dma_semaphore, #tpu.memory_space<semaphore_mem>>
        %dma_start3A_126 = arith.constant 0 : i32
        %dma_start3A_127 = tpu.memref_slice %arg5[%run_scoped3A_97, %dma_start3A_126] : memref<40x128xi32, #tpu.memory_space<vmem>> -> memref<1x128xi32, #tpu.memory_space<vmem>>
        %dma_start3A_128 = tpu.memref_squeeze %dma_start3A_127 : memref<1x128xi32, #tpu.memory_space<vmem>> -> memref<128xi32, #tpu.memory_space<vmem>>
        %dma_start3A_129 = arith.constant 0 : i32
        %dma_start3A_130 = arith.constant 0 : i32
        %dma_start3A_131 = tpu.memref_slice %arg2[%dma_start3A_129, %dma_start3A_130] : memref<10240x128xf32, #tpu.memory_space<hbm>> -> memref<10240x128xf32, #tpu.memory_space<hbm>>
        tpu.enqueue_indirect_dma source(%dma_start3A_131 : memref<10240x128xf32, #tpu.memory_space<hbm>>) target(%arg8 : memref<128x128xf32, #tpu.memory_space<vmem>>) offsets(%dma_start3A_128 : memref<128xi32, #tpu.memory_space<vmem>>) semaphore(%run_scoped3A_125 : memref<!tpu.dma_semaphore, #tpu.memory_space<semaphore_mem>>)
        %dma_wait3A_132 = arith.constant 0 : i32
        %dma_wait3A_133 = tpu.memref_slice %arg5[%run_scoped3A_97, %dma_wait3A_132] : memref<40x128xi32, #tpu.memory_space<vmem>> -> memref<1x128xi32, #tpu.memory_space<vmem>>
        %dma_wait3A_134 = tpu.memref_squeeze %dma_wait3A_133 : memref<1x128xi32, #tpu.memory_space<vmem>> -> memref<128xi32, #tpu.memory_space<vmem>>
        %dma_wait3A_135 = arith.constant 0 : i32
        %dma_wait3A_136 = arith.constant 0 : i32
        %dma_wait3A_137 = tpu.memref_slice %arg2[%dma_wait3A_135, %dma_wait3A_136] : memref<10240x128xf32, #tpu.memory_space<hbm>> -> memref<10240x128xf32, #tpu.memory_space<hbm>>
        tpu.wait_indirect_dma semaphore(%run_scoped3A_125 : memref<!tpu.dma_semaphore, #tpu.memory_space<semaphore_mem>>) src(%dma_wait3A_137 : memref<10240x128xf32, #tpu.memory_space<hbm>>) dst(%arg8 : memref<128x128xf32, #tpu.memory_space<vmem>>)
        tpu.yield
      }) : () -> ()
      %dma_start3A_98 = arith.constant 1 : i32
      %dma_start3A_99 = arith.constant 0 : i32
      %dma_start3A_100 = tpu.memref_slice %arg6[%dma_start3A_98, %dma_start3A_99] : memref<40x128xi32, #tpu.memory_space<vmem>> -> memref<1x128xi32, #tpu.memory_space<vmem>>
      %dma_start3A_101 = tpu.memref_squeeze %dma_start3A_100 : memref<1x128xi32, #tpu.memory_space<vmem>> -> memref<128xi32, #tpu.memory_space<vmem>>
      %dma_start3A_102 = arith.constant 0 : i32
      %dma_start3A_103 = arith.constant 0 : i32
      %dma_start3A_104 = tpu.memref_slice %arg11[%dma_start3A_102, %dma_start3A_103] : memref<10240x128xf32, #tpu.memory_space<vmem_shared>> -> memref<10240x128xf32, #tpu.memory_space<vmem_shared>>
      tpu.enqueue_indirect_dma source(%arg8 : memref<128x128xf32, #tpu.memory_space<vmem>>) target(%dma_start3A_104 : memref<10240x128xf32, #tpu.memory_space<vmem_shared>>) offsets(%dma_start3A_101 : memref<128xi32, #tpu.memory_space<vmem>>) semaphore(%arg10 : memref<!tpu.dma_semaphore, #tpu.memory_space<semaphore_mem>>) {add = true}
      %scan3A_105 = arith.constant 0 : i32
      %scan3A_106 = arith.constant 1 : i32
      %scan3A_107 = arith.constant 19 : i32
      %scan3A_108 = arith.addi %scan3A_106, %scan3A_107 : i32
      %scan3A_109 = arith.constant 1 : i32
      scf.for %scan3A_125 = %scan3A_106 to %scan3A_108 step %scan3A_109  : i32 {
        %mul3A_126 = arith.constant 2 : i32
        %mul3A_127 = arith.muli %mul3A_126, %scan3A_125 : i32
        %dma_wait3A_128 = arith.constant 0 : i32
        %dma_wait3A_129 = arith.constant 0 : i32
        %dma_wait3A_130 = tpu.memref_slice %arg6[%dma_wait3A_128, %dma_wait3A_129] : memref<40x128xi32, #tpu.memory_space<vmem>> -> memref<1x128xi32, #tpu.memory_space<vmem>>
        %dma_wait3A_131 = tpu.memref_squeeze %dma_wait3A_130 : memref<1x128xi32, #tpu.memory_space<vmem>> -> memref<128xi32, #tpu.memory_space<vmem>>
        %dma_wait3A_132 = arith.constant 0 : i32
        %dma_wait3A_133 = arith.constant 0 : i32
        %dma_wait3A_134 = tpu.memref_slice %arg11[%dma_wait3A_132, %dma_wait3A_133] : memref<10240x128xf32, #tpu.memory_space<vmem_shared>> -> memref<10240x128xf32, #tpu.memory_space<vmem_shared>>
        tpu.wait_indirect_dma semaphore(%arg9 : memref<!tpu.dma_semaphore, #tpu.memory_space<semaphore_mem>>) src(%arg7 : memref<128x128xf32, #tpu.memory_space<vmem>>) dst(%dma_wait3A_134 : memref<10240x128xf32, #tpu.memory_space<vmem_shared>>)
        "tpu.region"() ({
          %run_scoped3A_158 = tpu.sem_alloc : memref<!tpu.dma_semaphore, #tpu.memory_space<semaphore_mem>>
          %dma_start3A_159 = arith.constant 0 : i32
          %dma_start3A_160 = tpu.memref_slice %arg5[%mul3A_127, %dma_start3A_159] : memref<40x128xi32, #tpu.memory_space<vmem>> -> memref<1x128xi32, #tpu.memory_space<vmem>>
          %dma_start3A_161 = tpu.memref_squeeze %dma_start3A_160 : memref<1x128xi32, #tpu.memory_space<vmem>> -> memref<128xi32, #tpu.memory_space<vmem>>
          %dma_start3A_162 = arith.constant 0 : i32
          %dma_start3A_163 = arith.constant 0 : i32
          %dma_start3A_164 = tpu.memref_slice %arg2[%dma_start3A_162, %dma_start3A_163] : memref<10240x128xf32, #tpu.memory_space<hbm>> -> memref<10240x128xf32, #tpu.memory_space<hbm>>
          tpu.enqueue_indirect_dma source(%dma_start3A_164 : memref<10240x128xf32, #tpu.memory_space<hbm>>) target(%arg7 : memref<128x128xf32, #tpu.memory_space<vmem>>) offsets(%dma_start3A_161 : memref<128xi32, #tpu.memory_space<vmem>>) semaphore(%run_scoped3A_158 : memref<!tpu.dma_semaphore, #tpu.memory_space<semaphore_mem>>)
          %dma_wait3A_165 = arith.constant 0 : i32
          %dma_wait3A_166 = tpu.memref_slice %arg5[%mul3A_127, %dma_wait3A_165] : memref<40x128xi32, #tpu.memory_space<vmem>> -> memref<1x128xi32, #tpu.memory_space<vmem>>
          %dma_wait3A_167 = tpu.memref_squeeze %dma_wait3A_166 : memref<1x128xi32, #tpu.memory_space<vmem>> -> memref<128xi32, #tpu.memory_space<vmem>>
          %dma_wait3A_168 = arith.constant 0 : i32
          %dma_wait3A_169 = arith.constant 0 : i32
          %dma_wait3A_170 = tpu.memref_slice %arg2[%dma_wait3A_168, %dma_wait3A_169] : memref<10240x128xf32, #tpu.memory_space<hbm>> -> memref<10240x128xf32, #tpu.memory_space<hbm>>
          tpu.wait_indirect_dma semaphore(%run_scoped3A_158 : memref<!tpu.dma_semaphore, #tpu.memory_space<semaphore_mem>>) src(%dma_wait3A_170 : memref<10240x128xf32, #tpu.memory_space<hbm>>) dst(%arg7 : memref<128x128xf32, #tpu.memory_space<vmem>>)
          tpu.yield
        }) : () -> ()
        %dma_start3A_135 = arith.constant 0 : i32
        %dma_start3A_136 = tpu.memref_slice %arg6[%mul3A_127, %dma_start3A_135] : memref<40x128xi32, #tpu.memory_space<vmem>> -> memref<1x128xi32, #tpu.memory_space<vmem>>
        %dma_start3A_137 = tpu.memref_squeeze %dma_start3A_136 : memref<1x128xi32, #tpu.memory_space<vmem>> -> memref<128xi32, #tpu.memory_space<vmem>>
        %dma_start3A_138 = arith.constant 0 : i32
        %dma_start3A_139 = arith.constant 0 : i32
        %dma_start3A_140 = tpu.memref_slice %arg11[%dma_start3A_138, %dma_start3A_139] : memref<10240x128xf32, #tpu.memory_space<vmem_shared>> -> memref<10240x128xf32, #tpu.memory_space<vmem_shared>>
        tpu.enqueue_indirect_dma source(%arg7 : memref<128x128xf32, #tpu.memory_space<vmem>>) target(%dma_start3A_140 : memref<10240x128xf32, #tpu.memory_space<vmem_shared>>) offsets(%dma_start3A_137 : memref<128xi32, #tpu.memory_space<vmem>>) semaphore(%arg9 : memref<!tpu.dma_semaphore, #tpu.memory_space<semaphore_mem>>) {add = true}
        %dma_wait3A_141 = arith.constant 0 : i32
        %dma_wait3A_142 = arith.constant 0 : i32
        %dma_wait3A_143 = tpu.memref_slice %arg6[%dma_wait3A_141, %dma_wait3A_142] : memref<40x128xi32, #tpu.memory_space<vmem>> -> memref<1x128xi32, #tpu.memory_space<vmem>>
        %dma_wait3A_144 = tpu.memref_squeeze %dma_wait3A_143 : memref<1x128xi32, #tpu.memory_space<vmem>> -> memref<128xi32, #tpu.memory_space<vmem>>
        %dma_wait3A_145 = arith.constant 0 : i32
        %dma_wait3A_146 = arith.constant 0 : i32
        %dma_wait3A_147 = tpu.memref_slice %arg11[%dma_wait3A_145, %dma_wait3A_146] : memref<10240x128xf32, #tpu.memory_space<vmem_shared>> -> memref<10240x128xf32, #tpu.memory_space<vmem_shared>>
        tpu.wait_indirect_dma semaphore(%arg10 : memref<!tpu.dma_semaphore, #tpu.memory_space<semaphore_mem>>) src(%arg8 : memref<128x128xf32, #tpu.memory_space<vmem>>) dst(%dma_wait3A_147 : memref<10240x128xf32, #tpu.memory_space<vmem_shared>>)
        %add3A_148 = arith.constant 1 : i32
        %add3A_149 = arith.addi %mul3A_127, %add3A_148 : i32
        "tpu.region"() ({
          %run_scoped3A_158 = tpu.sem_alloc : memref<!tpu.dma_semaphore, #tpu.memory_space<semaphore_mem>>
          %dma_start3A_159 = arith.constant 0 : i32
          %dma_start3A_160 = tpu.memref_slice %arg5[%add3A_149, %dma_start3A_159] : memref<40x128xi32, #tpu.memory_space<vmem>> -> memref<1x128xi32, #tpu.memory_space<vmem>>
          %dma_start3A_161 = tpu.memref_squeeze %dma_start3A_160 : memref<1x128xi32, #tpu.memory_space<vmem>> -> memref<128xi32, #tpu.memory_space<vmem>>
          %dma_start3A_162 = arith.constant 0 : i32
          %dma_start3A_163 = arith.constant 0 : i32
          %dma_start3A_164 = tpu.memref_slice %arg2[%dma_start3A_162, %dma_start3A_163] : memref<10240x128xf32, #tpu.memory_space<hbm>> -> memref<10240x128xf32, #tpu.memory_space<hbm>>
          tpu.enqueue_indirect_dma source(%dma_start3A_164 : memref<10240x128xf32, #tpu.memory_space<hbm>>) target(%arg8 : memref<128x128xf32, #tpu.memory_space<vmem>>) offsets(%dma_start3A_161 : memref<128xi32, #tpu.memory_space<vmem>>) semaphore(%run_scoped3A_158 : memref<!tpu.dma_semaphore, #tpu.memory_space<semaphore_mem>>)
          %dma_wait3A_165 = arith.constant 0 : i32
          %dma_wait3A_166 = tpu.memref_slice %arg5[%add3A_149, %dma_wait3A_165] : memref<40x128xi32, #tpu.memory_space<vmem>> -> memref<1x128xi32, #tpu.memory_space<vmem>>
          %dma_wait3A_167 = tpu.memref_squeeze %dma_wait3A_166 : memref<1x128xi32, #tpu.memory_space<vmem>> -> memref<128xi32, #tpu.memory_space<vmem>>
          %dma_wait3A_168 = arith.constant 0 : i32
          %dma_wait3A_169 = arith.constant 0 : i32
          %dma_wait3A_170 = tpu.memref_slice %arg2[%dma_wait3A_168, %dma_wait3A_169] : memref<10240x128xf32, #tpu.memory_space<hbm>> -> memref<10240x128xf32, #tpu.memory_space<hbm>>
          tpu.wait_indirect_dma semaphore(%run_scoped3A_158 : memref<!tpu.dma_semaphore, #tpu.memory_space<semaphore_mem>>) src(%dma_wait3A_170 : memref<10240x128xf32, #tpu.memory_space<hbm>>) dst(%arg8 : memref<128x128xf32, #tpu.memory_space<vmem>>)
          tpu.yield
        }) : () -> ()
        %add3A_150 = arith.constant 1 : i32
        %add3A_151 = arith.addi %mul3A_127, %add3A_150 : i32
        %dma_start3A_152 = arith.constant 0 : i32
        %dma_start3A_153 = tpu.memref_slice %arg6[%add3A_151, %dma_start3A_152] : memref<40x128xi32, #tpu.memory_space<vmem>> -> memref<1x128xi32, #tpu.memory_space<vmem>>
        %dma_start3A_154 = tpu.memref_squeeze %dma_start3A_153 : memref<1x128xi32, #tpu.memory_space<vmem>> -> memref<128xi32, #tpu.memory_space<vmem>>
        %dma_start3A_155 = arith.constant 0 : i32
        %dma_start3A_156 = arith.constant 0 : i32
        %dma_start3A_157 = tpu.memref_slice %arg11[%dma_start3A_155, %dma_start3A_156] : memref<10240x128xf32, #tpu.memory_space<vmem_shared>> -> memref<10240x128xf32, #tpu.memory_space<vmem_shared>>
        tpu.enqueue_indirect_dma source(%arg8 : memref<128x128xf32, #tpu.memory_space<vmem>>) target(%dma_start3A_157 : memref<10240x128xf32, #tpu.memory_space<vmem_shared>>) offsets(%dma_start3A_154 : memref<128xi32, #tpu.memory_space<vmem>>) semaphore(%arg10 : memref<!tpu.dma_semaphore, #tpu.memory_space<semaphore_mem>>) {add = true}
      }
      %scan3A_110 = arith.constant 19 : i32
      %dma_wait3A_111 = arith.constant 0 : i32
      %dma_wait3A_112 = arith.constant 0 : i32
      %dma_wait3A_113 = tpu.memref_slice %arg6[%dma_wait3A_111, %dma_wait3A_112] : memref<40x128xi32, #tpu.memory_space<vmem>> -> memref<1x128xi32, #tpu.memory_space<vmem>>
      %dma_wait3A_114 = tpu.memref_squeeze %dma_wait3A_113 : memref<1x128xi32, #tpu.memory_space<vmem>> -> memref<128xi32, #tpu.memory_space<vmem>>
      %dma_wait3A_115 = arith.constant 0 : i32
      %dma_wait3A_116 = arith.constant 0 : i32
      %dma_wait3A_117 = tpu.memref_slice %arg11[%dma_wait3A_115, %dma_wait3A_116] : memref<10240x128xf32, #tpu.memory_space<vmem_shared>> -> memref<10240x128xf32, #tpu.memory_space<vmem_shared>>
      tpu.wait_indirect_dma semaphore(%arg9 : memref<!tpu.dma_semaphore, #tpu.memory_space<semaphore_mem>>) src(%arg7 : memref<128x128xf32, #tpu.memory_space<vmem>>) dst(%dma_wait3A_117 : memref<10240x128xf32, #tpu.memory_space<vmem_shared>>)
      %dma_wait3A_118 = arith.constant 0 : i32
      %dma_wait3A_119 = arith.constant 0 : i32
      %dma_wait3A_120 = tpu.memref_slice %arg6[%dma_wait3A_118, %dma_wait3A_119] : memref<40x128xi32, #tpu.memory_space<vmem>> -> memref<1x128xi32, #tpu.memory_space<vmem>>
      %dma_wait3A_121 = tpu.memref_squeeze %dma_wait3A_120 : memref<1x128xi32, #tpu.memory_space<vmem>> -> memref<128xi32, #tpu.memory_space<vmem>>
      %dma_wait3A_122 = arith.constant 0 : i32
      %dma_wait3A_123 = arith.constant 0 : i32
      %dma_wait3A_124 = tpu.memref_slice %arg11[%dma_wait3A_122, %dma_wait3A_123] : memref<10240x128xf32, #tpu.memory_space<vmem_shared>> -> memref<10240x128xf32, #tpu.memory_space<vmem_shared>>
      tpu.wait_indirect_dma semaphore(%arg10 : memref<!tpu.dma_semaphore, #tpu.memory_space<semaphore_mem>>) src(%arg8 : memref<128x128xf32, #tpu.memory_space<vmem>>) dst(%dma_wait3A_124 : memref<10240x128xf32, #tpu.memory_space<vmem_shared>>)
    } else {
    }
    %convert_element_type3A_38 = arith.extui %eq3A_1 : i1 to i32
    %cond3A_39 = arith.constant 0 : i32
    %cond3A_40 = arith.cmpi ne, %convert_element_type3A_38, %cond3A_39 : i32
    scf.if %cond3A_40 {
      %run_scoped3A = arith.constant 0 : i32
      "tpu.region"() ({
        %run_scoped3A_79 = tpu.sem_alloc : memref<!tpu.dma_semaphore, #tpu.memory_space<semaphore_mem>>
        %dma_start3A_80 = arith.constant 0 : i32
        %dma_start3A_81 = tpu.memref_slice %arg5[%run_scoped3A, %dma_start3A_80] : memref<40x128xi32, #tpu.memory_space<vmem>> -> memref<1x128xi32, #tpu.memory_space<vmem>>
        %dma_start3A_82 = tpu.memref_squeeze %dma_start3A_81 : memref<1x128xi32, #tpu.memory_space<vmem>> -> memref<128xi32, #tpu.memory_space<vmem>>
        %dma_start3A_83 = arith.constant 0 : i32
        %dma_start3A_84 = arith.constant 0 : i32
        %dma_start3A_85 = tpu.memref_slice %arg2[%dma_start3A_83, %dma_start3A_84] : memref<10240x128xf32, #tpu.memory_space<hbm>> -> memref<10240x128xf32, #tpu.memory_space<hbm>>
        tpu.enqueue_indirect_dma source(%dma_start3A_85 : memref<10240x128xf32, #tpu.memory_space<hbm>>) target(%arg7 : memref<128x128xf32, #tpu.memory_space<vmem>>) offsets(%dma_start3A_82 : memref<128xi32, #tpu.memory_space<vmem>>) semaphore(%run_scoped3A_79 : memref<!tpu.dma_semaphore, #tpu.memory_space<semaphore_mem>>)
        %dma_wait3A_86 = arith.constant 0 : i32
        %dma_wait3A_87 = tpu.memref_slice %arg5[%run_scoped3A, %dma_wait3A_86] : memref<40x128xi32, #tpu.memory_space<vmem>> -> memref<1x128xi32, #tpu.memory_space<vmem>>
        %dma_wait3A_88 = tpu.memref_squeeze %dma_wait3A_87 : memref<1x128xi32, #tpu.memory_space<vmem>> -> memref<128xi32, #tpu.memory_space<vmem>>
        %dma_wait3A_89 = arith.constant 0 : i32
        %dma_wait3A_90 = arith.constant 0 : i32
        %dma_wait3A_91 = tpu.memref_slice %arg2[%dma_wait3A_89, %dma_wait3A_90] : memref<10240x128xf32, #tpu.memory_space<hbm>> -> memref<10240x128xf32, #tpu.memory_space<hbm>>
        tpu.wait_indirect_dma semaphore(%run_scoped3A_79 : memref<!tpu.dma_semaphore, #tpu.memory_space<semaphore_mem>>) src(%dma_wait3A_91 : memref<10240x128xf32, #tpu.memory_space<hbm>>) dst(%arg7 : memref<128x128xf32, #tpu.memory_space<vmem>>)
        tpu.yield
      }) : () -> ()
      %dma_start3A = arith.constant 0 : i32
      %dma_start3A_46 = arith.constant 0 : i32
      %dma_start3A_47 = tpu.memref_slice %arg6[%dma_start3A, %dma_start3A_46] : memref<40x128xi32, #tpu.memory_space<vmem>> -> memref<1x128xi32, #tpu.memory_space<vmem>>
      %dma_start3A_48 = tpu.memref_squeeze %dma_start3A_47 : memref<1x128xi32, #tpu.memory_space<vmem>> -> memref<128xi32, #tpu.memory_space<vmem>>
      %dma_start3A_49 = arith.constant 0 : i32
      %dma_start3A_50 = arith.constant 0 : i32
      %dma_start3A_51 = tpu.memref_slice %arg11[%dma_start3A_49, %dma_start3A_50] : memref<10240x128xf32, #tpu.memory_space<vmem_shared>> -> memref<10240x128xf32, #tpu.memory_space<vmem_shared>>
      tpu.enqueue_indirect_dma source(%arg7 : memref<128x128xf32, #tpu.memory_space<vmem>>) target(%dma_start3A_51 : memref<10240x128xf32, #tpu.memory_space<vmem_shared>>) offsets(%dma_start3A_48 : memref<128xi32, #tpu.memory_space<vmem>>) semaphore(%arg9 : memref<!tpu.dma_semaphore, #tpu.memory_space<semaphore_mem>>) {add = true}
      %run_scoped3A_52 = arith.constant 1 : i32
      "tpu.region"() ({
        %run_scoped3A_79 = tpu.sem_alloc : memref<!tpu.dma_semaphore, #tpu.memory_space<semaphore_mem>>
        %dma_start3A_80 = arith.constant 0 : i32
        %dma_start3A_81 = tpu.memref_slice %arg5[%run_scoped3A_52, %dma_start3A_80] : memref<40x128xi32, #tpu.memory_space<vmem>> -> memref<1x128xi32, #tpu.memory_space<vmem>>
        %dma_start3A_82 = tpu.memref_squeeze %dma_start3A_81 : memref<1x128xi32, #tpu.memory_space<vmem>> -> memref<128xi32, #tpu.memory_space<vmem>>
        %dma_start3A_83 = arith.constant 0 : i32
        %dma_start3A_84 = arith.constant 0 : i32
        %dma_start3A_85 = tpu.memref_slice %arg2[%dma_start3A_83, %dma_start3A_84] : memref<10240x128xf32, #tpu.memory_space<hbm>> -> memref<10240x128xf32, #tpu.memory_space<hbm>>
        tpu.enqueue_indirect_dma source(%dma_start3A_85 : memref<10240x128xf32, #tpu.memory_space<hbm>>) target(%arg8 : memref<128x128xf32, #tpu.memory_space<vmem>>) offsets(%dma_start3A_82 : memref<128xi32, #tpu.memory_space<vmem>>) semaphore(%run_scoped3A_79 : memref<!tpu.dma_semaphore, #tpu.memory_space<semaphore_mem>>)
        %dma_wait3A_86 = arith.constant 0 : i32
        %dma_wait3A_87 = tpu.memref_slice %arg5[%run_scoped3A_52, %dma_wait3A_86] : memref<40x128xi32, #tpu.memory_space<vmem>> -> memref<1x128xi32, #tpu.memory_space<vmem>>
        %dma_wait3A_88 = tpu.memref_squeeze %dma_wait3A_87 : memref<1x128xi32, #tpu.memory_space<vmem>> -> memref<128xi32, #tpu.memory_space<vmem>>
        %dma_wait3A_89 = arith.constant 0 : i32
        %dma_wait3A_90 = arith.constant 0 : i32
        %dma_wait3A_91 = tpu.memref_slice %arg2[%dma_wait3A_89, %dma_wait3A_90] : memref<10240x128xf32, #tpu.memory_space<hbm>> -> memref<10240x128xf32, #tpu.memory_space<hbm>>
        tpu.wait_indirect_dma semaphore(%run_scoped3A_79 : memref<!tpu.dma_semaphore, #tpu.memory_space<semaphore_mem>>) src(%dma_wait3A_91 : memref<10240x128xf32, #tpu.memory_space<hbm>>) dst(%arg8 : memref<128x128xf32, #tpu.memory_space<vmem>>)
        tpu.yield
      }) : () -> ()
      %dma_start3A_53 = arith.constant 1 : i32
      %dma_start3A_54 = arith.constant 0 : i32
      %dma_start3A_55 = tpu.memref_slice %arg6[%dma_start3A_53, %dma_start3A_54] : memref<40x128xi32, #tpu.memory_space<vmem>> -> memref<1x128xi32, #tpu.memory_space<vmem>>
      %dma_start3A_56 = tpu.memref_squeeze %dma_start3A_55 : memref<1x128xi32, #tpu.memory_space<vmem>> -> memref<128xi32, #tpu.memory_space<vmem>>
      %dma_start3A_57 = arith.constant 0 : i32
      %dma_start3A_58 = arith.constant 0 : i32
      %dma_start3A_59 = tpu.memref_slice %arg11[%dma_start3A_57, %dma_start3A_58] : memref<10240x128xf32, #tpu.memory_space<vmem_shared>> -> memref<10240x128xf32, #tpu.memory_space<vmem_shared>>
      tpu.enqueue_indirect_dma source(%arg8 : memref<128x128xf32, #tpu.memory_space<vmem>>) target(%dma_start3A_59 : memref<10240x128xf32, #tpu.memory_space<vmem_shared>>) offsets(%dma_start3A_56 : memref<128xi32, #tpu.memory_space<vmem>>) semaphore(%arg10 : memref<!tpu.dma_semaphore, #tpu.memory_space<semaphore_mem>>) {add = true}
      %scan3A_60 = arith.constant 0 : i32
      %scan3A_61 = arith.constant 1 : i32
      %scan3A_62 = arith.constant 9 : i32
      %scan3A_63 = arith.addi %scan3A_61, %scan3A_62 : i32
      %scan3A_64 = arith.constant 1 : i32
      scf.for %scan3A_79 = %scan3A_61 to %scan3A_63 step %scan3A_64  : i32 {
        %mul3A_80 = arith.constant 2 : i32
        %mul3A_81 = arith.muli %mul3A_80, %scan3A_79 : i32
        %dma_wait3A_82 = arith.constant 0 : i32
        %dma_wait3A_83 = arith.constant 0 : i32
        %dma_wait3A_84 = tpu.memref_slice %arg6[%dma_wait3A_82, %dma_wait3A_83] : memref<40x128xi32, #tpu.memory_space<vmem>> -> memref<1x128xi32, #tpu.memory_space<vmem>>
        %dma_wait3A_85 = tpu.memref_squeeze %dma_wait3A_84 : memref<1x128xi32, #tpu.memory_space<vmem>> -> memref<128xi32, #tpu.memory_space<vmem>>
        %dma_wait3A_86 = arith.constant 0 : i32
        %dma_wait3A_87 = arith.constant 0 : i32
        %dma_wait3A_88 = tpu.memref_slice %arg11[%dma_wait3A_86, %dma_wait3A_87] : memref<10240x128xf32, #tpu.memory_space<vmem_shared>> -> memref<10240x128xf32, #tpu.memory_space<vmem_shared>>
        tpu.wait_indirect_dma semaphore(%arg9 : memref<!tpu.dma_semaphore, #tpu.memory_space<semaphore_mem>>) src(%arg7 : memref<128x128xf32, #tpu.memory_space<vmem>>) dst(%dma_wait3A_88 : memref<10240x128xf32, #tpu.memory_space<vmem_shared>>)
        "tpu.region"() ({
          %run_scoped3A_112 = tpu.sem_alloc : memref<!tpu.dma_semaphore, #tpu.memory_space<semaphore_mem>>
          %dma_start3A_113 = arith.constant 0 : i32
          %dma_start3A_114 = tpu.memref_slice %arg5[%mul3A_81, %dma_start3A_113] : memref<40x128xi32, #tpu.memory_space<vmem>> -> memref<1x128xi32, #tpu.memory_space<vmem>>
          %dma_start3A_115 = tpu.memref_squeeze %dma_start3A_114 : memref<1x128xi32, #tpu.memory_space<vmem>> -> memref<128xi32, #tpu.memory_space<vmem>>
          %dma_start3A_116 = arith.constant 0 : i32
          %dma_start3A_117 = arith.constant 0 : i32
          %dma_start3A_118 = tpu.memref_slice %arg2[%dma_start3A_116, %dma_start3A_117] : memref<10240x128xf32, #tpu.memory_space<hbm>> -> memref<10240x128xf32, #tpu.memory_space<hbm>>
          tpu.enqueue_indirect_dma source(%dma_start3A_118 : memref<10240x128xf32, #tpu.memory_space<hbm>>) target(%arg7 : memref<128x128xf32, #tpu.memory_space<vmem>>) offsets(%dma_start3A_115 : memref<128xi32, #tpu.memory_space<vmem>>) semaphore(%run_scoped3A_112 : memref<!tpu.dma_semaphore, #tpu.memory_space<semaphore_mem>>)
          %dma_wait3A_119 = arith.constant 0 : i32
          %dma_wait3A_120 = tpu.memref_slice %arg5[%mul3A_81, %dma_wait3A_119] : memref<40x128xi32, #tpu.memory_space<vmem>> -> memref<1x128xi32, #tpu.memory_space<vmem>>
          %dma_wait3A_121 = tpu.memref_squeeze %dma_wait3A_120 : memref<1x128xi32, #tpu.memory_space<vmem>> -> memref<128xi32, #tpu.memory_space<vmem>>
          %dma_wait3A_122 = arith.constant 0 : i32
          %dma_wait3A_123 = arith.constant 0 : i32
          %dma_wait3A_124 = tpu.memref_slice %arg2[%dma_wait3A_122, %dma_wait3A_123] : memref<10240x128xf32, #tpu.memory_space<hbm>> -> memref<10240x128xf32, #tpu.memory_space<hbm>>
          tpu.wait_indirect_dma semaphore(%run_scoped3A_112 : memref<!tpu.dma_semaphore, #tpu.memory_space<semaphore_mem>>) src(%dma_wait3A_124 : memref<10240x128xf32, #tpu.memory_space<hbm>>) dst(%arg7 : memref<128x128xf32, #tpu.memory_space<vmem>>)
          tpu.yield
        }) : () -> ()
        %dma_start3A_89 = arith.constant 0 : i32
        %dma_start3A_90 = tpu.memref_slice %arg6[%mul3A_81, %dma_start3A_89] : memref<40x128xi32, #tpu.memory_space<vmem>> -> memref<1x128xi32, #tpu.memory_space<vmem>>
        %dma_start3A_91 = tpu.memref_squeeze %dma_start3A_90 : memref<1x128xi32, #tpu.memory_space<vmem>> -> memref<128xi32, #tpu.memory_space<vmem>>
        %dma_start3A_92 = arith.constant 0 : i32
        %dma_start3A_93 = arith.constant 0 : i32
        %dma_start3A_94 = tpu.memref_slice %arg11[%dma_start3A_92, %dma_start3A_93] : memref<10240x128xf32, #tpu.memory_space<vmem_shared>> -> memref<10240x128xf32, #tpu.memory_space<vmem_shared>>
        tpu.enqueue_indirect_dma source(%arg7 : memref<128x128xf32, #tpu.memory_space<vmem>>) target(%dma_start3A_94 : memref<10240x128xf32, #tpu.memory_space<vmem_shared>>) offsets(%dma_start3A_91 : memref<128xi32, #tpu.memory_space<vmem>>) semaphore(%arg9 : memref<!tpu.dma_semaphore, #tpu.memory_space<semaphore_mem>>) {add = true}
        %dma_wait3A_95 = arith.constant 0 : i32
        %dma_wait3A_96 = arith.constant 0 : i32
        %dma_wait3A_97 = tpu.memref_slice %arg6[%dma_wait3A_95, %dma_wait3A_96] : memref<40x128xi32, #tpu.memory_space<vmem>> -> memref<1x128xi32, #tpu.memory_space<vmem>>
        %dma_wait3A_98 = tpu.memref_squeeze %dma_wait3A_97 : memref<1x128xi32, #tpu.memory_space<vmem>> -> memref<128xi32, #tpu.memory_space<vmem>>
        %dma_wait3A_99 = arith.constant 0 : i32
        %dma_wait3A_100 = arith.constant 0 : i32
        %dma_wait3A_101 = tpu.memref_slice %arg11[%dma_wait3A_99, %dma_wait3A_100] : memref<10240x128xf32, #tpu.memory_space<vmem_shared>> -> memref<10240x128xf32, #tpu.memory_space<vmem_shared>>
        tpu.wait_indirect_dma semaphore(%arg10 : memref<!tpu.dma_semaphore, #tpu.memory_space<semaphore_mem>>) src(%arg8 : memref<128x128xf32, #tpu.memory_space<vmem>>) dst(%dma_wait3A_101 : memref<10240x128xf32, #tpu.memory_space<vmem_shared>>)
        %add3A_102 = arith.constant 1 : i32
        %add3A_103 = arith.addi %mul3A_81, %add3A_102 : i32
        "tpu.region"() ({
          %run_scoped3A_112 = tpu.sem_alloc : memref<!tpu.dma_semaphore, #tpu.memory_space<semaphore_mem>>
          %dma_start3A_113 = arith.constant 0 : i32
          %dma_start3A_114 = tpu.memref_slice %arg5[%add3A_103, %dma_start3A_113] : memref<40x128xi32, #tpu.memory_space<vmem>> -> memref<1x128xi32, #tpu.memory_space<vmem>>
          %dma_start3A_115 = tpu.memref_squeeze %dma_start3A_114 : memref<1x128xi32, #tpu.memory_space<vmem>> -> memref<128xi32, #tpu.memory_space<vmem>>
          %dma_start3A_116 = arith.constant 0 : i32
          %dma_start3A_117 = arith.constant 0 : i32
          %dma_start3A_118 = tpu.memref_slice %arg2[%dma_start3A_116, %dma_start3A_117] : memref<10240x128xf32, #tpu.memory_space<hbm>> -> memref<10240x128xf32, #tpu.memory_space<hbm>>
          tpu.enqueue_indirect_dma source(%dma_start3A_118 : memref<10240x128xf32, #tpu.memory_space<hbm>>) target(%arg8 : memref<128x128xf32, #tpu.memory_space<vmem>>) offsets(%dma_start3A_115 : memref<128xi32, #tpu.memory_space<vmem>>) semaphore(%run_scoped3A_112 : memref<!tpu.dma_semaphore, #tpu.memory_space<semaphore_mem>>)
          %dma_wait3A_119 = arith.constant 0 : i32
          %dma_wait3A_120 = tpu.memref_slice %arg5[%add3A_103, %dma_wait3A_119] : memref<40x128xi32, #tpu.memory_space<vmem>> -> memref<1x128xi32, #tpu.memory_space<vmem>>
          %dma_wait3A_121 = tpu.memref_squeeze %dma_wait3A_120 : memref<1x128xi32, #tpu.memory_space<vmem>> -> memref<128xi32, #tpu.memory_space<vmem>>
          %dma_wait3A_122 = arith.constant 0 : i32
          %dma_wait3A_123 = arith.constant 0 : i32
          %dma_wait3A_124 = tpu.memref_slice %arg2[%dma_wait3A_122, %dma_wait3A_123] : memref<10240x128xf32, #tpu.memory_space<hbm>> -> memref<10240x128xf32, #tpu.memory_space<hbm>>
          tpu.wait_indirect_dma semaphore(%run_scoped3A_112 : memref<!tpu.dma_semaphore, #tpu.memory_space<semaphore_mem>>) src(%dma_wait3A_124 : memref<10240x128xf32, #tpu.memory_space<hbm>>) dst(%arg8 : memref<128x128xf32, #tpu.memory_space<vmem>>)
          tpu.yield
        }) : () -> ()
        %add3A_104 = arith.constant 1 : i32
        %add3A_105 = arith.addi %mul3A_81, %add3A_104 : i32
        %dma_start3A_106 = arith.constant 0 : i32
        %dma_start3A_107 = tpu.memref_slice %arg6[%add3A_105, %dma_start3A_106] : memref<40x128xi32, #tpu.memory_space<vmem>> -> memref<1x128xi32, #tpu.memory_space<vmem>>
        %dma_start3A_108 = tpu.memref_squeeze %dma_start3A_107 : memref<1x128xi32, #tpu.memory_space<vmem>> -> memref<128xi32, #tpu.memory_space<vmem>>
        %dma_start3A_109 = arith.constant 0 : i32
        %dma_start3A_110 = arith.constant 0 : i32
        %dma_start3A_111 = tpu.memref_slice %arg11[%dma_start3A_109, %dma_start3A_110] : memref<10240x128xf32, #tpu.memory_space<vmem_shared>> -> memref<10240x128xf32, #tpu.memory_space<vmem_shared>>
        tpu.enqueue_indirect_dma source(%arg8 : memref<128x128xf32, #tpu.memory_space<vmem>>) target(%dma_start3A_111 : memref<10240x128xf32, #tpu.memory_space<vmem_shared>>) offsets(%dma_start3A_108 : memref<128xi32, #tpu.memory_space<vmem>>) semaphore(%arg10 : memref<!tpu.dma_semaphore, #tpu.memory_space<semaphore_mem>>) {add = true}
      }
      %scan3A_65 = arith.constant 9 : i32
      %dma_wait3A = arith.constant 0 : i32
      %dma_wait3A_66 = arith.constant 0 : i32
      %dma_wait3A_67 = tpu.memref_slice %arg6[%dma_wait3A, %dma_wait3A_66] : memref<40x128xi32, #tpu.memory_space<vmem>> -> memref<1x128xi32, #tpu.memory_space<vmem>>
      %dma_wait3A_68 = tpu.memref_squeeze %dma_wait3A_67 : memref<1x128xi32, #tpu.memory_space<vmem>> -> memref<128xi32, #tpu.memory_space<vmem>>
      %dma_wait3A_69 = arith.constant 0 : i32
      %dma_wait3A_70 = arith.constant 0 : i32
      %dma_wait3A_71 = tpu.memref_slice %arg11[%dma_wait3A_69, %dma_wait3A_70] : memref<10240x128xf32, #tpu.memory_space<vmem_shared>> -> memref<10240x128xf32, #tpu.memory_space<vmem_shared>>
      tpu.wait_indirect_dma semaphore(%arg9 : memref<!tpu.dma_semaphore, #tpu.memory_space<semaphore_mem>>) src(%arg7 : memref<128x128xf32, #tpu.memory_space<vmem>>) dst(%dma_wait3A_71 : memref<10240x128xf32, #tpu.memory_space<vmem_shared>>)
      %dma_wait3A_72 = arith.constant 0 : i32
      %dma_wait3A_73 = arith.constant 0 : i32
      %dma_wait3A_74 = tpu.memref_slice %arg6[%dma_wait3A_72, %dma_wait3A_73] : memref<40x128xi32, #tpu.memory_space<vmem>> -> memref<1x128xi32, #tpu.memory_space<vmem>>
      %dma_wait3A_75 = tpu.memref_squeeze %dma_wait3A_74 : memref<1x128xi32, #tpu.memory_space<vmem>> -> memref<128xi32, #tpu.memory_space<vmem>>
      %dma_wait3A_76 = arith.constant 0 : i32
      %dma_wait3A_77 = arith.constant 0 : i32
      %dma_wait3A_78 = tpu.memref_slice %arg11[%dma_wait3A_76, %dma_wait3A_77] : memref<10240x128xf32, #tpu.memory_space<vmem_shared>> -> memref<10240x128xf32, #tpu.memory_space<vmem_shared>>
      tpu.wait_indirect_dma semaphore(%arg10 : memref<!tpu.dma_semaphore, #tpu.memory_space<semaphore_mem>>) src(%arg8 : memref<128x128xf32, #tpu.memory_space<vmem>>) dst(%dma_wait3A_78 : memref<10240x128xf32, #tpu.memory_space<vmem_shared>>)
    } else {
    }
    %barrier3A_41 = arith.constant 0 : index
    tpu.barrier barrier_id(%barrier3A_41)
    %mul3A_42 = arith.constant 640 : i32
    %mul3A_43 = arith.muli %arg1, %mul3A_42 : i32
    %mul3A_44 = arith.constant 640 : i32
    %mul3A_45 = arith.muli %arg1, %mul3A_44 : i32
    "tpu.region"() ({
      %run_scoped3A = tpu.sem_alloc : memref<!tpu.dma_semaphore, #tpu.memory_space<semaphore_mem>>
      %dma_start3A = arith.constant 0 : i32
      %dma_start3A_46 = tpu.memref_slice %arg4[%arg0, %mul3A_45, %dma_start3A] : memref<2x10240x128xf32, #tpu.memory_space<hbm>> -> memref<1x640x128xf32, #tpu.memory_space<hbm>>
      %dma_start3A_47 = tpu.memref_squeeze %dma_start3A_46 : memref<1x640x128xf32, #tpu.memory_space<hbm>> -> memref<640x128xf32, #tpu.memory_space<hbm>>
      %dma_start3A_48 = arith.constant 0 : i32
      %dma_start3A_49 = tpu.memref_slice %arg11[%mul3A_43, %dma_start3A_48] : memref<10240x128xf32, #tpu.memory_space<vmem_shared>> -> memref<640x128xf32, #tpu.memory_space<vmem_shared>>
      tpu.enqueue_dma source(%dma_start3A_49 : memref<640x128xf32, #tpu.memory_space<vmem_shared>>) target(%dma_start3A_47 : memref<640x128xf32, #tpu.memory_space<hbm>>) target_semaphore(%run_scoped3A : memref<!tpu.dma_semaphore, #tpu.memory_space<semaphore_mem>>)
      %dma_wait3A = arith.constant 0 : i32
      %dma_wait3A_50 = tpu.memref_slice %arg4[%arg0, %mul3A_45, %dma_wait3A] : memref<2x10240x128xf32, #tpu.memory_space<hbm>> -> memref<1x640x128xf32, #tpu.memory_space<hbm>>
      %dma_wait3A_51 = tpu.memref_squeeze %dma_wait3A_50 : memref<1x640x128xf32, #tpu.memory_space<hbm>> -> memref<640x128xf32, #tpu.memory_space<hbm>>
      %dma_wait3A_52 = arith.constant 0 : i32
      %dma_wait3A_53 = tpu.memref_slice %arg11[%mul3A_43, %dma_wait3A_52] : memref<10240x128xf32, #tpu.memory_space<vmem_shared>> -> memref<640x128xf32, #tpu.memory_space<vmem_shared>>
      tpu.wait_dma2 semaphore(%run_scoped3A : memref<!tpu.dma_semaphore, #tpu.memory_space<semaphore_mem>>) src(%dma_wait3A_53 : memref<640x128xf32, #tpu.memory_space<vmem_shared>>) dst(%dma_wait3A_51 : memref<640x128xf32, #tpu.memory_space<hbm>>)
      tpu.yield
    }) : () -> ()
    return
  }
}

#map = affine_map<(d0, d1) -> (0, 0)>
#map1 = affine_map<(d0, d1) -> (0, 0, 0)>
module attributes {stable_mosaic.version = 14 : i64} {
  func.func @edge_pass(%arg0: i32, %arg1: i32, %arg2: memref<10000x128xf32, #tpu.memory_space<hbm>>, %arg3: memref<2x2500x128xi32, #tpu.memory_space<hbm>>, %arg4: memref<2x10240x128xf32, #tpu.memory_space<hbm>>, %arg5: memref<40x128xi32, #tpu.memory_space<vmem>>, %arg6: memref<40x128xi32, #tpu.memory_space<vmem>>, %arg7: memref<128x128xf32, #tpu.memory_space<vmem>>, %arg8: memref<128x128xf32, #tpu.memory_space<vmem>>, %arg9: memref<!tpu.dma_semaphore, #tpu.memory_space<semaphore_mem>>, %arg10: memref<!tpu.dma_semaphore, #tpu.memory_space<semaphore_mem>>, %arg11: memref<10240x128xf32, #tpu.memory_space<vmem_shared>>) attributes {dimension_semantics = [#tpu.dimension_semantics<core_parallel>, #tpu.dimension_semantics<subcore_parallel>], iteration_bounds = array<i64: 2, 16>, scalar_prefetch = 0 : i64, scratch_operands = 7 : i64, tpu.core_type = #tpu.core_type<sc_vector_subcore>, window_params = [{transform_indices = #map}, {transform_indices = #map1}, {transform_indices = #map1}]} {
    %mul3A = arith.constant 16 : i32
    %mul3A_0 = arith.muli %arg0, %mul3A : i32
    %add3A = arith.addi %mul3A_0, %arg1 : i32
    %eq3A = arith.constant 31 : i32
    %eq3A_1 = arith.cmpi eq, %add3A, %eq3A : i32
    %not3A = arith.constant true
    %not3A_2 = arith.xori %eq3A_1, %not3A : i1
    %convert_element_type3A = arith.extui %not3A_2 : i1 to i32
    %cond3A = arith.constant 0 : i32
    %cond3A_3 = arith.cmpi ne, %convert_element_type3A, %cond3A : i32
    scf.if %cond3A_3 {
      %mul3A_46 = arith.constant 80 : i32
      %mul3A_47 = arith.muli %add3A, %mul3A_46 : i32
      %run_scoped3A = arith.constant 0 : i32
      "tpu.region"() ({
        %run_scoped3A_51 = tpu.sem_alloc : memref<!tpu.dma_semaphore, #tpu.memory_space<semaphore_mem>>
        %dma_start3A = arith.constant 0 : i32
        %dma_start3A_52 = tpu.memref_slice %arg3[%run_scoped3A, %mul3A_47, %dma_start3A] : memref<2x2500x128xi32, #tpu.memory_space<hbm>> -> memref<1x40x128xi32, #tpu.memory_space<hbm>>
        %dma_start3A_53 = tpu.memref_squeeze %dma_start3A_52 : memref<1x40x128xi32, #tpu.memory_space<hbm>> -> memref<40x128xi32, #tpu.memory_space<hbm>>
        %dma_start3A_54 = arith.constant 0 : i32
        %dma_start3A_55 = tpu.memref_slice %arg3[%run_scoped3A, %mul3A_47, %dma_start3A_54] : memref<2x2500x128xi32, #tpu.memory_space<hbm>> -> memref<1x40x128xi32, #tpu.memory_space<hbm>>
        %dma_start3A_56 = tpu.memref_squeeze %dma_start3A_55 : memref<1x40x128xi32, #tpu.memory_space<hbm>> -> memref<40x128xi32, #tpu.memory_space<hbm>>
        tpu.enqueue_dma source(%dma_start3A_56 : memref<40x128xi32, #tpu.memory_space<hbm>>) target(%arg5 : memref<40x128xi32, #tpu.memory_space<vmem>>) target_semaphore(%run_scoped3A_51 : memref<!tpu.dma_semaphore, #tpu.memory_space<semaphore_mem>>)
        %dma_wait3A = arith.constant 0 : i32
        %dma_wait3A_57 = tpu.memref_slice %arg3[%run_scoped3A, %mul3A_47, %dma_wait3A] : memref<2x2500x128xi32, #tpu.memory_space<hbm>> -> memref<1x40x128xi32, #tpu.memory_space<hbm>>
        %dma_wait3A_58 = tpu.memref_squeeze %dma_wait3A_57 : memref<1x40x128xi32, #tpu.memory_space<hbm>> -> memref<40x128xi32, #tpu.memory_space<hbm>>
        %dma_wait3A_59 = arith.constant 0 : i32
        %dma_wait3A_60 = tpu.memref_slice %arg3[%run_scoped3A, %mul3A_47, %dma_wait3A_59] : memref<2x2500x128xi32, #tpu.memory_space<hbm>> -> memref<1x40x128xi32, #tpu.memory_space<hbm>>
        %dma_wait3A_61 = tpu.memref_squeeze %dma_wait3A_60 : memref<1x40x128xi32, #tpu.memory_space<hbm>> -> memref<40x128xi32, #tpu.memory_space<hbm>>
        tpu.wait_dma2 semaphore(%run_scoped3A_51 : memref<!tpu.dma_semaphore, #tpu.memory_space<semaphore_mem>>) src(%dma_wait3A_61 : memref<40x128xi32, #tpu.memory_space<hbm>>) dst(%arg5 : memref<40x128xi32, #tpu.memory_space<vmem>>)
        tpu.yield
      }) : () -> ()
      %mul3A_48 = arith.constant 80 : i32
      %mul3A_49 = arith.muli %add3A, %mul3A_48 : i32
      %run_scoped3A_50 = arith.constant 1 : i32
      "tpu.region"() ({
        %run_scoped3A_51 = tpu.sem_alloc : memref<!tpu.dma_semaphore, #tpu.memory_space<semaphore_mem>>
        %dma_start3A = arith.constant 0 : i32
        %dma_start3A_52 = tpu.memref_slice %arg3[%run_scoped3A_50, %mul3A_49, %dma_start3A] : memref<2x2500x128xi32, #tpu.memory_space<hbm>> -> memref<1x40x128xi32, #tpu.memory_space<hbm>>
        %dma_start3A_53 = tpu.memref_squeeze %dma_start3A_52 : memref<1x40x128xi32, #tpu.memory_space<hbm>> -> memref<40x128xi32, #tpu.memory_space<hbm>>
        %dma_start3A_54 = arith.constant 0 : i32
        %dma_start3A_55 = tpu.memref_slice %arg3[%run_scoped3A_50, %mul3A_49, %dma_start3A_54] : memref<2x2500x128xi32, #tpu.memory_space<hbm>> -> memref<1x40x128xi32, #tpu.memory_space<hbm>>
        %dma_start3A_56 = tpu.memref_squeeze %dma_start3A_55 : memref<1x40x128xi32, #tpu.memory_space<hbm>> -> memref<40x128xi32, #tpu.memory_space<hbm>>
        tpu.enqueue_dma source(%dma_start3A_56 : memref<40x128xi32, #tpu.memory_space<hbm>>) target(%arg6 : memref<40x128xi32, #tpu.memory_space<vmem>>) target_semaphore(%run_scoped3A_51 : memref<!tpu.dma_semaphore, #tpu.memory_space<semaphore_mem>>)
        %dma_wait3A = arith.constant 0 : i32
        %dma_wait3A_57 = tpu.memref_slice %arg3[%run_scoped3A_50, %mul3A_49, %dma_wait3A] : memref<2x2500x128xi32, #tpu.memory_space<hbm>> -> memref<1x40x128xi32, #tpu.memory_space<hbm>>
        %dma_wait3A_58 = tpu.memref_squeeze %dma_wait3A_57 : memref<1x40x128xi32, #tpu.memory_space<hbm>> -> memref<40x128xi32, #tpu.memory_space<hbm>>
        %dma_wait3A_59 = arith.constant 0 : i32
        %dma_wait3A_60 = tpu.memref_slice %arg3[%run_scoped3A_50, %mul3A_49, %dma_wait3A_59] : memref<2x2500x128xi32, #tpu.memory_space<hbm>> -> memref<1x40x128xi32, #tpu.memory_space<hbm>>
        %dma_wait3A_61 = tpu.memref_squeeze %dma_wait3A_60 : memref<1x40x128xi32, #tpu.memory_space<hbm>> -> memref<40x128xi32, #tpu.memory_space<hbm>>
        tpu.wait_dma2 semaphore(%run_scoped3A_51 : memref<!tpu.dma_semaphore, #tpu.memory_space<semaphore_mem>>) src(%dma_wait3A_61 : memref<40x128xi32, #tpu.memory_space<hbm>>) dst(%arg6 : memref<40x128xi32, #tpu.memory_space<vmem>>)
        tpu.yield
      }) : () -> ()
    } else {
    }
    %convert_element_type3A_4 = arith.extui %eq3A_1 : i1 to i32
    %cond3A_5 = arith.constant 0 : i32
    %cond3A_6 = arith.cmpi ne, %convert_element_type3A_4, %cond3A_5 : i32
    scf.if %cond3A_6 {
      %run_scoped3A = arith.constant 0 : i32
      "tpu.region"() ({
        %run_scoped3A_47 = tpu.sem_alloc : memref<!tpu.dma_semaphore, #tpu.memory_space<semaphore_mem>>
        %dma_start3A = arith.constant 0 : i32
        %dma_start3A_48 = arith.constant 0 : i32
        %dma_start3A_49 = tpu.memref_slice %arg5[%dma_start3A, %dma_start3A_48] : memref<40x128xi32, #tpu.memory_space<vmem>> -> memref<20x128xi32, #tpu.memory_space<vmem>>
        %dma_start3A_50 = arith.constant 2480 : i32
        %dma_start3A_51 = arith.constant 0 : i32
        %dma_start3A_52 = tpu.memref_slice %arg3[%run_scoped3A, %dma_start3A_50, %dma_start3A_51] : memref<2x2500x128xi32, #tpu.memory_space<hbm>> -> memref<1x20x128xi32, #tpu.memory_space<hbm>>
        %dma_start3A_53 = tpu.memref_squeeze %dma_start3A_52 : memref<1x20x128xi32, #tpu.memory_space<hbm>> -> memref<20x128xi32, #tpu.memory_space<hbm>>
        %dma_start3A_54 = arith.constant 0 : i32
        %dma_start3A_55 = arith.constant 0 : i32
        %dma_start3A_56 = tpu.memref_slice %arg5[%dma_start3A_54, %dma_start3A_55] : memref<40x128xi32, #tpu.memory_space<vmem>> -> memref<20x128xi32, #tpu.memory_space<vmem>>
        %dma_start3A_57 = arith.constant 2480 : i32
        %dma_start3A_58 = arith.constant 0 : i32
        %dma_start3A_59 = tpu.memref_slice %arg3[%run_scoped3A, %dma_start3A_57, %dma_start3A_58] : memref<2x2500x128xi32, #tpu.memory_space<hbm>> -> memref<1x20x128xi32, #tpu.memory_space<hbm>>
        %dma_start3A_60 = tpu.memref_squeeze %dma_start3A_59 : memref<1x20x128xi32, #tpu.memory_space<hbm>> -> memref<20x128xi32, #tpu.memory_space<hbm>>
        tpu.enqueue_dma source(%dma_start3A_60 : memref<20x128xi32, #tpu.memory_space<hbm>>) target(%dma_start3A_56 : memref<20x128xi32, #tpu.memory_space<vmem>>) target_semaphore(%run_scoped3A_47 : memref<!tpu.dma_semaphore, #tpu.memory_space<semaphore_mem>>)
        %dma_wait3A = arith.constant 0 : i32
        %dma_wait3A_61 = arith.constant 0 : i32
        %dma_wait3A_62 = tpu.memref_slice %arg5[%dma_wait3A, %dma_wait3A_61] : memref<40x128xi32, #tpu.memory_space<vmem>> -> memref<20x128xi32, #tpu.memory_space<vmem>>
        %dma_wait3A_63 = arith.constant 2480 : i32
        %dma_wait3A_64 = arith.constant 0 : i32
        %dma_wait3A_65 = tpu.memref_slice %arg3[%run_scoped3A, %dma_wait3A_63, %dma_wait3A_64] : memref<2x2500x128xi32, #tpu.memory_space<hbm>> -> memref<1x20x128xi32, #tpu.memory_space<hbm>>
        %dma_wait3A_66 = tpu.memref_squeeze %dma_wait3A_65 : memref<1x20x128xi32, #tpu.memory_space<hbm>> -> memref<20x128xi32, #tpu.memory_space<hbm>>
        %dma_wait3A_67 = arith.constant 0 : i32
        %dma_wait3A_68 = arith.constant 0 : i32
        %dma_wait3A_69 = tpu.memref_slice %arg5[%dma_wait3A_67, %dma_wait3A_68] : memref<40x128xi32, #tpu.memory_space<vmem>> -> memref<20x128xi32, #tpu.memory_space<vmem>>
        %dma_wait3A_70 = arith.constant 2480 : i32
        %dma_wait3A_71 = arith.constant 0 : i32
        %dma_wait3A_72 = tpu.memref_slice %arg3[%run_scoped3A, %dma_wait3A_70, %dma_wait3A_71] : memref<2x2500x128xi32, #tpu.memory_space<hbm>> -> memref<1x20x128xi32, #tpu.memory_space<hbm>>
        %dma_wait3A_73 = tpu.memref_squeeze %dma_wait3A_72 : memref<1x20x128xi32, #tpu.memory_space<hbm>> -> memref<20x128xi32, #tpu.memory_space<hbm>>
        tpu.wait_dma2 semaphore(%run_scoped3A_47 : memref<!tpu.dma_semaphore, #tpu.memory_space<semaphore_mem>>) src(%dma_wait3A_73 : memref<20x128xi32, #tpu.memory_space<hbm>>) dst(%dma_wait3A_69 : memref<20x128xi32, #tpu.memory_space<vmem>>)
        tpu.yield
      }) : () -> ()
      %run_scoped3A_46 = arith.constant 1 : i32
      "tpu.region"() ({
        %run_scoped3A_47 = tpu.sem_alloc : memref<!tpu.dma_semaphore, #tpu.memory_space<semaphore_mem>>
        %dma_start3A = arith.constant 0 : i32
        %dma_start3A_48 = arith.constant 0 : i32
        %dma_start3A_49 = tpu.memref_slice %arg6[%dma_start3A, %dma_start3A_48] : memref<40x128xi32, #tpu.memory_space<vmem>> -> memref<20x128xi32, #tpu.memory_space<vmem>>
        %dma_start3A_50 = arith.constant 2480 : i32
        %dma_start3A_51 = arith.constant 0 : i32
        %dma_start3A_52 = tpu.memref_slice %arg3[%run_scoped3A_46, %dma_start3A_50, %dma_start3A_51] : memref<2x2500x128xi32, #tpu.memory_space<hbm>> -> memref<1x20x128xi32, #tpu.memory_space<hbm>>
        %dma_start3A_53 = tpu.memref_squeeze %dma_start3A_52 : memref<1x20x128xi32, #tpu.memory_space<hbm>> -> memref<20x128xi32, #tpu.memory_space<hbm>>
        %dma_start3A_54 = arith.constant 0 : i32
        %dma_start3A_55 = arith.constant 0 : i32
        %dma_start3A_56 = tpu.memref_slice %arg6[%dma_start3A_54, %dma_start3A_55] : memref<40x128xi32, #tpu.memory_space<vmem>> -> memref<20x128xi32, #tpu.memory_space<vmem>>
        %dma_start3A_57 = arith.constant 2480 : i32
        %dma_start3A_58 = arith.constant 0 : i32
        %dma_start3A_59 = tpu.memref_slice %arg3[%run_scoped3A_46, %dma_start3A_57, %dma_start3A_58] : memref<2x2500x128xi32, #tpu.memory_space<hbm>> -> memref<1x20x128xi32, #tpu.memory_space<hbm>>
        %dma_start3A_60 = tpu.memref_squeeze %dma_start3A_59 : memref<1x20x128xi32, #tpu.memory_space<hbm>> -> memref<20x128xi32, #tpu.memory_space<hbm>>
        tpu.enqueue_dma source(%dma_start3A_60 : memref<20x128xi32, #tpu.memory_space<hbm>>) target(%dma_start3A_56 : memref<20x128xi32, #tpu.memory_space<vmem>>) target_semaphore(%run_scoped3A_47 : memref<!tpu.dma_semaphore, #tpu.memory_space<semaphore_mem>>)
        %dma_wait3A = arith.constant 0 : i32
        %dma_wait3A_61 = arith.constant 0 : i32
        %dma_wait3A_62 = tpu.memref_slice %arg6[%dma_wait3A, %dma_wait3A_61] : memref<40x128xi32, #tpu.memory_space<vmem>> -> memref<20x128xi32, #tpu.memory_space<vmem>>
        %dma_wait3A_63 = arith.constant 2480 : i32
        %dma_wait3A_64 = arith.constant 0 : i32
        %dma_wait3A_65 = tpu.memref_slice %arg3[%run_scoped3A_46, %dma_wait3A_63, %dma_wait3A_64] : memref<2x2500x128xi32, #tpu.memory_space<hbm>> -> memref<1x20x128xi32, #tpu.memory_space<hbm>>
        %dma_wait3A_66 = tpu.memref_squeeze %dma_wait3A_65 : memref<1x20x128xi32, #tpu.memory_space<hbm>> -> memref<20x128xi32, #tpu.memory_space<hbm>>
        %dma_wait3A_67 = arith.constant 0 : i32
        %dma_wait3A_68 = arith.constant 0 : i32
        %dma_wait3A_69 = tpu.memref_slice %arg6[%dma_wait3A_67, %dma_wait3A_68] : memref<40x128xi32, #tpu.memory_space<vmem>> -> memref<20x128xi32, #tpu.memory_space<vmem>>
        %dma_wait3A_70 = arith.constant 2480 : i32
        %dma_wait3A_71 = arith.constant 0 : i32
        %dma_wait3A_72 = tpu.memref_slice %arg3[%run_scoped3A_46, %dma_wait3A_70, %dma_wait3A_71] : memref<2x2500x128xi32, #tpu.memory_space<hbm>> -> memref<1x20x128xi32, #tpu.memory_space<hbm>>
        %dma_wait3A_73 = tpu.memref_squeeze %dma_wait3A_72 : memref<1x20x128xi32, #tpu.memory_space<hbm>> -> memref<20x128xi32, #tpu.memory_space<hbm>>
        tpu.wait_dma2 semaphore(%run_scoped3A_47 : memref<!tpu.dma_semaphore, #tpu.memory_space<semaphore_mem>>) src(%dma_wait3A_73 : memref<20x128xi32, #tpu.memory_space<hbm>>) dst(%dma_wait3A_69 : memref<20x128xi32, #tpu.memory_space<vmem>>)
        tpu.yield
      }) : () -> ()
    } else {
    }
    %broadcast_in_dim3A = arith.constant 0.000000e+00 : f32
    %broadcast_in_dim3A_7 = vector.broadcast %broadcast_in_dim3A : f32 to vector<16xf32>
    %scan3A = arith.constant 0 : i32
    %scan3A_8 = arith.constant 0 : i32
    %scan3A_9 = arith.constant 128 : i32
    %scan3A_10 = arith.addi %scan3A_8, %scan3A_9 : i32
    %scan3A_11 = arith.constant 1 : i32
    scf.for %scan3A_46 = %scan3A_8 to %scan3A_10 step %scan3A_11  : i32 {
      %swap3A = arith.index_cast %scan3A_46 : i32 to index
      %swap3A_47 = arith.constant 0 : index
      %swap3A_48 = tpu.vector_load %arg8[%swap3A, %swap3A_47] {strides = array<i32>} : memref<128x128xf32, #tpu.memory_space<vmem>>, vector<1x16xf32>,
      %swap3A_49 = vector.shape_cast %swap3A_48 : vector<1x16xf32> to vector<16xf32>
      %swap3A_50 = vector.shape_cast %broadcast_in_dim3A_7 : vector<16xf32> to vector<1x16xf32>
      tpu.vector_store %arg8[%swap3A, %swap3A_47], %swap3A_50 {strides = array<i32>} : memref<128x128xf32, #tpu.memory_space<vmem>>, vector<1x16xf32>,
      %swap3A_51 = arith.index_cast %scan3A_46 : i32 to index
      %swap3A_52 = arith.constant 16 : index
      %swap3A_53 = tpu.vector_load %arg8[%swap3A_51, %swap3A_52] {strides = array<i32>} : memref<128x128xf32, #tpu.memory_space<vmem>>, vector<1x16xf32>,
      %swap3A_54 = vector.shape_cast %swap3A_53 : vector<1x16xf32> to vector<16xf32>
      %swap3A_55 = vector.shape_cast %broadcast_in_dim3A_7 : vector<16xf32> to vector<1x16xf32>
      tpu.vector_store %arg8[%swap3A_51, %swap3A_52], %swap3A_55 {strides = array<i32>} : memref<128x128xf32, #tpu.memory_space<vmem>>, vector<1x16xf32>,
      %swap3A_56 = arith.index_cast %scan3A_46 : i32 to index
      %swap3A_57 = arith.constant 32 : index
      %swap3A_58 = tpu.vector_load %arg8[%swap3A_56, %swap3A_57] {strides = array<i32>} : memref<128x128xf32, #tpu.memory_space<vmem>>, vector<1x16xf32>,
      %swap3A_59 = vector.shape_cast %swap3A_58 : vector<1x16xf32> to vector<16xf32>
      %swap3A_60 = vector.shape_cast %broadcast_in_dim3A_7 : vector<16xf32> to vector<1x16xf32>
      tpu.vector_store %arg8[%swap3A_56, %swap3A_57], %swap3A_60 {strides = array<i32>} : memref<128x128xf32, #tpu.memory_space<vmem>>, vector<1x16xf32>,
      %swap3A_61 = arith.index_cast %scan3A_46 : i32 to index
      %swap3A_62 = arith.constant 48 : index
      %swap3A_63 = tpu.vector_load %arg8[%swap3A_61, %swap3A_62] {strides = array<i32>} : memref<128x128xf32, #tpu.memory_space<vmem>>, vector<1x16xf32>,
      %swap3A_64 = vector.shape_cast %swap3A_63 : vector<1x16xf32> to vector<16xf32>
      %swap3A_65 = vector.shape_cast %broadcast_in_dim3A_7 : vector<16xf32> to vector<1x16xf32>
      tpu.vector_store %arg8[%swap3A_61, %swap3A_62], %swap3A_65 {strides = array<i32>} : memref<128x128xf32, #tpu.memory_space<vmem>>, vector<1x16xf32>,
      %swap3A_66 = arith.index_cast %scan3A_46 : i32 to index
      %swap3A_67 = arith.constant 64 : index
      %swap3A_68 = tpu.vector_load %arg8[%swap3A_66, %swap3A_67] {strides = array<i32>} : memref<128x128xf32, #tpu.memory_space<vmem>>, vector<1x16xf32>,
      %swap3A_69 = vector.shape_cast %swap3A_68 : vector<1x16xf32> to vector<16xf32>
      %swap3A_70 = vector.shape_cast %broadcast_in_dim3A_7 : vector<16xf32> to vector<1x16xf32>
      tpu.vector_store %arg8[%swap3A_66, %swap3A_67], %swap3A_70 {strides = array<i32>} : memref<128x128xf32, #tpu.memory_space<vmem>>, vector<1x16xf32>,
      %swap3A_71 = arith.index_cast %scan3A_46 : i32 to index
      %swap3A_72 = arith.constant 80 : index
      %swap3A_73 = tpu.vector_load %arg8[%swap3A_71, %swap3A_72] {strides = array<i32>} : memref<128x128xf32, #tpu.memory_space<vmem>>, vector<1x16xf32>,
      %swap3A_74 = vector.shape_cast %swap3A_73 : vector<1x16xf32> to vector<16xf32>
      %swap3A_75 = vector.shape_cast %broadcast_in_dim3A_7 : vector<16xf32> to vector<1x16xf32>
      tpu.vector_store %arg8[%swap3A_71, %swap3A_72], %swap3A_75 {strides = array<i32>} : memref<128x128xf32, #tpu.memory_space<vmem>>, vector<1x16xf32>,
      %swap3A_76 = arith.index_cast %scan3A_46 : i32 to index
      %swap3A_77 = arith.constant 96 : index
      %swap3A_78 = tpu.vector_load %arg8[%swap3A_76, %swap3A_77] {strides = array<i32>} : memref<128x128xf32, #tpu.memory_space<vmem>>, vector<1x16xf32>,
      %swap3A_79 = vector.shape_cast %swap3A_78 : vector<1x16xf32> to vector<16xf32>
      %swap3A_80 = vector.shape_cast %broadcast_in_dim3A_7 : vector<16xf32> to vector<1x16xf32>
      tpu.vector_store %arg8[%swap3A_76, %swap3A_77], %swap3A_80 {strides = array<i32>} : memref<128x128xf32, #tpu.memory_space<vmem>>, vector<1x16xf32>,
      %swap3A_81 = arith.index_cast %scan3A_46 : i32 to index
      %swap3A_82 = arith.constant 112 : index
      %swap3A_83 = tpu.vector_load %arg8[%swap3A_81, %swap3A_82] {strides = array<i32>} : memref<128x128xf32, #tpu.memory_space<vmem>>, vector<1x16xf32>,
      %swap3A_84 = vector.shape_cast %swap3A_83 : vector<1x16xf32> to vector<16xf32>
      %swap3A_85 = vector.shape_cast %broadcast_in_dim3A_7 : vector<16xf32> to vector<1x16xf32>
      tpu.vector_store %arg8[%swap3A_81, %swap3A_82], %swap3A_85 {strides = array<i32>} : memref<128x128xf32, #tpu.memory_space<vmem>>, vector<1x16xf32>,
    }
    %scan3A_12 = arith.constant 128 : i32
    %mul3A_13 = arith.constant 640 : i32
    %mul3A_14 = arith.muli %arg1, %mul3A_13 : i32
    %add3A_15 = arith.constant 0 : i32
    %add3A_16 = arith.addi %mul3A_14, %add3A_15 : i32
    "tpu.region"() ({
      %run_scoped3A = tpu.sem_alloc : memref<!tpu.dma_semaphore, #tpu.memory_space<semaphore_mem>>
      %dma_start3A = arith.constant 0 : i32
      %dma_start3A_46 = tpu.memref_slice %arg11[%add3A_16, %dma_start3A] : memref<10240x128xf32, #tpu.memory_space<vmem_shared>> -> memref<128x128xf32, #tpu.memory_space<vmem_shared>>
      %dma_start3A_47 = arith.constant 0 : i32
      %dma_start3A_48 = tpu.memref_slice %arg11[%add3A_16, %dma_start3A_47] : memref<10240x128xf32, #tpu.memory_space<vmem_shared>> -> memref<128x128xf32, #tpu.memory_space<vmem_shared>>
      tpu.enqueue_dma source(%arg8 : memref<128x128xf32, #tpu.memory_space<vmem>>) target(%dma_start3A_48 : memref<128x128xf32, #tpu.memory_space<vmem_shared>>) target_semaphore(%run_scoped3A : memref<!tpu.dma_semaphore, #tpu.memory_space<semaphore_mem>>)
      %dma_wait3A = arith.constant 0 : i32
      %dma_wait3A_49 = tpu.memref_slice %arg11[%add3A_16, %dma_wait3A] : memref<10240x128xf32, #tpu.memory_space<vmem_shared>> -> memref<128x128xf32, #tpu.memory_space<vmem_shared>>
      %dma_wait3A_50 = arith.constant 0 : i32
      %dma_wait3A_51 = tpu.memref_slice %arg11[%add3A_16, %dma_wait3A_50] : memref<10240x128xf32, #tpu.memory_space<vmem_shared>> -> memref<128x128xf32, #tpu.memory_space<vmem_shared>>
      tpu.wait_dma2 semaphore(%run_scoped3A : memref<!tpu.dma_semaphore, #tpu.memory_space<semaphore_mem>>) src(%arg8 : memref<128x128xf32, #tpu.memory_space<vmem>>) dst(%dma_wait3A_51 : memref<128x128xf32, #tpu.memory_space<vmem_shared>>)
      tpu.yield
    }) : () -> ()
    %mul3A_17 = arith.constant 640 : i32
    %mul3A_18 = arith.muli %arg1, %mul3A_17 : i32
    %add3A_19 = arith.constant 128 : i32
    %add3A_20 = arith.addi %mul3A_18, %add3A_19 : i32
    "tpu.region"() ({
      %run_scoped3A = tpu.sem_alloc : memref<!tpu.dma_semaphore, #tpu.memory_space<semaphore_mem>>
      %dma_start3A = arith.constant 0 : i32
      %dma_start3A_46 = tpu.memref_slice %arg11[%add3A_20, %dma_start3A] : memref<10240x128xf32, #tpu.memory_space<vmem_shared>> -> memref<128x128xf32, #tpu.memory_space<vmem_shared>>
      %dma_start3A_47 = arith.constant 0 : i32
      %dma_start3A_48 = tpu.memref_slice %arg11[%add3A_20, %dma_start3A_47] : memref<10240x128xf32, #tpu.memory_space<vmem_shared>> -> memref<128x128xf32, #tpu.memory_space<vmem_shared>>
      tpu.enqueue_dma source(%arg8 : memref<128x128xf32, #tpu.memory_space<vmem>>) target(%dma_start3A_48 : memref<128x128xf32, #tpu.memory_space<vmem_shared>>) target_semaphore(%run_scoped3A : memref<!tpu.dma_semaphore, #tpu.memory_space<semaphore_mem>>)
      %dma_wait3A = arith.constant 0 : i32
      %dma_wait3A_49 = tpu.memref_slice %arg11[%add3A_20, %dma_wait3A] : memref<10240x128xf32, #tpu.memory_space<vmem_shared>> -> memref<128x128xf32, #tpu.memory_space<vmem_shared>>
      %dma_wait3A_50 = arith.constant 0 : i32
      %dma_wait3A_51 = tpu.memref_slice %arg11[%add3A_20, %dma_wait3A_50] : memref<10240x128xf32, #tpu.memory_space<vmem_shared>> -> memref<128x128xf32, #tpu.memory_space<vmem_shared>>
      tpu.wait_dma2 semaphore(%run_scoped3A : memref<!tpu.dma_semaphore, #tpu.memory_space<semaphore_mem>>) src(%arg8 : memref<128x128xf32, #tpu.memory_space<vmem>>) dst(%dma_wait3A_51 : memref<128x128xf32, #tpu.memory_space<vmem_shared>>)
      tpu.yield
    }) : () -> ()
    %mul3A_21 = arith.constant 640 : i32
    %mul3A_22 = arith.muli %arg1, %mul3A_21 : i32
    %add3A_23 = arith.constant 256 : i32
    %add3A_24 = arith.addi %mul3A_22, %add3A_23 : i32
    "tpu.region"() ({
      %run_scoped3A = tpu.sem_alloc : memref<!tpu.dma_semaphore, #tpu.memory_space<semaphore_mem>>
      %dma_start3A = arith.constant 0 : i32
      %dma_start3A_46 = tpu.memref_slice %arg11[%add3A_24, %dma_start3A] : memref<10240x128xf32, #tpu.memory_space<vmem_shared>> -> memref<128x128xf32, #tpu.memory_space<vmem_shared>>
      %dma_start3A_47 = arith.constant 0 : i32
      %dma_start3A_48 = tpu.memref_slice %arg11[%add3A_24, %dma_start3A_47] : memref<10240x128xf32, #tpu.memory_space<vmem_shared>> -> memref<128x128xf32, #tpu.memory_space<vmem_shared>>
      tpu.enqueue_dma source(%arg8 : memref<128x128xf32, #tpu.memory_space<vmem>>) target(%dma_start3A_48 : memref<128x128xf32, #tpu.memory_space<vmem_shared>>) target_semaphore(%run_scoped3A : memref<!tpu.dma_semaphore, #tpu.memory_space<semaphore_mem>>)
      %dma_wait3A = arith.constant 0 : i32
      %dma_wait3A_49 = tpu.memref_slice %arg11[%add3A_24, %dma_wait3A] : memref<10240x128xf32, #tpu.memory_space<vmem_shared>> -> memref<128x128xf32, #tpu.memory_space<vmem_shared>>
      %dma_wait3A_50 = arith.constant 0 : i32
      %dma_wait3A_51 = tpu.memref_slice %arg11[%add3A_24, %dma_wait3A_50] : memref<10240x128xf32, #tpu.memory_space<vmem_shared>> -> memref<128x128xf32, #tpu.memory_space<vmem_shared>>
      tpu.wait_dma2 semaphore(%run_scoped3A : memref<!tpu.dma_semaphore, #tpu.memory_space<semaphore_mem>>) src(%arg8 : memref<128x128xf32, #tpu.memory_space<vmem>>) dst(%dma_wait3A_51 : memref<128x128xf32, #tpu.memory_space<vmem_shared>>)
      tpu.yield
    }) : () -> ()
    %mul3A_25 = arith.constant 640 : i32
    %mul3A_26 = arith.muli %arg1, %mul3A_25 : i32
    %add3A_27 = arith.constant 384 : i32
    %add3A_28 = arith.addi %mul3A_26, %add3A_27 : i32
    "tpu.region"() ({
      %run_scoped3A = tpu.sem_alloc : memref<!tpu.dma_semaphore, #tpu.memory_space<semaphore_mem>>
      %dma_start3A = arith.constant 0 : i32
      %dma_start3A_46 = tpu.memref_slice %arg11[%add3A_28, %dma_start3A] : memref<10240x128xf32, #tpu.memory_space<vmem_shared>> -> memref<128x128xf32, #tpu.memory_space<vmem_shared>>
      %dma_start3A_47 = arith.constant 0 : i32
      %dma_start3A_48 = tpu.memref_slice %arg11[%add3A_28, %dma_start3A_47] : memref<10240x128xf32, #tpu.memory_space<vmem_shared>> -> memref<128x128xf32, #tpu.memory_space<vmem_shared>>
      tpu.enqueue_dma source(%arg8 : memref<128x128xf32, #tpu.memory_space<vmem>>) target(%dma_start3A_48 : memref<128x128xf32, #tpu.memory_space<vmem_shared>>) target_semaphore(%run_scoped3A : memref<!tpu.dma_semaphore, #tpu.memory_space<semaphore_mem>>)
      %dma_wait3A = arith.constant 0 : i32
      %dma_wait3A_49 = tpu.memref_slice %arg11[%add3A_28, %dma_wait3A] : memref<10240x128xf32, #tpu.memory_space<vmem_shared>> -> memref<128x128xf32, #tpu.memory_space<vmem_shared>>
      %dma_wait3A_50 = arith.constant 0 : i32
      %dma_wait3A_51 = tpu.memref_slice %arg11[%add3A_28, %dma_wait3A_50] : memref<10240x128xf32, #tpu.memory_space<vmem_shared>> -> memref<128x128xf32, #tpu.memory_space<vmem_shared>>
      tpu.wait_dma2 semaphore(%run_scoped3A : memref<!tpu.dma_semaphore, #tpu.memory_space<semaphore_mem>>) src(%arg8 : memref<128x128xf32, #tpu.memory_space<vmem>>) dst(%dma_wait3A_51 : memref<128x128xf32, #tpu.memory_space<vmem_shared>>)
      tpu.yield
    }) : () -> ()
    %mul3A_29 = arith.constant 640 : i32
    %mul3A_30 = arith.muli %arg1, %mul3A_29 : i32
    %add3A_31 = arith.constant 512 : i32
    %add3A_32 = arith.addi %mul3A_30, %add3A_31 : i32
    "tpu.region"() ({
      %run_scoped3A = tpu.sem_alloc : memref<!tpu.dma_semaphore, #tpu.memory_space<semaphore_mem>>
      %dma_start3A = arith.constant 0 : i32
      %dma_start3A_46 = tpu.memref_slice %arg11[%add3A_32, %dma_start3A] : memref<10240x128xf32, #tpu.memory_space<vmem_shared>> -> memref<128x128xf32, #tpu.memory_space<vmem_shared>>
      %dma_start3A_47 = arith.constant 0 : i32
      %dma_start3A_48 = tpu.memref_slice %arg11[%add3A_32, %dma_start3A_47] : memref<10240x128xf32, #tpu.memory_space<vmem_shared>> -> memref<128x128xf32, #tpu.memory_space<vmem_shared>>
      tpu.enqueue_dma source(%arg8 : memref<128x128xf32, #tpu.memory_space<vmem>>) target(%dma_start3A_48 : memref<128x128xf32, #tpu.memory_space<vmem_shared>>) target_semaphore(%run_scoped3A : memref<!tpu.dma_semaphore, #tpu.memory_space<semaphore_mem>>)
      %dma_wait3A = arith.constant 0 : i32
      %dma_wait3A_49 = tpu.memref_slice %arg11[%add3A_32, %dma_wait3A] : memref<10240x128xf32, #tpu.memory_space<vmem_shared>> -> memref<128x128xf32, #tpu.memory_space<vmem_shared>>
      %dma_wait3A_50 = arith.constant 0 : i32
      %dma_wait3A_51 = tpu.memref_slice %arg11[%add3A_32, %dma_wait3A_50] : memref<10240x128xf32, #tpu.memory_space<vmem_shared>> -> memref<128x128xf32, #tpu.memory_space<vmem_shared>>
      tpu.wait_dma2 semaphore(%run_scoped3A : memref<!tpu.dma_semaphore, #tpu.memory_space<semaphore_mem>>) src(%arg8 : memref<128x128xf32, #tpu.memory_space<vmem>>) dst(%dma_wait3A_51 : memref<128x128xf32, #tpu.memory_space<vmem_shared>>)
      tpu.yield
    }) : () -> ()
    %barrier3A = arith.constant 0 : index
    tpu.barrier barrier_id(%barrier3A)
    %not3A_33 = arith.constant true
    %not3A_34 = arith.xori %eq3A_1, %not3A_33 : i1
    %convert_element_type3A_35 = arith.extui %not3A_34 : i1 to i32
    %cond3A_36 = arith.constant 0 : i32
    %cond3A_37 = arith.cmpi ne, %convert_element_type3A_35, %cond3A_36 : i32
    scf.if %cond3A_37 {
      %run_scoped3A = arith.constant 0 : i32
      "tpu.region"() ({
        %run_scoped3A_125 = tpu.sem_alloc : memref<!tpu.dma_semaphore, #tpu.memory_space<semaphore_mem>>
        %dma_start3A_126 = arith.constant 0 : i32
        %dma_start3A_127 = tpu.memref_slice %arg5[%run_scoped3A, %dma_start3A_126] : memref<40x128xi32, #tpu.memory_space<vmem>> -> memref<1x128xi32, #tpu.memory_space<vmem>>
        %dma_start3A_128 = tpu.memref_squeeze %dma_start3A_127 : memref<1x128xi32, #tpu.memory_space<vmem>> -> memref<128xi32, #tpu.memory_space<vmem>>
        %dma_start3A_129 = arith.constant 0 : i32
        %dma_start3A_130 = arith.constant 0 : i32
        %dma_start3A_131 = tpu.memref_slice %arg2[%dma_start3A_129, %dma_start3A_130] : memref<10000x128xf32, #tpu.memory_space<hbm>> -> memref<10000x128xf32, #tpu.memory_space<hbm>>
        tpu.enqueue_indirect_dma source(%dma_start3A_131 : memref<10000x128xf32, #tpu.memory_space<hbm>>) target(%arg7 : memref<128x128xf32, #tpu.memory_space<vmem>>) offsets(%dma_start3A_128 : memref<128xi32, #tpu.memory_space<vmem>>) semaphore(%run_scoped3A_125 : memref<!tpu.dma_semaphore, #tpu.memory_space<semaphore_mem>>)
        %dma_wait3A_132 = arith.constant 0 : i32
        %dma_wait3A_133 = tpu.memref_slice %arg5[%run_scoped3A, %dma_wait3A_132] : memref<40x128xi32, #tpu.memory_space<vmem>> -> memref<1x128xi32, #tpu.memory_space<vmem>>
        %dma_wait3A_134 = tpu.memref_squeeze %dma_wait3A_133 : memref<1x128xi32, #tpu.memory_space<vmem>> -> memref<128xi32, #tpu.memory_space<vmem>>
        %dma_wait3A_135 = arith.constant 0 : i32
        %dma_wait3A_136 = arith.constant 0 : i32
        %dma_wait3A_137 = tpu.memref_slice %arg2[%dma_wait3A_135, %dma_wait3A_136] : memref<10000x128xf32, #tpu.memory_space<hbm>> -> memref<10000x128xf32, #tpu.memory_space<hbm>>
        tpu.wait_indirect_dma semaphore(%run_scoped3A_125 : memref<!tpu.dma_semaphore, #tpu.memory_space<semaphore_mem>>) src(%dma_wait3A_137 : memref<10000x128xf32, #tpu.memory_space<hbm>>) dst(%arg7 : memref<128x128xf32, #tpu.memory_space<vmem>>)
        tpu.yield
      }) : () -> ()
      %dma_start3A = arith.constant 0 : i32
      %dma_start3A_46 = arith.constant 0 : i32
      %dma_start3A_47 = tpu.memref_slice %arg6[%dma_start3A, %dma_start3A_46] : memref<40x128xi32, #tpu.memory_space<vmem>> -> memref<1x128xi32, #tpu.memory_space<vmem>>
      %dma_start3A_48 = tpu.memref_squeeze %dma_start3A_47 : memref<1x128xi32, #tpu.memory_space<vmem>> -> memref<128xi32, #tpu.memory_space<vmem>>
      %dma_start3A_49 = arith.constant 0 : i32
      %dma_start3A_50 = arith.constant 0 : i32
      %dma_start3A_51 = tpu.memref_slice %arg11[%dma_start3A_49, %dma_start3A_50] : memref<10240x128xf32, #tpu.memory_space<vmem_shared>> -> memref<10240x128xf32, #tpu.memory_space<vmem_shared>>
      tpu.enqueue_indirect_dma source(%arg7 : memref<128x128xf32, #tpu.memory_space<vmem>>) target(%dma_start3A_51 : memref<10240x128xf32, #tpu.memory_space<vmem_shared>>) offsets(%dma_start3A_48 : memref<128xi32, #tpu.memory_space<vmem>>) semaphore(%arg9 : memref<!tpu.dma_semaphore, #tpu.memory_space<semaphore_mem>>) {add = true}
      %run_scoped3A_52 = arith.constant 1 : i32
      "tpu.region"() ({
        %run_scoped3A_125 = tpu.sem_alloc : memref<!tpu.dma_semaphore, #tpu.memory_space<semaphore_mem>>
        %dma_start3A_126 = arith.constant 0 : i32
        %dma_start3A_127 = tpu.memref_slice %arg5[%run_scoped3A_52, %dma_start3A_126] : memref<40x128xi32, #tpu.memory_space<vmem>> -> memref<1x128xi32, #tpu.memory_space<vmem>>
        %dma_start3A_128 = tpu.memref_squeeze %dma_start3A_127 : memref<1x128xi32, #tpu.memory_space<vmem>> -> memref<128xi32, #tpu.memory_space<vmem>>
        %dma_start3A_129 = arith.constant 0 : i32
        %dma_start3A_130 = arith.constant 0 : i32
        %dma_start3A_131 = tpu.memref_slice %arg2[%dma_start3A_129, %dma_start3A_130] : memref<10000x128xf32, #tpu.memory_space<hbm>> -> memref<10000x128xf32, #tpu.memory_space<hbm>>
        tpu.enqueue_indirect_dma source(%dma_start3A_131 : memref<10000x128xf32, #tpu.memory_space<hbm>>) target(%arg8 : memref<128x128xf32, #tpu.memory_space<vmem>>) offsets(%dma_start3A_128 : memref<128xi32, #tpu.memory_space<vmem>>) semaphore(%run_scoped3A_125 : memref<!tpu.dma_semaphore, #tpu.memory_space<semaphore_mem>>)
        %dma_wait3A_132 = arith.constant 0 : i32
        %dma_wait3A_133 = tpu.memref_slice %arg5[%run_scoped3A_52, %dma_wait3A_132] : memref<40x128xi32, #tpu.memory_space<vmem>> -> memref<1x128xi32, #tpu.memory_space<vmem>>
        %dma_wait3A_134 = tpu.memref_squeeze %dma_wait3A_133 : memref<1x128xi32, #tpu.memory_space<vmem>> -> memref<128xi32, #tpu.memory_space<vmem>>
        %dma_wait3A_135 = arith.constant 0 : i32
        %dma_wait3A_136 = arith.constant 0 : i32
        %dma_wait3A_137 = tpu.memref_slice %arg2[%dma_wait3A_135, %dma_wait3A_136] : memref<10000x128xf32, #tpu.memory_space<hbm>> -> memref<10000x128xf32, #tpu.memory_space<hbm>>
        tpu.wait_indirect_dma semaphore(%run_scoped3A_125 : memref<!tpu.dma_semaphore, #tpu.memory_space<semaphore_mem>>) src(%dma_wait3A_137 : memref<10000x128xf32, #tpu.memory_space<hbm>>) dst(%arg8 : memref<128x128xf32, #tpu.memory_space<vmem>>)
        tpu.yield
      }) : () -> ()
      %dma_start3A_53 = arith.constant 1 : i32
      %dma_start3A_54 = arith.constant 0 : i32
      %dma_start3A_55 = tpu.memref_slice %arg6[%dma_start3A_53, %dma_start3A_54] : memref<40x128xi32, #tpu.memory_space<vmem>> -> memref<1x128xi32, #tpu.memory_space<vmem>>
      %dma_start3A_56 = tpu.memref_squeeze %dma_start3A_55 : memref<1x128xi32, #tpu.memory_space<vmem>> -> memref<128xi32, #tpu.memory_space<vmem>>
      %dma_start3A_57 = arith.constant 0 : i32
      %dma_start3A_58 = arith.constant 0 : i32
      %dma_start3A_59 = tpu.memref_slice %arg11[%dma_start3A_57, %dma_start3A_58] : memref<10240x128xf32, #tpu.memory_space<vmem_shared>> -> memref<10240x128xf32, #tpu.memory_space<vmem_shared>>
      tpu.enqueue_indirect_dma source(%arg8 : memref<128x128xf32, #tpu.memory_space<vmem>>) target(%dma_start3A_59 : memref<10240x128xf32, #tpu.memory_space<vmem_shared>>) offsets(%dma_start3A_56 : memref<128xi32, #tpu.memory_space<vmem>>) semaphore(%arg10 : memref<!tpu.dma_semaphore, #tpu.memory_space<semaphore_mem>>) {add = true}
      %scan3A_60 = arith.constant 0 : i32
      %scan3A_61 = arith.constant 1 : i32
      %scan3A_62 = arith.constant 19 : i32
      %scan3A_63 = arith.addi %scan3A_61, %scan3A_62 : i32
      %scan3A_64 = arith.constant 1 : i32
      scf.for %scan3A_125 = %scan3A_61 to %scan3A_63 step %scan3A_64  : i32 {
        %mul3A_126 = arith.constant 2 : i32
        %mul3A_127 = arith.muli %mul3A_126, %scan3A_125 : i32
        %dma_wait3A_128 = arith.constant 0 : i32
        %dma_wait3A_129 = arith.constant 0 : i32
        %dma_wait3A_130 = tpu.memref_slice %arg6[%dma_wait3A_128, %dma_wait3A_129] : memref<40x128xi32, #tpu.memory_space<vmem>> -> memref<1x128xi32, #tpu.memory_space<vmem>>
        %dma_wait3A_131 = tpu.memref_squeeze %dma_wait3A_130 : memref<1x128xi32, #tpu.memory_space<vmem>> -> memref<128xi32, #tpu.memory_space<vmem>>
        %dma_wait3A_132 = arith.constant 0 : i32
        %dma_wait3A_133 = arith.constant 0 : i32
        %dma_wait3A_134 = tpu.memref_slice %arg11[%dma_wait3A_132, %dma_wait3A_133] : memref<10240x128xf32, #tpu.memory_space<vmem_shared>> -> memref<10240x128xf32, #tpu.memory_space<vmem_shared>>
        tpu.wait_indirect_dma semaphore(%arg9 : memref<!tpu.dma_semaphore, #tpu.memory_space<semaphore_mem>>) src(%arg7 : memref<128x128xf32, #tpu.memory_space<vmem>>) dst(%dma_wait3A_134 : memref<10240x128xf32, #tpu.memory_space<vmem_shared>>)
        "tpu.region"() ({
          %run_scoped3A_158 = tpu.sem_alloc : memref<!tpu.dma_semaphore, #tpu.memory_space<semaphore_mem>>
          %dma_start3A_159 = arith.constant 0 : i32
          %dma_start3A_160 = tpu.memref_slice %arg5[%mul3A_127, %dma_start3A_159] : memref<40x128xi32, #tpu.memory_space<vmem>> -> memref<1x128xi32, #tpu.memory_space<vmem>>
          %dma_start3A_161 = tpu.memref_squeeze %dma_start3A_160 : memref<1x128xi32, #tpu.memory_space<vmem>> -> memref<128xi32, #tpu.memory_space<vmem>>
          %dma_start3A_162 = arith.constant 0 : i32
          %dma_start3A_163 = arith.constant 0 : i32
          %dma_start3A_164 = tpu.memref_slice %arg2[%dma_start3A_162, %dma_start3A_163] : memref<10000x128xf32, #tpu.memory_space<hbm>> -> memref<10000x128xf32, #tpu.memory_space<hbm>>
          tpu.enqueue_indirect_dma source(%dma_start3A_164 : memref<10000x128xf32, #tpu.memory_space<hbm>>) target(%arg7 : memref<128x128xf32, #tpu.memory_space<vmem>>) offsets(%dma_start3A_161 : memref<128xi32, #tpu.memory_space<vmem>>) semaphore(%run_scoped3A_158 : memref<!tpu.dma_semaphore, #tpu.memory_space<semaphore_mem>>)
          %dma_wait3A_165 = arith.constant 0 : i32
          %dma_wait3A_166 = tpu.memref_slice %arg5[%mul3A_127, %dma_wait3A_165] : memref<40x128xi32, #tpu.memory_space<vmem>> -> memref<1x128xi32, #tpu.memory_space<vmem>>
          %dma_wait3A_167 = tpu.memref_squeeze %dma_wait3A_166 : memref<1x128xi32, #tpu.memory_space<vmem>> -> memref<128xi32, #tpu.memory_space<vmem>>
          %dma_wait3A_168 = arith.constant 0 : i32
          %dma_wait3A_169 = arith.constant 0 : i32
          %dma_wait3A_170 = tpu.memref_slice %arg2[%dma_wait3A_168, %dma_wait3A_169] : memref<10000x128xf32, #tpu.memory_space<hbm>> -> memref<10000x128xf32, #tpu.memory_space<hbm>>
          tpu.wait_indirect_dma semaphore(%run_scoped3A_158 : memref<!tpu.dma_semaphore, #tpu.memory_space<semaphore_mem>>) src(%dma_wait3A_170 : memref<10000x128xf32, #tpu.memory_space<hbm>>) dst(%arg7 : memref<128x128xf32, #tpu.memory_space<vmem>>)
          tpu.yield
        }) : () -> ()
        %dma_start3A_135 = arith.constant 0 : i32
        %dma_start3A_136 = tpu.memref_slice %arg6[%mul3A_127, %dma_start3A_135] : memref<40x128xi32, #tpu.memory_space<vmem>> -> memref<1x128xi32, #tpu.memory_space<vmem>>
        %dma_start3A_137 = tpu.memref_squeeze %dma_start3A_136 : memref<1x128xi32, #tpu.memory_space<vmem>> -> memref<128xi32, #tpu.memory_space<vmem>>
        %dma_start3A_138 = arith.constant 0 : i32
        %dma_start3A_139 = arith.constant 0 : i32
        %dma_start3A_140 = tpu.memref_slice %arg11[%dma_start3A_138, %dma_start3A_139] : memref<10240x128xf32, #tpu.memory_space<vmem_shared>> -> memref<10240x128xf32, #tpu.memory_space<vmem_shared>>
        tpu.enqueue_indirect_dma source(%arg7 : memref<128x128xf32, #tpu.memory_space<vmem>>) target(%dma_start3A_140 : memref<10240x128xf32, #tpu.memory_space<vmem_shared>>) offsets(%dma_start3A_137 : memref<128xi32, #tpu.memory_space<vmem>>) semaphore(%arg9 : memref<!tpu.dma_semaphore, #tpu.memory_space<semaphore_mem>>) {add = true}
        %dma_wait3A_141 = arith.constant 0 : i32
        %dma_wait3A_142 = arith.constant 0 : i32
        %dma_wait3A_143 = tpu.memref_slice %arg6[%dma_wait3A_141, %dma_wait3A_142] : memref<40x128xi32, #tpu.memory_space<vmem>> -> memref<1x128xi32, #tpu.memory_space<vmem>>
        %dma_wait3A_144 = tpu.memref_squeeze %dma_wait3A_143 : memref<1x128xi32, #tpu.memory_space<vmem>> -> memref<128xi32, #tpu.memory_space<vmem>>
        %dma_wait3A_145 = arith.constant 0 : i32
        %dma_wait3A_146 = arith.constant 0 : i32
        %dma_wait3A_147 = tpu.memref_slice %arg11[%dma_wait3A_145, %dma_wait3A_146] : memref<10240x128xf32, #tpu.memory_space<vmem_shared>> -> memref<10240x128xf32, #tpu.memory_space<vmem_shared>>
        tpu.wait_indirect_dma semaphore(%arg10 : memref<!tpu.dma_semaphore, #tpu.memory_space<semaphore_mem>>) src(%arg8 : memref<128x128xf32, #tpu.memory_space<vmem>>) dst(%dma_wait3A_147 : memref<10240x128xf32, #tpu.memory_space<vmem_shared>>)
        %add3A_148 = arith.constant 1 : i32
        %add3A_149 = arith.addi %mul3A_127, %add3A_148 : i32
        "tpu.region"() ({
          %run_scoped3A_158 = tpu.sem_alloc : memref<!tpu.dma_semaphore, #tpu.memory_space<semaphore_mem>>
          %dma_start3A_159 = arith.constant 0 : i32
          %dma_start3A_160 = tpu.memref_slice %arg5[%add3A_149, %dma_start3A_159] : memref<40x128xi32, #tpu.memory_space<vmem>> -> memref<1x128xi32, #tpu.memory_space<vmem>>
          %dma_start3A_161 = tpu.memref_squeeze %dma_start3A_160 : memref<1x128xi32, #tpu.memory_space<vmem>> -> memref<128xi32, #tpu.memory_space<vmem>>
          %dma_start3A_162 = arith.constant 0 : i32
          %dma_start3A_163 = arith.constant 0 : i32
          %dma_start3A_164 = tpu.memref_slice %arg2[%dma_start3A_162, %dma_start3A_163] : memref<10000x128xf32, #tpu.memory_space<hbm>> -> memref<10000x128xf32, #tpu.memory_space<hbm>>
          tpu.enqueue_indirect_dma source(%dma_start3A_164 : memref<10000x128xf32, #tpu.memory_space<hbm>>) target(%arg8 : memref<128x128xf32, #tpu.memory_space<vmem>>) offsets(%dma_start3A_161 : memref<128xi32, #tpu.memory_space<vmem>>) semaphore(%run_scoped3A_158 : memref<!tpu.dma_semaphore, #tpu.memory_space<semaphore_mem>>)
          %dma_wait3A_165 = arith.constant 0 : i32
          %dma_wait3A_166 = tpu.memref_slice %arg5[%add3A_149, %dma_wait3A_165] : memref<40x128xi32, #tpu.memory_space<vmem>> -> memref<1x128xi32, #tpu.memory_space<vmem>>
          %dma_wait3A_167 = tpu.memref_squeeze %dma_wait3A_166 : memref<1x128xi32, #tpu.memory_space<vmem>> -> memref<128xi32, #tpu.memory_space<vmem>>
          %dma_wait3A_168 = arith.constant 0 : i32
          %dma_wait3A_169 = arith.constant 0 : i32
          %dma_wait3A_170 = tpu.memref_slice %arg2[%dma_wait3A_168, %dma_wait3A_169] : memref<10000x128xf32, #tpu.memory_space<hbm>> -> memref<10000x128xf32, #tpu.memory_space<hbm>>
          tpu.wait_indirect_dma semaphore(%run_scoped3A_158 : memref<!tpu.dma_semaphore, #tpu.memory_space<semaphore_mem>>) src(%dma_wait3A_170 : memref<10000x128xf32, #tpu.memory_space<hbm>>) dst(%arg8 : memref<128x128xf32, #tpu.memory_space<vmem>>)
          tpu.yield
        }) : () -> ()
        %add3A_150 = arith.constant 1 : i32
        %add3A_151 = arith.addi %mul3A_127, %add3A_150 : i32
        %dma_start3A_152 = arith.constant 0 : i32
        %dma_start3A_153 = tpu.memref_slice %arg6[%add3A_151, %dma_start3A_152] : memref<40x128xi32, #tpu.memory_space<vmem>> -> memref<1x128xi32, #tpu.memory_space<vmem>>
        %dma_start3A_154 = tpu.memref_squeeze %dma_start3A_153 : memref<1x128xi32, #tpu.memory_space<vmem>> -> memref<128xi32, #tpu.memory_space<vmem>>
        %dma_start3A_155 = arith.constant 0 : i32
        %dma_start3A_156 = arith.constant 0 : i32
        %dma_start3A_157 = tpu.memref_slice %arg11[%dma_start3A_155, %dma_start3A_156] : memref<10240x128xf32, #tpu.memory_space<vmem_shared>> -> memref<10240x128xf32, #tpu.memory_space<vmem_shared>>
        tpu.enqueue_indirect_dma source(%arg8 : memref<128x128xf32, #tpu.memory_space<vmem>>) target(%dma_start3A_157 : memref<10240x128xf32, #tpu.memory_space<vmem_shared>>) offsets(%dma_start3A_154 : memref<128xi32, #tpu.memory_space<vmem>>) semaphore(%arg10 : memref<!tpu.dma_semaphore, #tpu.memory_space<semaphore_mem>>) {add = true}
      }
      %scan3A_65 = arith.constant 19 : i32
      %dma_wait3A = arith.constant 0 : i32
      %dma_wait3A_66 = arith.constant 0 : i32
      %dma_wait3A_67 = tpu.memref_slice %arg6[%dma_wait3A, %dma_wait3A_66] : memref<40x128xi32, #tpu.memory_space<vmem>> -> memref<1x128xi32, #tpu.memory_space<vmem>>
      %dma_wait3A_68 = tpu.memref_squeeze %dma_wait3A_67 : memref<1x128xi32, #tpu.memory_space<vmem>> -> memref<128xi32, #tpu.memory_space<vmem>>
      %dma_wait3A_69 = arith.constant 0 : i32
      %dma_wait3A_70 = arith.constant 0 : i32
      %dma_wait3A_71 = tpu.memref_slice %arg11[%dma_wait3A_69, %dma_wait3A_70] : memref<10240x128xf32, #tpu.memory_space<vmem_shared>> -> memref<10240x128xf32, #tpu.memory_space<vmem_shared>>
      tpu.wait_indirect_dma semaphore(%arg9 : memref<!tpu.dma_semaphore, #tpu.memory_space<semaphore_mem>>) src(%arg7 : memref<128x128xf32, #tpu.memory_space<vmem>>) dst(%dma_wait3A_71 : memref<10240x128xf32, #tpu.memory_space<vmem_shared>>)
      %dma_wait3A_72 = arith.constant 0 : i32
      %dma_wait3A_73 = arith.constant 0 : i32
      %dma_wait3A_74 = tpu.memref_slice %arg6[%dma_wait3A_72, %dma_wait3A_73] : memref<40x128xi32, #tpu.memory_space<vmem>> -> memref<1x128xi32, #tpu.memory_space<vmem>>
      %dma_wait3A_75 = tpu.memref_squeeze %dma_wait3A_74 : memref<1x128xi32, #tpu.memory_space<vmem>> -> memref<128xi32, #tpu.memory_space<vmem>>
      %dma_wait3A_76 = arith.constant 0 : i32
      %dma_wait3A_77 = arith.constant 0 : i32
      %dma_wait3A_78 = tpu.memref_slice %arg11[%dma_wait3A_76, %dma_wait3A_77] : memref<10240x128xf32, #tpu.memory_space<vmem_shared>> -> memref<10240x128xf32, #tpu.memory_space<vmem_shared>>
      tpu.wait_indirect_dma semaphore(%arg10 : memref<!tpu.dma_semaphore, #tpu.memory_space<semaphore_mem>>) src(%arg8 : memref<128x128xf32, #tpu.memory_space<vmem>>) dst(%dma_wait3A_78 : memref<10240x128xf32, #tpu.memory_space<vmem_shared>>)
      %mul3A_79 = arith.constant 80 : i32
      %mul3A_80 = arith.muli %add3A, %mul3A_79 : i32
      %add3A_81 = arith.constant 40 : i32
      %add3A_82 = arith.addi %mul3A_80, %add3A_81 : i32
      %run_scoped3A_83 = arith.constant 0 : i32
      "tpu.region"() ({
        %run_scoped3A_125 = tpu.sem_alloc : memref<!tpu.dma_semaphore, #tpu.memory_space<semaphore_mem>>
        %dma_start3A_126 = arith.constant 0 : i32
        %dma_start3A_127 = tpu.memref_slice %arg3[%run_scoped3A_83, %add3A_82, %dma_start3A_126] : memref<2x2500x128xi32, #tpu.memory_space<hbm>> -> memref<1x40x128xi32, #tpu.memory_space<hbm>>
        %dma_start3A_128 = tpu.memref_squeeze %dma_start3A_127 : memref<1x40x128xi32, #tpu.memory_space<hbm>> -> memref<40x128xi32, #tpu.memory_space<hbm>>
        %dma_start3A_129 = arith.constant 0 : i32
        %dma_start3A_130 = tpu.memref_slice %arg3[%run_scoped3A_83, %add3A_82, %dma_start3A_129] : memref<2x2500x128xi32, #tpu.memory_space<hbm>> -> memref<1x40x128xi32, #tpu.memory_space<hbm>>
        %dma_start3A_131 = tpu.memref_squeeze %dma_start3A_130 : memref<1x40x128xi32, #tpu.memory_space<hbm>> -> memref<40x128xi32, #tpu.memory_space<hbm>>
        tpu.enqueue_dma source(%dma_start3A_131 : memref<40x128xi32, #tpu.memory_space<hbm>>) target(%arg5 : memref<40x128xi32, #tpu.memory_space<vmem>>) target_semaphore(%run_scoped3A_125 : memref<!tpu.dma_semaphore, #tpu.memory_space<semaphore_mem>>)
        %dma_wait3A_132 = arith.constant 0 : i32
        %dma_wait3A_133 = tpu.memref_slice %arg3[%run_scoped3A_83, %add3A_82, %dma_wait3A_132] : memref<2x2500x128xi32, #tpu.memory_space<hbm>> -> memref<1x40x128xi32, #tpu.memory_space<hbm>>
        %dma_wait3A_134 = tpu.memref_squeeze %dma_wait3A_133 : memref<1x40x128xi32, #tpu.memory_space<hbm>> -> memref<40x128xi32, #tpu.memory_space<hbm>>
        %dma_wait3A_135 = arith.constant 0 : i32
        %dma_wait3A_136 = tpu.memref_slice %arg3[%run_scoped3A_83, %add3A_82, %dma_wait3A_135] : memref<2x2500x128xi32, #tpu.memory_space<hbm>> -> memref<1x40x128xi32, #tpu.memory_space<hbm>>
        %dma_wait3A_137 = tpu.memref_squeeze %dma_wait3A_136 : memref<1x40x128xi32, #tpu.memory_space<hbm>> -> memref<40x128xi32, #tpu.memory_space<hbm>>
        tpu.wait_dma2 semaphore(%run_scoped3A_125 : memref<!tpu.dma_semaphore, #tpu.memory_space<semaphore_mem>>) src(%dma_wait3A_137 : memref<40x128xi32, #tpu.memory_space<hbm>>) dst(%arg5 : memref<40x128xi32, #tpu.memory_space<vmem>>)
        tpu.yield
      }) : () -> ()
      %mul3A_84 = arith.constant 80 : i32
      %mul3A_85 = arith.muli %add3A, %mul3A_84 : i32
      %add3A_86 = arith.constant 40 : i32
      %add3A_87 = arith.addi %mul3A_85, %add3A_86 : i32
      %run_scoped3A_88 = arith.constant 1 : i32
      "tpu.region"() ({
        %run_scoped3A_125 = tpu.sem_alloc : memref<!tpu.dma_semaphore, #tpu.memory_space<semaphore_mem>>
        %dma_start3A_126 = arith.constant 0 : i32
        %dma_start3A_127 = tpu.memref_slice %arg3[%run_scoped3A_88, %add3A_87, %dma_start3A_126] : memref<2x2500x128xi32, #tpu.memory_space<hbm>> -> memref<1x40x128xi32, #tpu.memory_space<hbm>>
        %dma_start3A_128 = tpu.memref_squeeze %dma_start3A_127 : memref<1x40x128xi32, #tpu.memory_space<hbm>> -> memref<40x128xi32, #tpu.memory_space<hbm>>
        %dma_start3A_129 = arith.constant 0 : i32
        %dma_start3A_130 = tpu.memref_slice %arg3[%run_scoped3A_88, %add3A_87, %dma_start3A_129] : memref<2x2500x128xi32, #tpu.memory_space<hbm>> -> memref<1x40x128xi32, #tpu.memory_space<hbm>>
        %dma_start3A_131 = tpu.memref_squeeze %dma_start3A_130 : memref<1x40x128xi32, #tpu.memory_space<hbm>> -> memref<40x128xi32, #tpu.memory_space<hbm>>
        tpu.enqueue_dma source(%dma_start3A_131 : memref<40x128xi32, #tpu.memory_space<hbm>>) target(%arg6 : memref<40x128xi32, #tpu.memory_space<vmem>>) target_semaphore(%run_scoped3A_125 : memref<!tpu.dma_semaphore, #tpu.memory_space<semaphore_mem>>)
        %dma_wait3A_132 = arith.constant 0 : i32
        %dma_wait3A_133 = tpu.memref_slice %arg3[%run_scoped3A_88, %add3A_87, %dma_wait3A_132] : memref<2x2500x128xi32, #tpu.memory_space<hbm>> -> memref<1x40x128xi32, #tpu.memory_space<hbm>>
        %dma_wait3A_134 = tpu.memref_squeeze %dma_wait3A_133 : memref<1x40x128xi32, #tpu.memory_space<hbm>> -> memref<40x128xi32, #tpu.memory_space<hbm>>
        %dma_wait3A_135 = arith.constant 0 : i32
        %dma_wait3A_136 = tpu.memref_slice %arg3[%run_scoped3A_88, %add3A_87, %dma_wait3A_135] : memref<2x2500x128xi32, #tpu.memory_space<hbm>> -> memref<1x40x128xi32, #tpu.memory_space<hbm>>
        %dma_wait3A_137 = tpu.memref_squeeze %dma_wait3A_136 : memref<1x40x128xi32, #tpu.memory_space<hbm>> -> memref<40x128xi32, #tpu.memory_space<hbm>>
        tpu.wait_dma2 semaphore(%run_scoped3A_125 : memref<!tpu.dma_semaphore, #tpu.memory_space<semaphore_mem>>) src(%dma_wait3A_137 : memref<40x128xi32, #tpu.memory_space<hbm>>) dst(%arg6 : memref<40x128xi32, #tpu.memory_space<vmem>>)
        tpu.yield
      }) : () -> ()
      %run_scoped3A_89 = arith.constant 0 : i32
      "tpu.region"() ({
        %run_scoped3A_125 = tpu.sem_alloc : memref<!tpu.dma_semaphore, #tpu.memory_space<semaphore_mem>>
        %dma_start3A_126 = arith.constant 0 : i32
        %dma_start3A_127 = tpu.memref_slice %arg5[%run_scoped3A_89, %dma_start3A_126] : memref<40x128xi32, #tpu.memory_space<vmem>> -> memref<1x128xi32, #tpu.memory_space<vmem>>
        %dma_start3A_128 = tpu.memref_squeeze %dma_start3A_127 : memref<1x128xi32, #tpu.memory_space<vmem>> -> memref<128xi32, #tpu.memory_space<vmem>>
        %dma_start3A_129 = arith.constant 0 : i32
        %dma_start3A_130 = arith.constant 0 : i32
        %dma_start3A_131 = tpu.memref_slice %arg2[%dma_start3A_129, %dma_start3A_130] : memref<10000x128xf32, #tpu.memory_space<hbm>> -> memref<10000x128xf32, #tpu.memory_space<hbm>>
        tpu.enqueue_indirect_dma source(%dma_start3A_131 : memref<10000x128xf32, #tpu.memory_space<hbm>>) target(%arg7 : memref<128x128xf32, #tpu.memory_space<vmem>>) offsets(%dma_start3A_128 : memref<128xi32, #tpu.memory_space<vmem>>) semaphore(%run_scoped3A_125 : memref<!tpu.dma_semaphore, #tpu.memory_space<semaphore_mem>>)
        %dma_wait3A_132 = arith.constant 0 : i32
        %dma_wait3A_133 = tpu.memref_slice %arg5[%run_scoped3A_89, %dma_wait3A_132] : memref<40x128xi32, #tpu.memory_space<vmem>> -> memref<1x128xi32, #tpu.memory_space<vmem>>
        %dma_wait3A_134 = tpu.memref_squeeze %dma_wait3A_133 : memref<1x128xi32, #tpu.memory_space<vmem>> -> memref<128xi32, #tpu.memory_space<vmem>>
        %dma_wait3A_135 = arith.constant 0 : i32
        %dma_wait3A_136 = arith.constant 0 : i32
        %dma_wait3A_137 = tpu.memref_slice %arg2[%dma_wait3A_135, %dma_wait3A_136] : memref<10000x128xf32, #tpu.memory_space<hbm>> -> memref<10000x128xf32, #tpu.memory_space<hbm>>
        tpu.wait_indirect_dma semaphore(%run_scoped3A_125 : memref<!tpu.dma_semaphore, #tpu.memory_space<semaphore_mem>>) src(%dma_wait3A_137 : memref<10000x128xf32, #tpu.memory_space<hbm>>) dst(%arg7 : memref<128x128xf32, #tpu.memory_space<vmem>>)
        tpu.yield
      }) : () -> ()
      %dma_start3A_90 = arith.constant 0 : i32
      %dma_start3A_91 = arith.constant 0 : i32
      %dma_start3A_92 = tpu.memref_slice %arg6[%dma_start3A_90, %dma_start3A_91] : memref<40x128xi32, #tpu.memory_space<vmem>> -> memref<1x128xi32, #tpu.memory_space<vmem>>
      %dma_start3A_93 = tpu.memref_squeeze %dma_start3A_92 : memref<1x128xi32, #tpu.memory_space<vmem>> -> memref<128xi32, #tpu.memory_space<vmem>>
      %dma_start3A_94 = arith.constant 0 : i32
      %dma_start3A_95 = arith.constant 0 : i32
      %dma_start3A_96 = tpu.memref_slice %arg11[%dma_start3A_94, %dma_start3A_95] : memref<10240x128xf32, #tpu.memory_space<vmem_shared>> -> memref<10240x128xf32, #tpu.memory_space<vmem_shared>>
      tpu.enqueue_indirect_dma source(%arg7 : memref<128x128xf32, #tpu.memory_space<vmem>>) target(%dma_start3A_96 : memref<10240x128xf32, #tpu.memory_space<vmem_shared>>) offsets(%dma_start3A_93 : memref<128xi32, #tpu.memory_space<vmem>>) semaphore(%arg9 : memref<!tpu.dma_semaphore, #tpu.memory_space<semaphore_mem>>) {add = true}
      %run_scoped3A_97 = arith.constant 1 : i32
      "tpu.region"() ({
        %run_scoped3A_125 = tpu.sem_alloc : memref<!tpu.dma_semaphore, #tpu.memory_space<semaphore_mem>>
        %dma_start3A_126 = arith.constant 0 : i32
        %dma_start3A_127 = tpu.memref_slice %arg5[%run_scoped3A_97, %dma_start3A_126] : memref<40x128xi32, #tpu.memory_space<vmem>> -> memref<1x128xi32, #tpu.memory_space<vmem>>
        %dma_start3A_128 = tpu.memref_squeeze %dma_start3A_127 : memref<1x128xi32, #tpu.memory_space<vmem>> -> memref<128xi32, #tpu.memory_space<vmem>>
        %dma_start3A_129 = arith.constant 0 : i32
        %dma_start3A_130 = arith.constant 0 : i32
        %dma_start3A_131 = tpu.memref_slice %arg2[%dma_start3A_129, %dma_start3A_130] : memref<10000x128xf32, #tpu.memory_space<hbm>> -> memref<10000x128xf32, #tpu.memory_space<hbm>>
        tpu.enqueue_indirect_dma source(%dma_start3A_131 : memref<10000x128xf32, #tpu.memory_space<hbm>>) target(%arg8 : memref<128x128xf32, #tpu.memory_space<vmem>>) offsets(%dma_start3A_128 : memref<128xi32, #tpu.memory_space<vmem>>) semaphore(%run_scoped3A_125 : memref<!tpu.dma_semaphore, #tpu.memory_space<semaphore_mem>>)
        %dma_wait3A_132 = arith.constant 0 : i32
        %dma_wait3A_133 = tpu.memref_slice %arg5[%run_scoped3A_97, %dma_wait3A_132] : memref<40x128xi32, #tpu.memory_space<vmem>> -> memref<1x128xi32, #tpu.memory_space<vmem>>
        %dma_wait3A_134 = tpu.memref_squeeze %dma_wait3A_133 : memref<1x128xi32, #tpu.memory_space<vmem>> -> memref<128xi32, #tpu.memory_space<vmem>>
        %dma_wait3A_135 = arith.constant 0 : i32
        %dma_wait3A_136 = arith.constant 0 : i32
        %dma_wait3A_137 = tpu.memref_slice %arg2[%dma_wait3A_135, %dma_wait3A_136] : memref<10000x128xf32, #tpu.memory_space<hbm>> -> memref<10000x128xf32, #tpu.memory_space<hbm>>
        tpu.wait_indirect_dma semaphore(%run_scoped3A_125 : memref<!tpu.dma_semaphore, #tpu.memory_space<semaphore_mem>>) src(%dma_wait3A_137 : memref<10000x128xf32, #tpu.memory_space<hbm>>) dst(%arg8 : memref<128x128xf32, #tpu.memory_space<vmem>>)
        tpu.yield
      }) : () -> ()
      %dma_start3A_98 = arith.constant 1 : i32
      %dma_start3A_99 = arith.constant 0 : i32
      %dma_start3A_100 = tpu.memref_slice %arg6[%dma_start3A_98, %dma_start3A_99] : memref<40x128xi32, #tpu.memory_space<vmem>> -> memref<1x128xi32, #tpu.memory_space<vmem>>
      %dma_start3A_101 = tpu.memref_squeeze %dma_start3A_100 : memref<1x128xi32, #tpu.memory_space<vmem>> -> memref<128xi32, #tpu.memory_space<vmem>>
      %dma_start3A_102 = arith.constant 0 : i32
      %dma_start3A_103 = arith.constant 0 : i32
      %dma_start3A_104 = tpu.memref_slice %arg11[%dma_start3A_102, %dma_start3A_103] : memref<10240x128xf32, #tpu.memory_space<vmem_shared>> -> memref<10240x128xf32, #tpu.memory_space<vmem_shared>>
      tpu.enqueue_indirect_dma source(%arg8 : memref<128x128xf32, #tpu.memory_space<vmem>>) target(%dma_start3A_104 : memref<10240x128xf32, #tpu.memory_space<vmem_shared>>) offsets(%dma_start3A_101 : memref<128xi32, #tpu.memory_space<vmem>>) semaphore(%arg10 : memref<!tpu.dma_semaphore, #tpu.memory_space<semaphore_mem>>) {add = true}
      %scan3A_105 = arith.constant 0 : i32
      %scan3A_106 = arith.constant 1 : i32
      %scan3A_107 = arith.constant 19 : i32
      %scan3A_108 = arith.addi %scan3A_106, %scan3A_107 : i32
      %scan3A_109 = arith.constant 1 : i32
      scf.for %scan3A_125 = %scan3A_106 to %scan3A_108 step %scan3A_109  : i32 {
        %mul3A_126 = arith.constant 2 : i32
        %mul3A_127 = arith.muli %mul3A_126, %scan3A_125 : i32
        %dma_wait3A_128 = arith.constant 0 : i32
        %dma_wait3A_129 = arith.constant 0 : i32
        %dma_wait3A_130 = tpu.memref_slice %arg6[%dma_wait3A_128, %dma_wait3A_129] : memref<40x128xi32, #tpu.memory_space<vmem>> -> memref<1x128xi32, #tpu.memory_space<vmem>>
        %dma_wait3A_131 = tpu.memref_squeeze %dma_wait3A_130 : memref<1x128xi32, #tpu.memory_space<vmem>> -> memref<128xi32, #tpu.memory_space<vmem>>
        %dma_wait3A_132 = arith.constant 0 : i32
        %dma_wait3A_133 = arith.constant 0 : i32
        %dma_wait3A_134 = tpu.memref_slice %arg11[%dma_wait3A_132, %dma_wait3A_133] : memref<10240x128xf32, #tpu.memory_space<vmem_shared>> -> memref<10240x128xf32, #tpu.memory_space<vmem_shared>>
        tpu.wait_indirect_dma semaphore(%arg9 : memref<!tpu.dma_semaphore, #tpu.memory_space<semaphore_mem>>) src(%arg7 : memref<128x128xf32, #tpu.memory_space<vmem>>) dst(%dma_wait3A_134 : memref<10240x128xf32, #tpu.memory_space<vmem_shared>>)
        "tpu.region"() ({
          %run_scoped3A_158 = tpu.sem_alloc : memref<!tpu.dma_semaphore, #tpu.memory_space<semaphore_mem>>
          %dma_start3A_159 = arith.constant 0 : i32
          %dma_start3A_160 = tpu.memref_slice %arg5[%mul3A_127, %dma_start3A_159] : memref<40x128xi32, #tpu.memory_space<vmem>> -> memref<1x128xi32, #tpu.memory_space<vmem>>
          %dma_start3A_161 = tpu.memref_squeeze %dma_start3A_160 : memref<1x128xi32, #tpu.memory_space<vmem>> -> memref<128xi32, #tpu.memory_space<vmem>>
          %dma_start3A_162 = arith.constant 0 : i32
          %dma_start3A_163 = arith.constant 0 : i32
          %dma_start3A_164 = tpu.memref_slice %arg2[%dma_start3A_162, %dma_start3A_163] : memref<10000x128xf32, #tpu.memory_space<hbm>> -> memref<10000x128xf32, #tpu.memory_space<hbm>>
          tpu.enqueue_indirect_dma source(%dma_start3A_164 : memref<10000x128xf32, #tpu.memory_space<hbm>>) target(%arg7 : memref<128x128xf32, #tpu.memory_space<vmem>>) offsets(%dma_start3A_161 : memref<128xi32, #tpu.memory_space<vmem>>) semaphore(%run_scoped3A_158 : memref<!tpu.dma_semaphore, #tpu.memory_space<semaphore_mem>>)
          %dma_wait3A_165 = arith.constant 0 : i32
          %dma_wait3A_166 = tpu.memref_slice %arg5[%mul3A_127, %dma_wait3A_165] : memref<40x128xi32, #tpu.memory_space<vmem>> -> memref<1x128xi32, #tpu.memory_space<vmem>>
          %dma_wait3A_167 = tpu.memref_squeeze %dma_wait3A_166 : memref<1x128xi32, #tpu.memory_space<vmem>> -> memref<128xi32, #tpu.memory_space<vmem>>
          %dma_wait3A_168 = arith.constant 0 : i32
          %dma_wait3A_169 = arith.constant 0 : i32
          %dma_wait3A_170 = tpu.memref_slice %arg2[%dma_wait3A_168, %dma_wait3A_169] : memref<10000x128xf32, #tpu.memory_space<hbm>> -> memref<10000x128xf32, #tpu.memory_space<hbm>>
          tpu.wait_indirect_dma semaphore(%run_scoped3A_158 : memref<!tpu.dma_semaphore, #tpu.memory_space<semaphore_mem>>) src(%dma_wait3A_170 : memref<10000x128xf32, #tpu.memory_space<hbm>>) dst(%arg7 : memref<128x128xf32, #tpu.memory_space<vmem>>)
          tpu.yield
        }) : () -> ()
        %dma_start3A_135 = arith.constant 0 : i32
        %dma_start3A_136 = tpu.memref_slice %arg6[%mul3A_127, %dma_start3A_135] : memref<40x128xi32, #tpu.memory_space<vmem>> -> memref<1x128xi32, #tpu.memory_space<vmem>>
        %dma_start3A_137 = tpu.memref_squeeze %dma_start3A_136 : memref<1x128xi32, #tpu.memory_space<vmem>> -> memref<128xi32, #tpu.memory_space<vmem>>
        %dma_start3A_138 = arith.constant 0 : i32
        %dma_start3A_139 = arith.constant 0 : i32
        %dma_start3A_140 = tpu.memref_slice %arg11[%dma_start3A_138, %dma_start3A_139] : memref<10240x128xf32, #tpu.memory_space<vmem_shared>> -> memref<10240x128xf32, #tpu.memory_space<vmem_shared>>
        tpu.enqueue_indirect_dma source(%arg7 : memref<128x128xf32, #tpu.memory_space<vmem>>) target(%dma_start3A_140 : memref<10240x128xf32, #tpu.memory_space<vmem_shared>>) offsets(%dma_start3A_137 : memref<128xi32, #tpu.memory_space<vmem>>) semaphore(%arg9 : memref<!tpu.dma_semaphore, #tpu.memory_space<semaphore_mem>>) {add = true}
        %dma_wait3A_141 = arith.constant 0 : i32
        %dma_wait3A_142 = arith.constant 0 : i32
        %dma_wait3A_143 = tpu.memref_slice %arg6[%dma_wait3A_141, %dma_wait3A_142] : memref<40x128xi32, #tpu.memory_space<vmem>> -> memref<1x128xi32, #tpu.memory_space<vmem>>
        %dma_wait3A_144 = tpu.memref_squeeze %dma_wait3A_143 : memref<1x128xi32, #tpu.memory_space<vmem>> -> memref<128xi32, #tpu.memory_space<vmem>>
        %dma_wait3A_145 = arith.constant 0 : i32
        %dma_wait3A_146 = arith.constant 0 : i32
        %dma_wait3A_147 = tpu.memref_slice %arg11[%dma_wait3A_145, %dma_wait3A_146] : memref<10240x128xf32, #tpu.memory_space<vmem_shared>> -> memref<10240x128xf32, #tpu.memory_space<vmem_shared>>
        tpu.wait_indirect_dma semaphore(%arg10 : memref<!tpu.dma_semaphore, #tpu.memory_space<semaphore_mem>>) src(%arg8 : memref<128x128xf32, #tpu.memory_space<vmem>>) dst(%dma_wait3A_147 : memref<10240x128xf32, #tpu.memory_space<vmem_shared>>)
        %add3A_148 = arith.constant 1 : i32
        %add3A_149 = arith.addi %mul3A_127, %add3A_148 : i32
        "tpu.region"() ({
          %run_scoped3A_158 = tpu.sem_alloc : memref<!tpu.dma_semaphore, #tpu.memory_space<semaphore_mem>>
          %dma_start3A_159 = arith.constant 0 : i32
          %dma_start3A_160 = tpu.memref_slice %arg5[%add3A_149, %dma_start3A_159] : memref<40x128xi32, #tpu.memory_space<vmem>> -> memref<1x128xi32, #tpu.memory_space<vmem>>
          %dma_start3A_161 = tpu.memref_squeeze %dma_start3A_160 : memref<1x128xi32, #tpu.memory_space<vmem>> -> memref<128xi32, #tpu.memory_space<vmem>>
          %dma_start3A_162 = arith.constant 0 : i32
          %dma_start3A_163 = arith.constant 0 : i32
          %dma_start3A_164 = tpu.memref_slice %arg2[%dma_start3A_162, %dma_start3A_163] : memref<10000x128xf32, #tpu.memory_space<hbm>> -> memref<10000x128xf32, #tpu.memory_space<hbm>>
          tpu.enqueue_indirect_dma source(%dma_start3A_164 : memref<10000x128xf32, #tpu.memory_space<hbm>>) target(%arg8 : memref<128x128xf32, #tpu.memory_space<vmem>>) offsets(%dma_start3A_161 : memref<128xi32, #tpu.memory_space<vmem>>) semaphore(%run_scoped3A_158 : memref<!tpu.dma_semaphore, #tpu.memory_space<semaphore_mem>>)
          %dma_wait3A_165 = arith.constant 0 : i32
          %dma_wait3A_166 = tpu.memref_slice %arg5[%add3A_149, %dma_wait3A_165] : memref<40x128xi32, #tpu.memory_space<vmem>> -> memref<1x128xi32, #tpu.memory_space<vmem>>
          %dma_wait3A_167 = tpu.memref_squeeze %dma_wait3A_166 : memref<1x128xi32, #tpu.memory_space<vmem>> -> memref<128xi32, #tpu.memory_space<vmem>>
          %dma_wait3A_168 = arith.constant 0 : i32
          %dma_wait3A_169 = arith.constant 0 : i32
          %dma_wait3A_170 = tpu.memref_slice %arg2[%dma_wait3A_168, %dma_wait3A_169] : memref<10000x128xf32, #tpu.memory_space<hbm>> -> memref<10000x128xf32, #tpu.memory_space<hbm>>
          tpu.wait_indirect_dma semaphore(%run_scoped3A_158 : memref<!tpu.dma_semaphore, #tpu.memory_space<semaphore_mem>>) src(%dma_wait3A_170 : memref<10000x128xf32, #tpu.memory_space<hbm>>) dst(%arg8 : memref<128x128xf32, #tpu.memory_space<vmem>>)
          tpu.yield
        }) : () -> ()
        %add3A_150 = arith.constant 1 : i32
        %add3A_151 = arith.addi %mul3A_127, %add3A_150 : i32
        %dma_start3A_152 = arith.constant 0 : i32
        %dma_start3A_153 = tpu.memref_slice %arg6[%add3A_151, %dma_start3A_152] : memref<40x128xi32, #tpu.memory_space<vmem>> -> memref<1x128xi32, #tpu.memory_space<vmem>>
        %dma_start3A_154 = tpu.memref_squeeze %dma_start3A_153 : memref<1x128xi32, #tpu.memory_space<vmem>> -> memref<128xi32, #tpu.memory_space<vmem>>
        %dma_start3A_155 = arith.constant 0 : i32
        %dma_start3A_156 = arith.constant 0 : i32
        %dma_start3A_157 = tpu.memref_slice %arg11[%dma_start3A_155, %dma_start3A_156] : memref<10240x128xf32, #tpu.memory_space<vmem_shared>> -> memref<10240x128xf32, #tpu.memory_space<vmem_shared>>
        tpu.enqueue_indirect_dma source(%arg8 : memref<128x128xf32, #tpu.memory_space<vmem>>) target(%dma_start3A_157 : memref<10240x128xf32, #tpu.memory_space<vmem_shared>>) offsets(%dma_start3A_154 : memref<128xi32, #tpu.memory_space<vmem>>) semaphore(%arg10 : memref<!tpu.dma_semaphore, #tpu.memory_space<semaphore_mem>>) {add = true}
      }
      %scan3A_110 = arith.constant 19 : i32
      %dma_wait3A_111 = arith.constant 0 : i32
      %dma_wait3A_112 = arith.constant 0 : i32
      %dma_wait3A_113 = tpu.memref_slice %arg6[%dma_wait3A_111, %dma_wait3A_112] : memref<40x128xi32, #tpu.memory_space<vmem>> -> memref<1x128xi32, #tpu.memory_space<vmem>>
      %dma_wait3A_114 = tpu.memref_squeeze %dma_wait3A_113 : memref<1x128xi32, #tpu.memory_space<vmem>> -> memref<128xi32, #tpu.memory_space<vmem>>
      %dma_wait3A_115 = arith.constant 0 : i32
      %dma_wait3A_116 = arith.constant 0 : i32
      %dma_wait3A_117 = tpu.memref_slice %arg11[%dma_wait3A_115, %dma_wait3A_116] : memref<10240x128xf32, #tpu.memory_space<vmem_shared>> -> memref<10240x128xf32, #tpu.memory_space<vmem_shared>>
      tpu.wait_indirect_dma semaphore(%arg9 : memref<!tpu.dma_semaphore, #tpu.memory_space<semaphore_mem>>) src(%arg7 : memref<128x128xf32, #tpu.memory_space<vmem>>) dst(%dma_wait3A_117 : memref<10240x128xf32, #tpu.memory_space<vmem_shared>>)
      %dma_wait3A_118 = arith.constant 0 : i32
      %dma_wait3A_119 = arith.constant 0 : i32
      %dma_wait3A_120 = tpu.memref_slice %arg6[%dma_wait3A_118, %dma_wait3A_119] : memref<40x128xi32, #tpu.memory_space<vmem>> -> memref<1x128xi32, #tpu.memory_space<vmem>>
      %dma_wait3A_121 = tpu.memref_squeeze %dma_wait3A_120 : memref<1x128xi32, #tpu.memory_space<vmem>> -> memref<128xi32, #tpu.memory_space<vmem>>
      %dma_wait3A_122 = arith.constant 0 : i32
      %dma_wait3A_123 = arith.constant 0 : i32
      %dma_wait3A_124 = tpu.memref_slice %arg11[%dma_wait3A_122, %dma_wait3A_123] : memref<10240x128xf32, #tpu.memory_space<vmem_shared>> -> memref<10240x128xf32, #tpu.memory_space<vmem_shared>>
      tpu.wait_indirect_dma semaphore(%arg10 : memref<!tpu.dma_semaphore, #tpu.memory_space<semaphore_mem>>) src(%arg8 : memref<128x128xf32, #tpu.memory_space<vmem>>) dst(%dma_wait3A_124 : memref<10240x128xf32, #tpu.memory_space<vmem_shared>>)
    } else {
    }
    %convert_element_type3A_38 = arith.extui %eq3A_1 : i1 to i32
    %cond3A_39 = arith.constant 0 : i32
    %cond3A_40 = arith.cmpi ne, %convert_element_type3A_38, %cond3A_39 : i32
    scf.if %cond3A_40 {
      %run_scoped3A = arith.constant 0 : i32
      "tpu.region"() ({
        %run_scoped3A_79 = tpu.sem_alloc : memref<!tpu.dma_semaphore, #tpu.memory_space<semaphore_mem>>
        %dma_start3A_80 = arith.constant 0 : i32
        %dma_start3A_81 = tpu.memref_slice %arg5[%run_scoped3A, %dma_start3A_80] : memref<40x128xi32, #tpu.memory_space<vmem>> -> memref<1x128xi32, #tpu.memory_space<vmem>>
        %dma_start3A_82 = tpu.memref_squeeze %dma_start3A_81 : memref<1x128xi32, #tpu.memory_space<vmem>> -> memref<128xi32, #tpu.memory_space<vmem>>
        %dma_start3A_83 = arith.constant 0 : i32
        %dma_start3A_84 = arith.constant 0 : i32
        %dma_start3A_85 = tpu.memref_slice %arg2[%dma_start3A_83, %dma_start3A_84] : memref<10000x128xf32, #tpu.memory_space<hbm>> -> memref<10000x128xf32, #tpu.memory_space<hbm>>
        tpu.enqueue_indirect_dma source(%dma_start3A_85 : memref<10000x128xf32, #tpu.memory_space<hbm>>) target(%arg7 : memref<128x128xf32, #tpu.memory_space<vmem>>) offsets(%dma_start3A_82 : memref<128xi32, #tpu.memory_space<vmem>>) semaphore(%run_scoped3A_79 : memref<!tpu.dma_semaphore, #tpu.memory_space<semaphore_mem>>)
        %dma_wait3A_86 = arith.constant 0 : i32
        %dma_wait3A_87 = tpu.memref_slice %arg5[%run_scoped3A, %dma_wait3A_86] : memref<40x128xi32, #tpu.memory_space<vmem>> -> memref<1x128xi32, #tpu.memory_space<vmem>>
        %dma_wait3A_88 = tpu.memref_squeeze %dma_wait3A_87 : memref<1x128xi32, #tpu.memory_space<vmem>> -> memref<128xi32, #tpu.memory_space<vmem>>
        %dma_wait3A_89 = arith.constant 0 : i32
        %dma_wait3A_90 = arith.constant 0 : i32
        %dma_wait3A_91 = tpu.memref_slice %arg2[%dma_wait3A_89, %dma_wait3A_90] : memref<10000x128xf32, #tpu.memory_space<hbm>> -> memref<10000x128xf32, #tpu.memory_space<hbm>>
        tpu.wait_indirect_dma semaphore(%run_scoped3A_79 : memref<!tpu.dma_semaphore, #tpu.memory_space<semaphore_mem>>) src(%dma_wait3A_91 : memref<10000x128xf32, #tpu.memory_space<hbm>>) dst(%arg7 : memref<128x128xf32, #tpu.memory_space<vmem>>)
        tpu.yield
      }) : () -> ()
      %dma_start3A = arith.constant 0 : i32
      %dma_start3A_46 = arith.constant 0 : i32
      %dma_start3A_47 = tpu.memref_slice %arg6[%dma_start3A, %dma_start3A_46] : memref<40x128xi32, #tpu.memory_space<vmem>> -> memref<1x128xi32, #tpu.memory_space<vmem>>
      %dma_start3A_48 = tpu.memref_squeeze %dma_start3A_47 : memref<1x128xi32, #tpu.memory_space<vmem>> -> memref<128xi32, #tpu.memory_space<vmem>>
      %dma_start3A_49 = arith.constant 0 : i32
      %dma_start3A_50 = arith.constant 0 : i32
      %dma_start3A_51 = tpu.memref_slice %arg11[%dma_start3A_49, %dma_start3A_50] : memref<10240x128xf32, #tpu.memory_space<vmem_shared>> -> memref<10240x128xf32, #tpu.memory_space<vmem_shared>>
      tpu.enqueue_indirect_dma source(%arg7 : memref<128x128xf32, #tpu.memory_space<vmem>>) target(%dma_start3A_51 : memref<10240x128xf32, #tpu.memory_space<vmem_shared>>) offsets(%dma_start3A_48 : memref<128xi32, #tpu.memory_space<vmem>>) semaphore(%arg9 : memref<!tpu.dma_semaphore, #tpu.memory_space<semaphore_mem>>) {add = true}
      %run_scoped3A_52 = arith.constant 1 : i32
      "tpu.region"() ({
        %run_scoped3A_79 = tpu.sem_alloc : memref<!tpu.dma_semaphore, #tpu.memory_space<semaphore_mem>>
        %dma_start3A_80 = arith.constant 0 : i32
        %dma_start3A_81 = tpu.memref_slice %arg5[%run_scoped3A_52, %dma_start3A_80] : memref<40x128xi32, #tpu.memory_space<vmem>> -> memref<1x128xi32, #tpu.memory_space<vmem>>
        %dma_start3A_82 = tpu.memref_squeeze %dma_start3A_81 : memref<1x128xi32, #tpu.memory_space<vmem>> -> memref<128xi32, #tpu.memory_space<vmem>>
        %dma_start3A_83 = arith.constant 0 : i32
        %dma_start3A_84 = arith.constant 0 : i32
        %dma_start3A_85 = tpu.memref_slice %arg2[%dma_start3A_83, %dma_start3A_84] : memref<10000x128xf32, #tpu.memory_space<hbm>> -> memref<10000x128xf32, #tpu.memory_space<hbm>>
        tpu.enqueue_indirect_dma source(%dma_start3A_85 : memref<10000x128xf32, #tpu.memory_space<hbm>>) target(%arg8 : memref<128x128xf32, #tpu.memory_space<vmem>>) offsets(%dma_start3A_82 : memref<128xi32, #tpu.memory_space<vmem>>) semaphore(%run_scoped3A_79 : memref<!tpu.dma_semaphore, #tpu.memory_space<semaphore_mem>>)
        %dma_wait3A_86 = arith.constant 0 : i32
        %dma_wait3A_87 = tpu.memref_slice %arg5[%run_scoped3A_52, %dma_wait3A_86] : memref<40x128xi32, #tpu.memory_space<vmem>> -> memref<1x128xi32, #tpu.memory_space<vmem>>
        %dma_wait3A_88 = tpu.memref_squeeze %dma_wait3A_87 : memref<1x128xi32, #tpu.memory_space<vmem>> -> memref<128xi32, #tpu.memory_space<vmem>>
        %dma_wait3A_89 = arith.constant 0 : i32
        %dma_wait3A_90 = arith.constant 0 : i32
        %dma_wait3A_91 = tpu.memref_slice %arg2[%dma_wait3A_89, %dma_wait3A_90] : memref<10000x128xf32, #tpu.memory_space<hbm>> -> memref<10000x128xf32, #tpu.memory_space<hbm>>
        tpu.wait_indirect_dma semaphore(%run_scoped3A_79 : memref<!tpu.dma_semaphore, #tpu.memory_space<semaphore_mem>>) src(%dma_wait3A_91 : memref<10000x128xf32, #tpu.memory_space<hbm>>) dst(%arg8 : memref<128x128xf32, #tpu.memory_space<vmem>>)
        tpu.yield
      }) : () -> ()
      %dma_start3A_53 = arith.constant 1 : i32
      %dma_start3A_54 = arith.constant 0 : i32
      %dma_start3A_55 = tpu.memref_slice %arg6[%dma_start3A_53, %dma_start3A_54] : memref<40x128xi32, #tpu.memory_space<vmem>> -> memref<1x128xi32, #tpu.memory_space<vmem>>
      %dma_start3A_56 = tpu.memref_squeeze %dma_start3A_55 : memref<1x128xi32, #tpu.memory_space<vmem>> -> memref<128xi32, #tpu.memory_space<vmem>>
      %dma_start3A_57 = arith.constant 0 : i32
      %dma_start3A_58 = arith.constant 0 : i32
      %dma_start3A_59 = tpu.memref_slice %arg11[%dma_start3A_57, %dma_start3A_58] : memref<10240x128xf32, #tpu.memory_space<vmem_shared>> -> memref<10240x128xf32, #tpu.memory_space<vmem_shared>>
      tpu.enqueue_indirect_dma source(%arg8 : memref<128x128xf32, #tpu.memory_space<vmem>>) target(%dma_start3A_59 : memref<10240x128xf32, #tpu.memory_space<vmem_shared>>) offsets(%dma_start3A_56 : memref<128xi32, #tpu.memory_space<vmem>>) semaphore(%arg10 : memref<!tpu.dma_semaphore, #tpu.memory_space<semaphore_mem>>) {add = true}
      %scan3A_60 = arith.constant 0 : i32
      %scan3A_61 = arith.constant 1 : i32
      %scan3A_62 = arith.constant 9 : i32
      %scan3A_63 = arith.addi %scan3A_61, %scan3A_62 : i32
      %scan3A_64 = arith.constant 1 : i32
      scf.for %scan3A_79 = %scan3A_61 to %scan3A_63 step %scan3A_64  : i32 {
        %mul3A_80 = arith.constant 2 : i32
        %mul3A_81 = arith.muli %mul3A_80, %scan3A_79 : i32
        %dma_wait3A_82 = arith.constant 0 : i32
        %dma_wait3A_83 = arith.constant 0 : i32
        %dma_wait3A_84 = tpu.memref_slice %arg6[%dma_wait3A_82, %dma_wait3A_83] : memref<40x128xi32, #tpu.memory_space<vmem>> -> memref<1x128xi32, #tpu.memory_space<vmem>>
        %dma_wait3A_85 = tpu.memref_squeeze %dma_wait3A_84 : memref<1x128xi32, #tpu.memory_space<vmem>> -> memref<128xi32, #tpu.memory_space<vmem>>
        %dma_wait3A_86 = arith.constant 0 : i32
        %dma_wait3A_87 = arith.constant 0 : i32
        %dma_wait3A_88 = tpu.memref_slice %arg11[%dma_wait3A_86, %dma_wait3A_87] : memref<10240x128xf32, #tpu.memory_space<vmem_shared>> -> memref<10240x128xf32, #tpu.memory_space<vmem_shared>>
        tpu.wait_indirect_dma semaphore(%arg9 : memref<!tpu.dma_semaphore, #tpu.memory_space<semaphore_mem>>) src(%arg7 : memref<128x128xf32, #tpu.memory_space<vmem>>) dst(%dma_wait3A_88 : memref<10240x128xf32, #tpu.memory_space<vmem_shared>>)
        "tpu.region"() ({
          %run_scoped3A_112 = tpu.sem_alloc : memref<!tpu.dma_semaphore, #tpu.memory_space<semaphore_mem>>
          %dma_start3A_113 = arith.constant 0 : i32
          %dma_start3A_114 = tpu.memref_slice %arg5[%mul3A_81, %dma_start3A_113] : memref<40x128xi32, #tpu.memory_space<vmem>> -> memref<1x128xi32, #tpu.memory_space<vmem>>
          %dma_start3A_115 = tpu.memref_squeeze %dma_start3A_114 : memref<1x128xi32, #tpu.memory_space<vmem>> -> memref<128xi32, #tpu.memory_space<vmem>>
          %dma_start3A_116 = arith.constant 0 : i32
          %dma_start3A_117 = arith.constant 0 : i32
          %dma_start3A_118 = tpu.memref_slice %arg2[%dma_start3A_116, %dma_start3A_117] : memref<10000x128xf32, #tpu.memory_space<hbm>> -> memref<10000x128xf32, #tpu.memory_space<hbm>>
          tpu.enqueue_indirect_dma source(%dma_start3A_118 : memref<10000x128xf32, #tpu.memory_space<hbm>>) target(%arg7 : memref<128x128xf32, #tpu.memory_space<vmem>>) offsets(%dma_start3A_115 : memref<128xi32, #tpu.memory_space<vmem>>) semaphore(%run_scoped3A_112 : memref<!tpu.dma_semaphore, #tpu.memory_space<semaphore_mem>>)
          %dma_wait3A_119 = arith.constant 0 : i32
          %dma_wait3A_120 = tpu.memref_slice %arg5[%mul3A_81, %dma_wait3A_119] : memref<40x128xi32, #tpu.memory_space<vmem>> -> memref<1x128xi32, #tpu.memory_space<vmem>>
          %dma_wait3A_121 = tpu.memref_squeeze %dma_wait3A_120 : memref<1x128xi32, #tpu.memory_space<vmem>> -> memref<128xi32, #tpu.memory_space<vmem>>
          %dma_wait3A_122 = arith.constant 0 : i32
          %dma_wait3A_123 = arith.constant 0 : i32
          %dma_wait3A_124 = tpu.memref_slice %arg2[%dma_wait3A_122, %dma_wait3A_123] : memref<10000x128xf32, #tpu.memory_space<hbm>> -> memref<10000x128xf32, #tpu.memory_space<hbm>>
          tpu.wait_indirect_dma semaphore(%run_scoped3A_112 : memref<!tpu.dma_semaphore, #tpu.memory_space<semaphore_mem>>) src(%dma_wait3A_124 : memref<10000x128xf32, #tpu.memory_space<hbm>>) dst(%arg7 : memref<128x128xf32, #tpu.memory_space<vmem>>)
          tpu.yield
        }) : () -> ()
        %dma_start3A_89 = arith.constant 0 : i32
        %dma_start3A_90 = tpu.memref_slice %arg6[%mul3A_81, %dma_start3A_89] : memref<40x128xi32, #tpu.memory_space<vmem>> -> memref<1x128xi32, #tpu.memory_space<vmem>>
        %dma_start3A_91 = tpu.memref_squeeze %dma_start3A_90 : memref<1x128xi32, #tpu.memory_space<vmem>> -> memref<128xi32, #tpu.memory_space<vmem>>
        %dma_start3A_92 = arith.constant 0 : i32
        %dma_start3A_93 = arith.constant 0 : i32
        %dma_start3A_94 = tpu.memref_slice %arg11[%dma_start3A_92, %dma_start3A_93] : memref<10240x128xf32, #tpu.memory_space<vmem_shared>> -> memref<10240x128xf32, #tpu.memory_space<vmem_shared>>
        tpu.enqueue_indirect_dma source(%arg7 : memref<128x128xf32, #tpu.memory_space<vmem>>) target(%dma_start3A_94 : memref<10240x128xf32, #tpu.memory_space<vmem_shared>>) offsets(%dma_start3A_91 : memref<128xi32, #tpu.memory_space<vmem>>) semaphore(%arg9 : memref<!tpu.dma_semaphore, #tpu.memory_space<semaphore_mem>>) {add = true}
        %dma_wait3A_95 = arith.constant 0 : i32
        %dma_wait3A_96 = arith.constant 0 : i32
        %dma_wait3A_97 = tpu.memref_slice %arg6[%dma_wait3A_95, %dma_wait3A_96] : memref<40x128xi32, #tpu.memory_space<vmem>> -> memref<1x128xi32, #tpu.memory_space<vmem>>
        %dma_wait3A_98 = tpu.memref_squeeze %dma_wait3A_97 : memref<1x128xi32, #tpu.memory_space<vmem>> -> memref<128xi32, #tpu.memory_space<vmem>>
        %dma_wait3A_99 = arith.constant 0 : i32
        %dma_wait3A_100 = arith.constant 0 : i32
        %dma_wait3A_101 = tpu.memref_slice %arg11[%dma_wait3A_99, %dma_wait3A_100] : memref<10240x128xf32, #tpu.memory_space<vmem_shared>> -> memref<10240x128xf32, #tpu.memory_space<vmem_shared>>
        tpu.wait_indirect_dma semaphore(%arg10 : memref<!tpu.dma_semaphore, #tpu.memory_space<semaphore_mem>>) src(%arg8 : memref<128x128xf32, #tpu.memory_space<vmem>>) dst(%dma_wait3A_101 : memref<10240x128xf32, #tpu.memory_space<vmem_shared>>)
        %add3A_102 = arith.constant 1 : i32
        %add3A_103 = arith.addi %mul3A_81, %add3A_102 : i32
        "tpu.region"() ({
          %run_scoped3A_112 = tpu.sem_alloc : memref<!tpu.dma_semaphore, #tpu.memory_space<semaphore_mem>>
          %dma_start3A_113 = arith.constant 0 : i32
          %dma_start3A_114 = tpu.memref_slice %arg5[%add3A_103, %dma_start3A_113] : memref<40x128xi32, #tpu.memory_space<vmem>> -> memref<1x128xi32, #tpu.memory_space<vmem>>
          %dma_start3A_115 = tpu.memref_squeeze %dma_start3A_114 : memref<1x128xi32, #tpu.memory_space<vmem>> -> memref<128xi32, #tpu.memory_space<vmem>>
          %dma_start3A_116 = arith.constant 0 : i32
          %dma_start3A_117 = arith.constant 0 : i32
          %dma_start3A_118 = tpu.memref_slice %arg2[%dma_start3A_116, %dma_start3A_117] : memref<10000x128xf32, #tpu.memory_space<hbm>> -> memref<10000x128xf32, #tpu.memory_space<hbm>>
          tpu.enqueue_indirect_dma source(%dma_start3A_118 : memref<10000x128xf32, #tpu.memory_space<hbm>>) target(%arg8 : memref<128x128xf32, #tpu.memory_space<vmem>>) offsets(%dma_start3A_115 : memref<128xi32, #tpu.memory_space<vmem>>) semaphore(%run_scoped3A_112 : memref<!tpu.dma_semaphore, #tpu.memory_space<semaphore_mem>>)
          %dma_wait3A_119 = arith.constant 0 : i32
          %dma_wait3A_120 = tpu.memref_slice %arg5[%add3A_103, %dma_wait3A_119] : memref<40x128xi32, #tpu.memory_space<vmem>> -> memref<1x128xi32, #tpu.memory_space<vmem>>
          %dma_wait3A_121 = tpu.memref_squeeze %dma_wait3A_120 : memref<1x128xi32, #tpu.memory_space<vmem>> -> memref<128xi32, #tpu.memory_space<vmem>>
          %dma_wait3A_122 = arith.constant 0 : i32
          %dma_wait3A_123 = arith.constant 0 : i32
          %dma_wait3A_124 = tpu.memref_slice %arg2[%dma_wait3A_122, %dma_wait3A_123] : memref<10000x128xf32, #tpu.memory_space<hbm>> -> memref<10000x128xf32, #tpu.memory_space<hbm>>
          tpu.wait_indirect_dma semaphore(%run_scoped3A_112 : memref<!tpu.dma_semaphore, #tpu.memory_space<semaphore_mem>>) src(%dma_wait3A_124 : memref<10000x128xf32, #tpu.memory_space<hbm>>) dst(%arg8 : memref<128x128xf32, #tpu.memory_space<vmem>>)
          tpu.yield
        }) : () -> ()
        %add3A_104 = arith.constant 1 : i32
        %add3A_105 = arith.addi %mul3A_81, %add3A_104 : i32
        %dma_start3A_106 = arith.constant 0 : i32
        %dma_start3A_107 = tpu.memref_slice %arg6[%add3A_105, %dma_start3A_106] : memref<40x128xi32, #tpu.memory_space<vmem>> -> memref<1x128xi32, #tpu.memory_space<vmem>>
        %dma_start3A_108 = tpu.memref_squeeze %dma_start3A_107 : memref<1x128xi32, #tpu.memory_space<vmem>> -> memref<128xi32, #tpu.memory_space<vmem>>
        %dma_start3A_109 = arith.constant 0 : i32
        %dma_start3A_110 = arith.constant 0 : i32
        %dma_start3A_111 = tpu.memref_slice %arg11[%dma_start3A_109, %dma_start3A_110] : memref<10240x128xf32, #tpu.memory_space<vmem_shared>> -> memref<10240x128xf32, #tpu.memory_space<vmem_shared>>
        tpu.enqueue_indirect_dma source(%arg8 : memref<128x128xf32, #tpu.memory_space<vmem>>) target(%dma_start3A_111 : memref<10240x128xf32, #tpu.memory_space<vmem_shared>>) offsets(%dma_start3A_108 : memref<128xi32, #tpu.memory_space<vmem>>) semaphore(%arg10 : memref<!tpu.dma_semaphore, #tpu.memory_space<semaphore_mem>>) {add = true}
      }
      %scan3A_65 = arith.constant 9 : i32
      %dma_wait3A = arith.constant 0 : i32
      %dma_wait3A_66 = arith.constant 0 : i32
      %dma_wait3A_67 = tpu.memref_slice %arg6[%dma_wait3A, %dma_wait3A_66] : memref<40x128xi32, #tpu.memory_space<vmem>> -> memref<1x128xi32, #tpu.memory_space<vmem>>
      %dma_wait3A_68 = tpu.memref_squeeze %dma_wait3A_67 : memref<1x128xi32, #tpu.memory_space<vmem>> -> memref<128xi32, #tpu.memory_space<vmem>>
      %dma_wait3A_69 = arith.constant 0 : i32
      %dma_wait3A_70 = arith.constant 0 : i32
      %dma_wait3A_71 = tpu.memref_slice %arg11[%dma_wait3A_69, %dma_wait3A_70] : memref<10240x128xf32, #tpu.memory_space<vmem_shared>> -> memref<10240x128xf32, #tpu.memory_space<vmem_shared>>
      tpu.wait_indirect_dma semaphore(%arg9 : memref<!tpu.dma_semaphore, #tpu.memory_space<semaphore_mem>>) src(%arg7 : memref<128x128xf32, #tpu.memory_space<vmem>>) dst(%dma_wait3A_71 : memref<10240x128xf32, #tpu.memory_space<vmem_shared>>)
      %dma_wait3A_72 = arith.constant 0 : i32
      %dma_wait3A_73 = arith.constant 0 : i32
      %dma_wait3A_74 = tpu.memref_slice %arg6[%dma_wait3A_72, %dma_wait3A_73] : memref<40x128xi32, #tpu.memory_space<vmem>> -> memref<1x128xi32, #tpu.memory_space<vmem>>
      %dma_wait3A_75 = tpu.memref_squeeze %dma_wait3A_74 : memref<1x128xi32, #tpu.memory_space<vmem>> -> memref<128xi32, #tpu.memory_space<vmem>>
      %dma_wait3A_76 = arith.constant 0 : i32
      %dma_wait3A_77 = arith.constant 0 : i32
      %dma_wait3A_78 = tpu.memref_slice %arg11[%dma_wait3A_76, %dma_wait3A_77] : memref<10240x128xf32, #tpu.memory_space<vmem_shared>> -> memref<10240x128xf32, #tpu.memory_space<vmem_shared>>
      tpu.wait_indirect_dma semaphore(%arg10 : memref<!tpu.dma_semaphore, #tpu.memory_space<semaphore_mem>>) src(%arg8 : memref<128x128xf32, #tpu.memory_space<vmem>>) dst(%dma_wait3A_78 : memref<10240x128xf32, #tpu.memory_space<vmem_shared>>)
    } else {
    }
    %barrier3A_41 = arith.constant 0 : index
    tpu.barrier barrier_id(%barrier3A_41)
    %mul3A_42 = arith.constant 640 : i32
    %mul3A_43 = arith.muli %arg1, %mul3A_42 : i32
    %mul3A_44 = arith.constant 640 : i32
    %mul3A_45 = arith.muli %arg1, %mul3A_44 : i32
    "tpu.region"() ({
      %run_scoped3A = tpu.sem_alloc : memref<!tpu.dma_semaphore, #tpu.memory_space<semaphore_mem>>
      %dma_start3A = arith.constant 0 : i32
      %dma_start3A_46 = tpu.memref_slice %arg4[%arg0, %mul3A_45, %dma_start3A] : memref<2x10240x128xf32, #tpu.memory_space<hbm>> -> memref<1x640x128xf32, #tpu.memory_space<hbm>>
      %dma_start3A_47 = tpu.memref_squeeze %dma_start3A_46 : memref<1x640x128xf32, #tpu.memory_space<hbm>> -> memref<640x128xf32, #tpu.memory_space<hbm>>
      %dma_start3A_48 = arith.constant 0 : i32
      %dma_start3A_49 = tpu.memref_slice %arg11[%mul3A_43, %dma_start3A_48] : memref<10240x128xf32, #tpu.memory_space<vmem_shared>> -> memref<640x128xf32, #tpu.memory_space<vmem_shared>>
      tpu.enqueue_dma source(%dma_start3A_49 : memref<640x128xf32, #tpu.memory_space<vmem_shared>>) target(%dma_start3A_47 : memref<640x128xf32, #tpu.memory_space<hbm>>) target_semaphore(%run_scoped3A : memref<!tpu.dma_semaphore, #tpu.memory_space<semaphore_mem>>)
      %dma_wait3A = arith.constant 0 : i32
      %dma_wait3A_50 = tpu.memref_slice %arg4[%arg0, %mul3A_45, %dma_wait3A] : memref<2x10240x128xf32, #tpu.memory_space<hbm>> -> memref<1x640x128xf32, #tpu.memory_space<hbm>>
      %dma_wait3A_51 = tpu.memref_squeeze %dma_wait3A_50 : memref<1x640x128xf32, #tpu.memory_space<hbm>> -> memref<640x128xf32, #tpu.memory_space<hbm>>
      %dma_wait3A_52 = arith.constant 0 : i32
      %dma_wait3A_53 = tpu.memref_slice %arg11[%mul3A_43, %dma_wait3A_52] : memref<10240x128xf32, #tpu.memory_space<vmem_shared>> -> memref<640x128xf32, #tpu.memory_space<vmem_shared>>
      tpu.wait_dma2 semaphore(%run_scoped3A : memref<!tpu.dma_semaphore, #tpu.memory_space<semaphore_mem>>) src(%dma_wait3A_53 : memref<640x128xf32, #tpu.memory_space<vmem_shared>>) dst(%dma_wait3A_51 : memref<640x128xf32, #tpu.memory_space<hbm>>)
      tpu.yield
    }) : () -> ()
    return
  }
}

module attributes {stable_mosaic.version = 14 : i64} {
  func.func @_tca_body(%arg0: i32, %arg1: memref<2000x128xf32, #tpu.memory_space<vmem>>, %arg2: memref<128x128xf32, #tpu.memory_space<vmem>>, %arg3: memref<1x128xf32, #tpu.memory_space<vmem>>, %arg4: memref<128x128xf32, #tpu.memory_space<vmem>>, %arg5: memref<2000x128xf32, #tpu.memory_space<vmem>>) attributes {dimension_semantics = [#tpu.dimension_semantics<arbitrary>], iteration_bounds = array<i64: 5>, scalar_prefetch = 0 : i64, scratch_operands = 0 : i64, tpu.core_type = #tpu.core_type<tc>, window_params = [{transform_indices = @transform_0, window_bounds = array<i64: 2000, 128>}, {pipeline_mode = #tpu.pipeline_mode<synchronous>, transform_indices = @transform_1, window_bounds = array<i64: 128, 128>}, {pipeline_mode = #tpu.pipeline_mode<synchronous>, transform_indices = @transform_2, window_bounds = array<i64: 1, 128>}, {pipeline_mode = #tpu.pipeline_mode<synchronous>, transform_indices = @transform_3, window_bounds = array<i64: 128, 128>}, {transform_indices = @transform_4, window_bounds = array<i64: 2000, 128>}]} {
    %get3A = arith.constant 0 : index
    %get3A_0 = arith.constant 0 : index
    %get3A_1 = vector.load %arg1[%get3A, %get3A_0] : memref<2000x128xf32, #tpu.memory_space<vmem>>, vector<2000x128xf32>
    %get3A_2 = arith.constant 0 : index
    %get3A_3 = arith.constant 0 : index
    %get3A_4 = vector.load %arg2[%get3A_2, %get3A_3] : memref<128x128xf32, #tpu.memory_space<vmem>>, vector<128x128xf32>
    %dot_general3A = arith.constant dense<0.000000e+00> : vector<2000x128xf32>
    %dot_general3A_5 = tpu.matmul %get3A_1, %get3A_4, %dot_general3A {dimension_numbers = #tpu.dot_dimension_numbers<[1], [0], [0], [1], [0, 0, 1, 1], [], []>, transpose_lhs_hint = false} : vector<2000x128xf32>, vector<128x128xf32>, vector<2000x128xf32> -> vector<2000x128xf32>
    %get3A_6 = arith.constant 0 : index
    %get3A_7 = arith.constant 0 : index
    %get3A_8 = vector.load %arg3[%get3A_6, %get3A_7] : memref<1x128xf32, #tpu.memory_space<vmem>>, vector<1x128xf32>
    %add3A = vector.broadcast %get3A_8 : vector<1x128xf32> to vector<2000x128xf32>
    %add3A_9 = arith.addf %dot_general3A_5, %add3A : vector<2000x128xf32>
    %get3A_10 = arith.constant 0 : index
    %get3A_11 = arith.constant 0 : index
    %get3A_12 = vector.load %arg4[%get3A_10, %get3A_11] : memref<128x128xf32, #tpu.memory_space<vmem>>, vector<128x128xf32>
    %dot_general3A_13 = arith.constant dense<0.000000e+00> : vector<2000x128xf32>
    %dot_general3A_14 = tpu.matmul %add3A_9, %get3A_12, %dot_general3A_13 {dimension_numbers = #tpu.dot_dimension_numbers<[1], [0], [0], [1], [0, 0, 1, 1], [], []>, transpose_lhs_hint = false} : vector<2000x128xf32>, vector<128x128xf32>, vector<2000x128xf32> -> vector<2000x128xf32>
    %swap3A = arith.constant 0 : index
    %swap3A_15 = arith.constant 0 : index
    %swap3A_16 = vector.load %arg5[%swap3A, %swap3A_15] : memref<2000x128xf32, #tpu.memory_space<vmem>>, vector<2000x128xf32>
    tpu.vector_store %arg5[%swap3A, %swap3A_15], %dot_general3A_14 {strides = array<i32>} : memref<2000x128xf32, #tpu.memory_space<vmem>>, vector<2000x128xf32>,
    return
  }
  func.func @transform_0(%arg0: i32) -> (i32, i32) {
    %c0_i32 = arith.constant 0 : i32
    %c0_i32_0 = arith.constant 0 : i32
    return %arg0, %c0_i32 : i32, i32
  }
  func.func @transform_1(%arg0: i32) -> (i32, i32) {
    %c0_i32 = arith.constant 0 : i32
    %c0_i32_0 = arith.constant 0 : i32
    %c0_i32_1 = arith.constant 0 : i32
    return %c0_i32, %c0_i32_0 : i32, i32
  }
  func.func @transform_2(%arg0: i32) -> (i32, i32) {
    %c0_i32 = arith.constant 0 : i32
    %c0_i32_0 = arith.constant 0 : i32
    %c0_i32_1 = arith.constant 0 : i32
    return %c0_i32, %c0_i32_0 : i32, i32
  }
  func.func @transform_3(%arg0: i32) -> (i32, i32) {
    %c0_i32 = arith.constant 0 : i32
    %c0_i32_0 = arith.constant 0 : i32
    %c0_i32_1 = arith.constant 0 : i32
    return %c0_i32, %c0_i32_0 : i32, i32
  }
  func.func @transform_4(%arg0: i32) -> (i32, i32) {
    %c0_i32 = arith.constant 0 : i32
    %c0_i32_0 = arith.constant 0 : i32
    return %arg0, %c0_i32 : i32, i32
  }
}

module attributes {stable_mosaic.version = 14 : i64} {
  func.func @_tcb_body(%arg0: i32, %arg1: memref<2048x128xf32, #tpu.memory_space<vmem>>, %arg2: memref<2x2048xf32, #tpu.memory_space<vmem>>, %arg3: memref<2048x128xf32, #tpu.memory_space<vmem>>, %arg4: memref<2048x1xf32, #tpu.memory_space<vmem>>) attributes {dimension_semantics = [#tpu.dimension_semantics<arbitrary>], iteration_bounds = array<i64: 5>, scalar_prefetch = 0 : i64, scratch_operands = 0 : i64, tpu.core_type = #tpu.core_type<tc>, window_params = [{transform_indices = @transform_0, window_bounds = array<i64: 2048, 128>}, {transform_indices = @transform_1, window_bounds = array<i64: 2, 2048>}, {transform_indices = @transform_2, window_bounds = array<i64: 2048, 128>}, {transform_indices = @transform_3, window_bounds = array<i64: 2048, 1>}]} {
    %get3A = arith.constant 0 : index
    %get3A_0 = arith.constant 0 : index
    %get3A_1 = vector.load %arg2[%get3A, %get3A_0] : memref<2x2048xf32, #tpu.memory_space<vmem>>, vector<1x2048xf32>
    %get3A_2 = vector.shape_cast %get3A_1 : vector<1x2048xf32> to vector<2048xf32>
    %get3A_3 = arith.constant 1 : index
    %get3A_4 = arith.constant 0 : index
    %get3A_5 = vector.load %arg2[%get3A_3, %get3A_4] : memref<2x2048xf32, #tpu.memory_space<vmem>>, vector<1x2048xf32>
    %get3A_6 = vector.shape_cast %get3A_5 : vector<1x2048xf32> to vector<2048xf32>
    %add3A = arith.addf %get3A_2, %get3A_6 : vector<2048xf32>
    %add3A_7 = arith.constant 1.000000e+00 : f32
    %add3A_8 = vector.broadcast %add3A_7 : f32 to vector<2048xf32>
    %add3A_9 = arith.addf %add3A, %add3A_8 : vector<2048xf32>
    %rsqrt3A = math.rsqrt %add3A_9 : vector<2048xf32>
    %reshape3A = vector.shape_cast %rsqrt3A : vector<2048xf32> to vector<2048x1xf32>
    %get3A_10 = arith.constant 0 : index
    %get3A_11 = arith.constant 0 : index
    %get3A_12 = vector.load %arg1[%get3A_10, %get3A_11] : memref<2048x128xf32, #tpu.memory_space<vmem>>, vector<2048x128xf32>
    %mul3A = vector.broadcast %reshape3A : vector<2048x1xf32> to vector<2048x128xf32>
    %mul3A_13 = arith.mulf %get3A_12, %mul3A : vector<2048x128xf32>
    %swap3A = arith.constant 0 : index
    %swap3A_14 = arith.constant 0 : index
    %swap3A_15 = vector.load %arg3[%swap3A, %swap3A_14] : memref<2048x128xf32, #tpu.memory_space<vmem>>, vector<2048x128xf32>
    tpu.vector_store %arg3[%swap3A, %swap3A_14], %mul3A_13 {strides = array<i32>} : memref<2048x128xf32, #tpu.memory_space<vmem>>, vector<2048x128xf32>,
    %swap3A_16 = arith.constant 0 : index
    %swap3A_17 = arith.constant 0 : index
    %swap3A_18 = vector.load %arg4[%swap3A_16, %swap3A_17] : memref<2048x1xf32, #tpu.memory_space<vmem>>, vector<2048x1xf32>
    tpu.vector_store %arg4[%swap3A_16, %swap3A_17], %reshape3A {strides = array<i32>} : memref<2048x1xf32, #tpu.memory_space<vmem>>, vector<2048x1xf32>,
    return
  }
  func.func @transform_0(%arg0: i32) -> (i32, i32) {
    %c0_i32 = arith.constant 0 : i32
    %c0_i32_0 = arith.constant 0 : i32
    return %arg0, %c0_i32 : i32, i32
  }
  func.func @transform_1(%arg0: i32) -> (i32, i32) {
    %c0_i32 = arith.constant 0 : i32
    %c0_i32_0 = arith.constant 0 : i32
    return %c0_i32, %arg0 : i32, i32
  }
  func.func @transform_2(%arg0: i32) -> (i32, i32) {
    %c0_i32 = arith.constant 0 : i32
    %c0_i32_0 = arith.constant 0 : i32
    return %arg0, %c0_i32 : i32, i32
  }
  func.func @transform_3(%arg0: i32) -> (i32, i32) {
    %c0_i32 = arith.constant 0 : i32
    %c0_i32_0 = arith.constant 0 : i32
    return %arg0, %c0_i32 : i32, i32
  }
}

module attributes {stable_mosaic.version = 14 : i64} {
  func.func @_tc2_body(%arg0: i32, %arg1: memref<2x2000x128xf32, #tpu.memory_space<vmem>>, %arg2: memref<2000x128xf32, #tpu.memory_space<vmem>>, %arg3: memref<2000x1xf32, #tpu.memory_space<vmem>>, %arg4: memref<1x128xf32, #tpu.memory_space<vmem>>, %arg5: memref<128x128xf32, #tpu.memory_space<vmem>>, %arg6: memref<2000x128xf32, #tpu.memory_space<vmem>>) attributes {dimension_semantics = [#tpu.dimension_semantics<arbitrary>], iteration_bounds = array<i64: 5>, scalar_prefetch = 0 : i64, scratch_operands = 0 : i64, tpu.core_type = #tpu.core_type<tc>, window_params = [{transform_indices = @transform_0, window_bounds = array<i64: 2, 2000, 128>}, {transform_indices = @transform_1, window_bounds = array<i64: 2000, 128>}, {transform_indices = @transform_2, window_bounds = array<i64: 2000, 1>}, {pipeline_mode = #tpu.pipeline_mode<synchronous>, transform_indices = @transform_3, window_bounds = array<i64: 1, 128>}, {pipeline_mode = #tpu.pipeline_mode<synchronous>, transform_indices = @transform_4, window_bounds = array<i64: 128, 128>}, {transform_indices = @transform_5, window_bounds = array<i64: 2000, 128>}]} {
    %get3A = arith.constant 0 : index
    %get3A_0 = arith.constant 0 : index
    %get3A_1 = vector.load %arg3[%get3A, %get3A_0] : memref<2000x1xf32, #tpu.memory_space<vmem>>, vector<2000x1xf32>
    %get3A_2 = arith.constant 0 : index
    %get3A_3 = arith.constant 0 : index
    %get3A_4 = arith.constant 0 : index
    %get3A_5 = vector.load %arg1[%get3A_2, %get3A_3, %get3A_4] : memref<2x2000x128xf32, #tpu.memory_space<vmem>>, vector<1x2000x128xf32>
    %get3A_6 = vector.shape_cast %get3A_5 : vector<1x2000x128xf32> to vector<2000x128xf32>
    %get3A_7 = arith.constant 1 : index
    %get3A_8 = arith.constant 0 : index
    %get3A_9 = arith.constant 0 : index
    %get3A_10 = vector.load %arg1[%get3A_7, %get3A_8, %get3A_9] : memref<2x2000x128xf32, #tpu.memory_space<vmem>>, vector<1x2000x128xf32>
    %get3A_11 = vector.shape_cast %get3A_10 : vector<1x2000x128xf32> to vector<2000x128xf32>
    %add3A = arith.addf %get3A_6, %get3A_11 : vector<2000x128xf32>
    %get3A_12 = arith.constant 0 : index
    %get3A_13 = arith.constant 0 : index
    %get3A_14 = vector.load %arg2[%get3A_12, %get3A_13] : memref<2000x128xf32, #tpu.memory_space<vmem>>, vector<2000x128xf32>
    %add3A_15 = arith.addf %add3A, %get3A_14 : vector<2000x128xf32>
    %mul3A = vector.broadcast %get3A_1 : vector<2000x1xf32> to vector<2000x128xf32>
    %mul3A_16 = arith.mulf %mul3A, %add3A_15 : vector<2000x128xf32>
    %get3A_17 = arith.constant 0 : index
    %get3A_18 = arith.constant 0 : index
    %get3A_19 = vector.load %arg4[%get3A_17, %get3A_18] : memref<1x128xf32, #tpu.memory_space<vmem>>, vector<1x128xf32>
    %add3A_20 = vector.broadcast %get3A_19 : vector<1x128xf32> to vector<2000x128xf32>
    %add3A_21 = arith.addf %mul3A_16, %add3A_20 : vector<2000x128xf32>
    %max3A = arith.constant 0.000000e+00 : f32
    %max3A_22 = vector.broadcast %max3A : f32 to vector<2000x128xf32>
    %max3A_23 = arith.maximumf %add3A_21, %max3A_22 : vector<2000x128xf32>
    %get3A_24 = arith.constant 0 : index
    %get3A_25 = arith.constant 0 : index
    %get3A_26 = vector.load %arg5[%get3A_24, %get3A_25] : memref<128x128xf32, #tpu.memory_space<vmem>>, vector<128x128xf32>
    %dot_general3A = arith.constant dense<0.000000e+00> : vector<2000x128xf32>
    %dot_general3A_27 = tpu.matmul %max3A_23, %get3A_26, %dot_general3A {dimension_numbers = #tpu.dot_dimension_numbers<[1], [0], [0], [1], [0, 0, 1, 1], [], []>, transpose_lhs_hint = false} : vector<2000x128xf32>, vector<128x128xf32>, vector<2000x128xf32> -> vector<2000x128xf32>
    %mul3A_28 = vector.broadcast %get3A_1 : vector<2000x1xf32> to vector<2000x128xf32>
    %mul3A_29 = arith.mulf %dot_general3A_27, %mul3A_28 : vector<2000x128xf32>
    %swap3A = arith.constant 0 : index
    %swap3A_30 = arith.constant 0 : index
    %swap3A_31 = vector.load %arg6[%swap3A, %swap3A_30] : memref<2000x128xf32, #tpu.memory_space<vmem>>, vector<2000x128xf32>
    tpu.vector_store %arg6[%swap3A, %swap3A_30], %mul3A_29 {strides = array<i32>} : memref<2000x128xf32, #tpu.memory_space<vmem>>, vector<2000x128xf32>,
    return
  }
  func.func @transform_0(%arg0: i32) -> (i32, i32, i32) {
    %c0_i32 = arith.constant 0 : i32
    %c0_i32_0 = arith.constant 0 : i32
    %c0_i32_1 = arith.constant 0 : i32
    return %c0_i32, %arg0, %c0_i32_0 : i32, i32, i32
  }
  func.func @transform_1(%arg0: i32) -> (i32, i32) {
    %c0_i32 = arith.constant 0 : i32
    %c0_i32_0 = arith.constant 0 : i32
    return %arg0, %c0_i32 : i32, i32
  }
  func.func @transform_2(%arg0: i32) -> (i32, i32) {
    %c0_i32 = arith.constant 0 : i32
    %c0_i32_0 = arith.constant 0 : i32
    return %arg0, %c0_i32 : i32, i32
  }
  func.func @transform_3(%arg0: i32) -> (i32, i32) {
    %c0_i32 = arith.constant 0 : i32
    %c0_i32_0 = arith.constant 0 : i32
    %c0_i32_1 = arith.constant 0 : i32
    return %c0_i32, %c0_i32_0 : i32, i32
  }
  func.func @transform_4(%arg0: i32) -> (i32, i32) {
    %c0_i32 = arith.constant 0 : i32
    %c0_i32_0 = arith.constant 0 : i32
    %c0_i32_1 = arith.constant 0 : i32
    return %c0_i32, %c0_i32_0 : i32, i32
  }
  func.func @transform_5(%arg0: i32) -> (i32, i32) {
    %c0_i32 = arith.constant 0 : i32
    %c0_i32_0 = arith.constant 0 : i32
    return %arg0, %c0_i32 : i32, i32
  }
}

module attributes {stable_mosaic.version = 14 : i64} {
  func.func @_tc3_body(%arg0: i32, %arg1: memref<2x2000x128xf32, #tpu.memory_space<vmem>>, %arg2: memref<2000x128xf32, #tpu.memory_space<vmem>>, %arg3: memref<2000x1xf32, #tpu.memory_space<vmem>>, %arg4: memref<1x128xf32, #tpu.memory_space<vmem>>, %arg5: memref<128x40xf32, #tpu.memory_space<vmem>>, %arg6: memref<1x40xf32, #tpu.memory_space<vmem>>, %arg7: memref<2000x40xf32, #tpu.memory_space<vmem>>) attributes {dimension_semantics = [#tpu.dimension_semantics<arbitrary>], iteration_bounds = array<i64: 5>, scalar_prefetch = 0 : i64, scratch_operands = 0 : i64, tpu.core_type = #tpu.core_type<tc>, window_params = [{transform_indices = @transform_0, window_bounds = array<i64: 2, 2000, 128>}, {transform_indices = @transform_1, window_bounds = array<i64: 2000, 128>}, {transform_indices = @transform_2, window_bounds = array<i64: 2000, 1>}, {pipeline_mode = #tpu.pipeline_mode<synchronous>, transform_indices = @transform_3, window_bounds = array<i64: 1, 128>}, {pipeline_mode = #tpu.pipeline_mode<synchronous>, transform_indices = @transform_4, window_bounds = array<i64: 128, 40>}, {pipeline_mode = #tpu.pipeline_mode<synchronous>, transform_indices = @transform_5, window_bounds = array<i64: 1, 40>}, {transform_indices = @transform_6, window_bounds = array<i64: 2000, 40>}]} {
    %get3A = arith.constant 0 : index
    %get3A_0 = arith.constant 0 : index
    %get3A_1 = vector.load %arg3[%get3A, %get3A_0] : memref<2000x1xf32, #tpu.memory_space<vmem>>, vector<2000x1xf32>
    %get3A_2 = arith.constant 0 : index
    %get3A_3 = arith.constant 0 : index
    %get3A_4 = arith.constant 0 : index
    %get3A_5 = vector.load %arg1[%get3A_2, %get3A_3, %get3A_4] : memref<2x2000x128xf32, #tpu.memory_space<vmem>>, vector<1x2000x128xf32>
    %get3A_6 = vector.shape_cast %get3A_5 : vector<1x2000x128xf32> to vector<2000x128xf32>
    %get3A_7 = arith.constant 1 : index
    %get3A_8 = arith.constant 0 : index
    %get3A_9 = arith.constant 0 : index
    %get3A_10 = vector.load %arg1[%get3A_7, %get3A_8, %get3A_9] : memref<2x2000x128xf32, #tpu.memory_space<vmem>>, vector<1x2000x128xf32>
    %get3A_11 = vector.shape_cast %get3A_10 : vector<1x2000x128xf32> to vector<2000x128xf32>
    %add3A = arith.addf %get3A_6, %get3A_11 : vector<2000x128xf32>
    %get3A_12 = arith.constant 0 : index
    %get3A_13 = arith.constant 0 : index
    %get3A_14 = vector.load %arg2[%get3A_12, %get3A_13] : memref<2000x128xf32, #tpu.memory_space<vmem>>, vector<2000x128xf32>
    %add3A_15 = arith.addf %add3A, %get3A_14 : vector<2000x128xf32>
    %mul3A = vector.broadcast %get3A_1 : vector<2000x1xf32> to vector<2000x128xf32>
    %mul3A_16 = arith.mulf %mul3A, %add3A_15 : vector<2000x128xf32>
    %get3A_17 = arith.constant 0 : index
    %get3A_18 = arith.constant 0 : index
    %get3A_19 = vector.load %arg4[%get3A_17, %get3A_18] : memref<1x128xf32, #tpu.memory_space<vmem>>, vector<1x128xf32>
    %add3A_20 = vector.broadcast %get3A_19 : vector<1x128xf32> to vector<2000x128xf32>
    %add3A_21 = arith.addf %mul3A_16, %add3A_20 : vector<2000x128xf32>
    %mul3A_22 = arith.mulf %add3A_21, %add3A_21 : vector<2000x128xf32>
    %reduce_sum3A = arith.constant dense<0.000000e+00> : vector<2000xf32>
    %reduce_sum3A_23 = vector.multi_reduction <add>, %mul3A_22, %reduce_sum3A [1] : vector<2000x128xf32> to vector<2000xf32>
    %broadcast_in_dim3A = vector.shape_cast %reduce_sum3A_23 : vector<2000xf32> to vector<2000x1xf32>
    %sqrt3A = math.sqrt %broadcast_in_dim3A : vector<2000x1xf32>
    %max3A = arith.constant 9.99999996E-13 : f32
    %max3A_24 = vector.broadcast %max3A : f32 to vector<2000x1xf32>
    %max3A_25 = arith.maximumf %sqrt3A, %max3A_24 : vector<2000x1xf32>
    %div3A = vector.broadcast %max3A_25 : vector<2000x1xf32> to vector<2000x128xf32>
    %div3A_26 = arith.divf %add3A_21, %div3A : vector<2000x128xf32>
    %get3A_27 = arith.constant 0 : index
    %get3A_28 = arith.constant 0 : index
    %get3A_29 = vector.load %arg5[%get3A_27, %get3A_28] : memref<128x40xf32, #tpu.memory_space<vmem>>, vector<128x40xf32>
    %dot_general3A = arith.constant dense<0.000000e+00> : vector<2000x40xf32>
    %dot_general3A_30 = tpu.matmul %div3A_26, %get3A_29, %dot_general3A {dimension_numbers = #tpu.dot_dimension_numbers<[1], [0], [0], [1], [0, 0, 1, 1], [], []>, transpose_lhs_hint = false} : vector<2000x128xf32>, vector<128x40xf32>, vector<2000x40xf32> -> vector<2000x40xf32>
    %get3A_31 = arith.constant 0 : index
    %get3A_32 = arith.constant 0 : index
    %get3A_33 = vector.load %arg6[%get3A_31, %get3A_32] : memref<1x40xf32, #tpu.memory_space<vmem>>, vector<1x40xf32>
    %add3A_34 = vector.broadcast %get3A_33 : vector<1x40xf32> to vector<2000x40xf32>
    %add3A_35 = arith.addf %dot_general3A_30, %add3A_34 : vector<2000x40xf32>
    %reduce_max3A = arith.constant dense<0xFF800000> : vector<2000xf32>
    %reduce_max3A_36 = vector.multi_reduction <maximumf>, %add3A_35, %reduce_max3A [1] : vector<2000x40xf32> to vector<2000xf32>
    %broadcast_in_dim3A_37 = vector.shape_cast %reduce_max3A_36 : vector<2000xf32> to vector<2000x1xf32>
    %sub3A = vector.broadcast %broadcast_in_dim3A_37 : vector<2000x1xf32> to vector<2000x40xf32>
    %sub3A_38 = arith.subf %add3A_35, %sub3A : vector<2000x40xf32>
    %exp3A = math.exp %sub3A_38 : vector<2000x40xf32>
    %reduce_sum3A_39 = arith.constant dense<0.000000e+00> : vector<2000xf32>
    %reduce_sum3A_40 = vector.multi_reduction <add>, %exp3A, %reduce_sum3A_39 [1] : vector<2000x40xf32> to vector<2000xf32>
    %broadcast_in_dim3A_41 = vector.shape_cast %reduce_sum3A_40 : vector<2000xf32> to vector<2000x1xf32>
    %log3A = math.log %broadcast_in_dim3A_41 : vector<2000x1xf32>
    %add3A_42 = arith.addf %broadcast_in_dim3A_37, %log3A : vector<2000x1xf32>
    %sub3A_43 = vector.broadcast %add3A_42 : vector<2000x1xf32> to vector<2000x40xf32>
    %sub3A_44 = arith.subf %add3A_35, %sub3A_43 : vector<2000x40xf32>
    %swap3A = arith.constant 0 : index
    %swap3A_45 = arith.constant 0 : index
    %swap3A_46 = vector.load %arg7[%swap3A, %swap3A_45] : memref<2000x40xf32, #tpu.memory_space<vmem>>, vector<2000x40xf32>
    tpu.vector_store %arg7[%swap3A, %swap3A_45], %sub3A_44 {strides = array<i32>} : memref<2000x40xf32, #tpu.memory_space<vmem>>, vector<2000x40xf32>,
    return
  }
  func.func @transform_0(%arg0: i32) -> (i32, i32, i32) {
    %c0_i32 = arith.constant 0 : i32
    %c0_i32_0 = arith.constant 0 : i32
    %c0_i32_1 = arith.constant 0 : i32
    return %c0_i32, %arg0, %c0_i32_0 : i32, i32, i32
  }
  func.func @transform_1(%arg0: i32) -> (i32, i32) {
    %c0_i32 = arith.constant 0 : i32
    %c0_i32_0 = arith.constant 0 : i32
    return %arg0, %c0_i32 : i32, i32
  }
  func.func @transform_2(%arg0: i32) -> (i32, i32) {
    %c0_i32 = arith.constant 0 : i32
    %c0_i32_0 = arith.constant 0 : i32
    return %arg0, %c0_i32 : i32, i32
  }
  func.func @transform_3(%arg0: i32) -> (i32, i32) {
    %c0_i32 = arith.constant 0 : i32
    %c0_i32_0 = arith.constant 0 : i32
    %c0_i32_1 = arith.constant 0 : i32
    return %c0_i32, %c0_i32_0 : i32, i32
  }
  func.func @transform_4(%arg0: i32) -> (i32, i32) {
    %c0_i32 = arith.constant 0 : i32
    %c0_i32_0 = arith.constant 0 : i32
    %c0_i32_1 = arith.constant 0 : i32
    return %c0_i32, %c0_i32_0 : i32, i32
  }
  func.func @transform_5(%arg0: i32) -> (i32, i32) {
    %c0_i32 = arith.constant 0 : i32
    %c0_i32_0 = arith.constant 0 : i32
    %c0_i32_1 = arith.constant 0 : i32
    return %c0_i32, %c0_i32_0 : i32, i32
  }
  func.func @transform_6(%arg0: i32) -> (i32, i32) {
    %c0_i32 = arith.constant 0 : i32
    %c0_i32_0 = arith.constant 0 : i32
    return %arg0, %c0_i32 : i32, i32
  }
}

</mosaic_0001>

<sc_bundles>
// kernel: deg_pass.3.cloned.1.call-start
scs
__scs_entry_jumppad:
0x0: {  	(pc) =	sbr.rel $0x88, $3  }
0x1: {  	(tag) =	ssettag $0x0;
	lr =	simm.s32 $0x1  }
0x2: {  	[smem:$0x3F97] =	sst lr;
	_ =	strace $0xD0000000  }
0x3: {  	_ = 	snop  }
0x4: {  	_ = 	snop  }
0x5: {  	_ = 	snop  }
0x6: {  	_ = 	snop  }
0x7: {  	_ = 	snop  }
__scs_overlays_trampoline_lowered:
0x8: {  	[smem:$0x3FA6] =	sst s0  }
0x9: {  	[smem:$0x3FA7] =	sst s1  }
0xa: {  	[smem:$0x3FA8] =	sst s2  }
0xb: {  	[smem:$0x3FA9] =	sst s3  }
0xc: {  	[smem:$0x3FAA] =	sst s4  }
0xd: {  	[smem:$0x3FAB] =	sst s5  }
0xe: {  	[smem:$0x3FAC] =	sst s6  }
0xf: {  	[smem:$0x3FAD] =	sst s7  }
0x10: {  	[smem:$0x3FAE] =	sst s8  }
0x11: {  	[smem:$0x3FAF] =	sst s9;
	s0 =	simm.s32 @!p0 $0x0  }
0x12: {  	s1 =	sld [smem:$0x3F95];
	s0 =	simm.s32 @p0 $0x1  }
0x13: {  	[smem:$0x3FB0] =	sst s0;
	s0 =	simm.s32 @!p1 $0x0  }
0x14: {  	s2 =	sld [smem:$0x3F94];
	s0 =	simm.s32 @p1 $0x1  }
0x15: {  	[smem:$0x3FB1] =	sst s0;
	s0 =	simm.s32 @!p2 $0x0  }
0x16: {  	s3 =	sld [smem:$0x3FDB];
	s0 =	simm.s32 @p2 $0x1  }
0x17: {  	s4 =	simm.s32 $0x1BF5;
	[smem:$0x3FB3] =	sst s0  }
0x18: {  	s0 =	sld [smem:$0x3F96];
	_ =	swait.ge [sflag:s4], $0x0  }
0x19: {  	s7 =	sld [smem:$0x3F97]  }
0x1a: {  	s8 =	sadd.s32 $0xFFFFE003, lr  }
0x1b: {  	s9 =	sadd.s32 $0xFFFFFEF7, lr;
	s5 =	simm.s32 $0xFFFFFFFF;
	p2 =	slt.u32 s8, $0xFFFFF086  }
0x1c: {  	p1 =	slt.u32 s9, $0xF7A;
	s5 =	simm.s32 @!p2 $0x0  }
0x1d: {  	s5 =	simm.s32 @p1 $0x1;
	p0 =	seq.s32 s7, s2  }
0x1e: {  	s7 =	smul.u32 @!p0 $0xF7A, s2;
	p2 =	seq.s32 @!p0 s5, $0x0  }
0x1f: {  	s9 =	smul.u32 $0xF7A, s1;
	s8 =	simm.s32 @!p0 $0x1BF5;
	p2 =	por !p2, p0  }
0x20: {  	[sflag:s8] =	ssyncset.s32 @!p0 $0xFFFFF086;
	s6 =	sadd.s32 @!p0 s3, s7;
	s7 =	simm.s32 @!p0 $0x108  }
0x21: {  	s3 =	sadd.s32 s3, s9;
	s6 =	sadd.s32 @!p0 $0x88, s6;
	s7 =	simm.s32 @p2 $0x1082  }
0x22: {  	[simem:s7], [sflag:s8] =	dma.local @!p0 [hbm:s6], $0xF7A  }
0x23: {  	s9 =	sor.u32 $0xD0000000, s2;
	s6 =	simm.s32 $0x108;
	_ =	swait.ge @!p0 [sflag:s8], $0x0  }
0x24: {  	s3 =	sadd.s32 $0x88, s3;
	s6 =	simm.s32 @!p1 $0x1082;
	[sflag:s4] =	ssyncset.s32 $0xFFFFF086  }
0x25: {  	[simem:s6], [sflag:s4] =	dma.local [hbm:s3], $0xF7A  }
0x26: {  	[smem:$0x3F97] =	sst s1;
	(tag) =	ssettag s2;
	_ =	strace s9  }
0x27: {  	s1 =	sld [smem:$0x3FA7]  }
0x28: {  	s2 =	sld [smem:$0x3FA8]  }
0x29: {  	s4 =	sld [smem:$0x3FAA]  }
0x2a: {  	p0 =	seq.s32 s5, $0x0;
	s5 =	sld [smem:$0x3FAB]  }
0x2b: {  	s6 =	sld [smem:$0x3FAC]  }
0x2c: {  	s7 =	sld [smem:$0x3FAD]  }
0x2d: {  	s3 =	simm.s32 $0x108;
	s8 =	sld [smem:$0x3FAE]  }
0x2e: {  	s3 =	simm.s32 @!p0 $0x1082;
	s9 =	sld [smem:$0x3FAF]  }
0x2f: {  	lr =	sadd.s32 s0, s3;
	s0 =	sld [smem:$0x3FA6]  }
0x30: {  	s3 =	sld [smem:$0x3FA9]  }
0x31: {  	[smem:$0x3FB2] =	sst s10  }
0x32: {  	s10 =	sld [smem:$0x3FB0];
	_ =	sdelay $0x3  }
0x33: {  	p0 =	seq.s32 s10, $0x1;
	s10 =	sld [smem:$0x3FB2];
	_ =	sdelay $0x3  }
0x34: {  	[smem:$0x3FB2] =	sst s10  }
0x35: {  	s10 =	sld [smem:$0x3FB1];
	_ =	sdelay $0x3  }
0x36: {  	p1 =	seq.s32 s10, $0x1;
	s10 =	sld [smem:$0x3FB2];
	_ =	sdelay $0x3  }
0x37: {  	[smem:$0x3FB2] =	sst s10  }
0x38: {  	s10 =	sld [smem:$0x3FB3]  }
0x39: {  	_ = 	snop;
	(pc) =	sbr.ind lr, $3  }
0x3a: {  	_ = 	snop  }
0x3b: {  	_ = 	snop  }
0x3c: {  	p2 =	seq.s32 s10, $0x1;
	s10 =	sld [smem:$0x3FB2]  }
0x3d: {  	_ =	shalt  }
0x3e: {  	_ =	shalt  }
0x3f: {  	_ =	shalt  }
0x40: {  	_ =	shalt  }
0x41: {  	_ =	shalt  }
0x42: {  	_ =	shalt  }
0x43: {  	_ =	shalt  }
0x44: {  	_ =	shalt  }
0x45: {  	_ =	shalt  }
0x46: {  	_ =	shalt  }
0x47: {  	_ =	shalt  }
0x48: {  	_ =	shalt  }
0x49: {  	_ =	shalt  }
0x4a: {  	_ =	shalt  }
0x4b: {  	_ =	shalt  }
0x4c: {  	_ =	shalt  }
0x4d: {  	_ =	shalt  }
0x4e: {  	_ =	shalt  }
0x4f: {  	_ =	shalt  }
0x50: {  	_ =	shalt  }
0x51: {  	_ =	shalt  }
0x52: {  	_ =	shalt  }
0x53: {  	_ =	shalt  }
0x54: {  	_ =	shalt  }
0x55: {  	_ =	shalt  }
0x56: {  	_ =	shalt  }
0x57: {  	_ =	shalt  }
0x58: {  	_ =	shalt  }
0x59: {  	_ =	shalt  }
0x5a: {  	_ =	shalt  }
0x5b: {  	_ =	shalt  }
0x5c: {  	_ =	shalt  }
0x5d: {  	_ =	shalt  }
0x5e: {  	_ =	shalt  }
0x5f: {  	_ =	shalt  }
0x60: {  	_ =	shalt  }
0x61: {  	_ =	shalt  }
0x62: {  	_ =	shalt  }
0x63: {  	_ =	shalt  }
0x64: {  	_ =	shalt  }
0x65: {  	_ =	shalt  }
0x66: {  	_ =	shalt  }
0x67: {  	_ =	shalt  }
0x68: {  	_ =	shalt  }
0x69: {  	_ =	shalt  }
0x6a: {  	_ =	shalt  }
0x6b: {  	_ =	shalt  }
0x6c: {  	_ =	shalt  }
0x6d: {  	_ =	shalt  }
0x6e: {  	_ =	shalt  }
0x6f: {  	_ =	shalt  }
0x70: {  	_ =	shalt  }
0x71: {  	_ =	shalt  }
0x72: {  	_ =	shalt  }
0x73: {  	_ =	shalt  }
0x74: {  	_ =	shalt  }
0x75: {  	_ =	shalt  }
0x76: {  	_ =	shalt  }
0x77: {  	_ =	shalt  }
0x78: {  	_ =	shalt  }
0x79: {  	_ =	shalt  }
0x7a: {  	_ =	shalt  }
0x7b: {  	_ =	shalt  }
0x7c: {  	_ =	shalt  }
0x7d: {  	_ =	shalt  }
0x7e: {  	_ =	shalt  }
0x7f: {  	_ =	shalt  }
0x80: {  	_ =	shalt  }
0x81: {  	_ =	shalt  }
0x82: {  	_ =	shalt  }
0x83: {  	_ =	shalt  }
0x84: {  	_ =	shalt  }
0x85: {  	_ =	shalt  }
0x86: {  	_ =	shalt  }
0x87: {  	_ =	shalt  }
.Lfunc_end0:
.L_simem_size_0:
called_computation_lowered:
.L_overlay_start_0:
0x88: {  	s2 =	sld [smem:$0x3FD9]  }
0x89: {  	s3 =	sld [smem:$0x3FFE];
	_ =	sdelay $0x1  }
0x8a: {  	s1 =	srdreg.scid  }
0x8b: {  	s0 =	sand.u32 $0x1, s1  }
0x8c: {  	s17 =	sshll.u32 s0, $0xA;
	s2 =	sadd.s32 s3, s2  }
0x8d: {  	s2 =	sadd.s32 s2, s17  }
0x8e: {  	[smem:$0x3FBE] =	sst s2  }
0x8f: {  	_ = 	snop  }
0x90: {  	s2 =	sld [smem:$0x3FD0];
	(tm) =	ssettm $0x1  }
0x91: {  	s18 =	sld [smem:$0x3FFB];
	_ =	sdelay $0x3  }
0x92: {  	_ =	strace s18  }
0x93: {  	s3 =	sld [smem:$0x3FFC];
	_ =	sdelay $0x3  }
0x94: {  	_ =	strace s3  }
0x95: {  	s3 =	sld [smem:$0x3FFD];
	_ =	sdelay $0x3  }
0x96: {  	_ =	strace s3  }
0x97: {  	_ =	strace $0x8FFFFFFF  }
0x98: {  	s19 =	sld [smem:$0x3FDB];
	_ =	sdelay $0x1  }
0x99: {  	s4 =	simm.s32 $_scs_section_size  }
0x9a: {  	s5 =	simm.s32 $_size__tile_overlayer_lowered;
	s6 =	simm.s32 $_tile_overlayer_lowered  }
0x9b: {  	s22 =	simm.s32 $0x1BFF;
	s21 =	sshll.u32 s6, $0x1;
	s3 =	sadd.s32 s4, s19  }
0x9c: {  	s7 =	simm.s32 $0x0;
	s20 =	sshll.u32 s5, $0x1;
	s5 =	sadd.s32 s21, s3  }
0x9d: {  	[timem:s7], [sflag:s22] =	dma.local [hbm:s5], s20  }
0x9e: {  	_ =	swait.ge [sflag:s22], s20  }
0x9f: {  	s4 =	ssub.s32 $0x0, s20;
	[sflag:s22] =	ssyncset.done $0x0  }
0xa0: {  	[sflag:s22] =	ssyncadd.s32 s4;
	_ =	sdelay $0x1  }
0xa1: {  	s23 =	simm.s32 $0x1B8B  }
0xa2: {  	_ =	swait.ge [sflag:s23], $0x1  }
0xa3: {  	[sflag:s23] =	ssyncset.done $0x0  }
0xa4: {  	s25 =	simm.s32 $0x1B8E;
	s24 =	sld [smem:$0x3FFE];
	[sflag:s23] =	ssyncadd.s32 $0xFFFFFFFF  }
0xa5: {  	s26 =	simm.s32 $execute0_lowered;
	[smem:$0x3FD2] =	sst s25  }
0xa6: {  	s5 =	sshll.u32 s26, $0x1;
	_ =	strace $0x80000046;
	[dreg:$0x1] =	wrdreg $0xFFFFFFFF  }
0xa7: {  	s28 =	simm.s32 $_size_execute0_lowered;
	s3 =	sadd.s32 s3, s5;
	[dreg:$0x0] =	wrdreg $0x0  }
0xa8: {  	s5 =	sshll.u32 s28, $0x1;
	[dreg:$0x2] =	wrdreg s3  }
0xa9: {  	[dreg:$0x3] =	wrdreg s5  }
0xaa: {  	[dreg:$0x4] =	wrdreg $0xC0  }
0xab: {  	_ =	task [dreg:s7], $0x5FFFF  }
0xac: {  	[dreg:$0x1] =	wrdreg $0xFFFFFFFF  }
0xad: {  	[dreg:$0x0] =	wrdreg $0x60  }
0xae: {  	[dreg:$0x2] =	wrdreg s24  }
0xaf: {  	[dreg:$0x3] =	wrdreg s2  }
0xb0: {  	[dreg:$0x4] =	wrdreg $0x14800  }
0xb1: {  	[dreg:$0x5] =	wrdreg $0x9  }
0xb2: {  	_ =	task.clear_ibuf [dreg:s7], $0x6FFFF;
	_ =	strace $0x90000046  }
0xb3: {  	s29 =	simm.s32 $0x9;
	_ =	strace $0x80000048  }
0xb4: {  	_ =	swait.ge [sflag:s29], $0x1  }
0xb5: {  	[sflag:s29] =	ssyncadd.s32 $0xFFFFFFFF  }
0xb6: {  	_ =	strace $0x90000048  }
0xb7: {  	_ =	sfence  }
0xb8: {  	s30 =	sld [smem:$0x0];
	_ =	sdelay $0x2  }
0xb9: {  	s31 =	sshll.u32 s1, $0xD;
	s1 =	sshrl.u32 s1, $0x2  }
0xba: {  	s3 =	sand.u32 $0x4000, s31;
	s1 =	sadd.s32 s1, s30  }
0xbb: {  	s0 =	sor.u32 s3, s0;
	s1 =	sshll.u32 s1, $0x11  }
0xbc: {  	s0 =	sor.u32 s1, s0  }
0xbd: {  	s0 =	sadd.s32 $0x8F2B, s0  }
0xbe: {  	[sflag:s0] =	ssyncadd.remote.s32 $0x1  }
0xbf: {  	_ =	sfence.sel $0xFFFF  }
0xc0: {  	[dreg:$0x0] =	wrdreg $0xFFFFFFFF;
	(pc) =	sbr.abs _section_cstart, $3  }
0xc1: {  	[dreg:$0x1] =	wrdreg $0xFFFFFFFF  }
0xc2: {  	_ =	task.clear_ibuf [dreg:s7], $0x2FFFF;
	_ =	strace $0x9FFFFFFF  }
0xc3: {  	(tm) =	ssettm $0x7FFFFFFF  }
tec
execute0_lowered:
.L_overlay_start_1:
0x0: {  	(tag) =	ssettag $0x1  }
0x1: {  	s0 =	srdreg.scid;
	s1 =	rddreg [dreg:$0x0]  }
0x2: {  	s13 =	stileid.u32;
	s8 =	rddreg [dreg:$0x1]  }
0x3: {  	s3 =	simm.s32 $0x0;
	s14 =	simm.s32 $0x1400;
	s15 =	simm.s32 $0x100  }
0x4: {  	s16 =	simm.s32 $0x180;
	s17 =	simm.s32 $0x200;
	s18 =	simm.s32 $0x280  }
0x5: {  	s19 =	simm.s32 $0x1;
	s28 =	simm.s32 $0x680;
	s29 =	simm.s32 $0x700  }
0x6: {  	s30 =	simm.s32 $0x780;
	s31 =	simm.s32 $0x800;
	s20 =	simm.s32 $0x980  }
0x7: {  	s21 =	simm.s32 $0x20;
	s22 =	simm.s32 $0x10;
	s6 =	smul.u32 $0x280, s13  }
0x8: {  	s0 =	sand.u32 $0x1, s0;
	[smem:$0x7FF] =	sst s3;
	s9 =	smul.u32 $0x500, s13  }
0x9: {  	s26 =	sshll.u32 s13, $0x6;
	s2 =	sshll.u32 s0, $0x4;
	s5 =	ssub.s32 $0x2, s0  }
0xa: {  	s0 =	sshll.u32 s0, $0x7;
	s10 =	sor.u32 s13, s2;
	s2 =	rddreg [dreg:$0x2]  }
0xb: {  	_ =	strace $0x80000047;
	s23 =	sshrl.u32 s6, $0x3;
	s24 =	sshrl.u32 s5, $0x1  }
0xc: {  	s0 =	sor.u32 s0, s9;
	s13 =	simm.s32 $0x80;
	s4 =	smul.u32 $0x2800, s10  }
0xd: {  	s11 =	sadd.s32 s23, s1;
	s12 =	ssub.s32 s5, s24;
	s5 =	sadd.s32 $0x16780, s1  }
0xe: {  	s25 =	sadd.s32 s6, s2;
	s0 =	sshrl.u32 s0, $0x3;
	p0 =	seq.s32 s10, $0x1F  }
.Ltmp0:
0xf: {  	s10 =	sor.u32 $0x1C02, s26;
	s26 =	simm.s32 $0x600;
	(pc) =	sbr.rel .LBB2_1-.Ltmp0, $4  }
0x10: {  	s23 =	simm.s32 $0x0;
	s6 =	sadd.s32 $0x16A00, s11;
	s8 =	sadd.s32 s8, s0  }
0x11: {  	s9 =	smax.u32 s12, $0x1;
	s11 =	sshrl.u32 s25, $0x3;
	s4 =	sshrl.u32 s4, $0x3  }
0x12: {  	s12 =	simm.s32 $0x2;
	s0 =	simm.s32 $0x900;
	s7 =	sadd.s32 s4, s1  }
0x13: {  	v0 =	vimm.f32 $1.000000000e+00;
	s1 =	simm.s32 $0x880;
	s4 =	sadd.s32 $0xCC80, s7;
	s7 =	sadd.s32 $0xCF00, s7  }
.LBB2_7:
0x14: {  	_ =	swait.ge [sflag:s19], $0x80  }
0x15: {  	[sflag:s19] =	ssyncset.done $0x0  }
0x16: {  	s24 =	simm.s32 $0x300;
	[sflag:s19] =	ssyncadd.s32 $0xFFFFFF80  }
0x17: {  	[spmem:s2] =	stream.indirect.scatter.add.f32 [tilespmem:s14], [sflag:$0x1], $0x1, s24, s13, $0xb8;
	[tilespmem:$0x1700] =	vst v63  }
0x18: {  	_ =	swait.ge [sflag:s19], $0x80  }
0x19: {  	[sflag:s19] =	ssyncset.done $0x0  }
0x1a: {  	s25 =	simm.s32 $0x380;
	[sflag:s19] =	ssyncadd.s32 $0xFFFFFF80  }
0x1b: {  	[spmem:s2] =	stream.indirect.scatter.add.f32 [tilespmem:s14], [sflag:$0x1], $0x1, s25, s13, $0xb8;
	[tilespmem:$0x1700] =	vst v63  }
0x1c: {  	_ =	swait.ge [sflag:s19], $0x80  }
0x1d: {  	[sflag:s19] =	ssyncset.done $0x0  }
0x1e: {  	s25 =	simm.s32 $0x400;
	[sflag:s19] =	ssyncadd.s32 $0xFFFFFF80  }
0x1f: {  	[spmem:s2] =	stream.indirect.scatter.add.f32 [tilespmem:s14], [sflag:$0x1], $0x1, s25, s13, $0xb8;
	[tilespmem:$0x1700] =	vst v63  }
0x20: {  	_ =	swait.ge [sflag:s19], $0x80  }
0x21: {  	[sflag:s19] =	ssyncset.done $0x0  }
0x22: {  	s25 =	simm.s32 $0x480;
	[sflag:s19] =	ssyncadd.s32 $0xFFFFFF80  }
0x23: {  	[spmem:s2] =	stream.indirect.scatter.add.f32 [tilespmem:s14], [sflag:$0x1], $0x1, s25, s13, $0xb8;
	[tilespmem:$0x1700] =	vst v63  }
0x24: {  	_ =	swait.ge [sflag:s19], $0x80  }
0x25: {  	[sflag:s19] =	ssyncset.done $0x0  }
0x26: {  	s25 =	simm.s32 $0x500;
	[sflag:s19] =	ssyncadd.s32 $0xFFFFFF80  }
0x27: {  	[spmem:s2] =	stream.indirect.scatter.add.f32 [tilespmem:s14], [sflag:$0x1], $0x1, s25, s13, $0xb8;
	[tilespmem:$0x1700] =	vst v63  }
0x28: {  	_ =	swait.ge [sflag:s19], $0x80  }
0x29: {  	[sflag:s19] =	ssyncset.done $0x0  }
0x2a: {  	s25 =	simm.s32 $0x580;
	[sflag:s19] =	ssyncadd.s32 $0xFFFFFF80  }
0x2b: {  	[spmem:s2] =	stream.indirect.scatter.add.f32 [tilespmem:s14], [sflag:$0x1], $0x1, s25, s13, $0xb8;
	[tilespmem:$0x1700] =	vst v63  }
0x2c: {  	_ =	swait.ge [sflag:s19], $0x80  }
0x2d: {  	[sflag:s19] =	ssyncset.done $0x0  }
0x2e: {  	[sflag:s19] =	ssyncadd.s32 $0xFFFFFF80  }
0x2f: {  	[spmem:s2] =	stream.indirect.scatter.add.f32 [tilespmem:s14], [sflag:$0x1], $0x1, s26, s13, $0xb8;
	[tilespmem:$0x1700] =	vst v63  }
0x30: {  	_ =	swait.ge [sflag:s19], $0x80  }
0x31: {  	[sflag:s19] =	ssyncset.done $0x0  }
0x32: {  	[sflag:s19] =	ssyncadd.s32 $0xFFFFFF80  }
0x33: {  	[spmem:s2] =	stream.indirect.scatter.add.f32 [tilespmem:s14], [sflag:$0x1], $0x1, s28, s13, $0xb8;
	[tilespmem:$0x1700] =	vst v63  }
0x34: {  	_ =	swait.ge [sflag:s19], $0x80  }
0x35: {  	[sflag:s19] =	ssyncset.done $0x0  }
0x36: {  	[sflag:s19] =	ssyncadd.s32 $0xFFFFFF80  }
0x37: {  	[spmem:s2] =	stream.indirect.scatter.add.f32 [tilespmem:s14], [sflag:$0x1], $0x1, s29, s13, $0xb8;
	[tilespmem:$0x1700] =	vst v63  }
0x38: {  	_ =	swait.ge [sflag:s19], $0x80  }
0x39: {  	[sflag:s19] =	ssyncset.done $0x0  }
0x3a: {  	[sflag:s19] =	ssyncadd.s32 $0xFFFFFF80  }
0x3b: {  	[spmem:s2] =	stream.indirect.scatter.add.f32 [tilespmem:s14], [sflag:$0x1], $0x1, s30, s13, $0xb8;
	[tilespmem:$0x1700] =	vst v63  }
0x3c: {  	_ =	swait.ge [sflag:s19], $0x80  }
0x3d: {  	[sflag:s19] =	ssyncset.done $0x0  }
0x3e: {  	[sflag:s19] =	ssyncadd.s32 $0xFFFFFF80  }
0x3f: {  	[spmem:s2] =	stream.indirect.scatter.add.f32 [tilespmem:s14], [sflag:$0x1], $0x1, s31, s13, $0xb8;
	[tilespmem:$0x1700] =	vst v63  }
0x40: {  	_ =	swait.ge [sflag:s19], $0x80  }
0x41: {  	[sflag:s19] =	ssyncset.done $0x0  }
0x42: {  	[sflag:s19] =	ssyncadd.s32 $0xFFFFFF80  }
0x43: {  	[spmem:s2] =	stream.indirect.scatter.add.f32 [tilespmem:s14], [sflag:$0x1], $0x1, s1, s13, $0xb8;
	[tilespmem:$0x1700] =	vst v63  }
0x44: {  	_ =	swait.ge [sflag:s19], $0x80  }
0x45: {  	[sflag:s19] =	ssyncset.done $0x0  }
0x46: {  	[sflag:s19] =	ssyncadd.s32 $0xFFFFFF80  }
0x47: {  	[spmem:s2] =	stream.indirect.scatter.add.f32 [tilespmem:s14], [sflag:$0x1], $0x1, s0, s13, $0xb8;
	[tilespmem:$0x1700] =	vst v63  }
0x48: {  	_ =	swait.ge [sflag:s19], $0x80  }
0x49: {  	[sflag:s19] =	ssyncset.done $0x0  }
0x4a: {  	[sflag:s19] =	ssyncadd.s32 $0xFFFFFF80  }
0x4b: {  	[spmem:s2] =	stream.indirect.scatter.add.f32 [tilespmem:s14], [sflag:$0x1], $0x1, s20, s13, $0xb8;
	[tilespmem:$0x1700] =	vst v63  }
.LBB2_8:
0x4c: {  	_ =	swait.ge [sflag:s19], $0x80  }
0x4d: {  	[sflag:s19] =	ssyncset.done $0x0  }
0x4e: {  	[sflag:s19] =	ssyncadd.s32 $0xFFFFFF80  }
0x4f: {  	_ =	swait.ge [sflag:s19], $0x80  }
0x50: {  	[sflag:s19] =	ssyncset.done $0x0  }
0x51: {  	[sflag:s19] =	ssyncadd.s32 $0xFFFFFF80  }
0x52: {  	_ =	swait.ge [sflag:s19], $0x80  }
0x53: {  	[sflag:s19] =	ssyncset.done $0x0  }
0x54: {  	[sflag:s19] =	ssyncadd.s32 $0xFFFFFF80  }
0x55: {  	_ =	swait.ge [sflag:s19], $0x80  }
0x56: {  	[sflag:s19] =	ssyncset.done $0x0  }
0x57: {  	[sflag:s19] =	ssyncadd.s32 $0xFFFFFF80  }
0x58: {  	_ =	swait.ge [sflag:s19], $0x80  }
0x59: {  	[sflag:s19] =	ssyncset.done $0x0  }
0x5a: {  	[sflag:s19] =	ssyncadd.s32 $0xFFFFFF80  }
0x5b: {  	_ =	swait.ge [sflag:s19], $0x80  }
0x5c: {  	s23 =	sadd.s32 $0x1, s23;
	[sflag:s19] =	ssyncset.done $0x0  }
0x5d: {  	p1 =	sne.s32 s23, s9;
	[sflag:s19] =	ssyncadd.s32 $0xFFFFFF80  }
.Ltmp1:
0x5e: {  	[bflag:$0x0] =	sbarrier.arrive $0xFFFF;
	(pc) =	sbr.rel @!p1 .LBB2_9-.Ltmp1, $4  }
0x5f: {  	[hbm:s8@s21], [sflag:s10] =	dma.strided [spmem:s11@s22], $0x50, s19, $0x10   }
0x60: {  	_ =	swait.ge [sflag:s12], $0x50  }
0x61: {  	[sflag:s12] =	ssyncset.done $0x0  }
0x62: {  	[sflag:s12] =	ssyncadd.s32 $0xFFFFFFB0  }
.LBB2_1:
0x63: {  	s24 =	simm.s32 @p0 $0x0  }
0x64: {  	[tilespmem:s24], [sflag:$0x2] =	stream.linear.gather @p0 [hbm4b:s5+s24], $0xA00, $0x38;
	[tilespmem:$0x1700] =	vst v63  }
0x65: {  	s24 =	simm.s32 @p0 $0x2  }
0x66: {  	_ =	swait.ge @p0 [sflag:s24], $0xA00  }
0x67: {  	[sflag:s24] =	ssyncset.done @p0 $0x0  }
0x68: {  	[sflag:s24] =	ssyncadd.s32 @p0 $0xFFFFF600;
	s24 =	simm.s32 @!p0 $0x0  }
0x69: {  	[tilespmem:s24], [sflag:$0x2] =	stream.linear.gather @!p0 [hbm4b:s4+s24], $0x1400, $0x38;
	[tilespmem:$0x1700] =	vst v63  }
0x6a: {  	s24 =	simm.s32 @!p0 $0x2  }
0x6b: {  	_ =	swait.ge @!p0 [sflag:s24], $0x1400  }
0x6c: {  	[sflag:s24] =	ssyncset.done @!p0 $0x0  }
0x6d: {  	[sflag:s24] =	ssyncadd.s32 @!p0 $0xFFFFEC00  }
0x6e: {  	[tilespmem:$0x1400] =	vst v0  }
0x6f: {  	[tilespmem:$0x1410] =	vst v0  }
0x70: {  	[tilespmem:$0x1420] =	vst v0  }
0x71: {  	[tilespmem:$0x1430] =	vst v0  }
0x72: {  	[tilespmem:$0x1440] =	vst v0  }
0x73: {  	[tilespmem:$0x1450] =	vst v0  }
0x74: {  	[tilespmem:$0x1460] =	vst v0  }
0x75: {  	[tilespmem:$0x1470] =	vst v0  }
0x76: {  	[spmem:s11], [sflag:s10] =	dma.local [hbm:s6], $0x50  }
0x77: {  	_ =	swait.ge [sflag:s12], $0x50  }
0x78: {  	[sflag:s12] =	ssyncset.done $0x0  }
0x79: {  	[sflag:s12] =	ssyncadd.s32 $0xFFFFFFB0  }
0x7a: {  	[bflag:$0x0] =	sbarrier.arrive $0xFFFF  }
0x7b: {  	[spmem:s2] =	stream.indirect.scatter.add.f32 [tilespmem:s14], [sflag:$0x1], $0x1, s3, s13, $0xb8;
	[tilespmem:$0x1700] =	vst v63  }
0x7c: {  	_ = 	snop  }
0x7d: {  	[spmem:s2] =	stream.indirect.scatter.add.f32 [tilespmem:s14], [sflag:$0x1], $0x1, s13, s13, $0xb8;
	[tilespmem:$0x1700] =	vst v63  }
0x7e: {  	_ = 	snop  }
0x7f: {  	[spmem:s2] =	stream.indirect.scatter.add.f32 [tilespmem:s14], [sflag:$0x1], $0x1, s15, s13, $0xb8;
	[tilespmem:$0x1700] =	vst v63  }
0x80: {  	_ = 	snop  }
0x81: {  	[spmem:s2] =	stream.indirect.scatter.add.f32 [tilespmem:s14], [sflag:$0x1], $0x1, s16, s13, $0xb8;
	[tilespmem:$0x1700] =	vst v63  }
.Ltmp2:
0x82: {  	_ = 	snop;
	(pc) =	sbr.rel @p0 .LBB2_7-.Ltmp2, $4  }
0x83: {  	_ = 	snop  }
0x84: {  	[spmem:s2] =	stream.indirect.scatter.add.f32 [tilespmem:s14], [sflag:$0x1], $0x1, s17, s13, $0xb8;
	[tilespmem:$0x1700] =	vst v63  }
0x85: {  	_ = 	snop  }
0x86: {  	[spmem:s2] =	stream.indirect.scatter.add.f32 [tilespmem:s14], [sflag:$0x1], $0x1, s18, s13, $0xb8;
	[tilespmem:$0x1700] =	vst v63  }
0x87: {  	_ =	swait.ge [sflag:s19], $0x80  }
0x88: {  	[sflag:s19] =	ssyncset.done $0x0  }
0x89: {  	s24 =	simm.s32 $0xE00;
	s25 =	simm.s32 $0x300;
	[sflag:s19] =	ssyncadd.s32 $0xFFFFFF80  }
.LBB2_3:
0x8a: {  	[spmem:s2] =	stream.indirect.scatter.add.f32 [tilespmem:s14], [sflag:$0x1], $0x1, s25, s13, $0xb8;
	[tilespmem:$0x1700] =	vst v63  }
0x8b: {  	s25 =	smov.u32 s24;
	p1 =	sne.s32 s24, $0x4E00  }
.Ltmp3:
0x8c: {  	s24 =	sadd.s32 $0x200, s24;
	(pc) =	sbr.rel @p1 .LBB2_3-.Ltmp3, $4  }
0x8d: {  	_ = 	snop  }
0x8e: {  	_ =	swait.ge [sflag:s19], $0x80  }
0x8f: {  	[sflag:s19] =	ssyncset.done $0x0  }
0x90: {  	s25 =	sshra.s32 s25, $0x2;
	[sflag:s19] =	ssyncadd.s32 $0xFFFFFF80  }
0x91: {  	[spmem:s2] =	stream.indirect.scatter.add.f32 [tilespmem:s14], [sflag:$0x1], $0x1, s25, s13, $0xb8;
	[tilespmem:$0x1700] =	vst v63  }
0x92: {  	_ =	swait.ge [sflag:s19], $0x80  }
0x93: {  	[sflag:s19] =	ssyncset.done $0x0  }
0x94: {  	[sflag:s19] =	ssyncadd.s32 $0xFFFFFF80  }
0x95: {  	_ =	swait.ge [sflag:s19], $0x80  }
0x96: {  	[sflag:s19] =	ssyncset.done $0x0  }
0x97: {  	[sflag:s19] =	ssyncadd.s32 $0xFFFFFF80  }
0x98: {  	_ =	swait.ge [sflag:s19], $0x80  }
0x99: {  	[sflag:s19] =	ssyncset.done $0x0  }
0x9a: {  	[sflag:s19] =	ssyncadd.s32 $0xFFFFFF80  }
0x9b: {  	_ =	swait.ge [sflag:s19], $0x80  }
0x9c: {  	[sflag:s19] =	ssyncset.done $0x0  }
0x9d: {  	[sflag:s19] =	ssyncadd.s32 $0xFFFFFF80  }
0x9e: {  	_ =	swait.ge [sflag:s19], $0x80  }
0x9f: {  	[sflag:s19] =	ssyncset.done $0x0  }
0xa0: {  	[sflag:s19] =	ssyncadd.s32 $0xFFFFFF80  }
0xa1: {  	_ =	swait.ge [sflag:s19], $0x80  }
0xa2: {  	[sflag:s19] =	ssyncset.done $0x0  }
0xa3: {  	[sflag:s19] =	ssyncadd.s32 $0xFFFFFF80  }
0xa4: {  	[tilespmem:s3], [sflag:$0x2] =	stream.linear.gather [hbm4b:s7+s3], $0x1400, $0x38;
	[tilespmem:$0x1700] =	vst v63  }
0xa5: {  	_ =	swait.ge [sflag:s12], $0x1400  }
0xa6: {  	[sflag:s12] =	ssyncset.done $0x0  }
0xa7: {  	[sflag:s12] =	ssyncadd.s32 $0xFFFFEC00  }
0xa8: {  	[spmem:s2] =	stream.indirect.scatter.add.f32 [tilespmem:s14], [sflag:$0x1], $0x1, s3, s13, $0xb8;
	[tilespmem:$0x1700] =	vst v63  }
0xa9: {  	_ = 	snop  }
0xaa: {  	[spmem:s2] =	stream.indirect.scatter.add.f32 [tilespmem:s14], [sflag:$0x1], $0x1, s13, s13, $0xb8;
	[tilespmem:$0x1700] =	vst v63  }
0xab: {  	_ = 	snop  }
0xac: {  	[spmem:s2] =	stream.indirect.scatter.add.f32 [tilespmem:s14], [sflag:$0x1], $0x1, s15, s13, $0xb8;
	[tilespmem:$0x1700] =	vst v63  }
0xad: {  	_ = 	snop  }
0xae: {  	[spmem:s2] =	stream.indirect.scatter.add.f32 [tilespmem:s14], [sflag:$0x1], $0x1, s16, s13, $0xb8;
	[tilespmem:$0x1700] =	vst v63  }
0xaf: {  	_ = 	snop  }
0xb0: {  	[spmem:s2] =	stream.indirect.scatter.add.f32 [tilespmem:s14], [sflag:$0x1], $0x1, s17, s13, $0xb8;
	[tilespmem:$0x1700] =	vst v63  }
0xb1: {  	_ = 	snop  }
0xb2: {  	[spmem:s2] =	stream.indirect.scatter.add.f32 [tilespmem:s14], [sflag:$0x1], $0x1, s18, s13, $0xb8;
	[tilespmem:$0x1700] =	vst v63  }
0xb3: {  	_ =	swait.ge [sflag:s19], $0x80  }
0xb4: {  	[sflag:s19] =	ssyncset.done $0x0  }
0xb5: {  	s24 =	simm.s32 $0xE00;
	s25 =	simm.s32 $0x300;
	[sflag:s19] =	ssyncadd.s32 $0xFFFFFF80  }
.LBB2_5:
0xb6: {  	[spmem:s2] =	stream.indirect.scatter.add.f32 [tilespmem:s14], [sflag:$0x1], $0x1, s25, s13, $0xb8;
	[tilespmem:$0x1700] =	vst v63  }
0xb7: {  	s25 =	smov.u32 s24;
	p1 =	seq.s32 s24, $0x4E00  }
.Ltmp4:
0xb8: {  	s24 =	sadd.s32 $0x200, s24;
	(pc) =	sbr.rel @!p1 .LBB2_5-.Ltmp4, $4  }
0xb9: {  	_ = 	snop  }
0xba: {  	_ =	swait.ge [sflag:s19], $0x80  }
0xbb: {  	[sflag:s19] =	ssyncset.done $0x0  }
0xbc: {  	s25 =	sshra.s32 s25, $0x2;
	[sflag:s19] =	ssyncadd.s32 $0xFFFFFF80  }
.Ltmp5:
0xbd: {  	(pc) =	sbr.rel .LBB2_8-.Ltmp5, $2  }
0xbe: {  	_ =	sdelay $0x2  }
0xbf: {  	[spmem:s2] =	stream.indirect.scatter.add.f32 [tilespmem:s14], [sflag:$0x1], $0x1, s25, s13, $0xb8;
	[tilespmem:$0x1700] =	vst v63  }
.LBB2_9:
0xc0: {  	_ =	sfence.sel $0x180000  }
0xc1: {  	[bflag:$0x0] =	sbarrier.arrive $0xFFFF  }
0xc2: {  	_ =	strace $0x90000047  }
0xc3: {  	s0 =	stileid.u32;
	[bflag:$0x2] =	sbarrier.arrive $0xFFFF  }
0xc4: {  	p0 =	sne.s32 s0, $0x0;
	s0 =	rddreg [dreg:$0x3]  }
0xc5: {  	s0 =	sadd.s32 @!p0 $0x100000, s0  }
0xc6: {  	[sflag:s0] =	ssyncadd.tile.s32 @!p0 $0x1;
	_ =	shalt  }
.Lfunc_end2:
_tile_overlayer_lowered:
.L_overlay_start_2:
0xc7: {  	(tag) =	ssettag $0x2  }
0xc8: {  	s0 =	rddreg [dreg:$0x0];
	s2 =	stileid.u32  }
0xc9: {  	s1 =	rddreg [dreg:$0x1];
	p0 =	sne.s32 s2, $0x0  }
0xca: {  	s3 =	rddreg [dreg:$0x2];
	[bflag:$0x3] =	sbarrier.arrive $0xFFFF;
	s2 =	simm.s32 @!p0 $0x1C02  }
0xcb: {  	[timem:s3], [sflag:s2] =	dma.local @!p0 [hbm:s0], s1  }
0xcc: {  	s0 =	simm.s32 @!p0 $0x2  }
0xcd: {  	_ =	swait.ge @!p0 [sflag:s0], s1  }
0xce: {  	s1 =	ssub.s32 @!p0 $0x0, s1;
	[sflag:s0] =	ssyncset.done @!p0 $0x0  }
0xcf: {  	[sflag:s0] =	ssyncadd.s32 @!p0 s1  }
0xd0: {  	[bflag:$0x3] =	sbarrier.arrive $0xFFFF  }
0xd1: {  	_ =	shalt  }

// kernel: edge_pass.4.cloned.1.call-start
scs
__scs_entry_jumppad:
0x0: {  	(pc) =	sbr.rel $0x88, $3  }
0x1: {  	(tag) =	ssettag $0x0;
	lr =	simm.s32 $0x1  }
0x2: {  	[smem:$0x3F97] =	sst lr;
	_ =	strace $0xD0000000  }
0x3: {  	_ = 	snop  }
0x4: {  	_ = 	snop  }
0x5: {  	_ = 	snop  }
0x6: {  	_ = 	snop  }
0x7: {  	_ = 	snop  }
__scs_overlays_trampoline_lowered:
0x8: {  	[smem:$0x3FA6] =	sst s0  }
0x9: {  	[smem:$0x3FA7] =	sst s1  }
0xa: {  	[smem:$0x3FA8] =	sst s2  }
0xb: {  	[smem:$0x3FA9] =	sst s3  }
0xc: {  	[smem:$0x3FAA] =	sst s4  }
0xd: {  	[smem:$0x3FAB] =	sst s5  }
0xe: {  	[smem:$0x3FAC] =	sst s6  }
0xf: {  	[smem:$0x3FAD] =	sst s7  }
0x10: {  	[smem:$0x3FAE] =	sst s8  }
0x11: {  	[smem:$0x3FAF] =	sst s9;
	s0 =	simm.s32 @!p0 $0x0  }
0x12: {  	s1 =	sld [smem:$0x3F95];
	s0 =	simm.s32 @p0 $0x1  }
0x13: {  	[smem:$0x3FB0] =	sst s0;
	s0 =	simm.s32 @!p1 $0x0  }
0x14: {  	s2 =	sld [smem:$0x3F94];
	s0 =	simm.s32 @p1 $0x1  }
0x15: {  	[smem:$0x3FB1] =	sst s0;
	s0 =	simm.s32 @!p2 $0x0  }
0x16: {  	s3 =	sld [smem:$0x3FDB];
	s0 =	simm.s32 @p2 $0x1  }
0x17: {  	s4 =	simm.s32 $0x1BF5;
	[smem:$0x3FB3] =	sst s0  }
0x18: {  	s0 =	sld [smem:$0x3F96];
	_ =	swait.ge [sflag:s4], $0x0  }
0x19: {  	s7 =	sld [smem:$0x3F97]  }
0x1a: {  	s8 =	sadd.s32 $0xFFFFE003, lr  }
0x1b: {  	s9 =	sadd.s32 $0xFFFFFEF7, lr;
	s5 =	simm.s32 $0xFFFFFFFF;
	p2 =	slt.u32 s8, $0xFFFFF086  }
0x1c: {  	p1 =	slt.u32 s9, $0xF7A;
	s5 =	simm.s32 @!p2 $0x0  }
0x1d: {  	s5 =	simm.s32 @p1 $0x1;
	p0 =	seq.s32 s7, s2  }
0x1e: {  	s7 =	smul.u32 @!p0 $0xF7A, s2;
	p2 =	seq.s32 @!p0 s5, $0x0  }
0x1f: {  	s9 =	smul.u32 $0xF7A, s1;
	s8 =	simm.s32 @!p0 $0x1BF5;
	p2 =	por !p2, p0  }
0x20: {  	[sflag:s8] =	ssyncset.s32 @!p0 $0xFFFFF086;
	s6 =	sadd.s32 @!p0 s3, s7;
	s7 =	simm.s32 @!p0 $0x108  }
0x21: {  	s3 =	sadd.s32 s3, s9;
	s6 =	sadd.s32 @!p0 $0x88, s6;
	s7 =	simm.s32 @p2 $0x1082  }
0x22: {  	[simem:s7], [sflag:s8] =	dma.local @!p0 [hbm:s6], $0xF7A  }
0x23: {  	s9 =	sor.u32 $0xD0000000, s2;
	s6 =	simm.s32 $0x108;
	_ =	swait.ge @!p0 [sflag:s8], $0x0  }
0x24: {  	s3 =	sadd.s32 $0x88, s3;
	s6 =	simm.s32 @!p1 $0x1082;
	[sflag:s4] =	ssyncset.s32 $0xFFFFF086  }
0x25: {  	[simem:s6], [sflag:s4] =	dma.local [hbm:s3], $0xF7A  }
0x26: {  	[smem:$0x3F97] =	sst s1;
	(tag) =	ssettag s2;
	_ =	strace s9  }
0x27: {  	s1 =	sld [smem:$0x3FA7]  }
0x28: {  	s2 =	sld [smem:$0x3FA8]  }
0x29: {  	s4 =	sld [smem:$0x3FAA]  }
0x2a: {  	p0 =	seq.s32 s5, $0x0;
	s5 =	sld [smem:$0x3FAB]  }
0x2b: {  	s6 =	sld [smem:$0x3FAC]  }
0x2c: {  	s7 =	sld [smem:$0x3FAD]  }
0x2d: {  	s3 =	simm.s32 $0x108;
	s8 =	sld [smem:$0x3FAE]  }
0x2e: {  	s3 =	simm.s32 @!p0 $0x1082;
	s9 =	sld [smem:$0x3FAF]  }
0x2f: {  	lr =	sadd.s32 s0, s3;
	s0 =	sld [smem:$0x3FA6]  }
0x30: {  	s3 =	sld [smem:$0x3FA9]  }
0x31: {  	[smem:$0x3FB2] =	sst s10  }
0x32: {  	s10 =	sld [smem:$0x3FB0];
	_ =	sdelay $0x3  }
0x33: {  	p0 =	seq.s32 s10, $0x1;
	s10 =	sld [smem:$0x3FB2];
	_ =	sdelay $0x3  }
0x34: {  	[smem:$0x3FB2] =	sst s10  }
0x35: {  	s10 =	sld [smem:$0x3FB1];
	_ =	sdelay $0x3  }
0x36: {  	p1 =	seq.s32 s10, $0x1;
	s10 =	sld [smem:$0x3FB2];
	_ =	sdelay $0x3  }
0x37: {  	[smem:$0x3FB2] =	sst s10  }
0x38: {  	s10 =	sld [smem:$0x3FB3]  }
0x39: {  	_ = 	snop;
	(pc) =	sbr.ind lr, $3  }
0x3a: {  	_ = 	snop  }
0x3b: {  	_ = 	snop  }
0x3c: {  	p2 =	seq.s32 s10, $0x1;
	s10 =	sld [smem:$0x3FB2]  }
0x3d: {  	_ =	shalt  }
0x3e: {  	_ =	shalt  }
0x3f: {  	_ =	shalt  }
0x40: {  	_ =	shalt  }
0x41: {  	_ =	shalt  }
0x42: {  	_ =	shalt  }
0x43: {  	_ =	shalt  }
0x44: {  	_ =	shalt  }
0x45: {  	_ =	shalt  }
0x46: {  	_ =	shalt  }
0x47: {  	_ =	shalt  }
0x48: {  	_ =	shalt  }
0x49: {  	_ =	shalt  }
0x4a: {  	_ =	shalt  }
0x4b: {  	_ =	shalt  }
0x4c: {  	_ =	shalt  }
0x4d: {  	_ =	shalt  }
0x4e: {  	_ =	shalt  }
0x4f: {  	_ =	shalt  }
0x50: {  	_ =	shalt  }
0x51: {  	_ =	shalt  }
0x52: {  	_ =	shalt  }
0x53: {  	_ =	shalt  }
0x54: {  	_ =	shalt  }
0x55: {  	_ =	shalt  }
0x56: {  	_ =	shalt  }
0x57: {  	_ =	shalt  }
0x58: {  	_ =	shalt  }
0x59: {  	_ =	shalt  }
0x5a: {  	_ =	shalt  }
0x5b: {  	_ =	shalt  }
0x5c: {  	_ =	shalt  }
0x5d: {  	_ =	shalt  }
0x5e: {  	_ =	shalt  }
0x5f: {  	_ =	shalt  }
0x60: {  	_ =	shalt  }
0x61: {  	_ =	shalt  }
0x62: {  	_ =	shalt  }
0x63: {  	_ =	shalt  }
0x64: {  	_ =	shalt  }
0x65: {  	_ =	shalt  }
0x66: {  	_ =	shalt  }
0x67: {  	_ =	shalt  }
0x68: {  	_ =	shalt  }
0x69: {  	_ =	shalt  }
0x6a: {  	_ =	shalt  }
0x6b: {  	_ =	shalt  }
0x6c: {  	_ =	shalt  }
0x6d: {  	_ =	shalt  }
0x6e: {  	_ =	shalt  }
0x6f: {  	_ =	shalt  }
0x70: {  	_ =	shalt  }
0x71: {  	_ =	shalt  }
0x72: {  	_ =	shalt  }
0x73: {  	_ =	shalt  }
0x74: {  	_ =	shalt  }
0x75: {  	_ =	shalt  }
0x76: {  	_ =	shalt  }
0x77: {  	_ =	shalt  }
0x78: {  	_ =	shalt  }
0x79: {  	_ =	shalt  }
0x7a: {  	_ =	shalt  }
0x7b: {  	_ =	shalt  }
0x7c: {  	_ =	shalt  }
0x7d: {  	_ =	shalt  }
0x7e: {  	_ =	shalt  }
0x7f: {  	_ =	shalt  }
0x80: {  	_ =	shalt  }
0x81: {  	_ =	shalt  }
0x82: {  	_ =	shalt  }
0x83: {  	_ =	shalt  }
0x84: {  	_ =	shalt  }
0x85: {  	_ =	shalt  }
0x86: {  	_ =	shalt  }
0x87: {  	_ =	shalt  }
.Lfunc_end0:
.L_simem_size_0:
called_computation.1_lowered:
.L_overlay_start_0:
0x88: {  	s2 =	sld [smem:$0x3FD9]  }
0x89: {  	s3 =	sld [smem:$0x3FFE];
	_ =	sdelay $0x1  }
0x8a: {  	s1 =	srdreg.scid  }
0x8b: {  	s0 =	sand.u32 $0x1, s1  }
0x8c: {  	s16 =	sshll.u32 s0, $0xA;
	s2 =	sadd.s32 s3, s2  }
0x8d: {  	s2 =	sadd.s32 s2, s16  }
0x8e: {  	[smem:$0x3FBE] =	sst s2  }
0x8f: {  	_ = 	snop  }
0x90: {  	(tm) =	ssettm $0x1  }
0x91: {  	s17 =	sld [smem:$0x3FFB];
	_ =	sdelay $0x3  }
0x92: {  	_ =	strace s17  }
0x93: {  	s2 =	sld [smem:$0x3FFC];
	_ =	sdelay $0x3  }
0x94: {  	_ =	strace s2  }
0x95: {  	s2 =	sld [smem:$0x3FFD];
	_ =	sdelay $0x3  }
0x96: {  	_ =	strace s2  }
0x97: {  	_ =	strace $0x8FFFFFFF  }
0x98: {  	s18 =	sld [smem:$0x3FDB];
	_ =	sdelay $0x1  }
0x99: {  	s19 =	simm.s32 $_scs_section_size  }
0x9a: {  	s4 =	simm.s32 $_size__tile_overlayer_lowered;
	s5 =	simm.s32 $_tile_overlayer_lowered  }
0x9b: {  	s22 =	simm.s32 $0x1BFF;
	s21 =	sshll.u32 s5, $0x1;
	s2 =	sadd.s32 s19, s18  }
0x9c: {  	s6 =	simm.s32 $0x0;
	s20 =	sshll.u32 s4, $0x1;
	s4 =	sadd.s32 s21, s2  }
0x9d: {  	[timem:s6], [sflag:s22] =	dma.local [hbm:s4], s20  }
0x9e: {  	_ =	swait.ge [sflag:s22], s20  }
0x9f: {  	s3 =	ssub.s32 $0x0, s20;
	[sflag:s22] =	ssyncset.done $0x0  }
0xa0: {  	[sflag:s22] =	ssyncadd.s32 s3;
	_ =	sdelay $0x1  }
0xa1: {  	s23 =	simm.s32 $0x1B8B  }
0xa2: {  	_ =	swait.ge [sflag:s23], $0x1  }
0xa3: {  	[sflag:s23] =	ssyncset.done $0x0  }
0xa4: {  	s25 =	simm.s32 $0x1B8E;
	s24 =	sld [smem:$0x3FFE];
	[sflag:s23] =	ssyncadd.s32 $0xFFFFFFFF  }
0xa5: {  	s26 =	simm.s32 $execute0_lowered;
	[smem:$0x3FD2] =	sst s25  }
0xa6: {  	s4 =	sshll.u32 s26, $0x1;
	_ =	strace $0x80000049;
	[dreg:$0x1] =	wrdreg $0xFFFFFFFF  }
0xa7: {  	s28 =	simm.s32 $_size_execute0_lowered;
	s2 =	sadd.s32 s2, s4;
	[dreg:$0x0] =	wrdreg $0x0  }
0xa8: {  	s4 =	sshll.u32 s28, $0x1;
	[dreg:$0x2] =	wrdreg s2  }
0xa9: {  	[dreg:$0x3] =	wrdreg s4  }
0xaa: {  	[dreg:$0x4] =	wrdreg $0xC0  }
0xab: {  	_ =	task [dreg:s6], $0x5FFFF  }
0xac: {  	[dreg:$0x1] =	wrdreg $0xFFFFFFFF  }
0xad: {  	[dreg:$0x0] =	wrdreg $0x60  }
0xae: {  	[dreg:$0x2] =	wrdreg s24  }
0xaf: {  	[dreg:$0x3] =	wrdreg $0xA8000  }
0xb0: {  	[dreg:$0x4] =	wrdreg $0x9  }
0xb1: {  	_ =	task.clear_ibuf [dreg:s6], $0x5FFFF;
	_ =	strace $0x90000049  }
0xb2: {  	s29 =	simm.s32 $0x9;
	_ =	strace $0x8000004B  }
0xb3: {  	_ =	swait.ge [sflag:s29], $0x1  }
0xb4: {  	[sflag:s29] =	ssyncadd.s32 $0xFFFFFFFF  }
0xb5: {  	_ =	strace $0x9000004B  }
0xb6: {  	_ =	sfence  }
0xb7: {  	s30 =	sld [smem:$0x0];
	_ =	sdelay $0x2  }
0xb8: {  	s31 =	sshll.u32 s1, $0xD;
	s1 =	sshrl.u32 s1, $0x2  }
0xb9: {  	s3 =	sand.u32 $0x4000, s31;
	s1 =	sadd.s32 s1, s30  }
0xba: {  	s0 =	sor.u32 s3, s0;
	s1 =	sshll.u32 s1, $0x11  }
0xbb: {  	s0 =	sor.u32 s1, s0  }
0xbc: {  	s0 =	sadd.s32 $0x8F2B, s0  }
0xbd: {  	[sflag:s0] =	ssyncadd.remote.s32 $0x1  }
0xbe: {  	_ =	sfence.sel $0xFFFF  }
0xbf: {  	[dreg:$0x0] =	wrdreg $0xFFFFFFFF;
	(pc) =	sbr.abs _section_cstart, $3  }
0xc0: {  	[dreg:$0x1] =	wrdreg $0xFFFFFFFF  }
0xc1: {  	_ =	task.clear_ibuf [dreg:s6], $0x2FFFF;
	_ =	strace $0x9FFFFFFF  }
0xc2: {  	(tm) =	ssettm $0x7FFFFFFF  }
0xc3: {  	_ =	shalt  }
tec
execute0_lowered:
.L_overlay_start_1:
0x0: {  	(tag) =	ssettag $0x1  }
0x1: {  	s0 =	srdreg.scid;
	s8 =	rddreg [dreg:$0x0]  }
0x2: {  	s3 =	simm.s32 $0x0;
	s19 =	simm.s32 $0x3;
	s20 =	simm.s32 $0x80  }
0x3: {  	s21 =	simm.s32 $0x2800;
	s22 =	simm.s32 $0x1400;
	s23 =	simm.s32 $0x1480  }
0x4: {  	s24 =	simm.s32 $0x1;
	s28 =	simm.s32 $0x2;
	s31 =	simm.s32 $0x980  }
0x5: {  	s25 =	simm.s32 $0x0;
	s1 =	sand.u32 $0x1, s0;
	s0 =	stileid.u32  }
0x6: {  	[smem:$0x7FF] =	sst s3;
	s4 =	sadd.s32 $0x16A00, s8;
	s6 =	smul.u32 $0x140000, s1  }
0x7: {  	s2 =	sshll.u32 s1, $0x4;
	s7 =	smul.u32 $0x14000, s0;
	s1 =	ssub.s32 $0x2, s1  }
0x8: {  	s9 =	smul.u32 $0x50000, s0;
	s18 =	sor.u32 s0, s2;
	s2 =	rddreg [dreg:$0x1]  }
0x9: {  	_ =	strace $0x8000004A;
	s30 =	sshrl.u32 s1, $0x1;
	s5 =	smul.u32 $0x2800, s18  }
0xa: {  	s6 =	sadd.s32 s7, s6;
	s1 =	ssub.s32 s1, s30;
	s9 =	sshrl.u32 s9, $0x2  }
0xb: {  	s7 =	sadd.s32 $0xCB00, s8;
	p0 =	seq.s32 s18, $0x1F;
	s18 =	simm.s32 $0x6800  }
0xc: {  	s6 =	sshrl.u32 s6, $0x3;
	s9 =	sadd.s32 s9, s2;
	s17 =	smax.u32 s1, $0x1  }
.Ltmp0:
0xd: {  	s1 =	simm.s32 $0x1D80;
	s5 =	sshrl.u32 s5, $0x3;
	(pc) =	sbr.rel .LBB2_1-.Ltmp0, $4  }
0xe: {  	s16 =	sadd.s32 s6, s8;
	s10 =	sadd.s32 $0x4000, s9;
	s11 =	sadd.s32 $0x8000, s9  }
0xf: {  	s12 =	sadd.s32 $0xC000, s9;
	s13 =	sadd.s32 $0x10000, s9;
	s15 =	sadd.s32 s5, s8  }
0x10: {  	s8 =	sadd.s32 $0x16780, s8;
	s16 =	sadd.s32 $0x3EA00, s16;
	s5 =	sadd.s32 $0x3000, s15  }
0x11: {  	v0 =	vimm.f32 $0.0e+00;
	s6 =	sadd.s32 $0xCC80, s15;
	s14 =	sadd.s32 $0x3280, s15;
	s15 =	sadd.s32 $0xCF00, s15  }
.LBB2_9:
0x12: {  	_ =	swait.ge [sflag:s24], $0x4000  }
0x13: {  	[sflag:s24] =	ssyncset.done $0x0  }
0x14: {  	s26 =	simm.s32 $0x100;
	[sflag:s24] =	ssyncadd.s32 $0xFFFFC000  }
0x15: {  	[tilespmem:s21], [sflag:$0x3] =	stream.indirect.gather [hbm4b:s4+s20], $0x80, s26, s20, $0xb8;
	[tilespmem:$0x1E800] =	vst v63  }
0x16: {  	_ =	swait.ge [sflag:s19], $0x4000  }
0x17: {  	[sflag:s19] =	ssyncset.done $0x0  }
0x18: {  	s30 =	simm.s32 $0x1500;
	[sflag:s19] =	ssyncadd.s32 $0xFFFFC000  }
0x19: {  	[spmem:s2] =	stream.indirect.scatter.add.f32 [tilespmem:s21], [sflag:$0x1], $0x80, s30, s20, $0xb8;
	[tilespmem:$0x1E800] =	vst v63  }
0x1a: {  	_ =	swait.ge [sflag:s28], $0x4000  }
0x1b: {  	[sflag:s28] =	ssyncset.done $0x0  }
0x1c: {  	s29 =	simm.s32 $0x180;
	[sflag:s28] =	ssyncadd.s32 $0xFFFFC000  }
0x1d: {  	[tilespmem:s18], [sflag:$0x3] =	stream.indirect.gather [hbm4b:s4+s20], $0x80, s29, s20, $0xb8;
	[tilespmem:$0x1E800] =	vst v63  }
0x1e: {  	_ =	swait.ge [sflag:s19], $0x4000  }
0x1f: {  	[sflag:s19] =	ssyncset.done $0x0  }
0x20: {  	s30 =	simm.s32 $0x1580;
	[sflag:s19] =	ssyncadd.s32 $0xFFFFC000  }
0x21: {  	[spmem:s2] =	stream.indirect.scatter.add.f32 [tilespmem:s18], [sflag:$0x2], $0x80, s30, s20, $0xb8;
	[tilespmem:$0x1E800] =	vst v63  }
0x22: {  	_ =	swait.ge [sflag:s24], $0x4000  }
0x23: {  	[sflag:s24] =	ssyncset.done $0x0  }
0x24: {  	s29 =	simm.s32 $0x200;
	[sflag:s24] =	ssyncadd.s32 $0xFFFFC000  }
0x25: {  	[tilespmem:s21], [sflag:$0x3] =	stream.indirect.gather [hbm4b:s4+s20], $0x80, s29, s20, $0xb8;
	[tilespmem:$0x1E800] =	vst v63  }
0x26: {  	_ =	swait.ge [sflag:s19], $0x4000  }
0x27: {  	[sflag:s19] =	ssyncset.done $0x0  }
0x28: {  	s30 =	simm.s32 $0x1600;
	[sflag:s19] =	ssyncadd.s32 $0xFFFFC000  }
0x29: {  	[spmem:s2] =	stream.indirect.scatter.add.f32 [tilespmem:s21], [sflag:$0x1], $0x80, s30, s20, $0xb8;
	[tilespmem:$0x1E800] =	vst v63  }
0x2a: {  	_ =	swait.ge [sflag:s28], $0x4000  }
0x2b: {  	[sflag:s28] =	ssyncset.done $0x0  }
0x2c: {  	s29 =	simm.s32 $0x280;
	[sflag:s28] =	ssyncadd.s32 $0xFFFFC000  }
0x2d: {  	[tilespmem:s18], [sflag:$0x3] =	stream.indirect.gather [hbm4b:s4+s20], $0x80, s29, s20, $0xb8;
	[tilespmem:$0x1E800] =	vst v63  }
0x2e: {  	_ =	swait.ge [sflag:s19], $0x4000  }
0x2f: {  	[sflag:s19] =	ssyncset.done $0x0  }
0x30: {  	s30 =	simm.s32 $0x1680;
	[sflag:s19] =	ssyncadd.s32 $0xFFFFC000  }
0x31: {  	[spmem:s2] =	stream.indirect.scatter.add.f32 [tilespmem:s18], [sflag:$0x2], $0x80, s30, s20, $0xb8;
	[tilespmem:$0x1E800] =	vst v63  }
0x32: {  	_ =	swait.ge [sflag:s24], $0x4000  }
0x33: {  	[sflag:s24] =	ssyncset.done $0x0  }
0x34: {  	s29 =	simm.s32 $0x300;
	[sflag:s24] =	ssyncadd.s32 $0xFFFFC000  }
0x35: {  	[tilespmem:s21], [sflag:$0x3] =	stream.indirect.gather [hbm4b:s4+s20], $0x80, s29, s20, $0xb8;
	[tilespmem:$0x1E800] =	vst v63  }
0x36: {  	_ =	swait.ge [sflag:s19], $0x4000  }
0x37: {  	[sflag:s19] =	ssyncset.done $0x0  }
0x38: {  	s30 =	simm.s32 $0x1700;
	[sflag:s19] =	ssyncadd.s32 $0xFFFFC000  }
0x39: {  	[spmem:s2] =	stream.indirect.scatter.add.f32 [tilespmem:s21], [sflag:$0x1], $0x80, s30, s20, $0xb8;
	[tilespmem:$0x1E800] =	vst v63  }
0x3a: {  	_ =	swait.ge [sflag:s28], $0x4000  }
0x3b: {  	[sflag:s28] =	ssyncset.done $0x0  }
0x3c: {  	s29 =	simm.s32 $0x380;
	[sflag:s28] =	ssyncadd.s32 $0xFFFFC000  }
0x3d: {  	[tilespmem:s18], [sflag:$0x3] =	stream.indirect.gather [hbm4b:s4+s20], $0x80, s29, s20, $0xb8;
	[tilespmem:$0x1E800] =	vst v63  }
0x3e: {  	_ =	swait.ge [sflag:s19], $0x4000  }
0x3f: {  	[sflag:s19] =	ssyncset.done $0x0  }
0x40: {  	s30 =	simm.s32 $0x1780;
	[sflag:s19] =	ssyncadd.s32 $0xFFFFC000  }
0x41: {  	[spmem:s2] =	stream.indirect.scatter.add.f32 [tilespmem:s18], [sflag:$0x2], $0x80, s30, s20, $0xb8;
	[tilespmem:$0x1E800] =	vst v63  }
0x42: {  	_ =	swait.ge [sflag:s24], $0x4000  }
0x43: {  	[sflag:s24] =	ssyncset.done $0x0  }
0x44: {  	s29 =	simm.s32 $0x400;
	[sflag:s24] =	ssyncadd.s32 $0xFFFFC000  }
0x45: {  	[tilespmem:s21], [sflag:$0x3] =	stream.indirect.gather [hbm4b:s4+s20], $0x80, s29, s20, $0xb8;
	[tilespmem:$0x1E800] =	vst v63  }
0x46: {  	_ =	swait.ge [sflag:s19], $0x4000  }
0x47: {  	[sflag:s19] =	ssyncset.done $0x0  }
0x48: {  	s30 =	simm.s32 $0x1800;
	[sflag:s19] =	ssyncadd.s32 $0xFFFFC000  }
0x49: {  	[spmem:s2] =	stream.indirect.scatter.add.f32 [tilespmem:s21], [sflag:$0x1], $0x80, s30, s20, $0xb8;
	[tilespmem:$0x1E800] =	vst v63  }
0x4a: {  	_ =	swait.ge [sflag:s28], $0x4000  }
0x4b: {  	[sflag:s28] =	ssyncset.done $0x0  }
0x4c: {  	s29 =	simm.s32 $0x480;
	[sflag:s28] =	ssyncadd.s32 $0xFFFFC000  }
0x4d: {  	[tilespmem:s18], [sflag:$0x3] =	stream.indirect.gather [hbm4b:s4+s20], $0x80, s29, s20, $0xb8;
	[tilespmem:$0x1E800] =	vst v63  }
0x4e: {  	_ =	swait.ge [sflag:s19], $0x4000  }
0x4f: {  	[sflag:s19] =	ssyncset.done $0x0  }
0x50: {  	s30 =	simm.s32 $0x1880;
	[sflag:s19] =	ssyncadd.s32 $0xFFFFC000  }
0x51: {  	[spmem:s2] =	stream.indirect.scatter.add.f32 [tilespmem:s18], [sflag:$0x2], $0x80, s30, s20, $0xb8;
	[tilespmem:$0x1E800] =	vst v63  }
0x52: {  	_ =	swait.ge [sflag:s24], $0x4000  }
0x53: {  	[sflag:s24] =	ssyncset.done $0x0  }
0x54: {  	s29 =	simm.s32 $0x500;
	[sflag:s24] =	ssyncadd.s32 $0xFFFFC000  }
0x55: {  	[tilespmem:s21], [sflag:$0x3] =	stream.indirect.gather [hbm4b:s4+s20], $0x80, s29, s20, $0xb8;
	[tilespmem:$0x1E800] =	vst v63  }
0x56: {  	_ =	swait.ge [sflag:s19], $0x4000  }
0x57: {  	[sflag:s19] =	ssyncset.done $0x0  }
0x58: {  	s30 =	simm.s32 $0x1900;
	[sflag:s19] =	ssyncadd.s32 $0xFFFFC000  }
0x59: {  	[spmem:s2] =	stream.indirect.scatter.add.f32 [tilespmem:s21], [sflag:$0x1], $0x80, s30, s20, $0xb8;
	[tilespmem:$0x1E800] =	vst v63  }
0x5a: {  	_ =	swait.ge [sflag:s28], $0x4000  }
0x5b: {  	[sflag:s28] =	ssyncset.done $0x0  }
0x5c: {  	s29 =	simm.s32 $0x580;
	[sflag:s28] =	ssyncadd.s32 $0xFFFFC000  }
0x5d: {  	[tilespmem:s18], [sflag:$0x3] =	stream.indirect.gather [hbm4b:s4+s20], $0x80, s29, s20, $0xb8;
	[tilespmem:$0x1E800] =	vst v63  }
0x5e: {  	_ =	swait.ge [sflag:s19], $0x4000  }
0x5f: {  	[sflag:s19] =	ssyncset.done $0x0  }
0x60: {  	s30 =	simm.s32 $0x1980;
	[sflag:s19] =	ssyncadd.s32 $0xFFFFC000  }
0x61: {  	[spmem:s2] =	stream.indirect.scatter.add.f32 [tilespmem:s18], [sflag:$0x2], $0x80, s30, s20, $0xb8;
	[tilespmem:$0x1E800] =	vst v63  }
0x62: {  	_ =	swait.ge [sflag:s24], $0x4000  }
0x63: {  	[sflag:s24] =	ssyncset.done $0x0  }
0x64: {  	s29 =	simm.s32 $0x600;
	[sflag:s24] =	ssyncadd.s32 $0xFFFFC000  }
0x65: {  	[tilespmem:s21], [sflag:$0x3] =	stream.indirect.gather [hbm4b:s4+s20], $0x80, s29, s20, $0xb8;
	[tilespmem:$0x1E800] =	vst v63  }
0x66: {  	_ =	swait.ge [sflag:s19], $0x4000  }
0x67: {  	[sflag:s19] =	ssyncset.done $0x0  }
0x68: {  	s30 =	simm.s32 $0x1A00;
	[sflag:s19] =	ssyncadd.s32 $0xFFFFC000  }
0x69: {  	[spmem:s2] =	stream.indirect.scatter.add.f32 [tilespmem:s21], [sflag:$0x1], $0x80, s30, s20, $0xb8;
	[tilespmem:$0x1E800] =	vst v63  }
0x6a: {  	_ =	swait.ge [sflag:s28], $0x4000  }
0x6b: {  	[sflag:s28] =	ssyncset.done $0x0  }
0x6c: {  	s29 =	simm.s32 $0x680;
	[sflag:s28] =	ssyncadd.s32 $0xFFFFC000  }
0x6d: {  	[tilespmem:s18], [sflag:$0x3] =	stream.indirect.gather [hbm4b:s4+s20], $0x80, s29, s20, $0xb8;
	[tilespmem:$0x1E800] =	vst v63  }
0x6e: {  	_ =	swait.ge [sflag:s19], $0x4000  }
0x6f: {  	[sflag:s19] =	ssyncset.done $0x0  }
0x70: {  	s30 =	simm.s32 $0x1A80;
	[sflag:s19] =	ssyncadd.s32 $0xFFFFC000  }
0x71: {  	[spmem:s2] =	stream.indirect.scatter.add.f32 [tilespmem:s18], [sflag:$0x2], $0x80, s30, s20, $0xb8;
	[tilespmem:$0x1E800] =	vst v63  }
0x72: {  	_ =	swait.ge [sflag:s24], $0x4000  }
0x73: {  	[sflag:s24] =	ssyncset.done $0x0  }
0x74: {  	s29 =	simm.s32 $0x700;
	[sflag:s24] =	ssyncadd.s32 $0xFFFFC000  }
0x75: {  	[tilespmem:s21], [sflag:$0x3] =	stream.indirect.gather [hbm4b:s4+s20], $0x80, s29, s20, $0xb8;
	[tilespmem:$0x1E800] =	vst v63  }
0x76: {  	_ =	swait.ge [sflag:s19], $0x4000  }
0x77: {  	[sflag:s19] =	ssyncset.done $0x0  }
0x78: {  	s30 =	simm.s32 $0x1B00;
	[sflag:s19] =	ssyncadd.s32 $0xFFFFC000  }
0x79: {  	[spmem:s2] =	stream.indirect.scatter.add.f32 [tilespmem:s21], [sflag:$0x1], $0x80, s30, s20, $0xb8;
	[tilespmem:$0x1E800] =	vst v63  }
0x7a: {  	_ =	swait.ge [sflag:s28], $0x4000  }
0x7b: {  	[sflag:s28] =	ssyncset.done $0x0  }
0x7c: {  	s29 =	simm.s32 $0x780;
	[sflag:s28] =	ssyncadd.s32 $0xFFFFC000  }
0x7d: {  	[tilespmem:s18], [sflag:$0x3] =	stream.indirect.gather [hbm4b:s4+s20], $0x80, s29, s20, $0xb8;
	[tilespmem:$0x1E800] =	vst v63  }
0x7e: {  	_ =	swait.ge [sflag:s19], $0x4000  }
0x7f: {  	[sflag:s19] =	ssyncset.done $0x0  }
0x80: {  	s30 =	simm.s32 $0x1B80;
	[sflag:s19] =	ssyncadd.s32 $0xFFFFC000  }
0x81: {  	[spmem:s2] =	stream.indirect.scatter.add.f32 [tilespmem:s18], [sflag:$0x2], $0x80, s30, s20, $0xb8;
	[tilespmem:$0x1E800] =	vst v63  }
0x82: {  	_ =	swait.ge [sflag:s24], $0x4000  }
0x83: {  	[sflag:s24] =	ssyncset.done $0x0  }
0x84: {  	s29 =	simm.s32 $0x800;
	[sflag:s24] =	ssyncadd.s32 $0xFFFFC000  }
0x85: {  	[tilespmem:s21], [sflag:$0x3] =	stream.indirect.gather [hbm4b:s4+s20], $0x80, s29, s20, $0xb8;
	[tilespmem:$0x1E800] =	vst v63  }
0x86: {  	_ =	swait.ge [sflag:s19], $0x4000  }
0x87: {  	[sflag:s19] =	ssyncset.done $0x0  }
0x88: {  	s30 =	simm.s32 $0x1C00;
	[sflag:s19] =	ssyncadd.s32 $0xFFFFC000  }
0x89: {  	[spmem:s2] =	stream.indirect.scatter.add.f32 [tilespmem:s21], [sflag:$0x1], $0x80, s30, s20, $0xb8;
	[tilespmem:$0x1E800] =	vst v63  }
0x8a: {  	_ =	swait.ge [sflag:s28], $0x4000  }
0x8b: {  	[sflag:s28] =	ssyncset.done $0x0  }
0x8c: {  	s29 =	simm.s32 $0x880;
	[sflag:s28] =	ssyncadd.s32 $0xFFFFC000  }
0x8d: {  	[tilespmem:s18], [sflag:$0x3] =	stream.indirect.gather [hbm4b:s4+s20], $0x80, s29, s20, $0xb8;
	[tilespmem:$0x1E800] =	vst v63  }
0x8e: {  	_ =	swait.ge [sflag:s19], $0x4000  }
0x8f: {  	[sflag:s19] =	ssyncset.done $0x0  }
0x90: {  	s30 =	simm.s32 $0x1C80;
	[sflag:s19] =	ssyncadd.s32 $0xFFFFC000  }
0x91: {  	[spmem:s2] =	stream.indirect.scatter.add.f32 [tilespmem:s18], [sflag:$0x2], $0x80, s30, s20, $0xb8;
	[tilespmem:$0x1E800] =	vst v63  }
0x92: {  	_ =	swait.ge [sflag:s24], $0x4000  }
0x93: {  	[sflag:s24] =	ssyncset.done $0x0  }
0x94: {  	s29 =	simm.s32 $0x900;
	[sflag:s24] =	ssyncadd.s32 $0xFFFFC000  }
0x95: {  	[tilespmem:s21], [sflag:$0x3] =	stream.indirect.gather [hbm4b:s4+s20], $0x80, s29, s20, $0xb8;
	[tilespmem:$0x1E800] =	vst v63  }
0x96: {  	_ =	swait.ge [sflag:s19], $0x4000  }
0x97: {  	[sflag:s19] =	ssyncset.done $0x0  }
0x98: {  	s30 =	simm.s32 $0x1D00;
	[sflag:s19] =	ssyncadd.s32 $0xFFFFC000  }
0x99: {  	[spmem:s2] =	stream.indirect.scatter.add.f32 [tilespmem:s21], [sflag:$0x1], $0x80, s30, s20, $0xb8;
	[tilespmem:$0x1E800] =	vst v63  }
0x9a: {  	_ =	swait.ge [sflag:s28], $0x4000  }
0x9b: {  	[sflag:s28] =	ssyncset.done $0x0  }
0x9c: {  	[sflag:s28] =	ssyncadd.s32 $0xFFFFC000  }
0x9d: {  	[tilespmem:s18], [sflag:$0x3] =	stream.indirect.gather [hbm4b:s4+s20], $0x80, s31, s20, $0xb8;
	[tilespmem:$0x1E800] =	vst v63  }
0x9e: {  	_ =	swait.ge [sflag:s19], $0x4000  }
0x9f: {  	[sflag:s19] =	ssyncset.done $0x0  }
0xa0: {  	[sflag:s19] =	ssyncadd.s32 $0xFFFFC000  }
0xa1: {  	[spmem:s2] =	stream.indirect.scatter.add.f32 [tilespmem:s18], [sflag:$0x2], $0x80, s1, s20, $0xb8;
	[tilespmem:$0x1E800] =	vst v63  }
.LBB2_10:
0xa2: {  	_ =	swait.ge [sflag:s24], $0x4000  }
0xa3: {  	[sflag:s24] =	ssyncset.done $0x0  }
0xa4: {  	[sflag:s24] =	ssyncadd.s32 $0xFFFFC000  }
0xa5: {  	_ =	swait.ge [sflag:s28], $0x4000  }
0xa6: {  	s26 =	sshll.u32 s0, $0x6;
	s25 =	sadd.s32 $0x1, s25;
	[sflag:s28] =	ssyncset.done $0x0  }
0xa7: {  	s29 =	sshrl.u32 s9, $0x3;
	p1 =	sne.s32 s25, s17;
	[sflag:s28] =	ssyncadd.s32 $0xFFFFC000  }
.Ltmp1:
0xa8: {  	s26 =	sor.u32 $0x1C03, s26;
	[bflag:$0x0] =	sbarrier.arrive $0xFFFF;
	(pc) =	sbr.rel @!p1 .LBB2_11-.Ltmp1, $4  }
0xa9: {  	[hbm:s16], [sflag:s26] =	dma.local [spmem:s29], $0x2800  }
0xaa: {  	_ =	swait.ge [sflag:s19], $0x2800  }
0xab: {  	[sflag:s19] =	ssyncset.done $0x0  }
0xac: {  	[sflag:s19] =	ssyncadd.s32 $0xFFFFD800  }
.LBB2_1:
0xad: {  	s26 =	simm.s32 @p0 $0x0;
	s29 =	simm.s32 @p0 $0x3  }
0xae: {  	[tilespmem:s26], [sflag:$0x3] =	stream.linear.gather @p0 [hbm4b:s7+s26], $0xA00, $0x38;
	[tilespmem:$0x1E800] =	vst v63  }
0xaf: {  	_ =	swait.ge @p0 [sflag:s29], $0xA00  }
0xb0: {  	[sflag:s29] =	ssyncset.done @p0 $0x0  }
0xb1: {  	s30 =	simm.s32 @p0 $0x1400;
	[sflag:s29] =	ssyncadd.s32 @p0 $0xFFFFF600  }
0xb2: {  	[tilespmem:s30], [sflag:$0x3] =	stream.linear.gather @p0 [hbm4b:s8+s26], $0xA00, $0x38;
	[tilespmem:$0x1E800] =	vst v63  }
0xb3: {  	_ =	swait.ge @p0 [sflag:s29], $0xA00  }
0xb4: {  	[sflag:s29] =	ssyncset.done @p0 $0x0  }
0xb5: {  	s26 =	simm.s32 @!p0 $0x0;
	[sflag:s29] =	ssyncadd.s32 @p0 $0xFFFFF600;
	s29 =	simm.s32 @!p0 $0x3  }
0xb6: {  	[tilespmem:s26], [sflag:$0x3] =	stream.linear.gather @!p0 [hbm4b:s5+s26], $0x1400, $0x38;
	[tilespmem:$0x1E800] =	vst v63  }
0xb7: {  	_ =	swait.ge @!p0 [sflag:s29], $0x1400  }
0xb8: {  	[sflag:s29] =	ssyncset.done @!p0 $0x0  }
0xb9: {  	s30 =	simm.s32 @!p0 $0x1400;
	[sflag:s29] =	ssyncadd.s32 @!p0 $0xFFFFEC00  }
0xba: {  	[tilespmem:s30], [sflag:$0x3] =	stream.linear.gather @!p0 [hbm4b:s6+s26], $0x1400, $0x38;
	[tilespmem:$0x1E800] =	vst v63  }
0xbb: {  	_ =	swait.ge @!p0 [sflag:s29], $0x1400  }
0xbc: {  	[sflag:s29] =	ssyncset.done @!p0 $0x0  }
0xbd: {  	s26 =	simm.s32 $0x0;
	[sflag:s29] =	ssyncadd.s32 @!p0 $0xFFFFEC00;
	s29 =	simm.s32 $0x200  }
.LBB2_2:
0xbe: {  	p1 =	sne.s32 s29, $0xFE00;
	[tilespmem:s26+$0x6870] =	vst v0  }
0xbf: {  	[tilespmem:s26+$0x6800] =	vst v0  }
0xc0: {  	[tilespmem:s26+$0x6810] =	vst v0  }
.Ltmp2:
0xc1: {  	[tilespmem:s26+$0x6820] =	vst v0;
	(pc) =	sbr.rel @p1 .LBB2_2-.Ltmp2, $4  }
0xc2: {  	[tilespmem:s26+$0x6830] =	vst v0  }
0xc3: {  	[tilespmem:s26+$0x6840] =	vst v0  }
0xc4: {  	[tilespmem:s26+$0x6850] =	vst v0  }
0xc5: {  	[tilespmem:s26+$0x6860] =	vst v0;
	s26 =	sshra.s32 s29, $0x2;
	s29 =	sadd.s32 $0x200, s29  }
0xc6: {  	[tilespmem:s26+$0x6870] =	vst v0  }
0xc7: {  	[tilespmem:s26+$0x6800] =	vst v0  }
0xc8: {  	[tilespmem:s26+$0x6810] =	vst v0  }
0xc9: {  	[tilespmem:s26+$0x6820] =	vst v0  }
0xca: {  	[tilespmem:s26+$0x6830] =	vst v0  }
0xcb: {  	[tilespmem:s26+$0x6840] =	vst v0  }
0xcc: {  	[tilespmem:s26+$0x6850] =	vst v0  }
0xcd: {  	[tilespmem:s26+$0x6860] =	vst v0  }
0xce: {  	[spmem:s9] =	stream.linear.scatter [tilespmem:s18], [sflag:$0x3], $0x4000, $0x38;
	[tilespmem:$0x1E800] =	vst v63  }
0xcf: {  	_ =	swait.ge [sflag:s19], $0x4000  }
0xd0: {  	[sflag:s19] =	ssyncset.done $0x0  }
0xd1: {  	[sflag:s19] =	ssyncadd.s32 $0xFFFFC000  }
0xd2: {  	[spmem:s10] =	stream.linear.scatter [tilespmem:s18], [sflag:$0x3], $0x4000, $0x38;
	[tilespmem:$0x1E800] =	vst v63  }
0xd3: {  	_ =	swait.ge [sflag:s19], $0x4000  }
0xd4: {  	[sflag:s19] =	ssyncset.done $0x0  }
0xd5: {  	[sflag:s19] =	ssyncadd.s32 $0xFFFFC000  }
0xd6: {  	[spmem:s11] =	stream.linear.scatter [tilespmem:s18], [sflag:$0x3], $0x4000, $0x38;
	[tilespmem:$0x1E800] =	vst v63  }
0xd7: {  	_ =	swait.ge [sflag:s19], $0x4000  }
0xd8: {  	[sflag:s19] =	ssyncset.done $0x0  }
0xd9: {  	[sflag:s19] =	ssyncadd.s32 $0xFFFFC000  }
0xda: {  	[spmem:s12] =	stream.linear.scatter [tilespmem:s18], [sflag:$0x3], $0x4000, $0x38;
	[tilespmem:$0x1E800] =	vst v63  }
0xdb: {  	_ =	swait.ge [sflag:s19], $0x4000  }
0xdc: {  	[sflag:s19] =	ssyncset.done $0x0  }
0xdd: {  	[sflag:s19] =	ssyncadd.s32 $0xFFFFC000  }
0xde: {  	[spmem:s13] =	stream.linear.scatter [tilespmem:s18], [sflag:$0x3], $0x4000, $0x38;
	[tilespmem:$0x1E800] =	vst v63  }
0xdf: {  	_ =	swait.ge [sflag:s19], $0x4000  }
0xe0: {  	[sflag:s19] =	ssyncset.done $0x0  }
0xe1: {  	[sflag:s19] =	ssyncadd.s32 $0xFFFFC000  }
0xe2: {  	[bflag:$0x0] =	sbarrier.arrive $0xFFFF  }
0xe3: {  	[tilespmem:s21], [sflag:$0x3] =	stream.indirect.gather [hbm4b:s4+s20], $0x80, s3, s20, $0xb8;
	[tilespmem:$0x1E800] =	vst v63  }
0xe4: {  	_ =	swait.ge [sflag:s19], $0x4000  }
0xe5: {  	[sflag:s19] =	ssyncset.done $0x0  }
0xe6: {  	[sflag:s19] =	ssyncadd.s32 $0xFFFFC000  }
0xe7: {  	[spmem:s2] =	stream.indirect.scatter.add.f32 [tilespmem:s21], [sflag:$0x1], $0x80, s22, s20, $0xb8;
	[tilespmem:$0x1E800] =	vst v63  }
0xe8: {  	_ = 	snop  }
0xe9: {  	[tilespmem:s18], [sflag:$0x3] =	stream.indirect.gather [hbm4b:s4+s20], $0x80, s20, s20, $0xb8;
	[tilespmem:$0x1E800] =	vst v63  }
.Ltmp3:
0xea: {  	_ = 	snop;
	(pc) =	sbr.rel @p0 .LBB2_9-.Ltmp3, $4  }
0xeb: {  	_ =	swait.ge [sflag:s19], $0x4000  }
0xec: {  	[sflag:s19] =	ssyncset.done $0x0  }
0xed: {  	[sflag:s19] =	ssyncadd.s32 $0xFFFFC000  }
0xee: {  	[spmem:s2] =	stream.indirect.scatter.add.f32 [tilespmem:s18], [sflag:$0x2], $0x80, s23, s20, $0xb8;
	[tilespmem:$0x1E800] =	vst v63  }
0xef: {  	_ =	swait.ge [sflag:s24], $0x4000  }
0xf0: {  	[sflag:s24] =	ssyncset.done $0x0  }
0xf1: {  	s26 =	simm.s32 $0x100;
	[sflag:s24] =	ssyncadd.s32 $0xFFFFC000  }
0xf2: {  	[tilespmem:s21], [sflag:$0x3] =	stream.indirect.gather [hbm4b:s4+s20], $0x80, s26, s20, $0xb8;
	[tilespmem:$0x1E800] =	vst v63  }
0xf3: {  	_ =	swait.ge [sflag:s19], $0x4000  }
0xf4: {  	[sflag:s19] =	ssyncset.done $0x0  }
0xf5: {  	s30 =	simm.s32 $0x1500;
	[sflag:s19] =	ssyncadd.s32 $0xFFFFC000  }
0xf6: {  	[spmem:s2] =	stream.indirect.scatter.add.f32 [tilespmem:s21], [sflag:$0x1], $0x80, s30, s20, $0xb8;
	[tilespmem:$0x1E800] =	vst v63  }
0xf7: {  	_ =	swait.ge [sflag:s28], $0x4000  }
0xf8: {  	[sflag:s28] =	ssyncset.done $0x0  }
0xf9: {  	s30 =	simm.s32 $0x180;
	[sflag:s28] =	ssyncadd.s32 $0xFFFFC000  }
0xfa: {  	[tilespmem:s18], [sflag:$0x3] =	stream.indirect.gather [hbm4b:s4+s20], $0x80, s30, s20, $0xb8;
	[tilespmem:$0x1E800] =	vst v63  }
0xfb: {  	_ =	swait.ge [sflag:s19], $0x4000  }
0xfc: {  	[sflag:s19] =	ssyncset.done $0x0  }
0xfd: {  	s29 =	simm.s32 $0x1580;
	s26 =	simm.s32 $0xFFFFB800;
	[sflag:s19] =	ssyncadd.s32 $0xFFFFC000  }
.LBB2_5:
0xfe: {  	[spmem:s2] =	stream.indirect.scatter.add.f32 [tilespmem:s18], [sflag:$0x2], $0x80, s29, s20, $0xb8;
	[tilespmem:$0x1E800] =	vst v63  }
0xff: {  	s29 =	smov.u32 s26  }
0x100: {  	p1 =	sne.s32 s26, $0xFFFFFC00;
	s26 =	sadd.s32 $0x400, s26;
	_ =	swait.ge [sflag:s24], $0x4000  }
0x101: {  	s29 =	sshra.s32 s29, $0x2;
	[sflag:s24] =	ssyncset.done $0x0  }
0x102: {  	s30 =	sadd.s32 $0x1400, s29;
	[sflag:s24] =	ssyncadd.s32 $0xFFFFC000  }
0x103: {  	[tilespmem:s21], [sflag:$0x3] =	stream.indirect.gather [hbm4b:s4+s20], $0x80, s30, s20, $0xb8;
	[tilespmem:$0x1E800] =	vst v63  }
0x104: {  	_ =	swait.ge [sflag:s19], $0x4000  }
0x105: {  	[sflag:s19] =	ssyncset.done $0x0  }
0x106: {  	s30 =	sadd.s32 $0x2800, s29;
	[sflag:s19] =	ssyncadd.s32 $0xFFFFC000  }
0x107: {  	[spmem:s2] =	stream.indirect.scatter.add.f32 [tilespmem:s21], [sflag:$0x1], $0x80, s30, s20, $0xb8;
	[tilespmem:$0x1E800] =	vst v63  }
0x108: {  	_ =	swait.ge [sflag:s28], $0x4000  }
0x109: {  	[sflag:s28] =	ssyncset.done $0x0  }
.Ltmp4:
0x10a: {  	s30 =	sadd.s32 $0x1480, s29;
	[sflag:s28] =	ssyncadd.s32 $0xFFFFC000;
	(pc) =	sbr.rel @p1 .LBB2_5-.Ltmp4, $4  }
0x10b: {  	[tilespmem:s18], [sflag:$0x3] =	stream.indirect.gather [hbm4b:s4+s20], $0x80, s30, s20, $0xb8;
	[tilespmem:$0x1E800] =	vst v63  }
0x10c: {  	_ =	swait.ge [sflag:s19], $0x4000  }
0x10d: {  	[sflag:s19] =	ssyncset.done $0x0  }
0x10e: {  	s29 =	sadd.s32 $0x2880, s29;
	[sflag:s19] =	ssyncadd.s32 $0xFFFFC000  }
0x10f: {  	[spmem:s2] =	stream.indirect.scatter.add.f32 [tilespmem:s18], [sflag:$0x2], $0x80, s29, s20, $0xb8;
	[tilespmem:$0x1E800] =	vst v63  }
0x110: {  	_ =	swait.ge [sflag:s24], $0x4000  }
0x111: {  	[sflag:s24] =	ssyncset.done $0x0  }
0x112: {  	[sflag:s24] =	ssyncadd.s32 $0xFFFFC000  }
0x113: {  	_ =	swait.ge [sflag:s28], $0x4000  }
0x114: {  	[sflag:s28] =	ssyncset.done $0x0  }
0x115: {  	[sflag:s28] =	ssyncadd.s32 $0xFFFFC000  }
0x116: {  	[tilespmem:s3], [sflag:$0x3] =	stream.linear.gather [hbm4b:s14+s3], $0x1400, $0x38;
	[tilespmem:$0x1E800] =	vst v63  }
0x117: {  	_ =	swait.ge [sflag:s19], $0x1400  }
0x118: {  	[sflag:s19] =	ssyncset.done $0x0  }
0x119: {  	[sflag:s19] =	ssyncadd.s32 $0xFFFFEC00  }
0x11a: {  	[tilespmem:s22], [sflag:$0x3] =	stream.linear.gather [hbm4b:s15+s3], $0x1400, $0x38;
	[tilespmem:$0x1E800] =	vst v63  }
0x11b: {  	_ =	swait.ge [sflag:s19], $0x1400  }
0x11c: {  	[sflag:s19] =	ssyncset.done $0x0  }
0x11d: {  	[sflag:s19] =	ssyncadd.s32 $0xFFFFEC00  }
0x11e: {  	[tilespmem:s21], [sflag:$0x3] =	stream.indirect.gather [hbm4b:s4+s20], $0x80, s3, s20, $0xb8;
	[tilespmem:$0x1E800] =	vst v63  }
0x11f: {  	_ =	swait.ge [sflag:s19], $0x4000  }
0x120: {  	[sflag:s19] =	ssyncset.done $0x0  }
0x121: {  	[sflag:s19] =	ssyncadd.s32 $0xFFFFC000  }
0x122: {  	[spmem:s2] =	stream.indirect.scatter.add.f32 [tilespmem:s21], [sflag:$0x1], $0x80, s22, s20, $0xb8;
	[tilespmem:$0x1E800] =	vst v63  }
0x123: {  	_ = 	snop  }
0x124: {  	[tilespmem:s18], [sflag:$0x3] =	stream.indirect.gather [hbm4b:s4+s20], $0x80, s20, s20, $0xb8;
	[tilespmem:$0x1E800] =	vst v63  }
0x125: {  	_ =	swait.ge [sflag:s19], $0x4000  }
0x126: {  	[sflag:s19] =	ssyncset.done $0x0  }
0x127: {  	[sflag:s19] =	ssyncadd.s32 $0xFFFFC000  }
0x128: {  	[spmem:s2] =	stream.indirect.scatter.add.f32 [tilespmem:s18], [sflag:$0x2], $0x80, s23, s20, $0xb8;
	[tilespmem:$0x1E800] =	vst v63  }
0x129: {  	_ =	swait.ge [sflag:s24], $0x4000  }
0x12a: {  	[sflag:s24] =	ssyncset.done $0x0  }
0x12b: {  	s26 =	simm.s32 $0x100;
	[sflag:s24] =	ssyncadd.s32 $0xFFFFC000  }
0x12c: {  	[tilespmem:s21], [sflag:$0x3] =	stream.indirect.gather [hbm4b:s4+s20], $0x80, s26, s20, $0xb8;
	[tilespmem:$0x1E800] =	vst v63  }
0x12d: {  	_ =	swait.ge [sflag:s19], $0x4000  }
0x12e: {  	[sflag:s19] =	ssyncset.done $0x0  }
0x12f: {  	s30 =	simm.s32 $0x1500;
	[sflag:s19] =	ssyncadd.s32 $0xFFFFC000  }
0x130: {  	[spmem:s2] =	stream.indirect.scatter.add.f32 [tilespmem:s21], [sflag:$0x1], $0x80, s30, s20, $0xb8;
	[tilespmem:$0x1E800] =	vst v63  }
0x131: {  	_ =	swait.ge [sflag:s28], $0x4000  }
0x132: {  	[sflag:s28] =	ssyncset.done $0x0  }
0x133: {  	s30 =	simm.s32 $0x180;
	[sflag:s28] =	ssyncadd.s32 $0xFFFFC000  }
0x134: {  	[tilespmem:s18], [sflag:$0x3] =	stream.indirect.gather [hbm4b:s4+s20], $0x80, s30, s20, $0xb8;
	[tilespmem:$0x1E800] =	vst v63  }
0x135: {  	_ =	swait.ge [sflag:s19], $0x4000  }
0x136: {  	[sflag:s19] =	ssyncset.done $0x0  }
0x137: {  	s29 =	simm.s32 $0x1580;
	s26 =	simm.s32 $0xFFFFB800;
	[sflag:s19] =	ssyncadd.s32 $0xFFFFC000  }
.LBB2_7:
0x138: {  	[spmem:s2] =	stream.indirect.scatter.add.f32 [tilespmem:s18], [sflag:$0x2], $0x80, s29, s20, $0xb8;
	[tilespmem:$0x1E800] =	vst v63  }
0x139: {  	s29 =	smov.u32 s26  }
0x13a: {  	p1 =	seq.s32 s26, $0xFFFFFC00;
	s26 =	sadd.s32 $0x400, s26;
	_ =	swait.ge [sflag:s24], $0x4000  }
0x13b: {  	s29 =	sshra.s32 s29, $0x2;
	[sflag:s24] =	ssyncset.done $0x0  }
0x13c: {  	s30 =	sadd.s32 $0x1400, s29;
	[sflag:s24] =	ssyncadd.s32 $0xFFFFC000  }
0x13d: {  	[tilespmem:s21], [sflag:$0x3] =	stream.indirect.gather [hbm4b:s4+s20], $0x80, s30, s20, $0xb8;
	[tilespmem:$0x1E800] =	vst v63  }
0x13e: {  	_ =	swait.ge [sflag:s19], $0x4000  }
0x13f: {  	[sflag:s19] =	ssyncset.done $0x0  }
0x140: {  	s30 =	sadd.s32 $0x2800, s29;
	[sflag:s19] =	ssyncadd.s32 $0xFFFFC000  }
0x141: {  	[spmem:s2] =	stream.indirect.scatter.add.f32 [tilespmem:s21], [sflag:$0x1], $0x80, s30, s20, $0xb8;
	[tilespmem:$0x1E800] =	vst v63  }
0x142: {  	_ =	swait.ge [sflag:s28], $0x4000  }
0x143: {  	[sflag:s28] =	ssyncset.done $0x0  }
.Ltmp5:
0x144: {  	s30 =	sadd.s32 $0x1480, s29;
	[sflag:s28] =	ssyncadd.s32 $0xFFFFC000;
	(pc) =	sbr.rel @!p1 .LBB2_7-.Ltmp5, $4  }
0x145: {  	[tilespmem:s18], [sflag:$0x3] =	stream.indirect.gather [hbm4b:s4+s20], $0x80, s30, s20, $0xb8;
	[tilespmem:$0x1E800] =	vst v63  }
0x146: {  	_ =	swait.ge [sflag:s19], $0x4000  }
0x147: {  	[sflag:s19] =	ssyncset.done $0x0  }
0x148: {  	s29 =	sadd.s32 $0x2880, s29;
	[sflag:s19] =	ssyncadd.s32 $0xFFFFC000  }
.Ltmp6:
0x149: {  	(pc) =	sbr.rel .LBB2_10-.Ltmp6, $2  }
0x14a: {  	_ =	sdelay $0x2  }
0x14b: {  	[spmem:s2] =	stream.indirect.scatter.add.f32 [tilespmem:s18], [sflag:$0x2], $0x80, s29, s20, $0xb8;
	[tilespmem:$0x1E800] =	vst v63  }
.LBB2_11:
0x14c: {  	_ =	sfence.sel $0x180000  }
0x14d: {  	[bflag:$0x0] =	sbarrier.arrive $0xFFFF  }
0x14e: {  	_ =	strace $0x9000004A  }
0x14f: {  	[bflag:$0x2] =	sbarrier.arrive $0xFFFF  }
0x150: {  	p0 =	sne.s32 s0, $0x0;
	s0 =	rddreg [dreg:$0x2]  }
0x151: {  	s0 =	sadd.s32 @!p0 $0x100000, s0  }
0x152: {  	[sflag:s0] =	ssyncadd.tile.s32 @!p0 $0x1;
	_ =	shalt  }
.Lfunc_end2:
_tile_overlayer_lowered:
.L_overlay_start_2:
0x153: {  	(tag) =	ssettag $0x2  }
0x154: {  	s0 =	rddreg [dreg:$0x0];
	s2 =	stileid.u32  }
0x155: {  	s1 =	rddreg [dreg:$0x1];
	p0 =	sne.s32 s2, $0x0  }
0x156: {  	s3 =	rddreg [dreg:$0x2];
	[bflag:$0x3] =	sbarrier.arrive $0xFFFF;
	s2 =	simm.s32 @!p0 $0x1C03  }
0x157: {  	[timem:s3], [sflag:s2] =	dma.local @!p0 [hbm:s0], s1  }
0x158: {  	s0 =	simm.s32 @!p0 $0x3  }
0x159: {  	_ =	swait.ge @!p0 [sflag:s0], s1  }
0x15a: {  	s1 =	ssub.s32 @!p0 $0x0, s1;
	[sflag:s0] =	ssyncset.done @!p0 $0x0  }
0x15b: {  	[sflag:s0] =	ssyncadd.s32 @!p0 s1  }
0x15c: {  	[bflag:$0x3] =	sbarrier.arrive $0xFFFF  }
0x15d: {  	_ =	shalt  }

// kernel: edge_pass.7.cloned.1.call-start
scs
__scs_entry_jumppad:
0x0: {  	(pc) =	sbr.rel $0x88, $3  }
0x1: {  	(tag) =	ssettag $0x0;
	lr =	simm.s32 $0x1  }
0x2: {  	[smem:$0x3F97] =	sst lr;
	_ =	strace $0xD0000000  }
0x3: {  	_ = 	snop  }
0x4: {  	_ = 	snop  }
0x5: {  	_ = 	snop  }
0x6: {  	_ = 	snop  }
0x7: {  	_ = 	snop  }
__scs_overlays_trampoline_lowered:
0x8: {  	[smem:$0x3FA6] =	sst s0  }
0x9: {  	[smem:$0x3FA7] =	sst s1  }
0xa: {  	[smem:$0x3FA8] =	sst s2  }
0xb: {  	[smem:$0x3FA9] =	sst s3  }
0xc: {  	[smem:$0x3FAA] =	sst s4  }
0xd: {  	[smem:$0x3FAB] =	sst s5  }
0xe: {  	[smem:$0x3FAC] =	sst s6  }
0xf: {  	[smem:$0x3FAD] =	sst s7  }
0x10: {  	[smem:$0x3FAE] =	sst s8  }
0x11: {  	[smem:$0x3FAF] =	sst s9;
	s0 =	simm.s32 @!p0 $0x0  }
0x12: {  	s1 =	sld [smem:$0x3F95];
	s0 =	simm.s32 @p0 $0x1  }
0x13: {  	[smem:$0x3FB0] =	sst s0;
	s0 =	simm.s32 @!p1 $0x0  }
0x14: {  	s2 =	sld [smem:$0x3F94];
	s0 =	simm.s32 @p1 $0x1  }
0x15: {  	[smem:$0x3FB1] =	sst s0;
	s0 =	simm.s32 @!p2 $0x0  }
0x16: {  	s3 =	sld [smem:$0x3FDB];
	s0 =	simm.s32 @p2 $0x1  }
0x17: {  	s4 =	simm.s32 $0x1BF5;
	[smem:$0x3FB3] =	sst s0  }
0x18: {  	s0 =	sld [smem:$0x3F96];
	_ =	swait.ge [sflag:s4], $0x0  }
0x19: {  	s7 =	sld [smem:$0x3F97]  }
0x1a: {  	s8 =	sadd.s32 $0xFFFFE003, lr  }
0x1b: {  	s9 =	sadd.s32 $0xFFFFFEF7, lr;
	s5 =	simm.s32 $0xFFFFFFFF;
	p2 =	slt.u32 s8, $0xFFFFF086  }
0x1c: {  	p1 =	slt.u32 s9, $0xF7A;
	s5 =	simm.s32 @!p2 $0x0  }
0x1d: {  	s5 =	simm.s32 @p1 $0x1;
	p0 =	seq.s32 s7, s2  }
0x1e: {  	s7 =	smul.u32 @!p0 $0xF7A, s2;
	p2 =	seq.s32 @!p0 s5, $0x0  }
0x1f: {  	s9 =	smul.u32 $0xF7A, s1;
	s8 =	simm.s32 @!p0 $0x1BF5;
	p2 =	por !p2, p0  }
0x20: {  	[sflag:s8] =	ssyncset.s32 @!p0 $0xFFFFF086;
	s6 =	sadd.s32 @!p0 s3, s7;
	s7 =	simm.s32 @!p0 $0x108  }
0x21: {  	s3 =	sadd.s32 s3, s9;
	s6 =	sadd.s32 @!p0 $0x88, s6;
	s7 =	simm.s32 @p2 $0x1082  }
0x22: {  	[simem:s7], [sflag:s8] =	dma.local @!p0 [hbm:s6], $0xF7A  }
0x23: {  	s9 =	sor.u32 $0xD0000000, s2;
	s6 =	simm.s32 $0x108;
	_ =	swait.ge @!p0 [sflag:s8], $0x0  }
0x24: {  	s3 =	sadd.s32 $0x88, s3;
	s6 =	simm.s32 @!p1 $0x1082;
	[sflag:s4] =	ssyncset.s32 $0xFFFFF086  }
0x25: {  	[simem:s6], [sflag:s4] =	dma.local [hbm:s3], $0xF7A  }
0x26: {  	[smem:$0x3F97] =	sst s1;
	(tag) =	ssettag s2;
	_ =	strace s9  }
0x27: {  	s1 =	sld [smem:$0x3FA7]  }
0x28: {  	s2 =	sld [smem:$0x3FA8]  }
0x29: {  	s4 =	sld [smem:$0x3FAA]  }
0x2a: {  	p0 =	seq.s32 s5, $0x0;
	s5 =	sld [smem:$0x3FAB]  }
0x2b: {  	s6 =	sld [smem:$0x3FAC]  }
0x2c: {  	s7 =	sld [smem:$0x3FAD]  }
0x2d: {  	s3 =	simm.s32 $0x108;
	s8 =	sld [smem:$0x3FAE]  }
0x2e: {  	s3 =	simm.s32 @!p0 $0x1082;
	s9 =	sld [smem:$0x3FAF]  }
0x2f: {  	lr =	sadd.s32 s0, s3;
	s0 =	sld [smem:$0x3FA6]  }
0x30: {  	s3 =	sld [smem:$0x3FA9]  }
0x31: {  	[smem:$0x3FB2] =	sst s10  }
0x32: {  	s10 =	sld [smem:$0x3FB0];
	_ =	sdelay $0x3  }
0x33: {  	p0 =	seq.s32 s10, $0x1;
	s10 =	sld [smem:$0x3FB2];
	_ =	sdelay $0x3  }
0x34: {  	[smem:$0x3FB2] =	sst s10  }
0x35: {  	s10 =	sld [smem:$0x3FB1];
	_ =	sdelay $0x3  }
0x36: {  	p1 =	seq.s32 s10, $0x1;
	s10 =	sld [smem:$0x3FB2];
	_ =	sdelay $0x3  }
0x37: {  	[smem:$0x3FB2] =	sst s10  }
0x38: {  	s10 =	sld [smem:$0x3FB3]  }
0x39: {  	_ = 	snop;
	(pc) =	sbr.ind lr, $3  }
0x3a: {  	_ = 	snop  }
0x3b: {  	_ = 	snop  }
0x3c: {  	p2 =	seq.s32 s10, $0x1;
	s10 =	sld [smem:$0x3FB2]  }
0x3d: {  	_ =	shalt  }
0x3e: {  	_ =	shalt  }
0x3f: {  	_ =	shalt  }
0x40: {  	_ =	shalt  }
0x41: {  	_ =	shalt  }
0x42: {  	_ =	shalt  }
0x43: {  	_ =	shalt  }
0x44: {  	_ =	shalt  }
0x45: {  	_ =	shalt  }
0x46: {  	_ =	shalt  }
0x47: {  	_ =	shalt  }
0x48: {  	_ =	shalt  }
0x49: {  	_ =	shalt  }
0x4a: {  	_ =	shalt  }
0x4b: {  	_ =	shalt  }
0x4c: {  	_ =	shalt  }
0x4d: {  	_ =	shalt  }
0x4e: {  	_ =	shalt  }
0x4f: {  	_ =	shalt  }
0x50: {  	_ =	shalt  }
0x51: {  	_ =	shalt  }
0x52: {  	_ =	shalt  }
0x53: {  	_ =	shalt  }
0x54: {  	_ =	shalt  }
0x55: {  	_ =	shalt  }
0x56: {  	_ =	shalt  }
0x57: {  	_ =	shalt  }
0x58: {  	_ =	shalt  }
0x59: {  	_ =	shalt  }
0x5a: {  	_ =	shalt  }
0x5b: {  	_ =	shalt  }
0x5c: {  	_ =	shalt  }
0x5d: {  	_ =	shalt  }
0x5e: {  	_ =	shalt  }
0x5f: {  	_ =	shalt  }
0x60: {  	_ =	shalt  }
0x61: {  	_ =	shalt  }
0x62: {  	_ =	shalt  }
0x63: {  	_ =	shalt  }
0x64: {  	_ =	shalt  }
0x65: {  	_ =	shalt  }
0x66: {  	_ =	shalt  }
0x67: {  	_ =	shalt  }
0x68: {  	_ =	shalt  }
0x69: {  	_ =	shalt  }
0x6a: {  	_ =	shalt  }
0x6b: {  	_ =	shalt  }
0x6c: {  	_ =	shalt  }
0x6d: {  	_ =	shalt  }
0x6e: {  	_ =	shalt  }
0x6f: {  	_ =	shalt  }
0x70: {  	_ =	shalt  }
0x71: {  	_ =	shalt  }
0x72: {  	_ =	shalt  }
0x73: {  	_ =	shalt  }
0x74: {  	_ =	shalt  }
0x75: {  	_ =	shalt  }
0x76: {  	_ =	shalt  }
0x77: {  	_ =	shalt  }
0x78: {  	_ =	shalt  }
0x79: {  	_ =	shalt  }
0x7a: {  	_ =	shalt  }
0x7b: {  	_ =	shalt  }
0x7c: {  	_ =	shalt  }
0x7d: {  	_ =	shalt  }
0x7e: {  	_ =	shalt  }
0x7f: {  	_ =	shalt  }
0x80: {  	_ =	shalt  }
0x81: {  	_ =	shalt  }
0x82: {  	_ =	shalt  }
0x83: {  	_ =	shalt  }
0x84: {  	_ =	shalt  }
0x85: {  	_ =	shalt  }
0x86: {  	_ =	shalt  }
0x87: {  	_ =	shalt  }
.Lfunc_end0:
.L_simem_size_0:
called_computation.2_lowered:
.L_overlay_start_0:
0x88: {  	s2 =	sld [smem:$0x3FD9]  }
0x89: {  	s3 =	sld [smem:$0x3FFE];
	_ =	sdelay $0x1  }
0x8a: {  	s1 =	srdreg.scid  }
0x8b: {  	s0 =	sand.u32 $0x1, s1  }
0x8c: {  	s16 =	sshll.u32 s0, $0xA;
	s2 =	sadd.s32 s3, s2  }
0x8d: {  	s2 =	sadd.s32 s2, s16  }
0x8e: {  	[smem:$0x3FBE] =	sst s2  }
0x8f: {  	_ = 	snop  }
0x90: {  	(tm) =	ssettm $0x1  }
0x91: {  	s17 =	sld [smem:$0x3FFB];
	_ =	sdelay $0x3  }
0x92: {  	_ =	strace s17  }
0x93: {  	s2 =	sld [smem:$0x3FFC];
	_ =	sdelay $0x3  }
0x94: {  	_ =	strace s2  }
0x95: {  	s2 =	sld [smem:$0x3FFD];
	_ =	sdelay $0x3  }
0x96: {  	_ =	strace s2  }
0x97: {  	_ =	strace $0x8FFFFFFF  }
0x98: {  	s18 =	sld [smem:$0x3FDB];
	_ =	sdelay $0x1  }
0x99: {  	s19 =	simm.s32 $_scs_section_size  }
0x9a: {  	s4 =	simm.s32 $_size__tile_overlayer_lowered;
	s5 =	simm.s32 $_tile_overlayer_lowered  }
0x9b: {  	s22 =	simm.s32 $0x1BFF;
	s21 =	sshll.u32 s5, $0x1;
	s2 =	sadd.s32 s19, s18  }
0x9c: {  	s6 =	simm.s32 $0x0;
	s20 =	sshll.u32 s4, $0x1;
	s4 =	sadd.s32 s21, s2  }
0x9d: {  	[timem:s6], [sflag:s22] =	dma.local [hbm:s4], s20  }
0x9e: {  	_ =	swait.ge [sflag:s22], s20  }
0x9f: {  	s3 =	ssub.s32 $0x0, s20;
	[sflag:s22] =	ssyncset.done $0x0  }
0xa0: {  	[sflag:s22] =	ssyncadd.s32 s3;
	_ =	sdelay $0x1  }
0xa1: {  	s23 =	simm.s32 $0x1B8B  }
0xa2: {  	_ =	swait.ge [sflag:s23], $0x1  }
0xa3: {  	[sflag:s23] =	ssyncset.done $0x0  }
0xa4: {  	s25 =	simm.s32 $0x1B8E;
	s24 =	sld [smem:$0x3FFE];
	[sflag:s23] =	ssyncadd.s32 $0xFFFFFFFF  }
0xa5: {  	s26 =	simm.s32 $execute0_lowered;
	[smem:$0x3FD2] =	sst s25  }
0xa6: {  	s4 =	sshll.u32 s26, $0x1;
	_ =	strace $0x8000004C;
	[dreg:$0x1] =	wrdreg $0xFFFFFFFF  }
0xa7: {  	s28 =	simm.s32 $_size_execute0_lowered;
	s2 =	sadd.s32 s2, s4;
	[dreg:$0x0] =	wrdreg $0x0  }
0xa8: {  	s4 =	sshll.u32 s28, $0x1;
	[dreg:$0x2] =	wrdreg s2  }
0xa9: {  	[dreg:$0x3] =	wrdreg s4  }
0xaa: {  	[dreg:$0x4] =	wrdreg $0xC0  }
0xab: {  	_ =	task [dreg:s6], $0x5FFFF  }
0xac: {  	[dreg:$0x1] =	wrdreg $0xFFFFFFFF  }
0xad: {  	[dreg:$0x0] =	wrdreg $0x60  }
0xae: {  	[dreg:$0x2] =	wrdreg s24  }
0xaf: {  	[dreg:$0x3] =	wrdreg $0xA8000  }
0xb0: {  	[dreg:$0x4] =	wrdreg $0x9  }
0xb1: {  	_ =	task.clear_ibuf [dreg:s6], $0x5FFFF;
	_ =	strace $0x9000004C  }
0xb2: {  	s29 =	simm.s32 $0x9;
	_ =	strace $0x8000004E  }
0xb3: {  	_ =	swait.ge [sflag:s29], $0x1  }
0xb4: {  	[sflag:s29] =	ssyncadd.s32 $0xFFFFFFFF  }
0xb5: {  	_ =	strace $0x9000004E  }
0xb6: {  	_ =	sfence  }
0xb7: {  	s30 =	sld [smem:$0x0];
	_ =	sdelay $0x2  }
0xb8: {  	s31 =	sshll.u32 s1, $0xD;
	s1 =	sshrl.u32 s1, $0x2  }
0xb9: {  	s3 =	sand.u32 $0x4000, s31;
	s1 =	sadd.s32 s1, s30  }
0xba: {  	s0 =	sor.u32 s3, s0;
	s1 =	sshll.u32 s1, $0x11  }
0xbb: {  	s0 =	sor.u32 s1, s0  }
0xbc: {  	s0 =	sadd.s32 $0x8F2B, s0  }
0xbd: {  	[sflag:s0] =	ssyncadd.remote.s32 $0x1  }
0xbe: {  	_ =	sfence.sel $0xFFFF  }
0xbf: {  	[dreg:$0x0] =	wrdreg $0xFFFFFFFF;
	(pc) =	sbr.abs _section_cstart, $3  }
0xc0: {  	[dreg:$0x1] =	wrdreg $0xFFFFFFFF  }
0xc1: {  	_ =	task.clear_ibuf [dreg:s6], $0x2FFFF;
	_ =	strace $0x9FFFFFFF  }
0xc2: {  	(tm) =	ssettm $0x7FFFFFFF  }
0xc3: {  	_ =	shalt  }
tec
execute0_lowered:
.L_overlay_start_1:
0x0: {  	(tag) =	ssettag $0x1  }
0x1: {  	s0 =	srdreg.scid;
	s8 =	rddreg [dreg:$0x0]  }
0x2: {  	s3 =	simm.s32 $0x0;
	s19 =	simm.s32 $0x3;
	s20 =	simm.s32 $0x80  }
0x3: {  	s21 =	simm.s32 $0x2800;
	s22 =	simm.s32 $0x1400;
	s23 =	simm.s32 $0x1480  }
0x4: {  	s24 =	simm.s32 $0x1;
	s28 =	simm.s32 $0x2;
	s31 =	simm.s32 $0x980  }
0x5: {  	s25 =	simm.s32 $0x0;
	s1 =	sand.u32 $0x1, s0;
	s0 =	stileid.u32  }
0x6: {  	[smem:$0x7FF] =	sst s3;
	s4 =	sadd.s32 $0x16A00, s8;
	s6 =	smul.u32 $0x140000, s1  }
0x7: {  	s2 =	sshll.u32 s1, $0x4;
	s7 =	smul.u32 $0x14000, s0;
	s1 =	ssub.s32 $0x2, s1  }
0x8: {  	s9 =	smul.u32 $0x50000, s0;
	s18 =	sor.u32 s0, s2;
	s2 =	rddreg [dreg:$0x1]  }
0x9: {  	_ =	strace $0x8000004D;
	s30 =	sshrl.u32 s1, $0x1;
	s5 =	smul.u32 $0x2800, s18  }
0xa: {  	s6 =	sadd.s32 s7, s6;
	s1 =	ssub.s32 s1, s30;
	s9 =	sshrl.u32 s9, $0x2  }
0xb: {  	s7 =	sadd.s32 $0xCB00, s8;
	p0 =	seq.s32 s18, $0x1F;
	s18 =	simm.s32 $0x6800  }
0xc: {  	s6 =	sshrl.u32 s6, $0x3;
	s9 =	sadd.s32 s9, s2;
	s17 =	smax.u32 s1, $0x1  }
.Ltmp0:
0xd: {  	s1 =	simm.s32 $0x1D80;
	s5 =	sshrl.u32 s5, $0x3;
	(pc) =	sbr.rel .LBB2_1-.Ltmp0, $4  }
0xe: {  	s16 =	sadd.s32 s6, s8;
	s10 =	sadd.s32 $0x4000, s9;
	s11 =	sadd.s32 $0x8000, s9  }
0xf: {  	s12 =	sadd.s32 $0xC000, s9;
	s13 =	sadd.s32 $0x10000, s9;
	s15 =	sadd.s32 s5, s8  }
0x10: {  	s8 =	sadd.s32 $0x16780, s8;
	s16 =	sadd.s32 $0x3DC00, s16;
	s5 =	sadd.s32 $0x3000, s15  }
0x11: {  	v0 =	vimm.f32 $0.0e+00;
	s6 =	sadd.s32 $0xCC80, s15;
	s14 =	sadd.s32 $0x3280, s15;
	s15 =	sadd.s32 $0xCF00, s15  }
.LBB2_9:
0x12: {  	_ =	swait.ge [sflag:s24], $0x4000  }
0x13: {  	[sflag:s24] =	ssyncset.done $0x0  }
0x14: {  	s26 =	simm.s32 $0x100;
	[sflag:s24] =	ssyncadd.s32 $0xFFFFC000  }
0x15: {  	[tilespmem:s21], [sflag:$0x3] =	stream.indirect.gather [hbm4b:s4+s20], $0x80, s26, s20, $0xb8;
	[tilespmem:$0x1E800] =	vst v63  }
0x16: {  	_ =	swait.ge [sflag:s19], $0x4000  }
0x17: {  	[sflag:s19] =	ssyncset.done $0x0  }
0x18: {  	s30 =	simm.s32 $0x1500;
	[sflag:s19] =	ssyncadd.s32 $0xFFFFC000  }
0x19: {  	[spmem:s2] =	stream.indirect.scatter.add.f32 [tilespmem:s21], [sflag:$0x1], $0x80, s30, s20, $0xb8;
	[tilespmem:$0x1E800] =	vst v63  }
0x1a: {  	_ =	swait.ge [sflag:s28], $0x4000  }
0x1b: {  	[sflag:s28] =	ssyncset.done $0x0  }
0x1c: {  	s29 =	simm.s32 $0x180;
	[sflag:s28] =	ssyncadd.s32 $0xFFFFC000  }
0x1d: {  	[tilespmem:s18], [sflag:$0x3] =	stream.indirect.gather [hbm4b:s4+s20], $0x80, s29, s20, $0xb8;
	[tilespmem:$0x1E800] =	vst v63  }
0x1e: {  	_ =	swait.ge [sflag:s19], $0x4000  }
0x1f: {  	[sflag:s19] =	ssyncset.done $0x0  }
0x20: {  	s30 =	simm.s32 $0x1580;
	[sflag:s19] =	ssyncadd.s32 $0xFFFFC000  }
0x21: {  	[spmem:s2] =	stream.indirect.scatter.add.f32 [tilespmem:s18], [sflag:$0x2], $0x80, s30, s20, $0xb8;
	[tilespmem:$0x1E800] =	vst v63  }
0x22: {  	_ =	swait.ge [sflag:s24], $0x4000  }
0x23: {  	[sflag:s24] =	ssyncset.done $0x0  }
0x24: {  	s29 =	simm.s32 $0x200;
	[sflag:s24] =	ssyncadd.s32 $0xFFFFC000  }
0x25: {  	[tilespmem:s21], [sflag:$0x3] =	stream.indirect.gather [hbm4b:s4+s20], $0x80, s29, s20, $0xb8;
	[tilespmem:$0x1E800] =	vst v63  }
0x26: {  	_ =	swait.ge [sflag:s19], $0x4000  }
0x27: {  	[sflag:s19] =	ssyncset.done $0x0  }
0x28: {  	s30 =	simm.s32 $0x1600;
	[sflag:s19] =	ssyncadd.s32 $0xFFFFC000  }
0x29: {  	[spmem:s2] =	stream.indirect.scatter.add.f32 [tilespmem:s21], [sflag:$0x1], $0x80, s30, s20, $0xb8;
	[tilespmem:$0x1E800] =	vst v63  }
0x2a: {  	_ =	swait.ge [sflag:s28], $0x4000  }
0x2b: {  	[sflag:s28] =	ssyncset.done $0x0  }
0x2c: {  	s29 =	simm.s32 $0x280;
	[sflag:s28] =	ssyncadd.s32 $0xFFFFC000  }
0x2d: {  	[tilespmem:s18], [sflag:$0x3] =	stream.indirect.gather [hbm4b:s4+s20], $0x80, s29, s20, $0xb8;
	[tilespmem:$0x1E800] =	vst v63  }
0x2e: {  	_ =	swait.ge [sflag:s19], $0x4000  }
0x2f: {  	[sflag:s19] =	ssyncset.done $0x0  }
0x30: {  	s30 =	simm.s32 $0x1680;
	[sflag:s19] =	ssyncadd.s32 $0xFFFFC000  }
0x31: {  	[spmem:s2] =	stream.indirect.scatter.add.f32 [tilespmem:s18], [sflag:$0x2], $0x80, s30, s20, $0xb8;
	[tilespmem:$0x1E800] =	vst v63  }
0x32: {  	_ =	swait.ge [sflag:s24], $0x4000  }
0x33: {  	[sflag:s24] =	ssyncset.done $0x0  }
0x34: {  	s29 =	simm.s32 $0x300;
	[sflag:s24] =	ssyncadd.s32 $0xFFFFC000  }
0x35: {  	[tilespmem:s21], [sflag:$0x3] =	stream.indirect.gather [hbm4b:s4+s20], $0x80, s29, s20, $0xb8;
	[tilespmem:$0x1E800] =	vst v63  }
0x36: {  	_ =	swait.ge [sflag:s19], $0x4000  }
0x37: {  	[sflag:s19] =	ssyncset.done $0x0  }
0x38: {  	s30 =	simm.s32 $0x1700;
	[sflag:s19] =	ssyncadd.s32 $0xFFFFC000  }
0x39: {  	[spmem:s2] =	stream.indirect.scatter.add.f32 [tilespmem:s21], [sflag:$0x1], $0x80, s30, s20, $0xb8;
	[tilespmem:$0x1E800] =	vst v63  }
0x3a: {  	_ =	swait.ge [sflag:s28], $0x4000  }
0x3b: {  	[sflag:s28] =	ssyncset.done $0x0  }
0x3c: {  	s29 =	simm.s32 $0x380;
	[sflag:s28] =	ssyncadd.s32 $0xFFFFC000  }
0x3d: {  	[tilespmem:s18], [sflag:$0x3] =	stream.indirect.gather [hbm4b:s4+s20], $0x80, s29, s20, $0xb8;
	[tilespmem:$0x1E800] =	vst v63  }
0x3e: {  	_ =	swait.ge [sflag:s19], $0x4000  }
0x3f: {  	[sflag:s19] =	ssyncset.done $0x0  }
0x40: {  	s30 =	simm.s32 $0x1780;
	[sflag:s19] =	ssyncadd.s32 $0xFFFFC000  }
0x41: {  	[spmem:s2] =	stream.indirect.scatter.add.f32 [tilespmem:s18], [sflag:$0x2], $0x80, s30, s20, $0xb8;
	[tilespmem:$0x1E800] =	vst v63  }
0x42: {  	_ =	swait.ge [sflag:s24], $0x4000  }
0x43: {  	[sflag:s24] =	ssyncset.done $0x0  }
0x44: {  	s29 =	simm.s32 $0x400;
	[sflag:s24] =	ssyncadd.s32 $0xFFFFC000  }
0x45: {  	[tilespmem:s21], [sflag:$0x3] =	stream.indirect.gather [hbm4b:s4+s20], $0x80, s29, s20, $0xb8;
	[tilespmem:$0x1E800] =	vst v63  }
0x46: {  	_ =	swait.ge [sflag:s19], $0x4000  }
0x47: {  	[sflag:s19] =	ssyncset.done $0x0  }
0x48: {  	s30 =	simm.s32 $0x1800;
	[sflag:s19] =	ssyncadd.s32 $0xFFFFC000  }
0x49: {  	[spmem:s2] =	stream.indirect.scatter.add.f32 [tilespmem:s21], [sflag:$0x1], $0x80, s30, s20, $0xb8;
	[tilespmem:$0x1E800] =	vst v63  }
0x4a: {  	_ =	swait.ge [sflag:s28], $0x4000  }
0x4b: {  	[sflag:s28] =	ssyncset.done $0x0  }
0x4c: {  	s29 =	simm.s32 $0x480;
	[sflag:s28] =	ssyncadd.s32 $0xFFFFC000  }
0x4d: {  	[tilespmem:s18], [sflag:$0x3] =	stream.indirect.gather [hbm4b:s4+s20], $0x80, s29, s20, $0xb8;
	[tilespmem:$0x1E800] =	vst v63  }
0x4e: {  	_ =	swait.ge [sflag:s19], $0x4000  }
0x4f: {  	[sflag:s19] =	ssyncset.done $0x0  }
0x50: {  	s30 =	simm.s32 $0x1880;
	[sflag:s19] =	ssyncadd.s32 $0xFFFFC000  }
0x51: {  	[spmem:s2] =	stream.indirect.scatter.add.f32 [tilespmem:s18], [sflag:$0x2], $0x80, s30, s20, $0xb8;
	[tilespmem:$0x1E800] =	vst v63  }
0x52: {  	_ =	swait.ge [sflag:s24], $0x4000  }
0x53: {  	[sflag:s24] =	ssyncset.done $0x0  }
0x54: {  	s29 =	simm.s32 $0x500;
	[sflag:s24] =	ssyncadd.s32 $0xFFFFC000  }
0x55: {  	[tilespmem:s21], [sflag:$0x3] =	stream.indirect.gather [hbm4b:s4+s20], $0x80, s29, s20, $0xb8;
	[tilespmem:$0x1E800] =	vst v63  }
0x56: {  	_ =	swait.ge [sflag:s19], $0x4000  }
0x57: {  	[sflag:s19] =	ssyncset.done $0x0  }
0x58: {  	s30 =	simm.s32 $0x1900;
	[sflag:s19] =	ssyncadd.s32 $0xFFFFC000  }
0x59: {  	[spmem:s2] =	stream.indirect.scatter.add.f32 [tilespmem:s21], [sflag:$0x1], $0x80, s30, s20, $0xb8;
	[tilespmem:$0x1E800] =	vst v63  }
0x5a: {  	_ =	swait.ge [sflag:s28], $0x4000  }
0x5b: {  	[sflag:s28] =	ssyncset.done $0x0  }
0x5c: {  	s29 =	simm.s32 $0x580;
	[sflag:s28] =	ssyncadd.s32 $0xFFFFC000  }
0x5d: {  	[tilespmem:s18], [sflag:$0x3] =	stream.indirect.gather [hbm4b:s4+s20], $0x80, s29, s20, $0xb8;
	[tilespmem:$0x1E800] =	vst v63  }
0x5e: {  	_ =	swait.ge [sflag:s19], $0x4000  }
0x5f: {  	[sflag:s19] =	ssyncset.done $0x0  }
0x60: {  	s30 =	simm.s32 $0x1980;
	[sflag:s19] =	ssyncadd.s32 $0xFFFFC000  }
0x61: {  	[spmem:s2] =	stream.indirect.scatter.add.f32 [tilespmem:s18], [sflag:$0x2], $0x80, s30, s20, $0xb8;
	[tilespmem:$0x1E800] =	vst v63  }
0x62: {  	_ =	swait.ge [sflag:s24], $0x4000  }
0x63: {  	[sflag:s24] =	ssyncset.done $0x0  }
0x64: {  	s29 =	simm.s32 $0x600;
	[sflag:s24] =	ssyncadd.s32 $0xFFFFC000  }
0x65: {  	[tilespmem:s21], [sflag:$0x3] =	stream.indirect.gather [hbm4b:s4+s20], $0x80, s29, s20, $0xb8;
	[tilespmem:$0x1E800] =	vst v63  }
0x66: {  	_ =	swait.ge [sflag:s19], $0x4000  }
0x67: {  	[sflag:s19] =	ssyncset.done $0x0  }
0x68: {  	s30 =	simm.s32 $0x1A00;
	[sflag:s19] =	ssyncadd.s32 $0xFFFFC000  }
0x69: {  	[spmem:s2] =	stream.indirect.scatter.add.f32 [tilespmem:s21], [sflag:$0x1], $0x80, s30, s20, $0xb8;
	[tilespmem:$0x1E800] =	vst v63  }
0x6a: {  	_ =	swait.ge [sflag:s28], $0x4000  }
0x6b: {  	[sflag:s28] =	ssyncset.done $0x0  }
0x6c: {  	s29 =	simm.s32 $0x680;
	[sflag:s28] =	ssyncadd.s32 $0xFFFFC000  }
0x6d: {  	[tilespmem:s18], [sflag:$0x3] =	stream.indirect.gather [hbm4b:s4+s20], $0x80, s29, s20, $0xb8;
	[tilespmem:$0x1E800] =	vst v63  }
0x6e: {  	_ =	swait.ge [sflag:s19], $0x4000  }
0x6f: {  	[sflag:s19] =	ssyncset.done $0x0  }
0x70: {  	s30 =	simm.s32 $0x1A80;
	[sflag:s19] =	ssyncadd.s32 $0xFFFFC000  }
0x71: {  	[spmem:s2] =	stream.indirect.scatter.add.f32 [tilespmem:s18], [sflag:$0x2], $0x80, s30, s20, $0xb8;
	[tilespmem:$0x1E800] =	vst v63  }
0x72: {  	_ =	swait.ge [sflag:s24], $0x4000  }
0x73: {  	[sflag:s24] =	ssyncset.done $0x0  }
0x74: {  	s29 =	simm.s32 $0x700;
	[sflag:s24] =	ssyncadd.s32 $0xFFFFC000  }
0x75: {  	[tilespmem:s21], [sflag:$0x3] =	stream.indirect.gather [hbm4b:s4+s20], $0x80, s29, s20, $0xb8;
	[tilespmem:$0x1E800] =	vst v63  }
0x76: {  	_ =	swait.ge [sflag:s19], $0x4000  }
0x77: {  	[sflag:s19] =	ssyncset.done $0x0  }
0x78: {  	s30 =	simm.s32 $0x1B00;
	[sflag:s19] =	ssyncadd.s32 $0xFFFFC000  }
0x79: {  	[spmem:s2] =	stream.indirect.scatter.add.f32 [tilespmem:s21], [sflag:$0x1], $0x80, s30, s20, $0xb8;
	[tilespmem:$0x1E800] =	vst v63  }
0x7a: {  	_ =	swait.ge [sflag:s28], $0x4000  }
0x7b: {  	[sflag:s28] =	ssyncset.done $0x0  }
0x7c: {  	s29 =	simm.s32 $0x780;
	[sflag:s28] =	ssyncadd.s32 $0xFFFFC000  }
0x7d: {  	[tilespmem:s18], [sflag:$0x3] =	stream.indirect.gather [hbm4b:s4+s20], $0x80, s29, s20, $0xb8;
	[tilespmem:$0x1E800] =	vst v63  }
0x7e: {  	_ =	swait.ge [sflag:s19], $0x4000  }
0x7f: {  	[sflag:s19] =	ssyncset.done $0x0  }
0x80: {  	s30 =	simm.s32 $0x1B80;
	[sflag:s19] =	ssyncadd.s32 $0xFFFFC000  }
0x81: {  	[spmem:s2] =	stream.indirect.scatter.add.f32 [tilespmem:s18], [sflag:$0x2], $0x80, s30, s20, $0xb8;
	[tilespmem:$0x1E800] =	vst v63  }
0x82: {  	_ =	swait.ge [sflag:s24], $0x4000  }
0x83: {  	[sflag:s24] =	ssyncset.done $0x0  }
0x84: {  	s29 =	simm.s32 $0x800;
	[sflag:s24] =	ssyncadd.s32 $0xFFFFC000  }
0x85: {  	[tilespmem:s21], [sflag:$0x3] =	stream.indirect.gather [hbm4b:s4+s20], $0x80, s29, s20, $0xb8;
	[tilespmem:$0x1E800] =	vst v63  }
0x86: {  	_ =	swait.ge [sflag:s19], $0x4000  }
0x87: {  	[sflag:s19] =	ssyncset.done $0x0  }
0x88: {  	s30 =	simm.s32 $0x1C00;
	[sflag:s19] =	ssyncadd.s32 $0xFFFFC000  }
0x89: {  	[spmem:s2] =	stream.indirect.scatter.add.f32 [tilespmem:s21], [sflag:$0x1], $0x80, s30, s20, $0xb8;
	[tilespmem:$0x1E800] =	vst v63  }
0x8a: {  	_ =	swait.ge [sflag:s28], $0x4000  }
0x8b: {  	[sflag:s28] =	ssyncset.done $0x0  }
0x8c: {  	s29 =	simm.s32 $0x880;
	[sflag:s28] =	ssyncadd.s32 $0xFFFFC000  }
0x8d: {  	[tilespmem:s18], [sflag:$0x3] =	stream.indirect.gather [hbm4b:s4+s20], $0x80, s29, s20, $0xb8;
	[tilespmem:$0x1E800] =	vst v63  }
0x8e: {  	_ =	swait.ge [sflag:s19], $0x4000  }
0x8f: {  	[sflag:s19] =	ssyncset.done $0x0  }
0x90: {  	s30 =	simm.s32 $0x1C80;
	[sflag:s19] =	ssyncadd.s32 $0xFFFFC000  }
0x91: {  	[spmem:s2] =	stream.indirect.scatter.add.f32 [tilespmem:s18], [sflag:$0x2], $0x80, s30, s20, $0xb8;
	[tilespmem:$0x1E800] =	vst v63  }
0x92: {  	_ =	swait.ge [sflag:s24], $0x4000  }
0x93: {  	[sflag:s24] =	ssyncset.done $0x0  }
0x94: {  	s29 =	simm.s32 $0x900;
	[sflag:s24] =	ssyncadd.s32 $0xFFFFC000  }
0x95: {  	[tilespmem:s21], [sflag:$0x3] =	stream.indirect.gather [hbm4b:s4+s20], $0x80, s29, s20, $0xb8;
	[tilespmem:$0x1E800] =	vst v63  }
0x96: {  	_ =	swait.ge [sflag:s19], $0x4000  }
0x97: {  	[sflag:s19] =	ssyncset.done $0x0  }
0x98: {  	s30 =	simm.s32 $0x1D00;
	[sflag:s19] =	ssyncadd.s32 $0xFFFFC000  }
0x99: {  	[spmem:s2] =	stream.indirect.scatter.add.f32 [tilespmem:s21], [sflag:$0x1], $0x80, s30, s20, $0xb8;
	[tilespmem:$0x1E800] =	vst v63  }
0x9a: {  	_ =	swait.ge [sflag:s28], $0x4000  }
0x9b: {  	[sflag:s28] =	ssyncset.done $0x0  }
0x9c: {  	[sflag:s28] =	ssyncadd.s32 $0xFFFFC000  }
0x9d: {  	[tilespmem:s18], [sflag:$0x3] =	stream.indirect.gather [hbm4b:s4+s20], $0x80, s31, s20, $0xb8;
	[tilespmem:$0x1E800] =	vst v63  }
0x9e: {  	_ =	swait.ge [sflag:s19], $0x4000  }
0x9f: {  	[sflag:s19] =	ssyncset.done $0x0  }
0xa0: {  	[sflag:s19] =	ssyncadd.s32 $0xFFFFC000  }
0xa1: {  	[spmem:s2] =	stream.indirect.scatter.add.f32 [tilespmem:s18], [sflag:$0x2], $0x80, s1, s20, $0xb8;
	[tilespmem:$0x1E800] =	vst v63  }
.LBB2_10:
0xa2: {  	_ =	swait.ge [sflag:s24], $0x4000  }
0xa3: {  	[sflag:s24] =	ssyncset.done $0x0  }
0xa4: {  	[sflag:s24] =	ssyncadd.s32 $0xFFFFC000  }
0xa5: {  	_ =	swait.ge [sflag:s28], $0x4000  }
0xa6: {  	s26 =	sshll.u32 s0, $0x6;
	s25 =	sadd.s32 $0x1, s25;
	[sflag:s28] =	ssyncset.done $0x0  }
0xa7: {  	s29 =	sshrl.u32 s9, $0x3;
	p1 =	sne.s32 s25, s17;
	[sflag:s28] =	ssyncadd.s32 $0xFFFFC000  }
.Ltmp1:
0xa8: {  	s26 =	sor.u32 $0x1C03, s26;
	[bflag:$0x0] =	sbarrier.arrive $0xFFFF;
	(pc) =	sbr.rel @!p1 .LBB2_11-.Ltmp1, $4  }
0xa9: {  	[hbm:s16], [sflag:s26] =	dma.local [spmem:s29], $0x2800  }
0xaa: {  	_ =	swait.ge [sflag:s19], $0x2800  }
0xab: {  	[sflag:s19] =	ssyncset.done $0x0  }
0xac: {  	[sflag:s19] =	ssyncadd.s32 $0xFFFFD800  }
.LBB2_1:
0xad: {  	s26 =	simm.s32 @p0 $0x0;
	s29 =	simm.s32 @p0 $0x3  }
0xae: {  	[tilespmem:s26], [sflag:$0x3] =	stream.linear.gather @p0 [hbm4b:s7+s26], $0xA00, $0x38;
	[tilespmem:$0x1E800] =	vst v63  }
0xaf: {  	_ =	swait.ge @p0 [sflag:s29], $0xA00  }
0xb0: {  	[sflag:s29] =	ssyncset.done @p0 $0x0  }
0xb1: {  	s30 =	simm.s32 @p0 $0x1400;
	[sflag:s29] =	ssyncadd.s32 @p0 $0xFFFFF600  }
0xb2: {  	[tilespmem:s30], [sflag:$0x3] =	stream.linear.gather @p0 [hbm4b:s8+s26], $0xA00, $0x38;
	[tilespmem:$0x1E800] =	vst v63  }
0xb3: {  	_ =	swait.ge @p0 [sflag:s29], $0xA00  }
0xb4: {  	[sflag:s29] =	ssyncset.done @p0 $0x0  }
0xb5: {  	s26 =	simm.s32 @!p0 $0x0;
	[sflag:s29] =	ssyncadd.s32 @p0 $0xFFFFF600;
	s29 =	simm.s32 @!p0 $0x3  }
0xb6: {  	[tilespmem:s26], [sflag:$0x3] =	stream.linear.gather @!p0 [hbm4b:s5+s26], $0x1400, $0x38;
	[tilespmem:$0x1E800] =	vst v63  }
0xb7: {  	_ =	swait.ge @!p0 [sflag:s29], $0x1400  }
0xb8: {  	[sflag:s29] =	ssyncset.done @!p0 $0x0  }
0xb9: {  	s30 =	simm.s32 @!p0 $0x1400;
	[sflag:s29] =	ssyncadd.s32 @!p0 $0xFFFFEC00  }
0xba: {  	[tilespmem:s30], [sflag:$0x3] =	stream.linear.gather @!p0 [hbm4b:s6+s26], $0x1400, $0x38;
	[tilespmem:$0x1E800] =	vst v63  }
0xbb: {  	_ =	swait.ge @!p0 [sflag:s29], $0x1400  }
0xbc: {  	[sflag:s29] =	ssyncset.done @!p0 $0x0  }
0xbd: {  	s26 =	simm.s32 $0x0;
	[sflag:s29] =	ssyncadd.s32 @!p0 $0xFFFFEC00;
	s29 =	simm.s32 $0x200  }
.LBB2_2:
0xbe: {  	p1 =	sne.s32 s29, $0xFE00;
	[tilespmem:s26+$0x6870] =	vst v0  }
0xbf: {  	[tilespmem:s26+$0x6800] =	vst v0  }
0xc0: {  	[tilespmem:s26+$0x6810] =	vst v0  }
.Ltmp2:
0xc1: {  	[tilespmem:s26+$0x6820] =	vst v0;
	(pc) =	sbr.rel @p1 .LBB2_2-.Ltmp2, $4  }
0xc2: {  	[tilespmem:s26+$0x6830] =	vst v0  }
0xc3: {  	[tilespmem:s26+$0x6840] =	vst v0  }
0xc4: {  	[tilespmem:s26+$0x6850] =	vst v0  }
0xc5: {  	[tilespmem:s26+$0x6860] =	vst v0;
	s26 =	sshra.s32 s29, $0x2;
	s29 =	sadd.s32 $0x200, s29  }
0xc6: {  	[tilespmem:s26+$0x6870] =	vst v0  }
0xc7: {  	[tilespmem:s26+$0x6800] =	vst v0  }
0xc8: {  	[tilespmem:s26+$0x6810] =	vst v0  }
0xc9: {  	[tilespmem:s26+$0x6820] =	vst v0  }
0xca: {  	[tilespmem:s26+$0x6830] =	vst v0  }
0xcb: {  	[tilespmem:s26+$0x6840] =	vst v0  }
0xcc: {  	[tilespmem:s26+$0x6850] =	vst v0  }
0xcd: {  	[tilespmem:s26+$0x6860] =	vst v0  }
0xce: {  	[spmem:s9] =	stream.linear.scatter [tilespmem:s18], [sflag:$0x3], $0x4000, $0x38;
	[tilespmem:$0x1E800] =	vst v63  }
0xcf: {  	_ =	swait.ge [sflag:s19], $0x4000  }
0xd0: {  	[sflag:s19] =	ssyncset.done $0x0  }
0xd1: {  	[sflag:s19] =	ssyncadd.s32 $0xFFFFC000  }
0xd2: {  	[spmem:s10] =	stream.linear.scatter [tilespmem:s18], [sflag:$0x3], $0x4000, $0x38;
	[tilespmem:$0x1E800] =	vst v63  }
0xd3: {  	_ =	swait.ge [sflag:s19], $0x4000  }
0xd4: {  	[sflag:s19] =	ssyncset.done $0x0  }
0xd5: {  	[sflag:s19] =	ssyncadd.s32 $0xFFFFC000  }
0xd6: {  	[spmem:s11] =	stream.linear.scatter [tilespmem:s18], [sflag:$0x3], $0x4000, $0x38;
	[tilespmem:$0x1E800] =	vst v63  }
0xd7: {  	_ =	swait.ge [sflag:s19], $0x4000  }
0xd8: {  	[sflag:s19] =	ssyncset.done $0x0  }
0xd9: {  	[sflag:s19] =	ssyncadd.s32 $0xFFFFC000  }
0xda: {  	[spmem:s12] =	stream.linear.scatter [tilespmem:s18], [sflag:$0x3], $0x4000, $0x38;
	[tilespmem:$0x1E800] =	vst v63  }
0xdb: {  	_ =	swait.ge [sflag:s19], $0x4000  }
0xdc: {  	[sflag:s19] =	ssyncset.done $0x0  }
0xdd: {  	[sflag:s19] =	ssyncadd.s32 $0xFFFFC000  }
0xde: {  	[spmem:s13] =	stream.linear.scatter [tilespmem:s18], [sflag:$0x3], $0x4000, $0x38;
	[tilespmem:$0x1E800] =	vst v63  }
0xdf: {  	_ =	swait.ge [sflag:s19], $0x4000  }
0xe0: {  	[sflag:s19] =	ssyncset.done $0x0  }
0xe1: {  	[sflag:s19] =	ssyncadd.s32 $0xFFFFC000  }
0xe2: {  	[bflag:$0x0] =	sbarrier.arrive $0xFFFF  }
0xe3: {  	[tilespmem:s21], [sflag:$0x3] =	stream.indirect.gather [hbm4b:s4+s20], $0x80, s3, s20, $0xb8;
	[tilespmem:$0x1E800] =	vst v63  }
0xe4: {  	_ =	swait.ge [sflag:s19], $0x4000  }
0xe5: {  	[sflag:s19] =	ssyncset.done $0x0  }
0xe6: {  	[sflag:s19] =	ssyncadd.s32 $0xFFFFC000  }
0xe7: {  	[spmem:s2] =	stream.indirect.scatter.add.f32 [tilespmem:s21], [sflag:$0x1], $0x80, s22, s20, $0xb8;
	[tilespmem:$0x1E800] =	vst v63  }
0xe8: {  	_ = 	snop  }
0xe9: {  	[tilespmem:s18], [sflag:$0x3] =	stream.indirect.gather [hbm4b:s4+s20], $0x80, s20, s20, $0xb8;
	[tilespmem:$0x1E800] =	vst v63  }
.Ltmp3:
0xea: {  	_ = 	snop;
	(pc) =	sbr.rel @p0 .LBB2_9-.Ltmp3, $4  }
0xeb: {  	_ =	swait.ge [sflag:s19], $0x4000  }
0xec: {  	[sflag:s19] =	ssyncset.done $0x0  }
0xed: {  	[sflag:s19] =	ssyncadd.s32 $0xFFFFC000  }
0xee: {  	[spmem:s2] =	stream.indirect.scatter.add.f32 [tilespmem:s18], [sflag:$0x2], $0x80, s23, s20, $0xb8;
	[tilespmem:$0x1E800] =	vst v63  }
0xef: {  	_ =	swait.ge [sflag:s24], $0x4000  }
0xf0: {  	[sflag:s24] =	ssyncset.done $0x0  }
0xf1: {  	s26 =	simm.s32 $0x100;
	[sflag:s24] =	ssyncadd.s32 $0xFFFFC000  }
0xf2: {  	[tilespmem:s21], [sflag:$0x3] =	stream.indirect.gather [hbm4b:s4+s20], $0x80, s26, s20, $0xb8;
	[tilespmem:$0x1E800] =	vst v63  }
0xf3: {  	_ =	swait.ge [sflag:s19], $0x4000  }
0xf4: {  	[sflag:s19] =	ssyncset.done $0x0  }
0xf5: {  	s30 =	simm.s32 $0x1500;
	[sflag:s19] =	ssyncadd.s32 $0xFFFFC000  }
0xf6: {  	[spmem:s2] =	stream.indirect.scatter.add.f32 [tilespmem:s21], [sflag:$0x1], $0x80, s30, s20, $0xb8;
	[tilespmem:$0x1E800] =	vst v63  }
0xf7: {  	_ =	swait.ge [sflag:s28], $0x4000  }
0xf8: {  	[sflag:s28] =	ssyncset.done $0x0  }
0xf9: {  	s30 =	simm.s32 $0x180;
	[sflag:s28] =	ssyncadd.s32 $0xFFFFC000  }
0xfa: {  	[tilespmem:s18], [sflag:$0x3] =	stream.indirect.gather [hbm4b:s4+s20], $0x80, s30, s20, $0xb8;
	[tilespmem:$0x1E800] =	vst v63  }
0xfb: {  	_ =	swait.ge [sflag:s19], $0x4000  }
0xfc: {  	[sflag:s19] =	ssyncset.done $0x0  }
0xfd: {  	s29 =	simm.s32 $0x1580;
	s26 =	simm.s32 $0xFFFFB800;
	[sflag:s19] =	ssyncadd.s32 $0xFFFFC000  }
.LBB2_5:
0xfe: {  	[spmem:s2] =	stream.indirect.scatter.add.f32 [tilespmem:s18], [sflag:$0x2], $0x80, s29, s20, $0xb8;
	[tilespmem:$0x1E800] =	vst v63  }
0xff: {  	s29 =	smov.u32 s26  }
0x100: {  	p1 =	sne.s32 s26, $0xFFFFFC00;
	s26 =	sadd.s32 $0x400, s26;
	_ =	swait.ge [sflag:s24], $0x4000  }
0x101: {  	s29 =	sshra.s32 s29, $0x2;
	[sflag:s24] =	ssyncset.done $0x0  }
0x102: {  	s30 =	sadd.s32 $0x1400, s29;
	[sflag:s24] =	ssyncadd.s32 $0xFFFFC000  }
0x103: {  	[tilespmem:s21], [sflag:$0x3] =	stream.indirect.gather [hbm4b:s4+s20], $0x80, s30, s20, $0xb8;
	[tilespmem:$0x1E800] =	vst v63  }
0x104: {  	_ =	swait.ge [sflag:s19], $0x4000  }
0x105: {  	[sflag:s19] =	ssyncset.done $0x0  }
0x106: {  	s30 =	sadd.s32 $0x2800, s29;
	[sflag:s19] =	ssyncadd.s32 $0xFFFFC000  }
0x107: {  	[spmem:s2] =	stream.indirect.scatter.add.f32 [tilespmem:s21], [sflag:$0x1], $0x80, s30, s20, $0xb8;
	[tilespmem:$0x1E800] =	vst v63  }
0x108: {  	_ =	swait.ge [sflag:s28], $0x4000  }
0x109: {  	[sflag:s28] =	ssyncset.done $0x0  }
.Ltmp4:
0x10a: {  	s30 =	sadd.s32 $0x1480, s29;
	[sflag:s28] =	ssyncadd.s32 $0xFFFFC000;
	(pc) =	sbr.rel @p1 .LBB2_5-.Ltmp4, $4  }
0x10b: {  	[tilespmem:s18], [sflag:$0x3] =	stream.indirect.gather [hbm4b:s4+s20], $0x80, s30, s20, $0xb8;
	[tilespmem:$0x1E800] =	vst v63  }
0x10c: {  	_ =	swait.ge [sflag:s19], $0x4000  }
0x10d: {  	[sflag:s19] =	ssyncset.done $0x0  }
0x10e: {  	s29 =	sadd.s32 $0x2880, s29;
	[sflag:s19] =	ssyncadd.s32 $0xFFFFC000  }
0x10f: {  	[spmem:s2] =	stream.indirect.scatter.add.f32 [tilespmem:s18], [sflag:$0x2], $0x80, s29, s20, $0xb8;
	[tilespmem:$0x1E800] =	vst v63  }
0x110: {  	_ =	swait.ge [sflag:s24], $0x4000  }
0x111: {  	[sflag:s24] =	ssyncset.done $0x0  }
0x112: {  	[sflag:s24] =	ssyncadd.s32 $0xFFFFC000  }
0x113: {  	_ =	swait.ge [sflag:s28], $0x4000  }
0x114: {  	[sflag:s28] =	ssyncset.done $0x0  }
0x115: {  	[sflag:s28] =	ssyncadd.s32 $0xFFFFC000  }
0x116: {  	[tilespmem:s3], [sflag:$0x3] =	stream.linear.gather [hbm4b:s14+s3], $0x1400, $0x38;
	[tilespmem:$0x1E800] =	vst v63  }
0x117: {  	_ =	swait.ge [sflag:s19], $0x1400  }
0x118: {  	[sflag:s19] =	ssyncset.done $0x0  }
0x119: {  	[sflag:s19] =	ssyncadd.s32 $0xFFFFEC00  }
0x11a: {  	[tilespmem:s22], [sflag:$0x3] =	stream.linear.gather [hbm4b:s15+s3], $0x1400, $0x38;
	[tilespmem:$0x1E800] =	vst v63  }
0x11b: {  	_ =	swait.ge [sflag:s19], $0x1400  }
0x11c: {  	[sflag:s19] =	ssyncset.done $0x0  }
0x11d: {  	[sflag:s19] =	ssyncadd.s32 $0xFFFFEC00  }
0x11e: {  	[tilespmem:s21], [sflag:$0x3] =	stream.indirect.gather [hbm4b:s4+s20], $0x80, s3, s20, $0xb8;
	[tilespmem:$0x1E800] =	vst v63  }
0x11f: {  	_ =	swait.ge [sflag:s19], $0x4000  }
0x120: {  	[sflag:s19] =	ssyncset.done $0x0  }
0x121: {  	[sflag:s19] =	ssyncadd.s32 $0xFFFFC000  }
0x122: {  	[spmem:s2] =	stream.indirect.scatter.add.f32 [tilespmem:s21], [sflag:$0x1], $0x80, s22, s20, $0xb8;
	[tilespmem:$0x1E800] =	vst v63  }
0x123: {  	_ = 	snop  }
0x124: {  	[tilespmem:s18], [sflag:$0x3] =	stream.indirect.gather [hbm4b:s4+s20], $0x80, s20, s20, $0xb8;
	[tilespmem:$0x1E800] =	vst v63  }
0x125: {  	_ =	swait.ge [sflag:s19], $0x4000  }
0x126: {  	[sflag:s19] =	ssyncset.done $0x0  }
0x127: {  	[sflag:s19] =	ssyncadd.s32 $0xFFFFC000  }
0x128: {  	[spmem:s2] =	stream.indirect.scatter.add.f32 [tilespmem:s18], [sflag:$0x2], $0x80, s23, s20, $0xb8;
	[tilespmem:$0x1E800] =	vst v63  }
0x129: {  	_ =	swait.ge [sflag:s24], $0x4000  }
0x12a: {  	[sflag:s24] =	ssyncset.done $0x0  }
0x12b: {  	s26 =	simm.s32 $0x100;
	[sflag:s24] =	ssyncadd.s32 $0xFFFFC000  }
0x12c: {  	[tilespmem:s21], [sflag:$0x3] =	stream.indirect.gather [hbm4b:s4+s20], $0x80, s26, s20, $0xb8;
	[tilespmem:$0x1E800] =	vst v63  }
0x12d: {  	_ =	swait.ge [sflag:s19], $0x4000  }
0x12e: {  	[sflag:s19] =	ssyncset.done $0x0  }
0x12f: {  	s30 =	simm.s32 $0x1500;
	[sflag:s19] =	ssyncadd.s32 $0xFFFFC000  }
0x130: {  	[spmem:s2] =	stream.indirect.scatter.add.f32 [tilespmem:s21], [sflag:$0x1], $0x80, s30, s20, $0xb8;
	[tilespmem:$0x1E800] =	vst v63  }
0x131: {  	_ =	swait.ge [sflag:s28], $0x4000  }
0x132: {  	[sflag:s28] =	ssyncset.done $0x0  }
0x133: {  	s30 =	simm.s32 $0x180;
	[sflag:s28] =	ssyncadd.s32 $0xFFFFC000  }
0x134: {  	[tilespmem:s18], [sflag:$0x3] =	stream.indirect.gather [hbm4b:s4+s20], $0x80, s30, s20, $0xb8;
	[tilespmem:$0x1E800] =	vst v63  }
0x135: {  	_ =	swait.ge [sflag:s19], $0x4000  }
0x136: {  	[sflag:s19] =	ssyncset.done $0x0  }
0x137: {  	s29 =	simm.s32 $0x1580;
	s26 =	simm.s32 $0xFFFFB800;
	[sflag:s19] =	ssyncadd.s32 $0xFFFFC000  }
.LBB2_7:
0x138: {  	[spmem:s2] =	stream.indirect.scatter.add.f32 [tilespmem:s18], [sflag:$0x2], $0x80, s29, s20, $0xb8;
	[tilespmem:$0x1E800] =	vst v63  }
0x139: {  	s29 =	smov.u32 s26  }
0x13a: {  	p1 =	seq.s32 s26, $0xFFFFFC00;
	s26 =	sadd.s32 $0x400, s26;
	_ =	swait.ge [sflag:s24], $0x4000  }
0x13b: {  	s29 =	sshra.s32 s29, $0x2;
	[sflag:s24] =	ssyncset.done $0x0  }
0x13c: {  	s30 =	sadd.s32 $0x1400, s29;
	[sflag:s24] =	ssyncadd.s32 $0xFFFFC000  }
0x13d: {  	[tilespmem:s21], [sflag:$0x3] =	stream.indirect.gather [hbm4b:s4+s20], $0x80, s30, s20, $0xb8;
	[tilespmem:$0x1E800] =	vst v63  }
0x13e: {  	_ =	swait.ge [sflag:s19], $0x4000  }
0x13f: {  	[sflag:s19] =	ssyncset.done $0x0  }
0x140: {  	s30 =	sadd.s32 $0x2800, s29;
	[sflag:s19] =	ssyncadd.s32 $0xFFFFC000  }
0x141: {  	[spmem:s2] =	stream.indirect.scatter.add.f32 [tilespmem:s21], [sflag:$0x1], $0x80, s30, s20, $0xb8;
	[tilespmem:$0x1E800] =	vst v63  }
0x142: {  	_ =	swait.ge [sflag:s28], $0x4000  }
0x143: {  	[sflag:s28] =	ssyncset.done $0x0  }
.Ltmp5:
0x144: {  	s30 =	sadd.s32 $0x1480, s29;
	[sflag:s28] =	ssyncadd.s32 $0xFFFFC000;
	(pc) =	sbr.rel @!p1 .LBB2_7-.Ltmp5, $4  }
0x145: {  	[tilespmem:s18], [sflag:$0x3] =	stream.indirect.gather [hbm4b:s4+s20], $0x80, s30, s20, $0xb8;
	[tilespmem:$0x1E800] =	vst v63  }
0x146: {  	_ =	swait.ge [sflag:s19], $0x4000  }
0x147: {  	[sflag:s19] =	ssyncset.done $0x0  }
0x148: {  	s29 =	sadd.s32 $0x2880, s29;
	[sflag:s19] =	ssyncadd.s32 $0xFFFFC000  }
.Ltmp6:
0x149: {  	(pc) =	sbr.rel .LBB2_10-.Ltmp6, $2  }
0x14a: {  	_ =	sdelay $0x2  }
0x14b: {  	[spmem:s2] =	stream.indirect.scatter.add.f32 [tilespmem:s18], [sflag:$0x2], $0x80, s29, s20, $0xb8;
	[tilespmem:$0x1E800] =	vst v63  }
.LBB2_11:
0x14c: {  	_ =	sfence.sel $0x180000  }
0x14d: {  	[bflag:$0x0] =	sbarrier.arrive $0xFFFF  }
0x14e: {  	_ =	strace $0x9000004D  }
0x14f: {  	[bflag:$0x2] =	sbarrier.arrive $0xFFFF  }
0x150: {  	p0 =	sne.s32 s0, $0x0;
	s0 =	rddreg [dreg:$0x2]  }
0x151: {  	s0 =	sadd.s32 @!p0 $0x100000, s0  }
0x152: {  	[sflag:s0] =	ssyncadd.tile.s32 @!p0 $0x1;
	_ =	shalt  }
.Lfunc_end2:
_tile_overlayer_lowered:
.L_overlay_start_2:
0x153: {  	(tag) =	ssettag $0x2  }
0x154: {  	s0 =	rddreg [dreg:$0x0];
	s2 =	stileid.u32  }
0x155: {  	s1 =	rddreg [dreg:$0x1];
	p0 =	sne.s32 s2, $0x0  }
0x156: {  	s3 =	rddreg [dreg:$0x2];
	[bflag:$0x3] =	sbarrier.arrive $0xFFFF;
	s2 =	simm.s32 @!p0 $0x1C03  }
0x157: {  	[timem:s3], [sflag:s2] =	dma.local @!p0 [hbm:s0], s1  }
0x158: {  	s0 =	simm.s32 @!p0 $0x3  }
0x159: {  	_ =	swait.ge @!p0 [sflag:s0], s1  }
0x15a: {  	s1 =	ssub.s32 @!p0 $0x0, s1;
	[sflag:s0] =	ssyncset.done @!p0 $0x0  }
0x15b: {  	[sflag:s0] =	ssyncadd.s32 @!p0 s1  }
0x15c: {  	[bflag:$0x3] =	sbarrier.arrive $0xFFFF  }
0x15d: {  	_ =	shalt  }

</sc_bundles>
